<compile_context>
chip_gen: v7x
topology: tpu7x:2x2x1
jax: 0.10.2.dev20260603
libtpu: 0.0.44.dev20260713+nightly
codegen_flags: <defaults>
</compile_context>

<pallas_src>
import functools

import jax
import jax.numpy as jnp
from jax.experimental import pallas as pl
from jax.experimental.pallas import tpu as pltpu
from jax.experimental.pallas import tpu_sc as plsc

_HID = 1024
_KD = 512
_HALF = 256
_HEADS = 4
_SUB = 256
_KNN = 16
_NROWS = _SUB * _SUB

_SC_CORES = 2
_SC_SUBCORES = 16
_SC_WORKERS = _SC_CORES * _SC_SUBCORES

def _mlp_kernel(x_ref, w1t_ref, b1_ref, w2t_ref, b2_ref, q_ref, s_ref, ss_ref):
    h = jnp.maximum(
        jnp.dot(x_ref[...], w1t_ref[...], preferred_element_type=jnp.float32)
        + b1_ref[...], 0.0)
    q = jnp.dot(h, w2t_ref[...], preferred_element_type=jnp.float32) + b2_ref[...]
    q_ref[...] = q
    s_ref[0] = jnp.sum(q, axis=0, keepdims=True)
    ss_ref[0] = jnp.sum(q * q, axis=0, keepdims=True)


def _run_mlp(x2, W1, b1, W2, b2, tb):
    n = x2.shape[0]
    grid = n // tb
    return pl.pallas_call(
        _mlp_kernel,
        grid=(grid,),
        in_specs=[
            pl.BlockSpec((tb, _HID), lambda i: (i, 0)),
            pl.BlockSpec((_HID, _KD), lambda i: (0, 0)),
            pl.BlockSpec((1, _KD), lambda i: (0, 0)),
            pl.BlockSpec((_KD, 2 * _HID), lambda i: (0, 0)),
            pl.BlockSpec((1, 2 * _HID), lambda i: (0, 0)),
        ],
        out_specs=[
            pl.BlockSpec((tb, 2 * _HID), lambda i: (i, 0)),
            pl.BlockSpec((1, 1, 2 * _HID), lambda i: (i, 0, 0)),
            pl.BlockSpec((1, 1, 2 * _HID), lambda i: (i, 0, 0)),
        ],
        out_shape=[
            jax.ShapeDtypeStruct((n, 2 * _HID), jnp.float32),
            jax.ShapeDtypeStruct((grid, 1, 2 * _HID), jnp.float32),
            jax.ShapeDtypeStruct((grid, 1, 2 * _HID), jnp.float32),
        ],
    )(x2, W1.T, b1.reshape(1, _KD), W2.T, b2.reshape(1, 2 * _HID))


def _topk16(s):
    b = jax.lax.bitcast_convert_type(s, jnp.int32)
    lane = jax.lax.broadcasted_iota(jnp.int32, s.shape, 1)
    code = jnp.where(b < 0, lane, jnp.int32(255) - lane)
    cur = jax.lax.bitcast_convert_type((b & jnp.int32(~0xFF)) | code,
                                       jnp.float32)
    ms = []
    for _ in range(_KNN):
        m = jnp.max(cur, axis=1, keepdims=True)
        ms.append(m)
        cur = jnp.where(cur == m, -jnp.inf, cur)
    mb = jax.lax.bitcast_convert_type(jnp.concatenate(ms, axis=1), jnp.int32)
    codek = mb & jnp.int32(0xFF)
    idx = jnp.where(mb < 0, codek, jnp.int32(255) - codek)
    vals = jax.lax.bitcast_convert_type(
        (mb & jnp.int32(~0xFF)) | jnp.int32(0x80), jnp.float32)
    return vals, idx


def _sel16(sel, payload):
    out = jnp.zeros_like(payload)
    for c in range(_KNN):
        out = out + jnp.where(sel == c, payload[:, c:c + 1], 0.0)
    return out


_CHUNK = 64


def _score_kernel(q_ref, sc_ref, sh_ref, k1t_ref, k2t_ref, w_ref, ci_ref):
    qn = q_ref[...] * sc_ref[...] + sh_ref[...]
    s1 = jnp.dot(qn[:, :_HALF], k1t_ref[0], preferred_element_type=jnp.float32)
    s2 = jnp.dot(qn[:, _HALF:], k2t_ref[0], preferred_element_type=jnp.float32)
    lane = jax.lax.broadcasted_iota(jnp.int32, (_KNN, _KNN * _KNN), 1)
    row = jax.lax.broadcasted_iota(jnp.int32, (_KNN, _KNN * _KNN), 0)
    selA = (lane // _KNN == row).astype(jnp.float32)
    selB = (lane % _KNN == row).astype(jnp.float32)
    hp = jax.lax.Precision.HIGHEST
    rows = s1.shape[0]
    ws, cis = [], []
    for r0 in range(0, rows, _CHUNK):
        v1, i1 = _topk16(s1[r0:r0 + _CHUNK])
        v2, i2 = _topk16(s2[r0:r0 + _CHUNK])
        all_s = (jnp.dot(v1, selA, preferred_element_type=jnp.float32,
                         precision=hp)
                 + jnp.dot(v2, selB, preferred_element_type=jnp.float32,
                           precision=hp))
        vt, lt = _topk16(all_s)
        at = _sel16(lt // _KNN, i1.astype(jnp.float32))
        bt = _sel16(lt % _KNN, i2.astype(jnp.float32))
        m = jnp.max(vt, axis=1, keepdims=True)
        e = jnp.exp(vt - m)
        ws.append(e / jnp.sum(e, axis=1, keepdims=True))
        cis.append((at * _SUB + bt).astype(jnp.int32))
    w_ref[0] = jnp.concatenate(ws, axis=0)
    ci_ref[0] = jnp.concatenate(cis, axis=0)


def _run_score(q_bykey, scale_full, shift_full, k1t, k2t, tb):
    n = q_bykey.shape[0]
    per_key = n // _HEADS
    grid_g = per_key // tb
    ng = _HEADS * _HEADS
    return pl.pallas_call(
        _score_kernel,
        grid=(_HEADS, _HEADS, grid_g),
        in_specs=[
            pl.BlockSpec((tb, _KD), lambda k, h, g: (k * (per_key // tb) + g, h)),
            pl.BlockSpec((1, _KD), lambda k, h, g: (0, h)),
            pl.BlockSpec((1, _KD), lambda k, h, g: (0, h)),
            pl.BlockSpec((1, _HALF, _SUB), lambda k, h, g: (k, 0, 0)),
            pl.BlockSpec((1, _HALF, _SUB), lambda k, h, g: (k, 0, 0)),
        ],
        out_specs=[
            pl.BlockSpec((1, tb, _KNN), lambda k, h, g: (k * _HEADS + h, g, 0)),
            pl.BlockSpec((1, tb, _KNN), lambda k, h, g: (k * _HEADS + h, g, 0)),
        ],
        out_shape=[
            jax.ShapeDtypeStruct((ng, per_key, _KNN), jnp.float32),
            jax.ShapeDtypeStruct((ng, per_key, _KNN), jnp.int32),
        ],
    )(q_bykey, scale_full, shift_full, k1t, k2t)


def _make_sc_scatter(npairs):
    chunk = npairs // _SC_WORKERS
    mesh = plsc.VectorSubcoreMesh(core_axis_name="c", subcore_axis_name="s",
                                  num_cores=_SC_CORES,
                                  num_subcores=_SC_SUBCORES)

    @functools.partial(
        pl.kernel, mesh=mesh,
        compiler_params=pltpu.CompilerParams(needs_layout_passes=False),
        out_type=jax.ShapeDtypeStruct((_SC_WORKERS, _NROWS), jnp.float32),
        scratch_types=[
            pltpu.VMEM((chunk,), jnp.int32),
            pltpu.VMEM((chunk,), jnp.float32),
            pltpu.VMEM((_NROWS,), jnp.float32),
        ],
    )
    def sc_scatter(idx_hbm, w_hbm, zero_hbm, out_hbm, idx_v, w_v, acc_v):
        wid = (jax.lax.axis_index("s") * _SC_CORES + jax.lax.axis_index("c"))
        base = wid * chunk
        pltpu.sync_copy(idx_hbm.at[pl.ds(base, chunk)], idx_v)
        pltpu.sync_copy(w_hbm.at[pl.ds(base, chunk)], w_v)
        pltpu.sync_copy(zero_hbm, acc_v)

        def body(i, carry):
            off = pl.multiple_of(i * _KNN, 16)
            iv = idx_v[pl.ds(off, _KNN)]
            wv = w_v[pl.ds(off, _KNN)]
            plsc.addupdate_scatter(acc_v, [iv], wv)
            return carry

        jax.lax.fori_loop(0, chunk // _KNN, body, 0)
        pltpu.sync_copy(acc_v, out_hbm.at[wid])

    return sc_scatter


def _matvec_kernel(w_ref, v_ref, o_ref):
    @pl.when(pl.program_id(0) == 0)
    def _init():
        o_ref[...] = jnp.zeros_like(o_ref)

    wsum = jnp.sum(w_ref[...], axis=0)
    prod = v_ref[...] * wsum[:, :, None]
    o_ref[...] += jnp.sum(prod, axis=(0, 1)).reshape(1, _HID)


def _run_matvec(w32, values3, rb):
    nblk = values3.shape[0] // rb
    return pl.pallas_call(
        _matvec_kernel,
        grid=(nblk,),
        in_specs=[
            pl.BlockSpec((_SC_WORKERS, rb, 128), lambda i: (0, i, 0)),
            pl.BlockSpec((rb, 128, _HID), lambda i: (i, 0, 0)),
        ],
        out_specs=pl.BlockSpec((1, _HID), lambda i: (0, 0)),
        out_shape=jax.ShapeDtypeStruct((1, _HID), jnp.float32),
    )(w32, values3)


def kernel(x, W1, b1, W2, b2, bn_w, bn_b, keys, values):
    Bx, Sx, H = x.shape
    x2 = x.reshape(Bx * Sx, H)
    n = x2.shape[0]

    x_perm = jnp.transpose(x2.reshape(n // _HEADS, _HEADS, H), (1, 0, 2))
    x_perm = x_perm.reshape(n, H)

    q, psum, psumsq = _run_mlp(x_perm, W1, b1, W2, b2, tb=256)

    tot = n * _HEADS
    csum = psum.reshape(-1, 2 * _HID).sum(axis=0).reshape(_HEADS, _KD).sum(axis=0)
    csumsq = psumsq.reshape(-1, 2 * _HID).sum(axis=0).reshape(_HEADS, _KD).sum(axis=0)
    mean = csum / tot
    var = csumsq / tot - mean * mean
    scale = bn_w / jnp.sqrt(var + 1e-5)
    shift = bn_b - mean * scale
    scale_full = jnp.tile(scale, _HEADS).reshape(1, 2 * _HID)
    shift_full = jnp.tile(shift, _HEADS).reshape(1, 2 * _HID)

    k1t = jnp.transpose(keys[:, 0], (0, 2, 1))
    k2t = jnp.transpose(keys[:, 1], (0, 2, 1))

    tb2 = min(256, n // _HEADS)
    wts, cidx = _run_score(q, scale_full, shift_full, k1t, k2t, tb=tb2)

    npairs = wts.size
    zero = jnp.zeros((_NROWS,), jnp.float32)
    w32 = _make_sc_scatter(npairs)(cidx.reshape(-1), wts.reshape(-1), zero)

    out = _run_matvec(w32.reshape(_SC_WORKERS, 512, 128),
                      values.reshape(512, 128, _HID), rb=16)
    return out.reshape(Bx, _HID)

# --- scband reference (transcript-rebuilt; emitter-appended) ---
"""Pipeline reference for scband-memory-3358664425627 (READ-ONLY COPY).

The authoritative reference and input builder live on the scoring server;
editing this copy changes nothing except your own understanding.
"""

import math
import jax, jax.numpy as jnp
import numpy as np

HIDDEN_SIZE = 1024
K_DIM = 512
MEM_HEAD = 4
SUB_SIZE = 256
MEM_SIZE = SUB_SIZE * SUB_SIZE
KNN = 16
B, S = 1, 2048


def _get_uniform_keys(n_keys, dim, normalized, seed):
    rng = np.random.RandomState(seed)
    bound = 1.0 / math.sqrt(dim)
    X = rng.uniform(-bound, bound, (n_keys, dim))
    if normalized:
        X /= np.linalg.norm(X, axis=1, keepdims=True)
    return X.astype(np.float32)


def setup_inputs(seed: int = 0) -> dict:
    key = jax.random.key(seed)
    ks = jax.random.split(key, 8)
    H = HIDDEN_SIZE
    half = K_DIM // 2
    x = jax.random.normal(ks[0], (B, S, H), dtype=jnp.float32)
    # QueryMLP: Linear(H, H//2) -> ReLU -> Linear(H//2, 2H); torch-style [out, in] weights
    W1 = jax.random.normal(ks[1], (H // 2, H), dtype=jnp.float32) * (1.0 / math.sqrt(H))
    b1 = jnp.zeros((H // 2,), dtype=jnp.float32)
    W2 = jax.random.normal(ks[2], (2 * H, H // 2), dtype=jnp.float32) * (1.0 / math.sqrt(H // 2))
    b2 = jnp.zeros((2 * H,), dtype=jnp.float32)
    # BatchNorm1d(K_DIM) affine params
    bn_w = jnp.ones((K_DIM,), dtype=jnp.float32)
    bn_b = jnp.zeros((K_DIM,), dtype=jnp.float32)
    # product keys: [MEM_HEAD, 2, SUB_SIZE, K_DIM//2], uniform normalized init (KEYS_TYPE='uniform')
    keys_np = np.array([
        _get_uniform_keys(SUB_SIZE, half, True, seed=2 * i + j)
        for i in range(MEM_HEAD) for j in range(2)
    ]).reshape(MEM_HEAD, 2, SUB_SIZE, half)
    keys = jnp.asarray(keys_np)
    # values: nn.EmbeddingBag(MEM_SIZE, H), init normal(0, H**-0.5). Kept float32 (torch uses .half()).
    values = jax.random.normal(ks[3], (MEM_SIZE, H), dtype=jnp.float32) * (H ** -0.5)
    return {"x": x, "W1": W1, "b1": b1, "W2": W2, "b2": b2,
            "bn_w": bn_w, "bn_b": bn_b, "keys": keys, "values": values}


def _head_indices(qh, k1, k2):
    # qh: [bs, K_DIM]; k1, k2: [SUB_SIZE, K_DIM//2]
    half = K_DIM // 2
    bsz = qh.shape[0]
    q1 = qh[:, :half]
    q2 = qh[:, half:]
    s1 = q1 @ k1.T
    s2 = q2 @ k2.T
    s1, i1 = jax.lax.top_k(s1, KNN)
    s2, i2 = jax.lax.top_k(s2, KNN)
    all_scores = (s1[:, :, None] + s2[:, None, :]).reshape(bsz, KNN * KNN)
    all_indices = (i1[:, :, None] * SUB_SIZE + i2[:, None, :]).reshape(bsz, KNN * KNN)
    scores, best = jax.lax.top_k(all_scores, KNN)
    indices = jnp.take_along_axis(all_indices, best, axis=1)
    return scores, indices


def reference(x, W1, b1, W2, b2, bn_w, bn_b, keys, values):
    Bx, Sx, H = x.shape
    bs = Bx * Sx
    # QueryMLP
    h = jax.nn.relu(x @ W1.T + b1)
    q = h @ W2.T + b2                                   # [B, S, 2H]
    q = q.reshape(Bx, -1, MEM_HEAD, H // 2)             # [B, S, MEM_HEAD, H//2]
    q = jnp.transpose(q, (0, 2, 1, 3))                  # [B, MEM_HEAD, S, H//2]
    # BatchNorm1d(K_DIM) in training mode (batch statistics), channels = K_DIM (= H//2)
    qf = q.reshape(-1, K_DIM)
    mean = qf.mean(axis=0)
    var = qf.var(axis=0)
    qf = (qf - mean) / jnp.sqrt(var + 1e-5) * bn_w + bn_b
    # Memory.get_indices
    query = qf.reshape(-1, MEM_HEAD, K_DIM)             # [bs, MEM_HEAD, K_DIM]
    outs = [_head_indices(query[:, i], keys[i, 0], keys[i, 1]) for i in range(MEM_HEAD)]
    scores = jnp.stack([s for s, _ in outs], axis=1).reshape(-1, KNN)
    indices = jnp.stack([idx for _, idx in outs], axis=1).reshape(-1, KNN)
    # Memory.forward
    scores = jax.nn.softmax(scores, axis=-1)
    indices = indices.reshape(bs, MEM_HEAD * KNN)
    scores = scores.reshape(bs, MEM_HEAD * KNN)
    gathered = jnp.take(values, indices, axis=0)        # [bs, MEM_HEAD*KNN, H]
    output = jnp.einsum('bj,bjd->bd', scores, gathered)  # EmbeddingBag sum w/ per_sample_weights
    output = output.reshape(Bx, Sx, H)
    return output.sum(axis=1)                            # [B, H]


if False:  # reference __main__ guard neutralized (emitter)
    inp = setup_inputs()
    out = reference(**inp)
    print(out.shape)

if __name__ == "__main__":
    import jax
    _d = setup_inputs()
    print(jax.jit(kernel)(*tuple(_d.values())))

</pallas_src>

<mosaic_0001>
#map = affine_map<(d0, d1) -> (0)>
#map1 = affine_map<(d0, d1) -> (0, 0)>
module attributes {stable_mosaic.version = 14 : i64} {
  func.func @sc_scatter(%arg0: i32, %arg1: i32, %arg2: memref<131072xi32, #tpu.memory_space<hbm>>, %arg3: memref<131072xf32, #tpu.memory_space<hbm>>, %arg4: memref<65536xf32, #tpu.memory_space<hbm>>, %arg5: memref<32x65536xf32, #tpu.memory_space<hbm>>, %arg6: memref<4096xi32, #tpu.memory_space<vmem>>, %arg7: memref<4096xf32, #tpu.memory_space<vmem>>, %arg8: memref<65536xf32, #tpu.memory_space<vmem>>) attributes {dimension_semantics = [#tpu.dimension_semantics<core_parallel>, #tpu.dimension_semantics<subcore_parallel>], iteration_bounds = array<i64: 2, 16>, scalar_prefetch = 0 : i64, scratch_operands = 3 : i64, tpu.core_type = #tpu.core_type<sc_vector_subcore>, window_params = [{transform_indices = #map}, {transform_indices = #map}, {transform_indices = #map}, {transform_indices = #map1}]} {
    %mul3A = arith.constant 2 : i32
    %mul3A_0 = arith.muli %arg1, %mul3A : i32
    %add3A = arith.addi %mul3A_0, %arg0 : i32
    %mul3A_1 = arith.constant 4096 : i32
    %mul3A_2 = arith.muli %add3A, %mul3A_1 : i32
    "tpu.region"() ({
      %run_scoped3A = tpu.sem_alloc : memref<!tpu.dma_semaphore, #tpu.memory_space<semaphore_mem>>
      %dma_start3A = tpu.memref_slice %arg2[%mul3A_2] : memref<131072xi32, #tpu.memory_space<hbm>> -> memref<4096xi32, #tpu.memory_space<hbm>>
      %dma_start3A_8 = tpu.memref_slice %arg2[%mul3A_2] : memref<131072xi32, #tpu.memory_space<hbm>> -> memref<4096xi32, #tpu.memory_space<hbm>>
      tpu.enqueue_dma source(%dma_start3A_8 : memref<4096xi32, #tpu.memory_space<hbm>>) target(%arg6 : memref<4096xi32, #tpu.memory_space<vmem>>) target_semaphore(%run_scoped3A : memref<!tpu.dma_semaphore, #tpu.memory_space<semaphore_mem>>)
      %dma_wait3A = tpu.memref_slice %arg2[%mul3A_2] : memref<131072xi32, #tpu.memory_space<hbm>> -> memref<4096xi32, #tpu.memory_space<hbm>>
      %dma_wait3A_9 = tpu.memref_slice %arg2[%mul3A_2] : memref<131072xi32, #tpu.memory_space<hbm>> -> memref<4096xi32, #tpu.memory_space<hbm>>
      tpu.wait_dma2 semaphore(%run_scoped3A : memref<!tpu.dma_semaphore, #tpu.memory_space<semaphore_mem>>) src(%dma_wait3A_9 : memref<4096xi32, #tpu.memory_space<hbm>>) dst(%arg6 : memref<4096xi32, #tpu.memory_space<vmem>>)
      tpu.yield
    }) : () -> ()
    "tpu.region"() ({
      %run_scoped3A = tpu.sem_alloc : memref<!tpu.dma_semaphore, #tpu.memory_space<semaphore_mem>>
      %dma_start3A = tpu.memref_slice %arg3[%mul3A_2] : memref<131072xf32, #tpu.memory_space<hbm>> -> memref<4096xf32, #tpu.memory_space<hbm>>
      %dma_start3A_8 = tpu.memref_slice %arg3[%mul3A_2] : memref<131072xf32, #tpu.memory_space<hbm>> -> memref<4096xf32, #tpu.memory_space<hbm>>
      tpu.enqueue_dma source(%dma_start3A_8 : memref<4096xf32, #tpu.memory_space<hbm>>) target(%arg7 : memref<4096xf32, #tpu.memory_space<vmem>>) target_semaphore(%run_scoped3A : memref<!tpu.dma_semaphore, #tpu.memory_space<semaphore_mem>>)
      %dma_wait3A = tpu.memref_slice %arg3[%mul3A_2] : memref<131072xf32, #tpu.memory_space<hbm>> -> memref<4096xf32, #tpu.memory_space<hbm>>
      %dma_wait3A_9 = tpu.memref_slice %arg3[%mul3A_2] : memref<131072xf32, #tpu.memory_space<hbm>> -> memref<4096xf32, #tpu.memory_space<hbm>>
      tpu.wait_dma2 semaphore(%run_scoped3A : memref<!tpu.dma_semaphore, #tpu.memory_space<semaphore_mem>>) src(%dma_wait3A_9 : memref<4096xf32, #tpu.memory_space<hbm>>) dst(%arg7 : memref<4096xf32, #tpu.memory_space<vmem>>)
      tpu.yield
    }) : () -> ()
    "tpu.region"() ({
      %run_scoped3A = tpu.sem_alloc : memref<!tpu.dma_semaphore, #tpu.memory_space<semaphore_mem>>
      tpu.enqueue_dma source(%arg4 : memref<65536xf32, #tpu.memory_space<hbm>>) target(%arg8 : memref<65536xf32, #tpu.memory_space<vmem>>) target_semaphore(%run_scoped3A : memref<!tpu.dma_semaphore, #tpu.memory_space<semaphore_mem>>)
      tpu.wait_dma2 semaphore(%run_scoped3A : memref<!tpu.dma_semaphore, #tpu.memory_space<semaphore_mem>>) src(%arg4 : memref<65536xf32, #tpu.memory_space<hbm>>) dst(%arg8 : memref<65536xf32, #tpu.memory_space<vmem>>)
      tpu.yield
    }) : () -> ()
    %scan3A = arith.constant 0 : i32
    %scan3A_3 = arith.constant 0 : i32
    %scan3A_4 = arith.constant 256 : i32
    %scan3A_5 = arith.addi %scan3A_3, %scan3A_4 : i32
    %scan3A_6 = arith.constant 1 : i32
    scf.for %scan3A_8 = %scan3A_3 to %scan3A_5 step %scan3A_6  : i32 {
      %mul3A_9 = arith.constant 16 : i32
      %mul3A_10 = arith.muli %scan3A_8, %mul3A_9 : i32
      %multiple_of3A = tpu.assume_multiple %mul3A_10, 16 : i32
      %get3A = arith.index_cast %multiple_of3A : i32 to index
      %get3A_11 = tpu.vector_load %arg6[%get3A] {strides = array<i32>} : memref<4096xi32, #tpu.memory_space<vmem>>, vector<16xi32>,
      %get3A_12 = arith.index_cast %multiple_of3A : i32 to index
      %get3A_13 = tpu.vector_load %arg7[%get3A_12] {strides = array<i32>} : memref<4096xf32, #tpu.memory_space<vmem>>, vector<16xf32>,
      tpu.vector_store_idx %arg8[%get3A_11], %get3A_13 {add = true} : memref<65536xf32, #tpu.memory_space<vmem>>[vector<16xi32>], vector<16xf32>,
    }
    %scan3A_7 = arith.constant 256 : i32
    "tpu.region"() ({
      %run_scoped3A = tpu.sem_alloc : memref<!tpu.dma_semaphore, #tpu.memory_space<semaphore_mem>>
      %dma_start3A = arith.constant 0 : i32
      %dma_start3A_8 = tpu.memref_slice %arg5[%add3A, %dma_start3A] : memref<32x65536xf32, #tpu.memory_space<hbm>> -> memref<1x65536xf32, #tpu.memory_space<hbm>>
      %dma_start3A_9 = tpu.memref_squeeze %dma_start3A_8 : memref<1x65536xf32, #tpu.memory_space<hbm>> -> memref<65536xf32, #tpu.memory_space<hbm>>
      %dma_start3A_10 = arith.constant 0 : i32
      %dma_start3A_11 = tpu.memref_slice %arg5[%add3A, %dma_start3A_10] : memref<32x65536xf32, #tpu.memory_space<hbm>> -> memref<1x65536xf32, #tpu.memory_space<hbm>>
      %dma_start3A_12 = tpu.memref_squeeze %dma_start3A_11 : memref<1x65536xf32, #tpu.memory_space<hbm>> -> memref<65536xf32, #tpu.memory_space<hbm>>
      tpu.enqueue_dma source(%arg8 : memref<65536xf32, #tpu.memory_space<vmem>>) target(%dma_start3A_12 : memref<65536xf32, #tpu.memory_space<hbm>>) target_semaphore(%run_scoped3A : memref<!tpu.dma_semaphore, #tpu.memory_space<semaphore_mem>>)
      %dma_wait3A = arith.constant 0 : i32
      %dma_wait3A_13 = tpu.memref_slice %arg5[%add3A, %dma_wait3A] : memref<32x65536xf32, #tpu.memory_space<hbm>> -> memref<1x65536xf32, #tpu.memory_space<hbm>>
      %dma_wait3A_14 = tpu.memref_squeeze %dma_wait3A_13 : memref<1x65536xf32, #tpu.memory_space<hbm>> -> memref<65536xf32, #tpu.memory_space<hbm>>
      %dma_wait3A_15 = arith.constant 0 : i32
      %dma_wait3A_16 = tpu.memref_slice %arg5[%add3A, %dma_wait3A_15] : memref<32x65536xf32, #tpu.memory_space<hbm>> -> memref<1x65536xf32, #tpu.memory_space<hbm>>
      %dma_wait3A_17 = tpu.memref_squeeze %dma_wait3A_16 : memref<1x65536xf32, #tpu.memory_space<hbm>> -> memref<65536xf32, #tpu.memory_space<hbm>>
      tpu.wait_dma2 semaphore(%run_scoped3A : memref<!tpu.dma_semaphore, #tpu.memory_space<semaphore_mem>>) src(%arg8 : memref<65536xf32, #tpu.memory_space<vmem>>) dst(%dma_wait3A_17 : memref<65536xf32, #tpu.memory_space<hbm>>)
      tpu.yield
    }) : () -> ()
    return
  }
}

module attributes {stable_mosaic.version = 14 : i64} {
  func.func @_mlp_kernel(%arg0: i32, %arg1: memref<256x1024xf32, #tpu.memory_space<vmem>>, %arg2: memref<1024x512xf32, #tpu.memory_space<vmem>>, %arg3: memref<1x512xf32, #tpu.memory_space<vmem>>, %arg4: memref<512x2048xf32, #tpu.memory_space<vmem>>, %arg5: memref<1x2048xf32, #tpu.memory_space<vmem>>, %arg6: memref<256x2048xf32, #tpu.memory_space<vmem>>, %arg7: memref<1x1x2048xf32, #tpu.memory_space<vmem>>, %arg8: memref<1x1x2048xf32, #tpu.memory_space<vmem>>) attributes {dimension_semantics = [#tpu.dimension_semantics<arbitrary>], iteration_bounds = array<i64: 8>, scalar_prefetch = 0 : i64, scratch_operands = 0 : i64, tpu.core_type = #tpu.core_type<tc>, window_params = [{transform_indices = @transform_0, window_bounds = array<i64: 256, 1024>}, {pipeline_mode = #tpu.pipeline_mode<synchronous>, transform_indices = @transform_1, window_bounds = array<i64: 1024, 512>}, {pipeline_mode = #tpu.pipeline_mode<synchronous>, transform_indices = @transform_2, window_bounds = array<i64: 1, 512>}, {pipeline_mode = #tpu.pipeline_mode<synchronous>, transform_indices = @transform_3, window_bounds = array<i64: 512, 2048>}, {pipeline_mode = #tpu.pipeline_mode<synchronous>, transform_indices = @transform_4, window_bounds = array<i64: 1, 2048>}, {transform_indices = @transform_5, window_bounds = array<i64: 256, 2048>}, {transform_indices = @transform_6, window_bounds = array<i64: 1, 1, 2048>}, {transform_indices = @transform_7, window_bounds = array<i64: 1, 1, 2048>}]} {
    %get3A = arith.constant 0 : index
    %get3A_0 = arith.constant 0 : index
    %get3A_1 = vector.load %arg1[%get3A, %get3A_0] : memref<256x1024xf32, #tpu.memory_space<vmem>>, vector<256x1024xf32>
    %get3A_2 = arith.constant 0 : index
    %get3A_3 = arith.constant 0 : index
    %get3A_4 = vector.load %arg2[%get3A_2, %get3A_3] : memref<1024x512xf32, #tpu.memory_space<vmem>>, vector<1024x512xf32>
    %dot_general3A = arith.constant dense<0.000000e+00> : vector<256x512xf32>
    %dot_general3A_5 = tpu.matmul %get3A_1, %get3A_4, %dot_general3A {dimension_numbers = #tpu.dot_dimension_numbers<[1], [0], [0], [1], [0, 0, 1, 1], [], []>, transpose_lhs_hint = false} : vector<256x1024xf32>, vector<1024x512xf32>, vector<256x512xf32> -> vector<256x512xf32>
    %get3A_6 = arith.constant 0 : index
    %get3A_7 = arith.constant 0 : index
    %get3A_8 = vector.load %arg3[%get3A_6, %get3A_7] : memref<1x512xf32, #tpu.memory_space<vmem>>, vector<1x512xf32>
    %add3A = vector.broadcast %get3A_8 : vector<1x512xf32> to vector<256x512xf32>
    %add3A_9 = arith.addf %dot_general3A_5, %add3A : vector<256x512xf32>
    %max3A = arith.constant 0.000000e+00 : f32
    %max3A_10 = vector.broadcast %max3A : f32 to vector<256x512xf32>
    %max3A_11 = arith.maximumf %add3A_9, %max3A_10 : vector<256x512xf32>
    %get3A_12 = arith.constant 0 : index
    %get3A_13 = arith.constant 0 : index
    %get3A_14 = vector.load %arg4[%get3A_12, %get3A_13] : memref<512x2048xf32, #tpu.memory_space<vmem>>, vector<512x2048xf32>
    %dot_general3A_15 = arith.constant dense<0.000000e+00> : vector<256x2048xf32>
    %dot_general3A_16 = tpu.matmul %max3A_11, %get3A_14, %dot_general3A_15 {dimension_numbers = #tpu.dot_dimension_numbers<[1], [0], [0], [1], [0, 0, 1, 1], [], []>, transpose_lhs_hint = false} : vector<256x512xf32>, vector<512x2048xf32>, vector<256x2048xf32> -> vector<256x2048xf32>
    %get3A_17 = arith.constant 0 : index
    %get3A_18 = arith.constant 0 : index
    %get3A_19 = vector.load %arg5[%get3A_17, %get3A_18] : memref<1x2048xf32, #tpu.memory_space<vmem>>, vector<1x2048xf32>
    %add3A_20 = vector.broadcast %get3A_19 : vector<1x2048xf32> to vector<256x2048xf32>
    %add3A_21 = arith.addf %dot_general3A_16, %add3A_20 : vector<256x2048xf32>
    %swap3A = arith.constant 0 : index
    %swap3A_22 = arith.constant 0 : index
    %swap3A_23 = vector.load %arg6[%swap3A, %swap3A_22] : memref<256x2048xf32, #tpu.memory_space<vmem>>, vector<256x2048xf32>
    tpu.vector_store %arg6[%swap3A, %swap3A_22], %add3A_21 {strides = array<i32>} : memref<256x2048xf32, #tpu.memory_space<vmem>>, vector<256x2048xf32>,
    %reduce_sum3A = arith.constant dense<0.000000e+00> : vector<2048xf32>
    %reduce_sum3A_24 = vector.multi_reduction <add>, %add3A_21, %reduce_sum3A [0] : vector<256x2048xf32> to vector<2048xf32>
    %broadcast_in_dim3A = vector.shape_cast %reduce_sum3A_24 : vector<2048xf32> to vector<1x2048xf32>
    %swap3A_25 = arith.constant 0 : index
    %swap3A_26 = arith.constant 0 : index
    %swap3A_27 = arith.constant 0 : index
    %swap3A_28 = vector.load %arg7[%swap3A_25, %swap3A_26, %swap3A_27] : memref<1x1x2048xf32, #tpu.memory_space<vmem>>, vector<1x1x2048xf32>
    %swap3A_29 = vector.shape_cast %swap3A_28 : vector<1x1x2048xf32> to vector<1x2048xf32>
    %swap3A_30 = vector.shape_cast %broadcast_in_dim3A : vector<1x2048xf32> to vector<1x1x2048xf32>
    tpu.vector_store %arg7[%swap3A_25, %swap3A_26, %swap3A_27], %swap3A_30 {strides = array<i32>} : memref<1x1x2048xf32, #tpu.memory_space<vmem>>, vector<1x1x2048xf32>,
    %mul3A = arith.mulf %add3A_21, %add3A_21 : vector<256x2048xf32>
    %reduce_sum3A_31 = arith.constant dense<0.000000e+00> : vector<2048xf32>
    %reduce_sum3A_32 = vector.multi_reduction <add>, %mul3A, %reduce_sum3A_31 [0] : vector<256x2048xf32> to vector<2048xf32>
    %broadcast_in_dim3A_33 = vector.shape_cast %reduce_sum3A_32 : vector<2048xf32> to vector<1x2048xf32>
    %swap3A_34 = arith.constant 0 : index
    %swap3A_35 = arith.constant 0 : index
    %swap3A_36 = arith.constant 0 : index
    %swap3A_37 = vector.load %arg8[%swap3A_34, %swap3A_35, %swap3A_36] : memref<1x1x2048xf32, #tpu.memory_space<vmem>>, vector<1x1x2048xf32>
    %swap3A_38 = vector.shape_cast %swap3A_37 : vector<1x1x2048xf32> to vector<1x2048xf32>
    %swap3A_39 = vector.shape_cast %broadcast_in_dim3A_33 : vector<1x2048xf32> to vector<1x1x2048xf32>
    tpu.vector_store %arg8[%swap3A_34, %swap3A_35, %swap3A_36], %swap3A_39 {strides = array<i32>} : memref<1x1x2048xf32, #tpu.memory_space<vmem>>, vector<1x1x2048xf32>,
    return
  }
  func.func @transform_0(%arg0: i32) -> (i32, i32) {
    %c0_i32 = arith.constant 0 : i32
    %c0_i32_0 = arith.constant 0 : i32
    return %arg0, %c0_i32 : i32, i32
  }
  func.func @transform_1(%arg0: i32) -> (i32, i32) {
    %c0_i32 = arith.constant 0 : i32
    %c0_i32_0 = arith.constant 0 : i32
    %c0_i32_1 = arith.constant 0 : i32
    return %c0_i32, %c0_i32_0 : i32, i32
  }
  func.func @transform_2(%arg0: i32) -> (i32, i32) {
    %c0_i32 = arith.constant 0 : i32
    %c0_i32_0 = arith.constant 0 : i32
    %c0_i32_1 = arith.constant 0 : i32
    return %c0_i32, %c0_i32_0 : i32, i32
  }
  func.func @transform_3(%arg0: i32) -> (i32, i32) {
    %c0_i32 = arith.constant 0 : i32
    %c0_i32_0 = arith.constant 0 : i32
    %c0_i32_1 = arith.constant 0 : i32
    return %c0_i32, %c0_i32_0 : i32, i32
  }
  func.func @transform_4(%arg0: i32) -> (i32, i32) {
    %c0_i32 = arith.constant 0 : i32
    %c0_i32_0 = arith.constant 0 : i32
    %c0_i32_1 = arith.constant 0 : i32
    return %c0_i32, %c0_i32_0 : i32, i32
  }
  func.func @transform_5(%arg0: i32) -> (i32, i32) {
    %c0_i32 = arith.constant 0 : i32
    %c0_i32_0 = arith.constant 0 : i32
    return %arg0, %c0_i32 : i32, i32
  }
  func.func @transform_6(%arg0: i32) -> (i32, i32, i32) {
    %c0_i32 = arith.constant 0 : i32
    %c0_i32_0 = arith.constant 0 : i32
    %c0_i32_1 = arith.constant 0 : i32
    return %arg0, %c0_i32, %c0_i32_0 : i32, i32, i32
  }
  func.func @transform_7(%arg0: i32) -> (i32, i32, i32) {
    %c0_i32 = arith.constant 0 : i32
    %c0_i32_0 = arith.constant 0 : i32
    %c0_i32_1 = arith.constant 0 : i32
    return %arg0, %c0_i32, %c0_i32_0 : i32, i32, i32
  }
}

module attributes {stable_mosaic.version = 14 : i64} {
  func.func @_score_kernel(%arg0: i32, %arg1: i32, %arg2: i32, %arg3: memref<256x512xf32, #tpu.memory_space<vmem>>, %arg4: memref<1x512xf32, #tpu.memory_space<vmem>>, %arg5: memref<1x512xf32, #tpu.memory_space<vmem>>, %arg6: memref<1x256x256xf32, #tpu.memory_space<vmem>>, %arg7: memref<1x256x256xf32, #tpu.memory_space<vmem>>, %arg8: memref<1x256x16xf32, #tpu.memory_space<vmem>>, %arg9: memref<1x256x16xi32, #tpu.memory_space<vmem>>) attributes {dimension_semantics = [#tpu.dimension_semantics<arbitrary>, #tpu.dimension_semantics<arbitrary>, #tpu.dimension_semantics<arbitrary>], iteration_bounds = array<i64: 4, 4, 2>, scalar_prefetch = 0 : i64, scratch_operands = 0 : i64, tpu.core_type = #tpu.core_type<tc>, window_params = [{transform_indices = @transform_0, window_bounds = array<i64: 256, 512>}, {transform_indices = @transform_1, window_bounds = array<i64: 1, 512>}, {transform_indices = @transform_2, window_bounds = array<i64: 1, 512>}, {transform_indices = @transform_3, window_bounds = array<i64: 1, 256, 256>}, {transform_indices = @transform_4, window_bounds = array<i64: 1, 256, 256>}, {transform_indices = @transform_5, window_bounds = array<i64: 1, 256, 16>}, {transform_indices = @transform_6, window_bounds = array<i64: 1, 256, 16>}]} {
    %get3A = arith.constant 0 : index
    %get3A_0 = arith.constant 0 : index
    %get3A_1 = vector.load %arg3[%get3A, %get3A_0] : memref<256x512xf32, #tpu.memory_space<vmem>>, vector<256x512xf32>
    %get3A_2 = arith.constant 0 : index
    %get3A_3 = arith.constant 0 : index
    %get3A_4 = vector.load %arg4[%get3A_2, %get3A_3] : memref<1x512xf32, #tpu.memory_space<vmem>>, vector<1x512xf32>
    %mul3A = vector.broadcast %get3A_4 : vector<1x512xf32> to vector<256x512xf32>
    %mul3A_5 = arith.mulf %get3A_1, %mul3A : vector<256x512xf32>
    %get3A_6 = arith.constant 0 : index
    %get3A_7 = arith.constant 0 : index
    %get3A_8 = vector.load %arg5[%get3A_6, %get3A_7] : memref<1x512xf32, #tpu.memory_space<vmem>>, vector<1x512xf32>
    %add3A = vector.broadcast %get3A_8 : vector<1x512xf32> to vector<256x512xf32>
    %add3A_9 = arith.addf %mul3A_5, %add3A : vector<256x512xf32>
    %slice3A = vector.extract_strided_slice %add3A_9 {offsets = [0, 0], sizes = [256, 256], strides = [1, 1]} : vector<256x512xf32> to vector<256x256xf32>
    %get3A_10 = arith.constant 0 : index
    %get3A_11 = arith.constant 0 : index
    %get3A_12 = arith.constant 0 : index
    %get3A_13 = vector.load %arg6[%get3A_10, %get3A_11, %get3A_12] : memref<1x256x256xf32, #tpu.memory_space<vmem>>, vector<1x256x256xf32>
    %get3A_14 = vector.shape_cast %get3A_13 : vector<1x256x256xf32> to vector<256x256xf32>
    %dot_general3A = arith.constant dense<0.000000e+00> : vector<256x256xf32>
    %dot_general3A_15 = tpu.matmul %slice3A, %get3A_14, %dot_general3A {dimension_numbers = #tpu.dot_dimension_numbers<[1], [0], [0], [1], [0, 0, 1, 1], [], []>, transpose_lhs_hint = false} : vector<256x256xf32>, vector<256x256xf32>, vector<256x256xf32> -> vector<256x256xf32>
    %slice3A_16 = vector.extract_strided_slice %add3A_9 {offsets = [0, 256], sizes = [256, 256], strides = [1, 1]} : vector<256x512xf32> to vector<256x256xf32>
    %get3A_17 = arith.constant 0 : index
    %get3A_18 = arith.constant 0 : index
    %get3A_19 = arith.constant 0 : index
    %get3A_20 = vector.load %arg7[%get3A_17, %get3A_18, %get3A_19] : memref<1x256x256xf32, #tpu.memory_space<vmem>>, vector<1x256x256xf32>
    %get3A_21 = vector.shape_cast %get3A_20 : vector<1x256x256xf32> to vector<256x256xf32>
    %dot_general3A_22 = arith.constant dense<0.000000e+00> : vector<256x256xf32>
    %dot_general3A_23 = tpu.matmul %slice3A_16, %get3A_21, %dot_general3A_22 {dimension_numbers = #tpu.dot_dimension_numbers<[1], [0], [0], [1], [0, 0, 1, 1], [], []>, transpose_lhs_hint = false} : vector<256x256xf32>, vector<256x256xf32>, vector<256x256xf32> -> vector<256x256xf32>
    %iota3A = tpu.iota {dimensions = array<i32: 1>} : vector<16x256xi32>
    %iota3A_24 = tpu.iota {dimensions = array<i32: 0>} : vector<16x256xi32>
    %jit3A = arith.constant 16 : i32
    %div3A = vector.broadcast %jit3A : i32 to vector<16x256xi32>
    %div3A_25 = arith.divsi %iota3A, %div3A : vector<16x256xi32>
    %sign3A = arith.constant 0 : i32
    %sign3A_26 = vector.broadcast %sign3A : i32 to vector<16x256xi32>
    %sign3A_27 = arith.cmpi sgt, %iota3A, %sign3A_26 : vector<16x256xi32>
    %sign3A_28 = arith.extui %sign3A_27 : vector<16x256xi1> to vector<16x256xi32>
    %sign3A_29 = arith.constant 0 : i32
    %sign3A_30 = vector.broadcast %sign3A_29 : i32 to vector<16x256xi32>
    %sign3A_31 = arith.cmpi slt, %iota3A, %sign3A_30 : vector<16x256xi32>
    %sign3A_32 = arith.extui %sign3A_31 : vector<16x256xi1> to vector<16x256xi32>
    %sign3A_33 = arith.subi %sign3A_28, %sign3A_32 : vector<16x256xi32>
    %sign3A_34 = arith.constant 0 : i32
    %sign3A_35 = arith.cmpi sgt, %jit3A, %sign3A_34 : i32
    %sign3A_36 = arith.extui %sign3A_35 : i1 to i32
    %sign3A_37 = arith.constant 0 : i32
    %sign3A_38 = arith.cmpi slt, %jit3A, %sign3A_37 : i32
    %sign3A_39 = arith.extui %sign3A_38 : i1 to i32
    %sign3A_40 = arith.subi %sign3A_36, %sign3A_39 : i32
    %ne3A = vector.broadcast %sign3A_40 : i32 to vector<16x256xi32>
    %ne3A_41 = arith.cmpi ne, %sign3A_33, %ne3A : vector<16x256xi32>
    %rem3A = vector.broadcast %jit3A : i32 to vector<16x256xi32>
    %rem3A_42 = arith.remsi %iota3A, %rem3A : vector<16x256xi32>
    %ne3A_43 = arith.constant 0 : i32
    %ne3A_44 = vector.broadcast %ne3A_43 : i32 to vector<16x256xi32>
    %ne3A_45 = arith.cmpi ne, %rem3A_42, %ne3A_44 : vector<16x256xi32>
    %and3A = arith.andi %ne3A_41, %ne3A_45 : vector<16x256xi1>
    %sub3A = arith.constant 1 : i32
    %sub3A_46 = vector.broadcast %sub3A : i32 to vector<16x256xi32>
    %sub3A_47 = arith.subi %div3A_25, %sub3A_46 : vector<16x256xi32>
    %select_n3A = arith.select %and3A, %sub3A_47, %div3A_25 : vector<16x256xi1>, vector<16x256xi32>
    %eq3A = arith.cmpi eq, %select_n3A, %iota3A_24 : vector<16x256xi32>
    %convert_element_type3A = arith.extui %eq3A : vector<16x256xi1> to vector<16x256xi32>
    %convert_element_type3A_48 = arith.sitofp %convert_element_type3A : vector<16x256xi32> to vector<16x256xf32>
    %jit3A_49 = arith.constant 16 : i32
    %eq3A_50 = arith.constant 0 : i32
    %eq3A_51 = arith.cmpi eq, %jit3A_49, %eq3A_50 : i32
    %jit3A_52 = arith.constant 1 : i32
    %select_n3A_53 = arith.select %eq3A_51, %jit3A_52, %jit3A_49 : i32
    %rem3A_54 = vector.broadcast %select_n3A_53 : i32 to vector<16x256xi32>
    %rem3A_55 = arith.remsi %iota3A, %rem3A_54 : vector<16x256xi32>
    %ne3A_56 = arith.constant 0 : i32
    %ne3A_57 = vector.broadcast %ne3A_56 : i32 to vector<16x256xi32>
    %ne3A_58 = arith.cmpi ne, %rem3A_55, %ne3A_57 : vector<16x256xi32>
    %lt3A = arith.constant 0 : i32
    %lt3A_59 = vector.broadcast %lt3A : i32 to vector<16x256xi32>
    %lt3A_60 = arith.cmpi slt, %rem3A_55, %lt3A_59 : vector<16x256xi32>
    %lt3A_61 = arith.constant 0 : i32
    %lt3A_62 = arith.cmpi slt, %select_n3A_53, %lt3A_61 : i32
    %ne3A_63 = vector.broadcast %lt3A_62 : i1 to vector<16x256xi1>
    %ne3A_64 = vector.broadcast %ne3A_63 : vector<16x256xi1> to vector<16x256xi1>
    %ne3A_65 = arith.xori %lt3A_60, %ne3A_64 : vector<16x256xi1>
    %and3A_66 = arith.andi %ne3A_65, %ne3A_58 : vector<16x256xi1>
    %add3A_67 = vector.broadcast %select_n3A_53 : i32 to vector<16x256xi32>
    %add3A_68 = arith.addi %rem3A_55, %add3A_67 : vector<16x256xi32>
    %select_n3A_69 = arith.select %and3A_66, %add3A_68, %rem3A_55 : vector<16x256xi1>, vector<16x256xi32>
    %eq3A_70 = arith.cmpi eq, %select_n3A_69, %iota3A_24 : vector<16x256xi32>
    %convert_element_type3A_71 = arith.extui %eq3A_70 : vector<16x256xi1> to vector<16x256xi32>
    %convert_element_type3A_72 = arith.sitofp %convert_element_type3A_71 : vector<16x256xi32> to vector<16x256xf32>
    %slice3A_73 = vector.extract_strided_slice %dot_general3A_15 {offsets = [0, 0], sizes = [64, 256], strides = [1, 1]} : vector<256x256xf32> to vector<64x256xf32>
    %bitcast_convert_type3A = tpu.bitcast %slice3A_73 : vector<64x256xf32> -> vector<64x256xi32>
    %iota3A_74 = tpu.iota {dimensions = array<i32: 1>} : vector<64x256xi32>
    %lt3A_75 = arith.constant 0 : i32
    %lt3A_76 = vector.broadcast %lt3A_75 : i32 to vector<64x256xi32>
    %lt3A_77 = arith.cmpi slt, %bitcast_convert_type3A, %lt3A_76 : vector<64x256xi32>
    %sub3A_78 = arith.constant 255 : i32
    %sub3A_79 = vector.broadcast %sub3A_78 : i32 to vector<64x256xi32>
    %sub3A_80 = arith.subi %sub3A_79, %iota3A_74 : vector<64x256xi32>
    %select_n3A_81 = arith.select %lt3A_77, %iota3A_74, %sub3A_80 : vector<64x256xi1>, vector<64x256xi32>
    %and3A_82 = arith.constant -256 : i32
    %and3A_83 = vector.broadcast %and3A_82 : i32 to vector<64x256xi32>
    %and3A_84 = arith.andi %bitcast_convert_type3A, %and3A_83 : vector<64x256xi32>
    %or3A = arith.ori %and3A_84, %select_n3A_81 : vector<64x256xi32>
    %bitcast_convert_type3A_85 = tpu.bitcast %or3A : vector<64x256xi32> -> vector<64x256xf32>
    %reduce_max3A = arith.constant dense<0xFF800000> : vector<64xf32>
    %reduce_max3A_86 = vector.multi_reduction <maximumf>, %bitcast_convert_type3A_85, %reduce_max3A [1] : vector<64x256xf32> to vector<64xf32>
    %broadcast_in_dim3A = vector.shape_cast %reduce_max3A_86 : vector<64xf32> to vector<64x1xf32>
    %eq3A_87 = vector.broadcast %broadcast_in_dim3A : vector<64x1xf32> to vector<64x256xf32>
    %eq3A_88 = arith.cmpf oeq, %bitcast_convert_type3A_85, %eq3A_87 : vector<64x256xf32>
    %jit3A_89 = arith.constant 0xFF800000 : f32
    %broadcast_in_dim3A_90 = vector.broadcast %jit3A_89 : f32 to vector<64x256xf32>
    %select_n3A_91 = arith.select %eq3A_88, %broadcast_in_dim3A_90, %bitcast_convert_type3A_85 : vector<64x256xi1>, vector<64x256xf32>
    %reduce_max3A_92 = arith.constant dense<0xFF800000> : vector<64xf32>
    %reduce_max3A_93 = vector.multi_reduction <maximumf>, %select_n3A_91, %reduce_max3A_92 [1] : vector<64x256xf32> to vector<64xf32>
    %broadcast_in_dim3A_94 = vector.shape_cast %reduce_max3A_93 : vector<64xf32> to vector<64x1xf32>
    %eq3A_95 = vector.broadcast %broadcast_in_dim3A_94 : vector<64x1xf32> to vector<64x256xf32>
    %eq3A_96 = arith.cmpf oeq, %select_n3A_91, %eq3A_95 : vector<64x256xf32>
    %jit3A_97 = arith.constant 0xFF800000 : f32
    %broadcast_in_dim3A_98 = vector.broadcast %jit3A_97 : f32 to vector<64x256xf32>
    %select_n3A_99 = arith.select %eq3A_96, %broadcast_in_dim3A_98, %select_n3A_91 : vector<64x256xi1>, vector<64x256xf32>
    %reduce_max3A_100 = arith.constant dense<0xFF800000> : vector<64xf32>
    %reduce_max3A_101 = vector.multi_reduction <maximumf>, %select_n3A_99, %reduce_max3A_100 [1] : vector<64x256xf32> to vector<64xf32>
    %broadcast_in_dim3A_102 = vector.shape_cast %reduce_max3A_101 : vector<64xf32> to vector<64x1xf32>
    %eq3A_103 = vector.broadcast %broadcast_in_dim3A_102 : vector<64x1xf32> to vector<64x256xf32>
    %eq3A_104 = arith.cmpf oeq, %select_n3A_99, %eq3A_103 : vector<64x256xf32>
    %jit3A_105 = arith.constant 0xFF800000 : f32
    %broadcast_in_dim3A_106 = vector.broadcast %jit3A_105 : f32 to vector<64x256xf32>
    %select_n3A_107 = arith.select %eq3A_104, %broadcast_in_dim3A_106, %select_n3A_99 : vector<64x256xi1>, vector<64x256xf32>
    %reduce_max3A_108 = arith.constant dense<0xFF800000> : vector<64xf32>
    %reduce_max3A_109 = vector.multi_reduction <maximumf>, %select_n3A_107, %reduce_max3A_108 [1] : vector<64x256xf32> to vector<64xf32>
    %broadcast_in_dim3A_110 = vector.shape_cast %reduce_max3A_109 : vector<64xf32> to vector<64x1xf32>
    %eq3A_111 = vector.broadcast %broadcast_in_dim3A_110 : vector<64x1xf32> to vector<64x256xf32>
    %eq3A_112 = arith.cmpf oeq, %select_n3A_107, %eq3A_111 : vector<64x256xf32>
    %jit3A_113 = arith.constant 0xFF800000 : f32
    %broadcast_in_dim3A_114 = vector.broadcast %jit3A_113 : f32 to vector<64x256xf32>
    %select_n3A_115 = arith.select %eq3A_112, %broadcast_in_dim3A_114, %select_n3A_107 : vector<64x256xi1>, vector<64x256xf32>
    %reduce_max3A_116 = arith.constant dense<0xFF800000> : vector<64xf32>
    %reduce_max3A_117 = vector.multi_reduction <maximumf>, %select_n3A_115, %reduce_max3A_116 [1] : vector<64x256xf32> to vector<64xf32>
    %broadcast_in_dim3A_118 = vector.shape_cast %reduce_max3A_117 : vector<64xf32> to vector<64x1xf32>
    %eq3A_119 = vector.broadcast %broadcast_in_dim3A_118 : vector<64x1xf32> to vector<64x256xf32>
    %eq3A_120 = arith.cmpf oeq, %select_n3A_115, %eq3A_119 : vector<64x256xf32>
    %jit3A_121 = arith.constant 0xFF800000 : f32
    %broadcast_in_dim3A_122 = vector.broadcast %jit3A_121 : f32 to vector<64x256xf32>
    %select_n3A_123 = arith.select %eq3A_120, %broadcast_in_dim3A_122, %select_n3A_115 : vector<64x256xi1>, vector<64x256xf32>
    %reduce_max3A_124 = arith.constant dense<0xFF800000> : vector<64xf32>
    %reduce_max3A_125 = vector.multi_reduction <maximumf>, %select_n3A_123, %reduce_max3A_124 [1] : vector<64x256xf32> to vector<64xf32>
    %broadcast_in_dim3A_126 = vector.shape_cast %reduce_max3A_125 : vector<64xf32> to vector<64x1xf32>
    %eq3A_127 = vector.broadcast %broadcast_in_dim3A_126 : vector<64x1xf32> to vector<64x256xf32>
    %eq3A_128 = arith.cmpf oeq, %select_n3A_123, %eq3A_127 : vector<64x256xf32>
    %jit3A_129 = arith.constant 0xFF800000 : f32
    %broadcast_in_dim3A_130 = vector.broadcast %jit3A_129 : f32 to vector<64x256xf32>
    %select_n3A_131 = arith.select %eq3A_128, %broadcast_in_dim3A_130, %select_n3A_123 : vector<64x256xi1>, vector<64x256xf32>
    %reduce_max3A_132 = arith.constant dense<0xFF800000> : vector<64xf32>
    %reduce_max3A_133 = vector.multi_reduction <maximumf>, %select_n3A_131, %reduce_max3A_132 [1] : vector<64x256xf32> to vector<64xf32>
    %broadcast_in_dim3A_134 = vector.shape_cast %reduce_max3A_133 : vector<64xf32> to vector<64x1xf32>
    %eq3A_135 = vector.broadcast %broadcast_in_dim3A_134 : vector<64x1xf32> to vector<64x256xf32>
    %eq3A_136 = arith.cmpf oeq, %select_n3A_131, %eq3A_135 : vector<64x256xf32>
    %jit3A_137 = arith.constant 0xFF800000 : f32
    %broadcast_in_dim3A_138 = vector.broadcast %jit3A_137 : f32 to vector<64x256xf32>
    %select_n3A_139 = arith.select %eq3A_136, %broadcast_in_dim3A_138, %select_n3A_131 : vector<64x256xi1>, vector<64x256xf32>
    %reduce_max3A_140 = arith.constant dense<0xFF800000> : vector<64xf32>
    %reduce_max3A_141 = vector.multi_reduction <maximumf>, %select_n3A_139, %reduce_max3A_140 [1] : vector<64x256xf32> to vector<64xf32>
    %broadcast_in_dim3A_142 = vector.shape_cast %reduce_max3A_141 : vector<64xf32> to vector<64x1xf32>
    %eq3A_143 = vector.broadcast %broadcast_in_dim3A_142 : vector<64x1xf32> to vector<64x256xf32>
    %eq3A_144 = arith.cmpf oeq, %select_n3A_139, %eq3A_143 : vector<64x256xf32>
    %jit3A_145 = arith.constant 0xFF800000 : f32
    %broadcast_in_dim3A_146 = vector.broadcast %jit3A_145 : f32 to vector<64x256xf32>
    %select_n3A_147 = arith.select %eq3A_144, %broadcast_in_dim3A_146, %select_n3A_139 : vector<64x256xi1>, vector<64x256xf32>
    %reduce_max3A_148 = arith.constant dense<0xFF800000> : vector<64xf32>
    %reduce_max3A_149 = vector.multi_reduction <maximumf>, %select_n3A_147, %reduce_max3A_148 [1] : vector<64x256xf32> to vector<64xf32>
    %broadcast_in_dim3A_150 = vector.shape_cast %reduce_max3A_149 : vector<64xf32> to vector<64x1xf32>
    %eq3A_151 = vector.broadcast %broadcast_in_dim3A_150 : vector<64x1xf32> to vector<64x256xf32>
    %eq3A_152 = arith.cmpf oeq, %select_n3A_147, %eq3A_151 : vector<64x256xf32>
    %jit3A_153 = arith.constant 0xFF800000 : f32
    %broadcast_in_dim3A_154 = vector.broadcast %jit3A_153 : f32 to vector<64x256xf32>
    %select_n3A_155 = arith.select %eq3A_152, %broadcast_in_dim3A_154, %select_n3A_147 : vector<64x256xi1>, vector<64x256xf32>
    %reduce_max3A_156 = arith.constant dense<0xFF800000> : vector<64xf32>
    %reduce_max3A_157 = vector.multi_reduction <maximumf>, %select_n3A_155, %reduce_max3A_156 [1] : vector<64x256xf32> to vector<64xf32>
    %broadcast_in_dim3A_158 = vector.shape_cast %reduce_max3A_157 : vector<64xf32> to vector<64x1xf32>
    %eq3A_159 = vector.broadcast %broadcast_in_dim3A_158 : vector<64x1xf32> to vector<64x256xf32>
    %eq3A_160 = arith.cmpf oeq, %select_n3A_155, %eq3A_159 : vector<64x256xf32>
    %jit3A_161 = arith.constant 0xFF800000 : f32
    %broadcast_in_dim3A_162 = vector.broadcast %jit3A_161 : f32 to vector<64x256xf32>
    %select_n3A_163 = arith.select %eq3A_160, %broadcast_in_dim3A_162, %select_n3A_155 : vector<64x256xi1>, vector<64x256xf32>
    %reduce_max3A_164 = arith.constant dense<0xFF800000> : vector<64xf32>
    %reduce_max3A_165 = vector.multi_reduction <maximumf>, %select_n3A_163, %reduce_max3A_164 [1] : vector<64x256xf32> to vector<64xf32>
    %broadcast_in_dim3A_166 = vector.shape_cast %reduce_max3A_165 : vector<64xf32> to vector<64x1xf32>
    %eq3A_167 = vector.broadcast %broadcast_in_dim3A_166 : vector<64x1xf32> to vector<64x256xf32>
    %eq3A_168 = arith.cmpf oeq, %select_n3A_163, %eq3A_167 : vector<64x256xf32>
    %jit3A_169 = arith.constant 0xFF800000 : f32
    %broadcast_in_dim3A_170 = vector.broadcast %jit3A_169 : f32 to vector<64x256xf32>
    %select_n3A_171 = arith.select %eq3A_168, %broadcast_in_dim3A_170, %select_n3A_163 : vector<64x256xi1>, vector<64x256xf32>
    %reduce_max3A_172 = arith.constant dense<0xFF800000> : vector<64xf32>
    %reduce_max3A_173 = vector.multi_reduction <maximumf>, %select_n3A_171, %reduce_max3A_172 [1] : vector<64x256xf32> to vector<64xf32>
    %broadcast_in_dim3A_174 = vector.shape_cast %reduce_max3A_173 : vector<64xf32> to vector<64x1xf32>
    %eq3A_175 = vector.broadcast %broadcast_in_dim3A_174 : vector<64x1xf32> to vector<64x256xf32>
    %eq3A_176 = arith.cmpf oeq, %select_n3A_171, %eq3A_175 : vector<64x256xf32>
    %jit3A_177 = arith.constant 0xFF800000 : f32
    %broadcast_in_dim3A_178 = vector.broadcast %jit3A_177 : f32 to vector<64x256xf32>
    %select_n3A_179 = arith.select %eq3A_176, %broadcast_in_dim3A_178, %select_n3A_171 : vector<64x256xi1>, vector<64x256xf32>
    %reduce_max3A_180 = arith.constant dense<0xFF800000> : vector<64xf32>
    %reduce_max3A_181 = vector.multi_reduction <maximumf>, %select_n3A_179, %reduce_max3A_180 [1] : vector<64x256xf32> to vector<64xf32>
    %broadcast_in_dim3A_182 = vector.shape_cast %reduce_max3A_181 : vector<64xf32> to vector<64x1xf32>
    %eq3A_183 = vector.broadcast %broadcast_in_dim3A_182 : vector<64x1xf32> to vector<64x256xf32>
    %eq3A_184 = arith.cmpf oeq, %select_n3A_179, %eq3A_183 : vector<64x256xf32>
    %jit3A_185 = arith.constant 0xFF800000 : f32
    %broadcast_in_dim3A_186 = vector.broadcast %jit3A_185 : f32 to vector<64x256xf32>
    %select_n3A_187 = arith.select %eq3A_184, %broadcast_in_dim3A_186, %select_n3A_179 : vector<64x256xi1>, vector<64x256xf32>
    %reduce_max3A_188 = arith.constant dense<0xFF800000> : vector<64xf32>
    %reduce_max3A_189 = vector.multi_reduction <maximumf>, %select_n3A_187, %reduce_max3A_188 [1] : vector<64x256xf32> to vector<64xf32>
    %broadcast_in_dim3A_190 = vector.shape_cast %reduce_max3A_189 : vector<64xf32> to vector<64x1xf32>
    %eq3A_191 = vector.broadcast %broadcast_in_dim3A_190 : vector<64x1xf32> to vector<64x256xf32>
    %eq3A_192 = arith.cmpf oeq, %select_n3A_187, %eq3A_191 : vector<64x256xf32>
    %jit3A_193 = arith.constant 0xFF800000 : f32
    %broadcast_in_dim3A_194 = vector.broadcast %jit3A_193 : f32 to vector<64x256xf32>
    %select_n3A_195 = arith.select %eq3A_192, %broadcast_in_dim3A_194, %select_n3A_187 : vector<64x256xi1>, vector<64x256xf32>
    %reduce_max3A_196 = arith.constant dense<0xFF800000> : vector<64xf32>
    %reduce_max3A_197 = vector.multi_reduction <maximumf>, %select_n3A_195, %reduce_max3A_196 [1] : vector<64x256xf32> to vector<64xf32>
    %broadcast_in_dim3A_198 = vector.shape_cast %reduce_max3A_197 : vector<64xf32> to vector<64x1xf32>
    %eq3A_199 = vector.broadcast %broadcast_in_dim3A_198 : vector<64x1xf32> to vector<64x256xf32>
    %eq3A_200 = arith.cmpf oeq, %select_n3A_195, %eq3A_199 : vector<64x256xf32>
    %jit3A_201 = arith.constant 0xFF800000 : f32
    %broadcast_in_dim3A_202 = vector.broadcast %jit3A_201 : f32 to vector<64x256xf32>
    %select_n3A_203 = arith.select %eq3A_200, %broadcast_in_dim3A_202, %select_n3A_195 : vector<64x256xi1>, vector<64x256xf32>
    %reduce_max3A_204 = arith.constant dense<0xFF800000> : vector<64xf32>
    %reduce_max3A_205 = vector.multi_reduction <maximumf>, %select_n3A_203, %reduce_max3A_204 [1] : vector<64x256xf32> to vector<64xf32>
    %broadcast_in_dim3A_206 = vector.shape_cast %reduce_max3A_205 : vector<64xf32> to vector<64x1xf32>
    %concatenate3A = tpu.concatenate %broadcast_in_dim3A, %broadcast_in_dim3A_94, %broadcast_in_dim3A_102, %broadcast_in_dim3A_110, %broadcast_in_dim3A_118, %broadcast_in_dim3A_126, %broadcast_in_dim3A_134, %broadcast_in_dim3A_142, %broadcast_in_dim3A_150, %broadcast_in_dim3A_158, %broadcast_in_dim3A_166, %broadcast_in_dim3A_174, %broadcast_in_dim3A_182, %broadcast_in_dim3A_190, %broadcast_in_dim3A_198, %broadcast_in_dim3A_206 in 1 : vector<64x1xf32>, vector<64x1xf32>, vector<64x1xf32>, vector<64x1xf32>, vector<64x1xf32>, vector<64x1xf32>, vector<64x1xf32>, vector<64x1xf32>, vector<64x1xf32>, vector<64x1xf32>, vector<64x1xf32>, vector<64x1xf32>, vector<64x1xf32>, vector<64x1xf32>, vector<64x1xf32>, vector<64x1xf32> -> vector<64x16xf32>
    %bitcast_convert_type3A_207 = tpu.bitcast %concatenate3A : vector<64x16xf32> -> vector<64x16xi32>
    %and3A_208 = arith.constant 255 : i32
    %and3A_209 = vector.broadcast %and3A_208 : i32 to vector<64x16xi32>
    %and3A_210 = arith.andi %bitcast_convert_type3A_207, %and3A_209 : vector<64x16xi32>
    %lt3A_211 = arith.constant 0 : i32
    %lt3A_212 = vector.broadcast %lt3A_211 : i32 to vector<64x16xi32>
    %lt3A_213 = arith.cmpi slt, %bitcast_convert_type3A_207, %lt3A_212 : vector<64x16xi32>
    %sub3A_214 = arith.constant 255 : i32
    %sub3A_215 = vector.broadcast %sub3A_214 : i32 to vector<64x16xi32>
    %sub3A_216 = arith.subi %sub3A_215, %and3A_210 : vector<64x16xi32>
    %select_n3A_217 = arith.select %lt3A_213, %and3A_210, %sub3A_216 : vector<64x16xi1>, vector<64x16xi32>
    %and3A_218 = arith.constant -256 : i32
    %and3A_219 = vector.broadcast %and3A_218 : i32 to vector<64x16xi32>
    %and3A_220 = arith.andi %bitcast_convert_type3A_207, %and3A_219 : vector<64x16xi32>
    %or3A_221 = arith.constant 128 : i32
    %or3A_222 = vector.broadcast %or3A_221 : i32 to vector<64x16xi32>
    %or3A_223 = arith.ori %and3A_220, %or3A_222 : vector<64x16xi32>
    %bitcast_convert_type3A_224 = tpu.bitcast %or3A_223 : vector<64x16xi32> -> vector<64x16xf32>
    %slice3A_225 = vector.extract_strided_slice %dot_general3A_23 {offsets = [0, 0], sizes = [64, 256], strides = [1, 1]} : vector<256x256xf32> to vector<64x256xf32>
    %bitcast_convert_type3A_226 = tpu.bitcast %slice3A_225 : vector<64x256xf32> -> vector<64x256xi32>
    %iota3A_227 = tpu.iota {dimensions = array<i32: 1>} : vector<64x256xi32>
    %lt3A_228 = arith.constant 0 : i32
    %lt3A_229 = vector.broadcast %lt3A_228 : i32 to vector<64x256xi32>
    %lt3A_230 = arith.cmpi slt, %bitcast_convert_type3A_226, %lt3A_229 : vector<64x256xi32>
    %sub3A_231 = arith.constant 255 : i32
    %sub3A_232 = vector.broadcast %sub3A_231 : i32 to vector<64x256xi32>
    %sub3A_233 = arith.subi %sub3A_232, %iota3A_227 : vector<64x256xi32>
    %select_n3A_234 = arith.select %lt3A_230, %iota3A_227, %sub3A_233 : vector<64x256xi1>, vector<64x256xi32>
    %and3A_235 = arith.constant -256 : i32
    %and3A_236 = vector.broadcast %and3A_235 : i32 to vector<64x256xi32>
    %and3A_237 = arith.andi %bitcast_convert_type3A_226, %and3A_236 : vector<64x256xi32>
    %or3A_238 = arith.ori %and3A_237, %select_n3A_234 : vector<64x256xi32>
    %bitcast_convert_type3A_239 = tpu.bitcast %or3A_238 : vector<64x256xi32> -> vector<64x256xf32>
    %reduce_max3A_240 = arith.constant dense<0xFF800000> : vector<64xf32>
    %reduce_max3A_241 = vector.multi_reduction <maximumf>, %bitcast_convert_type3A_239, %reduce_max3A_240 [1] : vector<64x256xf32> to vector<64xf32>
    %broadcast_in_dim3A_242 = vector.shape_cast %reduce_max3A_241 : vector<64xf32> to vector<64x1xf32>
    %eq3A_243 = vector.broadcast %broadcast_in_dim3A_242 : vector<64x1xf32> to vector<64x256xf32>
    %eq3A_244 = arith.cmpf oeq, %bitcast_convert_type3A_239, %eq3A_243 : vector<64x256xf32>
    %jit3A_245 = arith.constant 0xFF800000 : f32
    %broadcast_in_dim3A_246 = vector.broadcast %jit3A_245 : f32 to vector<64x256xf32>
    %select_n3A_247 = arith.select %eq3A_244, %broadcast_in_dim3A_246, %bitcast_convert_type3A_239 : vector<64x256xi1>, vector<64x256xf32>
    %reduce_max3A_248 = arith.constant dense<0xFF800000> : vector<64xf32>
    %reduce_max3A_249 = vector.multi_reduction <maximumf>, %select_n3A_247, %reduce_max3A_248 [1] : vector<64x256xf32> to vector<64xf32>
    %broadcast_in_dim3A_250 = vector.shape_cast %reduce_max3A_249 : vector<64xf32> to vector<64x1xf32>
    %eq3A_251 = vector.broadcast %broadcast_in_dim3A_250 : vector<64x1xf32> to vector<64x256xf32>
    %eq3A_252 = arith.cmpf oeq, %select_n3A_247, %eq3A_251 : vector<64x256xf32>
    %jit3A_253 = arith.constant 0xFF800000 : f32
    %broadcast_in_dim3A_254 = vector.broadcast %jit3A_253 : f32 to vector<64x256xf32>
    %select_n3A_255 = arith.select %eq3A_252, %broadcast_in_dim3A_254, %select_n3A_247 : vector<64x256xi1>, vector<64x256xf32>
    %reduce_max3A_256 = arith.constant dense<0xFF800000> : vector<64xf32>
    %reduce_max3A_257 = vector.multi_reduction <maximumf>, %select_n3A_255, %reduce_max3A_256 [1] : vector<64x256xf32> to vector<64xf32>
    %broadcast_in_dim3A_258 = vector.shape_cast %reduce_max3A_257 : vector<64xf32> to vector<64x1xf32>
    %eq3A_259 = vector.broadcast %broadcast_in_dim3A_258 : vector<64x1xf32> to vector<64x256xf32>
    %eq3A_260 = arith.cmpf oeq, %select_n3A_255, %eq3A_259 : vector<64x256xf32>
    %jit3A_261 = arith.constant 0xFF800000 : f32
    %broadcast_in_dim3A_262 = vector.broadcast %jit3A_261 : f32 to vector<64x256xf32>
    %select_n3A_263 = arith.select %eq3A_260, %broadcast_in_dim3A_262, %select_n3A_255 : vector<64x256xi1>, vector<64x256xf32>
    %reduce_max3A_264 = arith.constant dense<0xFF800000> : vector<64xf32>
    %reduce_max3A_265 = vector.multi_reduction <maximumf>, %select_n3A_263, %reduce_max3A_264 [1] : vector<64x256xf32> to vector<64xf32>
    %broadcast_in_dim3A_266 = vector.shape_cast %reduce_max3A_265 : vector<64xf32> to vector<64x1xf32>
    %eq3A_267 = vector.broadcast %broadcast_in_dim3A_266 : vector<64x1xf32> to vector<64x256xf32>
    %eq3A_268 = arith.cmpf oeq, %select_n3A_263, %eq3A_267 : vector<64x256xf32>
    %jit3A_269 = arith.constant 0xFF800000 : f32
    %broadcast_in_dim3A_270 = vector.broadcast %jit3A_269 : f32 to vector<64x256xf32>
    %select_n3A_271 = arith.select %eq3A_268, %broadcast_in_dim3A_270, %select_n3A_263 : vector<64x256xi1>, vector<64x256xf32>
    %reduce_max3A_272 = arith.constant dense<0xFF800000> : vector<64xf32>
    %reduce_max3A_273 = vector.multi_reduction <maximumf>, %select_n3A_271, %reduce_max3A_272 [1] : vector<64x256xf32> to vector<64xf32>
    %broadcast_in_dim3A_274 = vector.shape_cast %reduce_max3A_273 : vector<64xf32> to vector<64x1xf32>
    %eq3A_275 = vector.broadcast %broadcast_in_dim3A_274 : vector<64x1xf32> to vector<64x256xf32>
    %eq3A_276 = arith.cmpf oeq, %select_n3A_271, %eq3A_275 : vector<64x256xf32>
    %jit3A_277 = arith.constant 0xFF800000 : f32
    %broadcast_in_dim3A_278 = vector.broadcast %jit3A_277 : f32 to vector<64x256xf32>
    %select_n3A_279 = arith.select %eq3A_276, %broadcast_in_dim3A_278, %select_n3A_271 : vector<64x256xi1>, vector<64x256xf32>
    %reduce_max3A_280 = arith.constant dense<0xFF800000> : vector<64xf32>
    %reduce_max3A_281 = vector.multi_reduction <maximumf>, %select_n3A_279, %reduce_max3A_280 [1] : vector<64x256xf32> to vector<64xf32>
    %broadcast_in_dim3A_282 = vector.shape_cast %reduce_max3A_281 : vector<64xf32> to vector<64x1xf32>
    %eq3A_283 = vector.broadcast %broadcast_in_dim3A_282 : vector<64x1xf32> to vector<64x256xf32>
    %eq3A_284 = arith.cmpf oeq, %select_n3A_279, %eq3A_283 : vector<64x256xf32>
    %jit3A_285 = arith.constant 0xFF800000 : f32
    %broadcast_in_dim3A_286 = vector.broadcast %jit3A_285 : f32 to vector<64x256xf32>
    %select_n3A_287 = arith.select %eq3A_284, %broadcast_in_dim3A_286, %select_n3A_279 : vector<64x256xi1>, vector<64x256xf32>
    %reduce_max3A_288 = arith.constant dense<0xFF800000> : vector<64xf32>
    %reduce_max3A_289 = vector.multi_reduction <maximumf>, %select_n3A_287, %reduce_max3A_288 [1] : vector<64x256xf32> to vector<64xf32>
    %broadcast_in_dim3A_290 = vector.shape_cast %reduce_max3A_289 : vector<64xf32> to vector<64x1xf32>
    %eq3A_291 = vector.broadcast %broadcast_in_dim3A_290 : vector<64x1xf32> to vector<64x256xf32>
    %eq3A_292 = arith.cmpf oeq, %select_n3A_287, %eq3A_291 : vector<64x256xf32>
    %jit3A_293 = arith.constant 0xFF800000 : f32
    %broadcast_in_dim3A_294 = vector.broadcast %jit3A_293 : f32 to vector<64x256xf32>
    %select_n3A_295 = arith.select %eq3A_292, %broadcast_in_dim3A_294, %select_n3A_287 : vector<64x256xi1>, vector<64x256xf32>
    %reduce_max3A_296 = arith.constant dense<0xFF800000> : vector<64xf32>
    %reduce_max3A_297 = vector.multi_reduction <maximumf>, %select_n3A_295, %reduce_max3A_296 [1] : vector<64x256xf32> to vector<64xf32>
    %broadcast_in_dim3A_298 = vector.shape_cast %reduce_max3A_297 : vector<64xf32> to vector<64x1xf32>
    %eq3A_299 = vector.broadcast %broadcast_in_dim3A_298 : vector<64x1xf32> to vector<64x256xf32>
    %eq3A_300 = arith.cmpf oeq, %select_n3A_295, %eq3A_299 : vector<64x256xf32>
    %jit3A_301 = arith.constant 0xFF800000 : f32
    %broadcast_in_dim3A_302 = vector.broadcast %jit3A_301 : f32 to vector<64x256xf32>
    %select_n3A_303 = arith.select %eq3A_300, %broadcast_in_dim3A_302, %select_n3A_295 : vector<64x256xi1>, vector<64x256xf32>
    %reduce_max3A_304 = arith.constant dense<0xFF800000> : vector<64xf32>
    %reduce_max3A_305 = vector.multi_reduction <maximumf>, %select_n3A_303, %reduce_max3A_304 [1] : vector<64x256xf32> to vector<64xf32>
    %broadcast_in_dim3A_306 = vector.shape_cast %reduce_max3A_305 : vector<64xf32> to vector<64x1xf32>
    %eq3A_307 = vector.broadcast %broadcast_in_dim3A_306 : vector<64x1xf32> to vector<64x256xf32>
    %eq3A_308 = arith.cmpf oeq, %select_n3A_303, %eq3A_307 : vector<64x256xf32>
    %jit3A_309 = arith.constant 0xFF800000 : f32
    %broadcast_in_dim3A_310 = vector.broadcast %jit3A_309 : f32 to vector<64x256xf32>
    %select_n3A_311 = arith.select %eq3A_308, %broadcast_in_dim3A_310, %select_n3A_303 : vector<64x256xi1>, vector<64x256xf32>
    %reduce_max3A_312 = arith.constant dense<0xFF800000> : vector<64xf32>
    %reduce_max3A_313 = vector.multi_reduction <maximumf>, %select_n3A_311, %reduce_max3A_312 [1] : vector<64x256xf32> to vector<64xf32>
    %broadcast_in_dim3A_314 = vector.shape_cast %reduce_max3A_313 : vector<64xf32> to vector<64x1xf32>
    %eq3A_315 = vector.broadcast %broadcast_in_dim3A_314 : vector<64x1xf32> to vector<64x256xf32>
    %eq3A_316 = arith.cmpf oeq, %select_n3A_311, %eq3A_315 : vector<64x256xf32>
    %jit3A_317 = arith.constant 0xFF800000 : f32
    %broadcast_in_dim3A_318 = vector.broadcast %jit3A_317 : f32 to vector<64x256xf32>
    %select_n3A_319 = arith.select %eq3A_316, %broadcast_in_dim3A_318, %select_n3A_311 : vector<64x256xi1>, vector<64x256xf32>
    %reduce_max3A_320 = arith.constant dense<0xFF800000> : vector<64xf32>
    %reduce_max3A_321 = vector.multi_reduction <maximumf>, %select_n3A_319, %reduce_max3A_320 [1] : vector<64x256xf32> to vector<64xf32>
    %broadcast_in_dim3A_322 = vector.shape_cast %reduce_max3A_321 : vector<64xf32> to vector<64x1xf32>
    %eq3A_323 = vector.broadcast %broadcast_in_dim3A_322 : vector<64x1xf32> to vector<64x256xf32>
    %eq3A_324 = arith.cmpf oeq, %select_n3A_319, %eq3A_323 : vector<64x256xf32>
    %jit3A_325 = arith.constant 0xFF800000 : f32
    %broadcast_in_dim3A_326 = vector.broadcast %jit3A_325 : f32 to vector<64x256xf32>
    %select_n3A_327 = arith.select %eq3A_324, %broadcast_in_dim3A_326, %select_n3A_319 : vector<64x256xi1>, vector<64x256xf32>
    %reduce_max3A_328 = arith.constant dense<0xFF800000> : vector<64xf32>
    %reduce_max3A_329 = vector.multi_reduction <maximumf>, %select_n3A_327, %reduce_max3A_328 [1] : vector<64x256xf32> to vector<64xf32>
    %broadcast_in_dim3A_330 = vector.shape_cast %reduce_max3A_329 : vector<64xf32> to vector<64x1xf32>
    %eq3A_331 = vector.broadcast %broadcast_in_dim3A_330 : vector<64x1xf32> to vector<64x256xf32>
    %eq3A_332 = arith.cmpf oeq, %select_n3A_327, %eq3A_331 : vector<64x256xf32>
    %jit3A_333 = arith.constant 0xFF800000 : f32
    %broadcast_in_dim3A_334 = vector.broadcast %jit3A_333 : f32 to vector<64x256xf32>
    %select_n3A_335 = arith.select %eq3A_332, %broadcast_in_dim3A_334, %select_n3A_327 : vector<64x256xi1>, vector<64x256xf32>
    %reduce_max3A_336 = arith.constant dense<0xFF800000> : vector<64xf32>
    %reduce_max3A_337 = vector.multi_reduction <maximumf>, %select_n3A_335, %reduce_max3A_336 [1] : vector<64x256xf32> to vector<64xf32>
    %broadcast_in_dim3A_338 = vector.shape_cast %reduce_max3A_337 : vector<64xf32> to vector<64x1xf32>
    %eq3A_339 = vector.broadcast %broadcast_in_dim3A_338 : vector<64x1xf32> to vector<64x256xf32>
    %eq3A_340 = arith.cmpf oeq, %select_n3A_335, %eq3A_339 : vector<64x256xf32>
    %jit3A_341 = arith.constant 0xFF800000 : f32
    %broadcast_in_dim3A_342 = vector.broadcast %jit3A_341 : f32 to vector<64x256xf32>
    %select_n3A_343 = arith.select %eq3A_340, %broadcast_in_dim3A_342, %select_n3A_335 : vector<64x256xi1>, vector<64x256xf32>
    %reduce_max3A_344 = arith.constant dense<0xFF800000> : vector<64xf32>
    %reduce_max3A_345 = vector.multi_reduction <maximumf>, %select_n3A_343, %reduce_max3A_344 [1] : vector<64x256xf32> to vector<64xf32>
    %broadcast_in_dim3A_346 = vector.shape_cast %reduce_max3A_345 : vector<64xf32> to vector<64x1xf32>
    %eq3A_347 = vector.broadcast %broadcast_in_dim3A_346 : vector<64x1xf32> to vector<64x256xf32>
    %eq3A_348 = arith.cmpf oeq, %select_n3A_343, %eq3A_347 : vector<64x256xf32>
    %jit3A_349 = arith.constant 0xFF800000 : f32
    %broadcast_in_dim3A_350 = vector.broadcast %jit3A_349 : f32 to vector<64x256xf32>
    %select_n3A_351 = arith.select %eq3A_348, %broadcast_in_dim3A_350, %select_n3A_343 : vector<64x256xi1>, vector<64x256xf32>
    %reduce_max3A_352 = arith.constant dense<0xFF800000> : vector<64xf32>
    %reduce_max3A_353 = vector.multi_reduction <maximumf>, %select_n3A_351, %reduce_max3A_352 [1] : vector<64x256xf32> to vector<64xf32>
    %broadcast_in_dim3A_354 = vector.shape_cast %reduce_max3A_353 : vector<64xf32> to vector<64x1xf32>
    %eq3A_355 = vector.broadcast %broadcast_in_dim3A_354 : vector<64x1xf32> to vector<64x256xf32>
    %eq3A_356 = arith.cmpf oeq, %select_n3A_351, %eq3A_355 : vector<64x256xf32>
    %jit3A_357 = arith.constant 0xFF800000 : f32
    %broadcast_in_dim3A_358 = vector.broadcast %jit3A_357 : f32 to vector<64x256xf32>
    %select_n3A_359 = arith.select %eq3A_356, %broadcast_in_dim3A_358, %select_n3A_351 : vector<64x256xi1>, vector<64x256xf32>
    %reduce_max3A_360 = arith.constant dense<0xFF800000> : vector<64xf32>
    %reduce_max3A_361 = vector.multi_reduction <maximumf>, %select_n3A_359, %reduce_max3A_360 [1] : vector<64x256xf32> to vector<64xf32>
    %broadcast_in_dim3A_362 = vector.shape_cast %reduce_max3A_361 : vector<64xf32> to vector<64x1xf32>
    %concatenate3A_363 = tpu.concatenate %broadcast_in_dim3A_242, %broadcast_in_dim3A_250, %broadcast_in_dim3A_258, %broadcast_in_dim3A_266, %broadcast_in_dim3A_274, %broadcast_in_dim3A_282, %broadcast_in_dim3A_290, %broadcast_in_dim3A_298, %broadcast_in_dim3A_306, %broadcast_in_dim3A_314, %broadcast_in_dim3A_322, %broadcast_in_dim3A_330, %broadcast_in_dim3A_338, %broadcast_in_dim3A_346, %broadcast_in_dim3A_354, %broadcast_in_dim3A_362 in 1 : vector<64x1xf32>, vector<64x1xf32>, vector<64x1xf32>, vector<64x1xf32>, vector<64x1xf32>, vector<64x1xf32>, vector<64x1xf32>, vector<64x1xf32>, vector<64x1xf32>, vector<64x1xf32>, vector<64x1xf32>, vector<64x1xf32>, vector<64x1xf32>, vector<64x1xf32>, vector<64x1xf32>, vector<64x1xf32> -> vector<64x16xf32>
    %bitcast_convert_type3A_364 = tpu.bitcast %concatenate3A_363 : vector<64x16xf32> -> vector<64x16xi32>
    %and3A_365 = arith.constant 255 : i32
    %and3A_366 = vector.broadcast %and3A_365 : i32 to vector<64x16xi32>
    %and3A_367 = arith.andi %bitcast_convert_type3A_364, %and3A_366 : vector<64x16xi32>
    %lt3A_368 = arith.constant 0 : i32
    %lt3A_369 = vector.broadcast %lt3A_368 : i32 to vector<64x16xi32>
    %lt3A_370 = arith.cmpi slt, %bitcast_convert_type3A_364, %lt3A_369 : vector<64x16xi32>
    %sub3A_371 = arith.constant 255 : i32
    %sub3A_372 = vector.broadcast %sub3A_371 : i32 to vector<64x16xi32>
    %sub3A_373 = arith.subi %sub3A_372, %and3A_367 : vector<64x16xi32>
    %select_n3A_374 = arith.select %lt3A_370, %and3A_367, %sub3A_373 : vector<64x16xi1>, vector<64x16xi32>
    %and3A_375 = arith.constant -256 : i32
    %and3A_376 = vector.broadcast %and3A_375 : i32 to vector<64x16xi32>
    %and3A_377 = arith.andi %bitcast_convert_type3A_364, %and3A_376 : vector<64x16xi32>
    %or3A_378 = arith.constant 128 : i32
    %or3A_379 = vector.broadcast %or3A_378 : i32 to vector<64x16xi32>
    %or3A_380 = arith.ori %and3A_377, %or3A_379 : vector<64x16xi32>
    %bitcast_convert_type3A_381 = tpu.bitcast %or3A_380 : vector<64x16xi32> -> vector<64x16xf32>
    %dot_general3A_382 = arith.constant dense<0.000000e+00> : vector<64x256xf32>
    %dot_general3A_383 = tpu.matmul %bitcast_convert_type3A_224, %convert_element_type3A_48, %dot_general3A_382 {dimension_numbers = #tpu.dot_dimension_numbers<[1], [0], [0], [1], [0, 0, 1, 1], [], []>, precision = #tpu.contract_precision<fp32>, transpose_lhs_hint = false} : vector<64x16xf32>, vector<16x256xf32>, vector<64x256xf32> -> vector<64x256xf32>
    %dot_general3A_384 = arith.constant dense<0.000000e+00> : vector<64x256xf32>
    %dot_general3A_385 = tpu.matmul %bitcast_convert_type3A_381, %convert_element_type3A_72, %dot_general3A_384 {dimension_numbers = #tpu.dot_dimension_numbers<[1], [0], [0], [1], [0, 0, 1, 1], [], []>, precision = #tpu.contract_precision<fp32>, transpose_lhs_hint = false} : vector<64x16xf32>, vector<16x256xf32>, vector<64x256xf32> -> vector<64x256xf32>
    %add3A_386 = arith.addf %dot_general3A_383, %dot_general3A_385 : vector<64x256xf32>
    %bitcast_convert_type3A_387 = tpu.bitcast %add3A_386 : vector<64x256xf32> -> vector<64x256xi32>
    %iota3A_388 = tpu.iota {dimensions = array<i32: 1>} : vector<64x256xi32>
    %lt3A_389 = arith.constant 0 : i32
    %lt3A_390 = vector.broadcast %lt3A_389 : i32 to vector<64x256xi32>
    %lt3A_391 = arith.cmpi slt, %bitcast_convert_type3A_387, %lt3A_390 : vector<64x256xi32>
    %sub3A_392 = arith.constant 255 : i32
    %sub3A_393 = vector.broadcast %sub3A_392 : i32 to vector<64x256xi32>
    %sub3A_394 = arith.subi %sub3A_393, %iota3A_388 : vector<64x256xi32>
    %select_n3A_395 = arith.select %lt3A_391, %iota3A_388, %sub3A_394 : vector<64x256xi1>, vector<64x256xi32>
    %and3A_396 = arith.constant -256 : i32
    %and3A_397 = vector.broadcast %and3A_396 : i32 to vector<64x256xi32>
    %and3A_398 = arith.andi %bitcast_convert_type3A_387, %and3A_397 : vector<64x256xi32>
    %or3A_399 = arith.ori %and3A_398, %select_n3A_395 : vector<64x256xi32>
    %bitcast_convert_type3A_400 = tpu.bitcast %or3A_399 : vector<64x256xi32> -> vector<64x256xf32>
    %reduce_max3A_401 = arith.constant dense<0xFF800000> : vector<64xf32>
    %reduce_max3A_402 = vector.multi_reduction <maximumf>, %bitcast_convert_type3A_400, %reduce_max3A_401 [1] : vector<64x256xf32> to vector<64xf32>
    %broadcast_in_dim3A_403 = vector.shape_cast %reduce_max3A_402 : vector<64xf32> to vector<64x1xf32>
    %eq3A_404 = vector.broadcast %broadcast_in_dim3A_403 : vector<64x1xf32> to vector<64x256xf32>
    %eq3A_405 = arith.cmpf oeq, %bitcast_convert_type3A_400, %eq3A_404 : vector<64x256xf32>
    %jit3A_406 = arith.constant 0xFF800000 : f32
    %broadcast_in_dim3A_407 = vector.broadcast %jit3A_406 : f32 to vector<64x256xf32>
    %select_n3A_408 = arith.select %eq3A_405, %broadcast_in_dim3A_407, %bitcast_convert_type3A_400 : vector<64x256xi1>, vector<64x256xf32>
    %reduce_max3A_409 = arith.constant dense<0xFF800000> : vector<64xf32>
    %reduce_max3A_410 = vector.multi_reduction <maximumf>, %select_n3A_408, %reduce_max3A_409 [1] : vector<64x256xf32> to vector<64xf32>
    %broadcast_in_dim3A_411 = vector.shape_cast %reduce_max3A_410 : vector<64xf32> to vector<64x1xf32>
    %eq3A_412 = vector.broadcast %broadcast_in_dim3A_411 : vector<64x1xf32> to vector<64x256xf32>
    %eq3A_413 = arith.cmpf oeq, %select_n3A_408, %eq3A_412 : vector<64x256xf32>
    %jit3A_414 = arith.constant 0xFF800000 : f32
    %broadcast_in_dim3A_415 = vector.broadcast %jit3A_414 : f32 to vector<64x256xf32>
    %select_n3A_416 = arith.select %eq3A_413, %broadcast_in_dim3A_415, %select_n3A_408 : vector<64x256xi1>, vector<64x256xf32>
    %reduce_max3A_417 = arith.constant dense<0xFF800000> : vector<64xf32>
    %reduce_max3A_418 = vector.multi_reduction <maximumf>, %select_n3A_416, %reduce_max3A_417 [1] : vector<64x256xf32> to vector<64xf32>
    %broadcast_in_dim3A_419 = vector.shape_cast %reduce_max3A_418 : vector<64xf32> to vector<64x1xf32>
    %eq3A_420 = vector.broadcast %broadcast_in_dim3A_419 : vector<64x1xf32> to vector<64x256xf32>
    %eq3A_421 = arith.cmpf oeq, %select_n3A_416, %eq3A_420 : vector<64x256xf32>
    %jit3A_422 = arith.constant 0xFF800000 : f32
    %broadcast_in_dim3A_423 = vector.broadcast %jit3A_422 : f32 to vector<64x256xf32>
    %select_n3A_424 = arith.select %eq3A_421, %broadcast_in_dim3A_423, %select_n3A_416 : vector<64x256xi1>, vector<64x256xf32>
    %reduce_max3A_425 = arith.constant dense<0xFF800000> : vector<64xf32>
    %reduce_max3A_426 = vector.multi_reduction <maximumf>, %select_n3A_424, %reduce_max3A_425 [1] : vector<64x256xf32> to vector<64xf32>
    %broadcast_in_dim3A_427 = vector.shape_cast %reduce_max3A_426 : vector<64xf32> to vector<64x1xf32>
    %eq3A_428 = vector.broadcast %broadcast_in_dim3A_427 : vector<64x1xf32> to vector<64x256xf32>
    %eq3A_429 = arith.cmpf oeq, %select_n3A_424, %eq3A_428 : vector<64x256xf32>
    %jit3A_430 = arith.constant 0xFF800000 : f32
    %broadcast_in_dim3A_431 = vector.broadcast %jit3A_430 : f32 to vector<64x256xf32>
    %select_n3A_432 = arith.select %eq3A_429, %broadcast_in_dim3A_431, %select_n3A_424 : vector<64x256xi1>, vector<64x256xf32>
    %reduce_max3A_433 = arith.constant dense<0xFF800000> : vector<64xf32>
    %reduce_max3A_434 = vector.multi_reduction <maximumf>, %select_n3A_432, %reduce_max3A_433 [1] : vector<64x256xf32> to vector<64xf32>
    %broadcast_in_dim3A_435 = vector.shape_cast %reduce_max3A_434 : vector<64xf32> to vector<64x1xf32>
    %eq3A_436 = vector.broadcast %broadcast_in_dim3A_435 : vector<64x1xf32> to vector<64x256xf32>
    %eq3A_437 = arith.cmpf oeq, %select_n3A_432, %eq3A_436 : vector<64x256xf32>
    %jit3A_438 = arith.constant 0xFF800000 : f32
    %broadcast_in_dim3A_439 = vector.broadcast %jit3A_438 : f32 to vector<64x256xf32>
    %select_n3A_440 = arith.select %eq3A_437, %broadcast_in_dim3A_439, %select_n3A_432 : vector<64x256xi1>, vector<64x256xf32>
    %reduce_max3A_441 = arith.constant dense<0xFF800000> : vector<64xf32>
    %reduce_max3A_442 = vector.multi_reduction <maximumf>, %select_n3A_440, %reduce_max3A_441 [1] : vector<64x256xf32> to vector<64xf32>
    %broadcast_in_dim3A_443 = vector.shape_cast %reduce_max3A_442 : vector<64xf32> to vector<64x1xf32>
    %eq3A_444 = vector.broadcast %broadcast_in_dim3A_443 : vector<64x1xf32> to vector<64x256xf32>
    %eq3A_445 = arith.cmpf oeq, %select_n3A_440, %eq3A_444 : vector<64x256xf32>
    %jit3A_446 = arith.constant 0xFF800000 : f32
    %broadcast_in_dim3A_447 = vector.broadcast %jit3A_446 : f32 to vector<64x256xf32>
    %select_n3A_448 = arith.select %eq3A_445, %broadcast_in_dim3A_447, %select_n3A_440 : vector<64x256xi1>, vector<64x256xf32>
    %reduce_max3A_449 = arith.constant dense<0xFF800000> : vector<64xf32>
    %reduce_max3A_450 = vector.multi_reduction <maximumf>, %select_n3A_448, %reduce_max3A_449 [1] : vector<64x256xf32> to vector<64xf32>
    %broadcast_in_dim3A_451 = vector.shape_cast %reduce_max3A_450 : vector<64xf32> to vector<64x1xf32>
    %eq3A_452 = vector.broadcast %broadcast_in_dim3A_451 : vector<64x1xf32> to vector<64x256xf32>
    %eq3A_453 = arith.cmpf oeq, %select_n3A_448, %eq3A_452 : vector<64x256xf32>
    %jit3A_454 = arith.constant 0xFF800000 : f32
    %broadcast_in_dim3A_455 = vector.broadcast %jit3A_454 : f32 to vector<64x256xf32>
    %select_n3A_456 = arith.select %eq3A_453, %broadcast_in_dim3A_455, %select_n3A_448 : vector<64x256xi1>, vector<64x256xf32>
    %reduce_max3A_457 = arith.constant dense<0xFF800000> : vector<64xf32>
    %reduce_max3A_458 = vector.multi_reduction <maximumf>, %select_n3A_456, %reduce_max3A_457 [1] : vector<64x256xf32> to vector<64xf32>
    %broadcast_in_dim3A_459 = vector.shape_cast %reduce_max3A_458 : vector<64xf32> to vector<64x1xf32>
    %eq3A_460 = vector.broadcast %broadcast_in_dim3A_459 : vector<64x1xf32> to vector<64x256xf32>
    %eq3A_461 = arith.cmpf oeq, %select_n3A_456, %eq3A_460 : vector<64x256xf32>
    %jit3A_462 = arith.constant 0xFF800000 : f32
    %broadcast_in_dim3A_463 = vector.broadcast %jit3A_462 : f32 to vector<64x256xf32>
    %select_n3A_464 = arith.select %eq3A_461, %broadcast_in_dim3A_463, %select_n3A_456 : vector<64x256xi1>, vector<64x256xf32>
    %reduce_max3A_465 = arith.constant dense<0xFF800000> : vector<64xf32>
    %reduce_max3A_466 = vector.multi_reduction <maximumf>, %select_n3A_464, %reduce_max3A_465 [1] : vector<64x256xf32> to vector<64xf32>
    %broadcast_in_dim3A_467 = vector.shape_cast %reduce_max3A_466 : vector<64xf32> to vector<64x1xf32>
    %eq3A_468 = vector.broadcast %broadcast_in_dim3A_467 : vector<64x1xf32> to vector<64x256xf32>
    %eq3A_469 = arith.cmpf oeq, %select_n3A_464, %eq3A_468 : vector<64x256xf32>
    %jit3A_470 = arith.constant 0xFF800000 : f32
    %broadcast_in_dim3A_471 = vector.broadcast %jit3A_470 : f32 to vector<64x256xf32>
    %select_n3A_472 = arith.select %eq3A_469, %broadcast_in_dim3A_471, %select_n3A_464 : vector<64x256xi1>, vector<64x256xf32>
    %reduce_max3A_473 = arith.constant dense<0xFF800000> : vector<64xf32>
    %reduce_max3A_474 = vector.multi_reduction <maximumf>, %select_n3A_472, %reduce_max3A_473 [1] : vector<64x256xf32> to vector<64xf32>
    %broadcast_in_dim3A_475 = vector.shape_cast %reduce_max3A_474 : vector<64xf32> to vector<64x1xf32>
    %eq3A_476 = vector.broadcast %broadcast_in_dim3A_475 : vector<64x1xf32> to vector<64x256xf32>
    %eq3A_477 = arith.cmpf oeq, %select_n3A_472, %eq3A_476 : vector<64x256xf32>
    %jit3A_478 = arith.constant 0xFF800000 : f32
    %broadcast_in_dim3A_479 = vector.broadcast %jit3A_478 : f32 to vector<64x256xf32>
    %select_n3A_480 = arith.select %eq3A_477, %broadcast_in_dim3A_479, %select_n3A_472 : vector<64x256xi1>, vector<64x256xf32>
    %reduce_max3A_481 = arith.constant dense<0xFF800000> : vector<64xf32>
    %reduce_max3A_482 = vector.multi_reduction <maximumf>, %select_n3A_480, %reduce_max3A_481 [1] : vector<64x256xf32> to vector<64xf32>
    %broadcast_in_dim3A_483 = vector.shape_cast %reduce_max3A_482 : vector<64xf32> to vector<64x1xf32>
    %eq3A_484 = vector.broadcast %broadcast_in_dim3A_483 : vector<64x1xf32> to vector<64x256xf32>
    %eq3A_485 = arith.cmpf oeq, %select_n3A_480, %eq3A_484 : vector<64x256xf32>
    %jit3A_486 = arith.constant 0xFF800000 : f32
    %broadcast_in_dim3A_487 = vector.broadcast %jit3A_486 : f32 to vector<64x256xf32>
    %select_n3A_488 = arith.select %eq3A_485, %broadcast_in_dim3A_487, %select_n3A_480 : vector<64x256xi1>, vector<64x256xf32>
    %reduce_max3A_489 = arith.constant dense<0xFF800000> : vector<64xf32>
    %reduce_max3A_490 = vector.multi_reduction <maximumf>, %select_n3A_488, %reduce_max3A_489 [1] : vector<64x256xf32> to vector<64xf32>
    %broadcast_in_dim3A_491 = vector.shape_cast %reduce_max3A_490 : vector<64xf32> to vector<64x1xf32>
    %eq3A_492 = vector.broadcast %broadcast_in_dim3A_491 : vector<64x1xf32> to vector<64x256xf32>
    %eq3A_493 = arith.cmpf oeq, %select_n3A_488, %eq3A_492 : vector<64x256xf32>
    %jit3A_494 = arith.constant 0xFF800000 : f32
    %broadcast_in_dim3A_495 = vector.broadcast %jit3A_494 : f32 to vector<64x256xf32>
    %select_n3A_496 = arith.select %eq3A_493, %broadcast_in_dim3A_495, %select_n3A_488 : vector<64x256xi1>, vector<64x256xf32>
    %reduce_max3A_497 = arith.constant dense<0xFF800000> : vector<64xf32>
    %reduce_max3A_498 = vector.multi_reduction <maximumf>, %select_n3A_496, %reduce_max3A_497 [1] : vector<64x256xf32> to vector<64xf32>
    %broadcast_in_dim3A_499 = vector.shape_cast %reduce_max3A_498 : vector<64xf32> to vector<64x1xf32>
    %eq3A_500 = vector.broadcast %broadcast_in_dim3A_499 : vector<64x1xf32> to vector<64x256xf32>
    %eq3A_501 = arith.cmpf oeq, %select_n3A_496, %eq3A_500 : vector<64x256xf32>
    %jit3A_502 = arith.constant 0xFF800000 : f32
    %broadcast_in_dim3A_503 = vector.broadcast %jit3A_502 : f32 to vector<64x256xf32>
    %select_n3A_504 = arith.select %eq3A_501, %broadcast_in_dim3A_503, %select_n3A_496 : vector<64x256xi1>, vector<64x256xf32>
    %reduce_max3A_505 = arith.constant dense<0xFF800000> : vector<64xf32>
    %reduce_max3A_506 = vector.multi_reduction <maximumf>, %select_n3A_504, %reduce_max3A_505 [1] : vector<64x256xf32> to vector<64xf32>
    %broadcast_in_dim3A_507 = vector.shape_cast %reduce_max3A_506 : vector<64xf32> to vector<64x1xf32>
    %eq3A_508 = vector.broadcast %broadcast_in_dim3A_507 : vector<64x1xf32> to vector<64x256xf32>
    %eq3A_509 = arith.cmpf oeq, %select_n3A_504, %eq3A_508 : vector<64x256xf32>
    %jit3A_510 = arith.constant 0xFF800000 : f32
    %broadcast_in_dim3A_511 = vector.broadcast %jit3A_510 : f32 to vector<64x256xf32>
    %select_n3A_512 = arith.select %eq3A_509, %broadcast_in_dim3A_511, %select_n3A_504 : vector<64x256xi1>, vector<64x256xf32>
    %reduce_max3A_513 = arith.constant dense<0xFF800000> : vector<64xf32>
    %reduce_max3A_514 = vector.multi_reduction <maximumf>, %select_n3A_512, %reduce_max3A_513 [1] : vector<64x256xf32> to vector<64xf32>
    %broadcast_in_dim3A_515 = vector.shape_cast %reduce_max3A_514 : vector<64xf32> to vector<64x1xf32>
    %eq3A_516 = vector.broadcast %broadcast_in_dim3A_515 : vector<64x1xf32> to vector<64x256xf32>
    %eq3A_517 = arith.cmpf oeq, %select_n3A_512, %eq3A_516 : vector<64x256xf32>
    %jit3A_518 = arith.constant 0xFF800000 : f32
    %broadcast_in_dim3A_519 = vector.broadcast %jit3A_518 : f32 to vector<64x256xf32>
    %select_n3A_520 = arith.select %eq3A_517, %broadcast_in_dim3A_519, %select_n3A_512 : vector<64x256xi1>, vector<64x256xf32>
    %reduce_max3A_521 = arith.constant dense<0xFF800000> : vector<64xf32>
    %reduce_max3A_522 = vector.multi_reduction <maximumf>, %select_n3A_520, %reduce_max3A_521 [1] : vector<64x256xf32> to vector<64xf32>
    %broadcast_in_dim3A_523 = vector.shape_cast %reduce_max3A_522 : vector<64xf32> to vector<64x1xf32>
    %concatenate3A_524 = tpu.concatenate %broadcast_in_dim3A_403, %broadcast_in_dim3A_411, %broadcast_in_dim3A_419, %broadcast_in_dim3A_427, %broadcast_in_dim3A_435, %broadcast_in_dim3A_443, %broadcast_in_dim3A_451, %broadcast_in_dim3A_459, %broadcast_in_dim3A_467, %broadcast_in_dim3A_475, %broadcast_in_dim3A_483, %broadcast_in_dim3A_491, %broadcast_in_dim3A_499, %broadcast_in_dim3A_507, %broadcast_in_dim3A_515, %broadcast_in_dim3A_523 in 1 : vector<64x1xf32>, vector<64x1xf32>, vector<64x1xf32>, vector<64x1xf32>, vector<64x1xf32>, vector<64x1xf32>, vector<64x1xf32>, vector<64x1xf32>, vector<64x1xf32>, vector<64x1xf32>, vector<64x1xf32>, vector<64x1xf32>, vector<64x1xf32>, vector<64x1xf32>, vector<64x1xf32>, vector<64x1xf32> -> vector<64x16xf32>
    %bitcast_convert_type3A_525 = tpu.bitcast %concatenate3A_524 : vector<64x16xf32> -> vector<64x16xi32>
    %and3A_526 = arith.constant 255 : i32
    %and3A_527 = vector.broadcast %and3A_526 : i32 to vector<64x16xi32>
    %and3A_528 = arith.andi %bitcast_convert_type3A_525, %and3A_527 : vector<64x16xi32>
    %lt3A_529 = arith.constant 0 : i32
    %lt3A_530 = vector.broadcast %lt3A_529 : i32 to vector<64x16xi32>
    %lt3A_531 = arith.cmpi slt, %bitcast_convert_type3A_525, %lt3A_530 : vector<64x16xi32>
    %sub3A_532 = arith.constant 255 : i32
    %sub3A_533 = vector.broadcast %sub3A_532 : i32 to vector<64x16xi32>
    %sub3A_534 = arith.subi %sub3A_533, %and3A_528 : vector<64x16xi32>
    %select_n3A_535 = arith.select %lt3A_531, %and3A_528, %sub3A_534 : vector<64x16xi1>, vector<64x16xi32>
    %and3A_536 = arith.constant -256 : i32
    %and3A_537 = vector.broadcast %and3A_536 : i32 to vector<64x16xi32>
    %and3A_538 = arith.andi %bitcast_convert_type3A_525, %and3A_537 : vector<64x16xi32>
    %or3A_539 = arith.constant 128 : i32
    %or3A_540 = vector.broadcast %or3A_539 : i32 to vector<64x16xi32>
    %or3A_541 = arith.ori %and3A_538, %or3A_540 : vector<64x16xi32>
    %bitcast_convert_type3A_542 = tpu.bitcast %or3A_541 : vector<64x16xi32> -> vector<64x16xf32>
    %jit3A_543 = arith.constant 16 : i32
    %div3A_544 = vector.broadcast %jit3A_543 : i32 to vector<64x16xi32>
    %div3A_545 = arith.divsi %select_n3A_535, %div3A_544 : vector<64x16xi32>
    %sign3A_546 = arith.constant 0 : i32
    %sign3A_547 = vector.broadcast %sign3A_546 : i32 to vector<64x16xi32>
    %sign3A_548 = arith.cmpi sgt, %select_n3A_535, %sign3A_547 : vector<64x16xi32>
    %sign3A_549 = arith.extui %sign3A_548 : vector<64x16xi1> to vector<64x16xi32>
    %sign3A_550 = arith.constant 0 : i32
    %sign3A_551 = vector.broadcast %sign3A_550 : i32 to vector<64x16xi32>
    %sign3A_552 = arith.cmpi slt, %select_n3A_535, %sign3A_551 : vector<64x16xi32>
    %sign3A_553 = arith.extui %sign3A_552 : vector<64x16xi1> to vector<64x16xi32>
    %sign3A_554 = arith.subi %sign3A_549, %sign3A_553 : vector<64x16xi32>
    %sign3A_555 = arith.constant 0 : i32
    %sign3A_556 = arith.cmpi sgt, %jit3A_543, %sign3A_555 : i32
    %sign3A_557 = arith.extui %sign3A_556 : i1 to i32
    %sign3A_558 = arith.constant 0 : i32
    %sign3A_559 = arith.cmpi slt, %jit3A_543, %sign3A_558 : i32
    %sign3A_560 = arith.extui %sign3A_559 : i1 to i32
    %sign3A_561 = arith.subi %sign3A_557, %sign3A_560 : i32
    %ne3A_562 = vector.broadcast %sign3A_561 : i32 to vector<64x16xi32>
    %ne3A_563 = arith.cmpi ne, %sign3A_554, %ne3A_562 : vector<64x16xi32>
    %rem3A_564 = vector.broadcast %jit3A_543 : i32 to vector<64x16xi32>
    %rem3A_565 = arith.remsi %select_n3A_535, %rem3A_564 : vector<64x16xi32>
    %ne3A_566 = arith.constant 0 : i32
    %ne3A_567 = vector.broadcast %ne3A_566 : i32 to vector<64x16xi32>
    %ne3A_568 = arith.cmpi ne, %rem3A_565, %ne3A_567 : vector<64x16xi32>
    %and3A_569 = arith.andi %ne3A_563, %ne3A_568 : vector<64x16xi1>
    %sub3A_570 = arith.constant 1 : i32
    %sub3A_571 = vector.broadcast %sub3A_570 : i32 to vector<64x16xi32>
    %sub3A_572 = arith.subi %div3A_545, %sub3A_571 : vector<64x16xi32>
    %select_n3A_573 = arith.select %and3A_569, %sub3A_572, %div3A_545 : vector<64x16xi1>, vector<64x16xi32>
    %convert_element_type3A_574 = arith.sitofp %select_n3A_217 : vector<64x16xi32> to vector<64x16xf32>
    %broadcast_in_dim3A_575 = arith.constant 0.000000e+00 : f32
    %broadcast_in_dim3A_576 = vector.broadcast %broadcast_in_dim3A_575 : f32 to vector<64x16xf32>
    %eq3A_577 = arith.constant 0 : i32
    %eq3A_578 = vector.broadcast %eq3A_577 : i32 to vector<64x16xi32>
    %eq3A_579 = arith.cmpi eq, %select_n3A_573, %eq3A_578 : vector<64x16xi32>
    %slice3A_580 = vector.extract_strided_slice %convert_element_type3A_574 {offsets = [0, 0], sizes = [64, 1], strides = [1, 1]} : vector<64x16xf32> to vector<64x1xf32>
    %jit3A_581 = arith.constant 0.000000e+00 : f32
    %broadcast_in_dim3A_582 = vector.shape_cast %slice3A_580 : vector<64x1xf32> to vector<64x1xf32>
    %broadcast_in_dim3A_583 = vector.broadcast %broadcast_in_dim3A_582 : vector<64x1xf32> to vector<64x16xf32>
    %broadcast_in_dim3A_584 = vector.broadcast %jit3A_581 : f32 to vector<64x16xf32>
    %select_n3A_585 = arith.select %eq3A_579, %broadcast_in_dim3A_583, %broadcast_in_dim3A_584 : vector<64x16xi1>, vector<64x16xf32>
    %add3A_586 = arith.addf %broadcast_in_dim3A_576, %select_n3A_585 : vector<64x16xf32>
    %eq3A_587 = arith.constant 1 : i32
    %eq3A_588 = vector.broadcast %eq3A_587 : i32 to vector<64x16xi32>
    %eq3A_589 = arith.cmpi eq, %select_n3A_573, %eq3A_588 : vector<64x16xi32>
    %slice3A_590 = vector.extract_strided_slice %convert_element_type3A_574 {offsets = [0, 1], sizes = [64, 1], strides = [1, 1]} : vector<64x16xf32> to vector<64x1xf32>
    %jit3A_591 = arith.constant 0.000000e+00 : f32
    %broadcast_in_dim3A_592 = vector.shape_cast %slice3A_590 : vector<64x1xf32> to vector<64x1xf32>
    %broadcast_in_dim3A_593 = vector.broadcast %broadcast_in_dim3A_592 : vector<64x1xf32> to vector<64x16xf32>
    %broadcast_in_dim3A_594 = vector.broadcast %jit3A_591 : f32 to vector<64x16xf32>
    %select_n3A_595 = arith.select %eq3A_589, %broadcast_in_dim3A_593, %broadcast_in_dim3A_594 : vector<64x16xi1>, vector<64x16xf32>
    %add3A_596 = arith.addf %add3A_586, %select_n3A_595 : vector<64x16xf32>
    %eq3A_597 = arith.constant 2 : i32
    %eq3A_598 = vector.broadcast %eq3A_597 : i32 to vector<64x16xi32>
    %eq3A_599 = arith.cmpi eq, %select_n3A_573, %eq3A_598 : vector<64x16xi32>
    %slice3A_600 = vector.extract_strided_slice %convert_element_type3A_574 {offsets = [0, 2], sizes = [64, 1], strides = [1, 1]} : vector<64x16xf32> to vector<64x1xf32>
    %jit3A_601 = arith.constant 0.000000e+00 : f32
    %broadcast_in_dim3A_602 = vector.shape_cast %slice3A_600 : vector<64x1xf32> to vector<64x1xf32>
    %broadcast_in_dim3A_603 = vector.broadcast %broadcast_in_dim3A_602 : vector<64x1xf32> to vector<64x16xf32>
    %broadcast_in_dim3A_604 = vector.broadcast %jit3A_601 : f32 to vector<64x16xf32>
    %select_n3A_605 = arith.select %eq3A_599, %broadcast_in_dim3A_603, %broadcast_in_dim3A_604 : vector<64x16xi1>, vector<64x16xf32>
    %add3A_606 = arith.addf %add3A_596, %select_n3A_605 : vector<64x16xf32>
    %eq3A_607 = arith.constant 3 : i32
    %eq3A_608 = vector.broadcast %eq3A_607 : i32 to vector<64x16xi32>
    %eq3A_609 = arith.cmpi eq, %select_n3A_573, %eq3A_608 : vector<64x16xi32>
    %slice3A_610 = vector.extract_strided_slice %convert_element_type3A_574 {offsets = [0, 3], sizes = [64, 1], strides = [1, 1]} : vector<64x16xf32> to vector<64x1xf32>
    %jit3A_611 = arith.constant 0.000000e+00 : f32
    %broadcast_in_dim3A_612 = vector.shape_cast %slice3A_610 : vector<64x1xf32> to vector<64x1xf32>
    %broadcast_in_dim3A_613 = vector.broadcast %broadcast_in_dim3A_612 : vector<64x1xf32> to vector<64x16xf32>
    %broadcast_in_dim3A_614 = vector.broadcast %jit3A_611 : f32 to vector<64x16xf32>
    %select_n3A_615 = arith.select %eq3A_609, %broadcast_in_dim3A_613, %broadcast_in_dim3A_614 : vector<64x16xi1>, vector<64x16xf32>
    %add3A_616 = arith.addf %add3A_606, %select_n3A_615 : vector<64x16xf32>
    %eq3A_617 = arith.constant 4 : i32
    %eq3A_618 = vector.broadcast %eq3A_617 : i32 to vector<64x16xi32>
    %eq3A_619 = arith.cmpi eq, %select_n3A_573, %eq3A_618 : vector<64x16xi32>
    %slice3A_620 = vector.extract_strided_slice %convert_element_type3A_574 {offsets = [0, 4], sizes = [64, 1], strides = [1, 1]} : vector<64x16xf32> to vector<64x1xf32>
    %jit3A_621 = arith.constant 0.000000e+00 : f32
    %broadcast_in_dim3A_622 = vector.shape_cast %slice3A_620 : vector<64x1xf32> to vector<64x1xf32>
    %broadcast_in_dim3A_623 = vector.broadcast %broadcast_in_dim3A_622 : vector<64x1xf32> to vector<64x16xf32>
    %broadcast_in_dim3A_624 = vector.broadcast %jit3A_621 : f32 to vector<64x16xf32>
    %select_n3A_625 = arith.select %eq3A_619, %broadcast_in_dim3A_623, %broadcast_in_dim3A_624 : vector<64x16xi1>, vector<64x16xf32>
    %add3A_626 = arith.addf %add3A_616, %select_n3A_625 : vector<64x16xf32>
    %eq3A_627 = arith.constant 5 : i32
    %eq3A_628 = vector.broadcast %eq3A_627 : i32 to vector<64x16xi32>
    %eq3A_629 = arith.cmpi eq, %select_n3A_573, %eq3A_628 : vector<64x16xi32>
    %slice3A_630 = vector.extract_strided_slice %convert_element_type3A_574 {offsets = [0, 5], sizes = [64, 1], strides = [1, 1]} : vector<64x16xf32> to vector<64x1xf32>
    %jit3A_631 = arith.constant 0.000000e+00 : f32
    %broadcast_in_dim3A_632 = vector.shape_cast %slice3A_630 : vector<64x1xf32> to vector<64x1xf32>
    %broadcast_in_dim3A_633 = vector.broadcast %broadcast_in_dim3A_632 : vector<64x1xf32> to vector<64x16xf32>
    %broadcast_in_dim3A_634 = vector.broadcast %jit3A_631 : f32 to vector<64x16xf32>
    %select_n3A_635 = arith.select %eq3A_629, %broadcast_in_dim3A_633, %broadcast_in_dim3A_634 : vector<64x16xi1>, vector<64x16xf32>
    %add3A_636 = arith.addf %add3A_626, %select_n3A_635 : vector<64x16xf32>
    %eq3A_637 = arith.constant 6 : i32
    %eq3A_638 = vector.broadcast %eq3A_637 : i32 to vector<64x16xi32>
    %eq3A_639 = arith.cmpi eq, %select_n3A_573, %eq3A_638 : vector<64x16xi32>
    %slice3A_640 = vector.extract_strided_slice %convert_element_type3A_574 {offsets = [0, 6], sizes = [64, 1], strides = [1, 1]} : vector<64x16xf32> to vector<64x1xf32>
    %jit3A_641 = arith.constant 0.000000e+00 : f32
    %broadcast_in_dim3A_642 = vector.shape_cast %slice3A_640 : vector<64x1xf32> to vector<64x1xf32>
    %broadcast_in_dim3A_643 = vector.broadcast %broadcast_in_dim3A_642 : vector<64x1xf32> to vector<64x16xf32>
    %broadcast_in_dim3A_644 = vector.broadcast %jit3A_641 : f32 to vector<64x16xf32>
    %select_n3A_645 = arith.select %eq3A_639, %broadcast_in_dim3A_643, %broadcast_in_dim3A_644 : vector<64x16xi1>, vector<64x16xf32>
    %add3A_646 = arith.addf %add3A_636, %select_n3A_645 : vector<64x16xf32>
    %eq3A_647 = arith.constant 7 : i32
    %eq3A_648 = vector.broadcast %eq3A_647 : i32 to vector<64x16xi32>
    %eq3A_649 = arith.cmpi eq, %select_n3A_573, %eq3A_648 : vector<64x16xi32>
    %slice3A_650 = vector.extract_strided_slice %convert_element_type3A_574 {offsets = [0, 7], sizes = [64, 1], strides = [1, 1]} : vector<64x16xf32> to vector<64x1xf32>
    %jit3A_651 = arith.constant 0.000000e+00 : f32
    %broadcast_in_dim3A_652 = vector.shape_cast %slice3A_650 : vector<64x1xf32> to vector<64x1xf32>
    %broadcast_in_dim3A_653 = vector.broadcast %broadcast_in_dim3A_652 : vector<64x1xf32> to vector<64x16xf32>
    %broadcast_in_dim3A_654 = vector.broadcast %jit3A_651 : f32 to vector<64x16xf32>
    %select_n3A_655 = arith.select %eq3A_649, %broadcast_in_dim3A_653, %broadcast_in_dim3A_654 : vector<64x16xi1>, vector<64x16xf32>
    %add3A_656 = arith.addf %add3A_646, %select_n3A_655 : vector<64x16xf32>
    %eq3A_657 = arith.constant 8 : i32
    %eq3A_658 = vector.broadcast %eq3A_657 : i32 to vector<64x16xi32>
    %eq3A_659 = arith.cmpi eq, %select_n3A_573, %eq3A_658 : vector<64x16xi32>
    %slice3A_660 = vector.extract_strided_slice %convert_element_type3A_574 {offsets = [0, 8], sizes = [64, 1], strides = [1, 1]} : vector<64x16xf32> to vector<64x1xf32>
    %jit3A_661 = arith.constant 0.000000e+00 : f32
    %broadcast_in_dim3A_662 = vector.shape_cast %slice3A_660 : vector<64x1xf32> to vector<64x1xf32>
    %broadcast_in_dim3A_663 = vector.broadcast %broadcast_in_dim3A_662 : vector<64x1xf32> to vector<64x16xf32>
    %broadcast_in_dim3A_664 = vector.broadcast %jit3A_661 : f32 to vector<64x16xf32>
    %select_n3A_665 = arith.select %eq3A_659, %broadcast_in_dim3A_663, %broadcast_in_dim3A_664 : vector<64x16xi1>, vector<64x16xf32>
    %add3A_666 = arith.addf %add3A_656, %select_n3A_665 : vector<64x16xf32>
    %eq3A_667 = arith.constant 9 : i32
    %eq3A_668 = vector.broadcast %eq3A_667 : i32 to vector<64x16xi32>
    %eq3A_669 = arith.cmpi eq, %select_n3A_573, %eq3A_668 : vector<64x16xi32>
    %slice3A_670 = vector.extract_strided_slice %convert_element_type3A_574 {offsets = [0, 9], sizes = [64, 1], strides = [1, 1]} : vector<64x16xf32> to vector<64x1xf32>
    %jit3A_671 = arith.constant 0.000000e+00 : f32
    %broadcast_in_dim3A_672 = vector.shape_cast %slice3A_670 : vector<64x1xf32> to vector<64x1xf32>
    %broadcast_in_dim3A_673 = vector.broadcast %broadcast_in_dim3A_672 : vector<64x1xf32> to vector<64x16xf32>
    %broadcast_in_dim3A_674 = vector.broadcast %jit3A_671 : f32 to vector<64x16xf32>
    %select_n3A_675 = arith.select %eq3A_669, %broadcast_in_dim3A_673, %broadcast_in_dim3A_674 : vector<64x16xi1>, vector<64x16xf32>
    %add3A_676 = arith.addf %add3A_666, %select_n3A_675 : vector<64x16xf32>
    %eq3A_677 = arith.constant 10 : i32
    %eq3A_678 = vector.broadcast %eq3A_677 : i32 to vector<64x16xi32>
    %eq3A_679 = arith.cmpi eq, %select_n3A_573, %eq3A_678 : vector<64x16xi32>
    %slice3A_680 = vector.extract_strided_slice %convert_element_type3A_574 {offsets = [0, 10], sizes = [64, 1], strides = [1, 1]} : vector<64x16xf32> to vector<64x1xf32>
    %jit3A_681 = arith.constant 0.000000e+00 : f32
    %broadcast_in_dim3A_682 = vector.shape_cast %slice3A_680 : vector<64x1xf32> to vector<64x1xf32>
    %broadcast_in_dim3A_683 = vector.broadcast %broadcast_in_dim3A_682 : vector<64x1xf32> to vector<64x16xf32>
    %broadcast_in_dim3A_684 = vector.broadcast %jit3A_681 : f32 to vector<64x16xf32>
    %select_n3A_685 = arith.select %eq3A_679, %broadcast_in_dim3A_683, %broadcast_in_dim3A_684 : vector<64x16xi1>, vector<64x16xf32>
    %add3A_686 = arith.addf %add3A_676, %select_n3A_685 : vector<64x16xf32>
    %eq3A_687 = arith.constant 11 : i32
    %eq3A_688 = vector.broadcast %eq3A_687 : i32 to vector<64x16xi32>
    %eq3A_689 = arith.cmpi eq, %select_n3A_573, %eq3A_688 : vector<64x16xi32>
    %slice3A_690 = vector.extract_strided_slice %convert_element_type3A_574 {offsets = [0, 11], sizes = [64, 1], strides = [1, 1]} : vector<64x16xf32> to vector<64x1xf32>
    %jit3A_691 = arith.constant 0.000000e+00 : f32
    %broadcast_in_dim3A_692 = vector.shape_cast %slice3A_690 : vector<64x1xf32> to vector<64x1xf32>
    %broadcast_in_dim3A_693 = vector.broadcast %broadcast_in_dim3A_692 : vector<64x1xf32> to vector<64x16xf32>
    %broadcast_in_dim3A_694 = vector.broadcast %jit3A_691 : f32 to vector<64x16xf32>
    %select_n3A_695 = arith.select %eq3A_689, %broadcast_in_dim3A_693, %broadcast_in_dim3A_694 : vector<64x16xi1>, vector<64x16xf32>
    %add3A_696 = arith.addf %add3A_686, %select_n3A_695 : vector<64x16xf32>
    %eq3A_697 = arith.constant 12 : i32
    %eq3A_698 = vector.broadcast %eq3A_697 : i32 to vector<64x16xi32>
    %eq3A_699 = arith.cmpi eq, %select_n3A_573, %eq3A_698 : vector<64x16xi32>
    %slice3A_700 = vector.extract_strided_slice %convert_element_type3A_574 {offsets = [0, 12], sizes = [64, 1], strides = [1, 1]} : vector<64x16xf32> to vector<64x1xf32>
    %jit3A_701 = arith.constant 0.000000e+00 : f32
    %broadcast_in_dim3A_702 = vector.shape_cast %slice3A_700 : vector<64x1xf32> to vector<64x1xf32>
    %broadcast_in_dim3A_703 = vector.broadcast %broadcast_in_dim3A_702 : vector<64x1xf32> to vector<64x16xf32>
    %broadcast_in_dim3A_704 = vector.broadcast %jit3A_701 : f32 to vector<64x16xf32>
    %select_n3A_705 = arith.select %eq3A_699, %broadcast_in_dim3A_703, %broadcast_in_dim3A_704 : vector<64x16xi1>, vector<64x16xf32>
    %add3A_706 = arith.addf %add3A_696, %select_n3A_705 : vector<64x16xf32>
    %eq3A_707 = arith.constant 13 : i32
    %eq3A_708 = vector.broadcast %eq3A_707 : i32 to vector<64x16xi32>
    %eq3A_709 = arith.cmpi eq, %select_n3A_573, %eq3A_708 : vector<64x16xi32>
    %slice3A_710 = vector.extract_strided_slice %convert_element_type3A_574 {offsets = [0, 13], sizes = [64, 1], strides = [1, 1]} : vector<64x16xf32> to vector<64x1xf32>
    %jit3A_711 = arith.constant 0.000000e+00 : f32
    %broadcast_in_dim3A_712 = vector.shape_cast %slice3A_710 : vector<64x1xf32> to vector<64x1xf32>
    %broadcast_in_dim3A_713 = vector.broadcast %broadcast_in_dim3A_712 : vector<64x1xf32> to vector<64x16xf32>
    %broadcast_in_dim3A_714 = vector.broadcast %jit3A_711 : f32 to vector<64x16xf32>
    %select_n3A_715 = arith.select %eq3A_709, %broadcast_in_dim3A_713, %broadcast_in_dim3A_714 : vector<64x16xi1>, vector<64x16xf32>
    %add3A_716 = arith.addf %add3A_706, %select_n3A_715 : vector<64x16xf32>
    %eq3A_717 = arith.constant 14 : i32
    %eq3A_718 = vector.broadcast %eq3A_717 : i32 to vector<64x16xi32>
    %eq3A_719 = arith.cmpi eq, %select_n3A_573, %eq3A_718 : vector<64x16xi32>
    %slice3A_720 = vector.extract_strided_slice %convert_element_type3A_574 {offsets = [0, 14], sizes = [64, 1], strides = [1, 1]} : vector<64x16xf32> to vector<64x1xf32>
    %jit3A_721 = arith.constant 0.000000e+00 : f32
    %broadcast_in_dim3A_722 = vector.shape_cast %slice3A_720 : vector<64x1xf32> to vector<64x1xf32>
    %broadcast_in_dim3A_723 = vector.broadcast %broadcast_in_dim3A_722 : vector<64x1xf32> to vector<64x16xf32>
    %broadcast_in_dim3A_724 = vector.broadcast %jit3A_721 : f32 to vector<64x16xf32>
    %select_n3A_725 = arith.select %eq3A_719, %broadcast_in_dim3A_723, %broadcast_in_dim3A_724 : vector<64x16xi1>, vector<64x16xf32>
    %add3A_726 = arith.addf %add3A_716, %select_n3A_725 : vector<64x16xf32>
    %eq3A_727 = arith.constant 15 : i32
    %eq3A_728 = vector.broadcast %eq3A_727 : i32 to vector<64x16xi32>
    %eq3A_729 = arith.cmpi eq, %select_n3A_573, %eq3A_728 : vector<64x16xi32>
    %slice3A_730 = vector.extract_strided_slice %convert_element_type3A_574 {offsets = [0, 15], sizes = [64, 1], strides = [1, 1]} : vector<64x16xf32> to vector<64x1xf32>
    %jit3A_731 = arith.constant 0.000000e+00 : f32
    %broadcast_in_dim3A_732 = vector.shape_cast %slice3A_730 : vector<64x1xf32> to vector<64x1xf32>
    %broadcast_in_dim3A_733 = vector.broadcast %broadcast_in_dim3A_732 : vector<64x1xf32> to vector<64x16xf32>
    %broadcast_in_dim3A_734 = vector.broadcast %jit3A_731 : f32 to vector<64x16xf32>
    %select_n3A_735 = arith.select %eq3A_729, %broadcast_in_dim3A_733, %broadcast_in_dim3A_734 : vector<64x16xi1>, vector<64x16xf32>
    %add3A_736 = arith.addf %add3A_726, %select_n3A_735 : vector<64x16xf32>
    %jit3A_737 = arith.constant 16 : i32
    %eq3A_738 = arith.constant 0 : i32
    %eq3A_739 = arith.cmpi eq, %jit3A_737, %eq3A_738 : i32
    %jit3A_740 = arith.constant 1 : i32
    %select_n3A_741 = arith.select %eq3A_739, %jit3A_740, %jit3A_737 : i32
    %rem3A_742 = vector.broadcast %select_n3A_741 : i32 to vector<64x16xi32>
    %rem3A_743 = arith.remsi %select_n3A_535, %rem3A_742 : vector<64x16xi32>
    %ne3A_744 = arith.constant 0 : i32
    %ne3A_745 = vector.broadcast %ne3A_744 : i32 to vector<64x16xi32>
    %ne3A_746 = arith.cmpi ne, %rem3A_743, %ne3A_745 : vector<64x16xi32>
    %lt3A_747 = arith.constant 0 : i32
    %lt3A_748 = vector.broadcast %lt3A_747 : i32 to vector<64x16xi32>
    %lt3A_749 = arith.cmpi slt, %rem3A_743, %lt3A_748 : vector<64x16xi32>
    %lt3A_750 = arith.constant 0 : i32
    %lt3A_751 = arith.cmpi slt, %select_n3A_741, %lt3A_750 : i32
    %ne3A_752 = vector.broadcast %lt3A_751 : i1 to vector<64x16xi1>
    %ne3A_753 = vector.broadcast %ne3A_752 : vector<64x16xi1> to vector<64x16xi1>
    %ne3A_754 = arith.xori %lt3A_749, %ne3A_753 : vector<64x16xi1>
    %and3A_755 = arith.andi %ne3A_754, %ne3A_746 : vector<64x16xi1>
    %add3A_756 = vector.broadcast %select_n3A_741 : i32 to vector<64x16xi32>
    %add3A_757 = arith.addi %rem3A_743, %add3A_756 : vector<64x16xi32>
    %select_n3A_758 = arith.select %and3A_755, %add3A_757, %rem3A_743 : vector<64x16xi1>, vector<64x16xi32>
    %convert_element_type3A_759 = arith.sitofp %select_n3A_374 : vector<64x16xi32> to vector<64x16xf32>
    %broadcast_in_dim3A_760 = arith.constant 0.000000e+00 : f32
    %broadcast_in_dim3A_761 = vector.broadcast %broadcast_in_dim3A_760 : f32 to vector<64x16xf32>
    %eq3A_762 = arith.constant 0 : i32
    %eq3A_763 = vector.broadcast %eq3A_762 : i32 to vector<64x16xi32>
    %eq3A_764 = arith.cmpi eq, %select_n3A_758, %eq3A_763 : vector<64x16xi32>
    %slice3A_765 = vector.extract_strided_slice %convert_element_type3A_759 {offsets = [0, 0], sizes = [64, 1], strides = [1, 1]} : vector<64x16xf32> to vector<64x1xf32>
    %jit3A_766 = arith.constant 0.000000e+00 : f32
    %broadcast_in_dim3A_767 = vector.shape_cast %slice3A_765 : vector<64x1xf32> to vector<64x1xf32>
    %broadcast_in_dim3A_768 = vector.broadcast %broadcast_in_dim3A_767 : vector<64x1xf32> to vector<64x16xf32>
    %broadcast_in_dim3A_769 = vector.broadcast %jit3A_766 : f32 to vector<64x16xf32>
    %select_n3A_770 = arith.select %eq3A_764, %broadcast_in_dim3A_768, %broadcast_in_dim3A_769 : vector<64x16xi1>, vector<64x16xf32>
    %add3A_771 = arith.addf %broadcast_in_dim3A_761, %select_n3A_770 : vector<64x16xf32>
    %eq3A_772 = arith.constant 1 : i32
    %eq3A_773 = vector.broadcast %eq3A_772 : i32 to vector<64x16xi32>
    %eq3A_774 = arith.cmpi eq, %select_n3A_758, %eq3A_773 : vector<64x16xi32>
    %slice3A_775 = vector.extract_strided_slice %convert_element_type3A_759 {offsets = [0, 1], sizes = [64, 1], strides = [1, 1]} : vector<64x16xf32> to vector<64x1xf32>
    %jit3A_776 = arith.constant 0.000000e+00 : f32
    %broadcast_in_dim3A_777 = vector.shape_cast %slice3A_775 : vector<64x1xf32> to vector<64x1xf32>
    %broadcast_in_dim3A_778 = vector.broadcast %broadcast_in_dim3A_777 : vector<64x1xf32> to vector<64x16xf32>
    %broadcast_in_dim3A_779 = vector.broadcast %jit3A_776 : f32 to vector<64x16xf32>
    %select_n3A_780 = arith.select %eq3A_774, %broadcast_in_dim3A_778, %broadcast_in_dim3A_779 : vector<64x16xi1>, vector<64x16xf32>
    %add3A_781 = arith.addf %add3A_771, %select_n3A_780 : vector<64x16xf32>
    %eq3A_782 = arith.constant 2 : i32
    %eq3A_783 = vector.broadcast %eq3A_782 : i32 to vector<64x16xi32>
    %eq3A_784 = arith.cmpi eq, %select_n3A_758, %eq3A_783 : vector<64x16xi32>
    %slice3A_785 = vector.extract_strided_slice %convert_element_type3A_759 {offsets = [0, 2], sizes = [64, 1], strides = [1, 1]} : vector<64x16xf32> to vector<64x1xf32>
    %jit3A_786 = arith.constant 0.000000e+00 : f32
    %broadcast_in_dim3A_787 = vector.shape_cast %slice3A_785 : vector<64x1xf32> to vector<64x1xf32>
    %broadcast_in_dim3A_788 = vector.broadcast %broadcast_in_dim3A_787 : vector<64x1xf32> to vector<64x16xf32>
    %broadcast_in_dim3A_789 = vector.broadcast %jit3A_786 : f32 to vector<64x16xf32>
    %select_n3A_790 = arith.select %eq3A_784, %broadcast_in_dim3A_788, %broadcast_in_dim3A_789 : vector<64x16xi1>, vector<64x16xf32>
    %add3A_791 = arith.addf %add3A_781, %select_n3A_790 : vector<64x16xf32>
    %eq3A_792 = arith.constant 3 : i32
    %eq3A_793 = vector.broadcast %eq3A_792 : i32 to vector<64x16xi32>
    %eq3A_794 = arith.cmpi eq, %select_n3A_758, %eq3A_793 : vector<64x16xi32>
    %slice3A_795 = vector.extract_strided_slice %convert_element_type3A_759 {offsets = [0, 3], sizes = [64, 1], strides = [1, 1]} : vector<64x16xf32> to vector<64x1xf32>
    %jit3A_796 = arith.constant 0.000000e+00 : f32
    %broadcast_in_dim3A_797 = vector.shape_cast %slice3A_795 : vector<64x1xf32> to vector<64x1xf32>
    %broadcast_in_dim3A_798 = vector.broadcast %broadcast_in_dim3A_797 : vector<64x1xf32> to vector<64x16xf32>
    %broadcast_in_dim3A_799 = vector.broadcast %jit3A_796 : f32 to vector<64x16xf32>
    %select_n3A_800 = arith.select %eq3A_794, %broadcast_in_dim3A_798, %broadcast_in_dim3A_799 : vector<64x16xi1>, vector<64x16xf32>
    %add3A_801 = arith.addf %add3A_791, %select_n3A_800 : vector<64x16xf32>
    %eq3A_802 = arith.constant 4 : i32
    %eq3A_803 = vector.broadcast %eq3A_802 : i32 to vector<64x16xi32>
    %eq3A_804 = arith.cmpi eq, %select_n3A_758, %eq3A_803 : vector<64x16xi32>
    %slice3A_805 = vector.extract_strided_slice %convert_element_type3A_759 {offsets = [0, 4], sizes = [64, 1], strides = [1, 1]} : vector<64x16xf32> to vector<64x1xf32>
    %jit3A_806 = arith.constant 0.000000e+00 : f32
    %broadcast_in_dim3A_807 = vector.shape_cast %slice3A_805 : vector<64x1xf32> to vector<64x1xf32>
    %broadcast_in_dim3A_808 = vector.broadcast %broadcast_in_dim3A_807 : vector<64x1xf32> to vector<64x16xf32>
    %broadcast_in_dim3A_809 = vector.broadcast %jit3A_806 : f32 to vector<64x16xf32>
    %select_n3A_810 = arith.select %eq3A_804, %broadcast_in_dim3A_808, %broadcast_in_dim3A_809 : vector<64x16xi1>, vector<64x16xf32>
    %add3A_811 = arith.addf %add3A_801, %select_n3A_810 : vector<64x16xf32>
    %eq3A_812 = arith.constant 5 : i32
    %eq3A_813 = vector.broadcast %eq3A_812 : i32 to vector<64x16xi32>
    %eq3A_814 = arith.cmpi eq, %select_n3A_758, %eq3A_813 : vector<64x16xi32>
    %slice3A_815 = vector.extract_strided_slice %convert_element_type3A_759 {offsets = [0, 5], sizes = [64, 1], strides = [1, 1]} : vector<64x16xf32> to vector<64x1xf32>
    %jit3A_816 = arith.constant 0.000000e+00 : f32
    %broadcast_in_dim3A_817 = vector.shape_cast %slice3A_815 : vector<64x1xf32> to vector<64x1xf32>
    %broadcast_in_dim3A_818 = vector.broadcast %broadcast_in_dim3A_817 : vector<64x1xf32> to vector<64x16xf32>
    %broadcast_in_dim3A_819 = vector.broadcast %jit3A_816 : f32 to vector<64x16xf32>
    %select_n3A_820 = arith.select %eq3A_814, %broadcast_in_dim3A_818, %broadcast_in_dim3A_819 : vector<64x16xi1>, vector<64x16xf32>
    %add3A_821 = arith.addf %add3A_811, %select_n3A_820 : vector<64x16xf32>
    %eq3A_822 = arith.constant 6 : i32
    %eq3A_823 = vector.broadcast %eq3A_822 : i32 to vector<64x16xi32>
    %eq3A_824 = arith.cmpi eq, %select_n3A_758, %eq3A_823 : vector<64x16xi32>
    %slice3A_825 = vector.extract_strided_slice %convert_element_type3A_759 {offsets = [0, 6], sizes = [64, 1], strides = [1, 1]} : vector<64x16xf32> to vector<64x1xf32>
    %jit3A_826 = arith.constant 0.000000e+00 : f32
    %broadcast_in_dim3A_827 = vector.shape_cast %slice3A_825 : vector<64x1xf32> to vector<64x1xf32>
    %broadcast_in_dim3A_828 = vector.broadcast %broadcast_in_dim3A_827 : vector<64x1xf32> to vector<64x16xf32>
    %broadcast_in_dim3A_829 = vector.broadcast %jit3A_826 : f32 to vector<64x16xf32>
    %select_n3A_830 = arith.select %eq3A_824, %broadcast_in_dim3A_828, %broadcast_in_dim3A_829 : vector<64x16xi1>, vector<64x16xf32>
    %add3A_831 = arith.addf %add3A_821, %select_n3A_830 : vector<64x16xf32>
    %eq3A_832 = arith.constant 7 : i32
    %eq3A_833 = vector.broadcast %eq3A_832 : i32 to vector<64x16xi32>
    %eq3A_834 = arith.cmpi eq, %select_n3A_758, %eq3A_833 : vector<64x16xi32>
    %slice3A_835 = vector.extract_strided_slice %convert_element_type3A_759 {offsets = [0, 7], sizes = [64, 1], strides = [1, 1]} : vector<64x16xf32> to vector<64x1xf32>
    %jit3A_836 = arith.constant 0.000000e+00 : f32
    %broadcast_in_dim3A_837 = vector.shape_cast %slice3A_835 : vector<64x1xf32> to vector<64x1xf32>
    %broadcast_in_dim3A_838 = vector.broadcast %broadcast_in_dim3A_837 : vector<64x1xf32> to vector<64x16xf32>
    %broadcast_in_dim3A_839 = vector.broadcast %jit3A_836 : f32 to vector<64x16xf32>
    %select_n3A_840 = arith.select %eq3A_834, %broadcast_in_dim3A_838, %broadcast_in_dim3A_839 : vector<64x16xi1>, vector<64x16xf32>
    %add3A_841 = arith.addf %add3A_831, %select_n3A_840 : vector<64x16xf32>
    %eq3A_842 = arith.constant 8 : i32
    %eq3A_843 = vector.broadcast %eq3A_842 : i32 to vector<64x16xi32>
    %eq3A_844 = arith.cmpi eq, %select_n3A_758, %eq3A_843 : vector<64x16xi32>
    %slice3A_845 = vector.extract_strided_slice %convert_element_type3A_759 {offsets = [0, 8], sizes = [64, 1], strides = [1, 1]} : vector<64x16xf32> to vector<64x1xf32>
    %jit3A_846 = arith.constant 0.000000e+00 : f32
    %broadcast_in_dim3A_847 = vector.shape_cast %slice3A_845 : vector<64x1xf32> to vector<64x1xf32>
    %broadcast_in_dim3A_848 = vector.broadcast %broadcast_in_dim3A_847 : vector<64x1xf32> to vector<64x16xf32>
    %broadcast_in_dim3A_849 = vector.broadcast %jit3A_846 : f32 to vector<64x16xf32>
    %select_n3A_850 = arith.select %eq3A_844, %broadcast_in_dim3A_848, %broadcast_in_dim3A_849 : vector<64x16xi1>, vector<64x16xf32>
    %add3A_851 = arith.addf %add3A_841, %select_n3A_850 : vector<64x16xf32>
    %eq3A_852 = arith.constant 9 : i32
    %eq3A_853 = vector.broadcast %eq3A_852 : i32 to vector<64x16xi32>
    %eq3A_854 = arith.cmpi eq, %select_n3A_758, %eq3A_853 : vector<64x16xi32>
    %slice3A_855 = vector.extract_strided_slice %convert_element_type3A_759 {offsets = [0, 9], sizes = [64, 1], strides = [1, 1]} : vector<64x16xf32> to vector<64x1xf32>
    %jit3A_856 = arith.constant 0.000000e+00 : f32
    %broadcast_in_dim3A_857 = vector.shape_cast %slice3A_855 : vector<64x1xf32> to vector<64x1xf32>
    %broadcast_in_dim3A_858 = vector.broadcast %broadcast_in_dim3A_857 : vector<64x1xf32> to vector<64x16xf32>
    %broadcast_in_dim3A_859 = vector.broadcast %jit3A_856 : f32 to vector<64x16xf32>
    %select_n3A_860 = arith.select %eq3A_854, %broadcast_in_dim3A_858, %broadcast_in_dim3A_859 : vector<64x16xi1>, vector<64x16xf32>
    %add3A_861 = arith.addf %add3A_851, %select_n3A_860 : vector<64x16xf32>
    %eq3A_862 = arith.constant 10 : i32
    %eq3A_863 = vector.broadcast %eq3A_862 : i32 to vector<64x16xi32>
    %eq3A_864 = arith.cmpi eq, %select_n3A_758, %eq3A_863 : vector<64x16xi32>
    %slice3A_865 = vector.extract_strided_slice %convert_element_type3A_759 {offsets = [0, 10], sizes = [64, 1], strides = [1, 1]} : vector<64x16xf32> to vector<64x1xf32>
    %jit3A_866 = arith.constant 0.000000e+00 : f32
    %broadcast_in_dim3A_867 = vector.shape_cast %slice3A_865 : vector<64x1xf32> to vector<64x1xf32>
    %broadcast_in_dim3A_868 = vector.broadcast %broadcast_in_dim3A_867 : vector<64x1xf32> to vector<64x16xf32>
    %broadcast_in_dim3A_869 = vector.broadcast %jit3A_866 : f32 to vector<64x16xf32>
    %select_n3A_870 = arith.select %eq3A_864, %broadcast_in_dim3A_868, %broadcast_in_dim3A_869 : vector<64x16xi1>, vector<64x16xf32>
    %add3A_871 = arith.addf %add3A_861, %select_n3A_870 : vector<64x16xf32>
    %eq3A_872 = arith.constant 11 : i32
    %eq3A_873 = vector.broadcast %eq3A_872 : i32 to vector<64x16xi32>
    %eq3A_874 = arith.cmpi eq, %select_n3A_758, %eq3A_873 : vector<64x16xi32>
    %slice3A_875 = vector.extract_strided_slice %convert_element_type3A_759 {offsets = [0, 11], sizes = [64, 1], strides = [1, 1]} : vector<64x16xf32> to vector<64x1xf32>
    %jit3A_876 = arith.constant 0.000000e+00 : f32
    %broadcast_in_dim3A_877 = vector.shape_cast %slice3A_875 : vector<64x1xf32> to vector<64x1xf32>
    %broadcast_in_dim3A_878 = vector.broadcast %broadcast_in_dim3A_877 : vector<64x1xf32> to vector<64x16xf32>
    %broadcast_in_dim3A_879 = vector.broadcast %jit3A_876 : f32 to vector<64x16xf32>
    %select_n3A_880 = arith.select %eq3A_874, %broadcast_in_dim3A_878, %broadcast_in_dim3A_879 : vector<64x16xi1>, vector<64x16xf32>
    %add3A_881 = arith.addf %add3A_871, %select_n3A_880 : vector<64x16xf32>
    %eq3A_882 = arith.constant 12 : i32
    %eq3A_883 = vector.broadcast %eq3A_882 : i32 to vector<64x16xi32>
    %eq3A_884 = arith.cmpi eq, %select_n3A_758, %eq3A_883 : vector<64x16xi32>
    %slice3A_885 = vector.extract_strided_slice %convert_element_type3A_759 {offsets = [0, 12], sizes = [64, 1], strides = [1, 1]} : vector<64x16xf32> to vector<64x1xf32>
    %jit3A_886 = arith.constant 0.000000e+00 : f32
    %broadcast_in_dim3A_887 = vector.shape_cast %slice3A_885 : vector<64x1xf32> to vector<64x1xf32>
    %broadcast_in_dim3A_888 = vector.broadcast %broadcast_in_dim3A_887 : vector<64x1xf32> to vector<64x16xf32>
    %broadcast_in_dim3A_889 = vector.broadcast %jit3A_886 : f32 to vector<64x16xf32>
    %select_n3A_890 = arith.select %eq3A_884, %broadcast_in_dim3A_888, %broadcast_in_dim3A_889 : vector<64x16xi1>, vector<64x16xf32>
    %add3A_891 = arith.addf %add3A_881, %select_n3A_890 : vector<64x16xf32>
    %eq3A_892 = arith.constant 13 : i32
    %eq3A_893 = vector.broadcast %eq3A_892 : i32 to vector<64x16xi32>
    %eq3A_894 = arith.cmpi eq, %select_n3A_758, %eq3A_893 : vector<64x16xi32>
    %slice3A_895 = vector.extract_strided_slice %convert_element_type3A_759 {offsets = [0, 13], sizes = [64, 1], strides = [1, 1]} : vector<64x16xf32> to vector<64x1xf32>
    %jit3A_896 = arith.constant 0.000000e+00 : f32
    %broadcast_in_dim3A_897 = vector.shape_cast %slice3A_895 : vector<64x1xf32> to vector<64x1xf32>
    %broadcast_in_dim3A_898 = vector.broadcast %broadcast_in_dim3A_897 : vector<64x1xf32> to vector<64x16xf32>
    %broadcast_in_dim3A_899 = vector.broadcast %jit3A_896 : f32 to vector<64x16xf32>
    %select_n3A_900 = arith.select %eq3A_894, %broadcast_in_dim3A_898, %broadcast_in_dim3A_899 : vector<64x16xi1>, vector<64x16xf32>
    %add3A_901 = arith.addf %add3A_891, %select_n3A_900 : vector<64x16xf32>
    %eq3A_902 = arith.constant 14 : i32
    %eq3A_903 = vector.broadcast %eq3A_902 : i32 to vector<64x16xi32>
    %eq3A_904 = arith.cmpi eq, %select_n3A_758, %eq3A_903 : vector<64x16xi32>
    %slice3A_905 = vector.extract_strided_slice %convert_element_type3A_759 {offsets = [0, 14], sizes = [64, 1], strides = [1, 1]} : vector<64x16xf32> to vector<64x1xf32>
    %jit3A_906 = arith.constant 0.000000e+00 : f32
    %broadcast_in_dim3A_907 = vector.shape_cast %slice3A_905 : vector<64x1xf32> to vector<64x1xf32>
    %broadcast_in_dim3A_908 = vector.broadcast %broadcast_in_dim3A_907 : vector<64x1xf32> to vector<64x16xf32>
    %broadcast_in_dim3A_909 = vector.broadcast %jit3A_906 : f32 to vector<64x16xf32>
    %select_n3A_910 = arith.select %eq3A_904, %broadcast_in_dim3A_908, %broadcast_in_dim3A_909 : vector<64x16xi1>, vector<64x16xf32>
    %add3A_911 = arith.addf %add3A_901, %select_n3A_910 : vector<64x16xf32>
    %eq3A_912 = arith.constant 15 : i32
    %eq3A_913 = vector.broadcast %eq3A_912 : i32 to vector<64x16xi32>
    %eq3A_914 = arith.cmpi eq, %select_n3A_758, %eq3A_913 : vector<64x16xi32>
    %slice3A_915 = vector.extract_strided_slice %convert_element_type3A_759 {offsets = [0, 15], sizes = [64, 1], strides = [1, 1]} : vector<64x16xf32> to vector<64x1xf32>
    %jit3A_916 = arith.constant 0.000000e+00 : f32
    %broadcast_in_dim3A_917 = vector.shape_cast %slice3A_915 : vector<64x1xf32> to vector<64x1xf32>
    %broadcast_in_dim3A_918 = vector.broadcast %broadcast_in_dim3A_917 : vector<64x1xf32> to vector<64x16xf32>
    %broadcast_in_dim3A_919 = vector.broadcast %jit3A_916 : f32 to vector<64x16xf32>
    %select_n3A_920 = arith.select %eq3A_914, %broadcast_in_dim3A_918, %broadcast_in_dim3A_919 : vector<64x16xi1>, vector<64x16xf32>
    %add3A_921 = arith.addf %add3A_911, %select_n3A_920 : vector<64x16xf32>
    %reduce_max3A_922 = arith.constant dense<0xFF800000> : vector<64xf32>
    %reduce_max3A_923 = vector.multi_reduction <maximumf>, %bitcast_convert_type3A_542, %reduce_max3A_922 [1] : vector<64x16xf32> to vector<64xf32>
    %broadcast_in_dim3A_924 = vector.shape_cast %reduce_max3A_923 : vector<64xf32> to vector<64x1xf32>
    %sub3A_925 = vector.broadcast %broadcast_in_dim3A_924 : vector<64x1xf32> to vector<64x16xf32>
    %sub3A_926 = arith.subf %bitcast_convert_type3A_542, %sub3A_925 : vector<64x16xf32>
    %exp3A = math.exp %sub3A_926 : vector<64x16xf32>
    %reduce_sum3A = arith.constant dense<0.000000e+00> : vector<64xf32>
    %reduce_sum3A_927 = vector.multi_reduction <add>, %exp3A, %reduce_sum3A [1] : vector<64x16xf32> to vector<64xf32>
    %broadcast_in_dim3A_928 = vector.shape_cast %reduce_sum3A_927 : vector<64xf32> to vector<64x1xf32>
    %div3A_929 = vector.broadcast %broadcast_in_dim3A_928 : vector<64x1xf32> to vector<64x16xf32>
    %div3A_930 = arith.divf %exp3A, %div3A_929 : vector<64x16xf32>
    %mul3A_931 = arith.constant 2.560000e+02 : f32
    %mul3A_932 = vector.broadcast %mul3A_931 : f32 to vector<64x16xf32>
    %mul3A_933 = arith.mulf %add3A_736, %mul3A_932 : vector<64x16xf32>
    %add3A_934 = arith.addf %mul3A_933, %add3A_921 : vector<64x16xf32>
    %convert_element_type3A_935 = arith.fptosi %add3A_934 : vector<64x16xf32> to vector<64x16xi32>
    %slice3A_936 = vector.extract_strided_slice %dot_general3A_15 {offsets = [64, 0], sizes = [64, 256], strides = [1, 1]} : vector<256x256xf32> to vector<64x256xf32>
    %bitcast_convert_type3A_937 = tpu.bitcast %slice3A_936 : vector<64x256xf32> -> vector<64x256xi32>
    %iota3A_938 = tpu.iota {dimensions = array<i32: 1>} : vector<64x256xi32>
    %lt3A_939 = arith.constant 0 : i32
    %lt3A_940 = vector.broadcast %lt3A_939 : i32 to vector<64x256xi32>
    %lt3A_941 = arith.cmpi slt, %bitcast_convert_type3A_937, %lt3A_940 : vector<64x256xi32>
    %sub3A_942 = arith.constant 255 : i32
    %sub3A_943 = vector.broadcast %sub3A_942 : i32 to vector<64x256xi32>
    %sub3A_944 = arith.subi %sub3A_943, %iota3A_938 : vector<64x256xi32>
    %select_n3A_945 = arith.select %lt3A_941, %iota3A_938, %sub3A_944 : vector<64x256xi1>, vector<64x256xi32>
    %and3A_946 = arith.constant -256 : i32
    %and3A_947 = vector.broadcast %and3A_946 : i32 to vector<64x256xi32>
    %and3A_948 = arith.andi %bitcast_convert_type3A_937, %and3A_947 : vector<64x256xi32>
    %or3A_949 = arith.ori %and3A_948, %select_n3A_945 : vector<64x256xi32>
    %bitcast_convert_type3A_950 = tpu.bitcast %or3A_949 : vector<64x256xi32> -> vector<64x256xf32>
    %reduce_max3A_951 = arith.constant dense<0xFF800000> : vector<64xf32>
    %reduce_max3A_952 = vector.multi_reduction <maximumf>, %bitcast_convert_type3A_950, %reduce_max3A_951 [1] : vector<64x256xf32> to vector<64xf32>
    %broadcast_in_dim3A_953 = vector.shape_cast %reduce_max3A_952 : vector<64xf32> to vector<64x1xf32>
    %eq3A_954 = vector.broadcast %broadcast_in_dim3A_953 : vector<64x1xf32> to vector<64x256xf32>
    %eq3A_955 = arith.cmpf oeq, %bitcast_convert_type3A_950, %eq3A_954 : vector<64x256xf32>
    %jit3A_956 = arith.constant 0xFF800000 : f32
    %broadcast_in_dim3A_957 = vector.broadcast %jit3A_956 : f32 to vector<64x256xf32>
    %select_n3A_958 = arith.select %eq3A_955, %broadcast_in_dim3A_957, %bitcast_convert_type3A_950 : vector<64x256xi1>, vector<64x256xf32>
    %reduce_max3A_959 = arith.constant dense<0xFF800000> : vector<64xf32>
    %reduce_max3A_960 = vector.multi_reduction <maximumf>, %select_n3A_958, %reduce_max3A_959 [1] : vector<64x256xf32> to vector<64xf32>
    %broadcast_in_dim3A_961 = vector.shape_cast %reduce_max3A_960 : vector<64xf32> to vector<64x1xf32>
    %eq3A_962 = vector.broadcast %broadcast_in_dim3A_961 : vector<64x1xf32> to vector<64x256xf32>
    %eq3A_963 = arith.cmpf oeq, %select_n3A_958, %eq3A_962 : vector<64x256xf32>
    %jit3A_964 = arith.constant 0xFF800000 : f32
    %broadcast_in_dim3A_965 = vector.broadcast %jit3A_964 : f32 to vector<64x256xf32>
    %select_n3A_966 = arith.select %eq3A_963, %broadcast_in_dim3A_965, %select_n3A_958 : vector<64x256xi1>, vector<64x256xf32>
    %reduce_max3A_967 = arith.constant dense<0xFF800000> : vector<64xf32>
    %reduce_max3A_968 = vector.multi_reduction <maximumf>, %select_n3A_966, %reduce_max3A_967 [1] : vector<64x256xf32> to vector<64xf32>
    %broadcast_in_dim3A_969 = vector.shape_cast %reduce_max3A_968 : vector<64xf32> to vector<64x1xf32>
    %eq3A_970 = vector.broadcast %broadcast_in_dim3A_969 : vector<64x1xf32> to vector<64x256xf32>
    %eq3A_971 = arith.cmpf oeq, %select_n3A_966, %eq3A_970 : vector<64x256xf32>
    %jit3A_972 = arith.constant 0xFF800000 : f32
    %broadcast_in_dim3A_973 = vector.broadcast %jit3A_972 : f32 to vector<64x256xf32>
    %select_n3A_974 = arith.select %eq3A_971, %broadcast_in_dim3A_973, %select_n3A_966 : vector<64x256xi1>, vector<64x256xf32>
    %reduce_max3A_975 = arith.constant dense<0xFF800000> : vector<64xf32>
    %reduce_max3A_976 = vector.multi_reduction <maximumf>, %select_n3A_974, %reduce_max3A_975 [1] : vector<64x256xf32> to vector<64xf32>
    %broadcast_in_dim3A_977 = vector.shape_cast %reduce_max3A_976 : vector<64xf32> to vector<64x1xf32>
    %eq3A_978 = vector.broadcast %broadcast_in_dim3A_977 : vector<64x1xf32> to vector<64x256xf32>
    %eq3A_979 = arith.cmpf oeq, %select_n3A_974, %eq3A_978 : vector<64x256xf32>
    %jit3A_980 = arith.constant 0xFF800000 : f32
    %broadcast_in_dim3A_981 = vector.broadcast %jit3A_980 : f32 to vector<64x256xf32>
    %select_n3A_982 = arith.select %eq3A_979, %broadcast_in_dim3A_981, %select_n3A_974 : vector<64x256xi1>, vector<64x256xf32>
    %reduce_max3A_983 = arith.constant dense<0xFF800000> : vector<64xf32>
    %reduce_max3A_984 = vector.multi_reduction <maximumf>, %select_n3A_982, %reduce_max3A_983 [1] : vector<64x256xf32> to vector<64xf32>
    %broadcast_in_dim3A_985 = vector.shape_cast %reduce_max3A_984 : vector<64xf32> to vector<64x1xf32>
    %eq3A_986 = vector.broadcast %broadcast_in_dim3A_985 : vector<64x1xf32> to vector<64x256xf32>
    %eq3A_987 = arith.cmpf oeq, %select_n3A_982, %eq3A_986 : vector<64x256xf32>
    %jit3A_988 = arith.constant 0xFF800000 : f32
    %broadcast_in_dim3A_989 = vector.broadcast %jit3A_988 : f32 to vector<64x256xf32>
    %select_n3A_990 = arith.select %eq3A_987, %broadcast_in_dim3A_989, %select_n3A_982 : vector<64x256xi1>, vector<64x256xf32>
    %reduce_max3A_991 = arith.constant dense<0xFF800000> : vector<64xf32>
    %reduce_max3A_992 = vector.multi_reduction <maximumf>, %select_n3A_990, %reduce_max3A_991 [1] : vector<64x256xf32> to vector<64xf32>
    %broadcast_in_dim3A_993 = vector.shape_cast %reduce_max3A_992 : vector<64xf32> to vector<64x1xf32>
    %eq3A_994 = vector.broadcast %broadcast_in_dim3A_993 : vector<64x1xf32> to vector<64x256xf32>
    %eq3A_995 = arith.cmpf oeq, %select_n3A_990, %eq3A_994 : vector<64x256xf32>
    %jit3A_996 = arith.constant 0xFF800000 : f32
    %broadcast_in_dim3A_997 = vector.broadcast %jit3A_996 : f32 to vector<64x256xf32>
    %select_n3A_998 = arith.select %eq3A_995, %broadcast_in_dim3A_997, %select_n3A_990 : vector<64x256xi1>, vector<64x256xf32>
    %reduce_max3A_999 = arith.constant dense<0xFF800000> : vector<64xf32>
    %reduce_max3A_1000 = vector.multi_reduction <maximumf>, %select_n3A_998, %reduce_max3A_999 [1] : vector<64x256xf32> to vector<64xf32>
    %broadcast_in_dim3A_1001 = vector.shape_cast %reduce_max3A_1000 : vector<64xf32> to vector<64x1xf32>
    %eq3A_1002 = vector.broadcast %broadcast_in_dim3A_1001 : vector<64x1xf32> to vector<64x256xf32>
    %eq3A_1003 = arith.cmpf oeq, %select_n3A_998, %eq3A_1002 : vector<64x256xf32>
    %jit3A_1004 = arith.constant 0xFF800000 : f32
    %broadcast_in_dim3A_1005 = vector.broadcast %jit3A_1004 : f32 to vector<64x256xf32>
    %select_n3A_1006 = arith.select %eq3A_1003, %broadcast_in_dim3A_1005, %select_n3A_998 : vector<64x256xi1>, vector<64x256xf32>
    %reduce_max3A_1007 = arith.constant dense<0xFF800000> : vector<64xf32>
    %reduce_max3A_1008 = vector.multi_reduction <maximumf>, %select_n3A_1006, %reduce_max3A_1007 [1] : vector<64x256xf32> to vector<64xf32>
    %broadcast_in_dim3A_1009 = vector.shape_cast %reduce_max3A_1008 : vector<64xf32> to vector<64x1xf32>
    %eq3A_1010 = vector.broadcast %broadcast_in_dim3A_1009 : vector<64x1xf32> to vector<64x256xf32>
    %eq3A_1011 = arith.cmpf oeq, %select_n3A_1006, %eq3A_1010 : vector<64x256xf32>
    %jit3A_1012 = arith.constant 0xFF800000 : f32
    %broadcast_in_dim3A_1013 = vector.broadcast %jit3A_1012 : f32 to vector<64x256xf32>
    %select_n3A_1014 = arith.select %eq3A_1011, %broadcast_in_dim3A_1013, %select_n3A_1006 : vector<64x256xi1>, vector<64x256xf32>
    %reduce_max3A_1015 = arith.constant dense<0xFF800000> : vector<64xf32>
    %reduce_max3A_1016 = vector.multi_reduction <maximumf>, %select_n3A_1014, %reduce_max3A_1015 [1] : vector<64x256xf32> to vector<64xf32>
    %broadcast_in_dim3A_1017 = vector.shape_cast %reduce_max3A_1016 : vector<64xf32> to vector<64x1xf32>
    %eq3A_1018 = vector.broadcast %broadcast_in_dim3A_1017 : vector<64x1xf32> to vector<64x256xf32>
    %eq3A_1019 = arith.cmpf oeq, %select_n3A_1014, %eq3A_1018 : vector<64x256xf32>
    %jit3A_1020 = arith.constant 0xFF800000 : f32
    %broadcast_in_dim3A_1021 = vector.broadcast %jit3A_1020 : f32 to vector<64x256xf32>
    %select_n3A_1022 = arith.select %eq3A_1019, %broadcast_in_dim3A_1021, %select_n3A_1014 : vector<64x256xi1>, vector<64x256xf32>
    %reduce_max3A_1023 = arith.constant dense<0xFF800000> : vector<64xf32>
    %reduce_max3A_1024 = vector.multi_reduction <maximumf>, %select_n3A_1022, %reduce_max3A_1023 [1] : vector<64x256xf32> to vector<64xf32>
    %broadcast_in_dim3A_1025 = vector.shape_cast %reduce_max3A_1024 : vector<64xf32> to vector<64x1xf32>
    %eq3A_1026 = vector.broadcast %broadcast_in_dim3A_1025 : vector<64x1xf32> to vector<64x256xf32>
    %eq3A_1027 = arith.cmpf oeq, %select_n3A_1022, %eq3A_1026 : vector<64x256xf32>
    %jit3A_1028 = arith.constant 0xFF800000 : f32
    %broadcast_in_dim3A_1029 = vector.broadcast %jit3A_1028 : f32 to vector<64x256xf32>
    %select_n3A_1030 = arith.select %eq3A_1027, %broadcast_in_dim3A_1029, %select_n3A_1022 : vector<64x256xi1>, vector<64x256xf32>
    %reduce_max3A_1031 = arith.constant dense<0xFF800000> : vector<64xf32>
    %reduce_max3A_1032 = vector.multi_reduction <maximumf>, %select_n3A_1030, %reduce_max3A_1031 [1] : vector<64x256xf32> to vector<64xf32>
    %broadcast_in_dim3A_1033 = vector.shape_cast %reduce_max3A_1032 : vector<64xf32> to vector<64x1xf32>
    %eq3A_1034 = vector.broadcast %broadcast_in_dim3A_1033 : vector<64x1xf32> to vector<64x256xf32>
    %eq3A_1035 = arith.cmpf oeq, %select_n3A_1030, %eq3A_1034 : vector<64x256xf32>
    %jit3A_1036 = arith.constant 0xFF800000 : f32
    %broadcast_in_dim3A_1037 = vector.broadcast %jit3A_1036 : f32 to vector<64x256xf32>
    %select_n3A_1038 = arith.select %eq3A_1035, %broadcast_in_dim3A_1037, %select_n3A_1030 : vector<64x256xi1>, vector<64x256xf32>
    %reduce_max3A_1039 = arith.constant dense<0xFF800000> : vector<64xf32>
    %reduce_max3A_1040 = vector.multi_reduction <maximumf>, %select_n3A_1038, %reduce_max3A_1039 [1] : vector<64x256xf32> to vector<64xf32>
    %broadcast_in_dim3A_1041 = vector.shape_cast %reduce_max3A_1040 : vector<64xf32> to vector<64x1xf32>
    %eq3A_1042 = vector.broadcast %broadcast_in_dim3A_1041 : vector<64x1xf32> to vector<64x256xf32>
    %eq3A_1043 = arith.cmpf oeq, %select_n3A_1038, %eq3A_1042 : vector<64x256xf32>
    %jit3A_1044 = arith.constant 0xFF800000 : f32
    %broadcast_in_dim3A_1045 = vector.broadcast %jit3A_1044 : f32 to vector<64x256xf32>
    %select_n3A_1046 = arith.select %eq3A_1043, %broadcast_in_dim3A_1045, %select_n3A_1038 : vector<64x256xi1>, vector<64x256xf32>
    %reduce_max3A_1047 = arith.constant dense<0xFF800000> : vector<64xf32>
    %reduce_max3A_1048 = vector.multi_reduction <maximumf>, %select_n3A_1046, %reduce_max3A_1047 [1] : vector<64x256xf32> to vector<64xf32>
    %broadcast_in_dim3A_1049 = vector.shape_cast %reduce_max3A_1048 : vector<64xf32> to vector<64x1xf32>
    %eq3A_1050 = vector.broadcast %broadcast_in_dim3A_1049 : vector<64x1xf32> to vector<64x256xf32>
    %eq3A_1051 = arith.cmpf oeq, %select_n3A_1046, %eq3A_1050 : vector<64x256xf32>
    %jit3A_1052 = arith.constant 0xFF800000 : f32
    %broadcast_in_dim3A_1053 = vector.broadcast %jit3A_1052 : f32 to vector<64x256xf32>
    %select_n3A_1054 = arith.select %eq3A_1051, %broadcast_in_dim3A_1053, %select_n3A_1046 : vector<64x256xi1>, vector<64x256xf32>
    %reduce_max3A_1055 = arith.constant dense<0xFF800000> : vector<64xf32>
    %reduce_max3A_1056 = vector.multi_reduction <maximumf>, %select_n3A_1054, %reduce_max3A_1055 [1] : vector<64x256xf32> to vector<64xf32>
    %broadcast_in_dim3A_1057 = vector.shape_cast %reduce_max3A_1056 : vector<64xf32> to vector<64x1xf32>
    %eq3A_1058 = vector.broadcast %broadcast_in_dim3A_1057 : vector<64x1xf32> to vector<64x256xf32>
    %eq3A_1059 = arith.cmpf oeq, %select_n3A_1054, %eq3A_1058 : vector<64x256xf32>
    %jit3A_1060 = arith.constant 0xFF800000 : f32
    %broadcast_in_dim3A_1061 = vector.broadcast %jit3A_1060 : f32 to vector<64x256xf32>
    %select_n3A_1062 = arith.select %eq3A_1059, %broadcast_in_dim3A_1061, %select_n3A_1054 : vector<64x256xi1>, vector<64x256xf32>
    %reduce_max3A_1063 = arith.constant dense<0xFF800000> : vector<64xf32>
    %reduce_max3A_1064 = vector.multi_reduction <maximumf>, %select_n3A_1062, %reduce_max3A_1063 [1] : vector<64x256xf32> to vector<64xf32>
    %broadcast_in_dim3A_1065 = vector.shape_cast %reduce_max3A_1064 : vector<64xf32> to vector<64x1xf32>
    %eq3A_1066 = vector.broadcast %broadcast_in_dim3A_1065 : vector<64x1xf32> to vector<64x256xf32>
    %eq3A_1067 = arith.cmpf oeq, %select_n3A_1062, %eq3A_1066 : vector<64x256xf32>
    %jit3A_1068 = arith.constant 0xFF800000 : f32
    %broadcast_in_dim3A_1069 = vector.broadcast %jit3A_1068 : f32 to vector<64x256xf32>
    %select_n3A_1070 = arith.select %eq3A_1067, %broadcast_in_dim3A_1069, %select_n3A_1062 : vector<64x256xi1>, vector<64x256xf32>
    %reduce_max3A_1071 = arith.constant dense<0xFF800000> : vector<64xf32>
    %reduce_max3A_1072 = vector.multi_reduction <maximumf>, %select_n3A_1070, %reduce_max3A_1071 [1] : vector<64x256xf32> to vector<64xf32>
    %broadcast_in_dim3A_1073 = vector.shape_cast %reduce_max3A_1072 : vector<64xf32> to vector<64x1xf32>
    %concatenate3A_1074 = tpu.concatenate %broadcast_in_dim3A_953, %broadcast_in_dim3A_961, %broadcast_in_dim3A_969, %broadcast_in_dim3A_977, %broadcast_in_dim3A_985, %broadcast_in_dim3A_993, %broadcast_in_dim3A_1001, %broadcast_in_dim3A_1009, %broadcast_in_dim3A_1017, %broadcast_in_dim3A_1025, %broadcast_in_dim3A_1033, %broadcast_in_dim3A_1041, %broadcast_in_dim3A_1049, %broadcast_in_dim3A_1057, %broadcast_in_dim3A_1065, %broadcast_in_dim3A_1073 in 1 : vector<64x1xf32>, vector<64x1xf32>, vector<64x1xf32>, vector<64x1xf32>, vector<64x1xf32>, vector<64x1xf32>, vector<64x1xf32>, vector<64x1xf32>, vector<64x1xf32>, vector<64x1xf32>, vector<64x1xf32>, vector<64x1xf32>, vector<64x1xf32>, vector<64x1xf32>, vector<64x1xf32>, vector<64x1xf32> -> vector<64x16xf32>
    %bitcast_convert_type3A_1075 = tpu.bitcast %concatenate3A_1074 : vector<64x16xf32> -> vector<64x16xi32>
    %and3A_1076 = arith.constant 255 : i32
    %and3A_1077 = vector.broadcast %and3A_1076 : i32 to vector<64x16xi32>
    %and3A_1078 = arith.andi %bitcast_convert_type3A_1075, %and3A_1077 : vector<64x16xi32>
    %lt3A_1079 = arith.constant 0 : i32
    %lt3A_1080 = vector.broadcast %lt3A_1079 : i32 to vector<64x16xi32>
    %lt3A_1081 = arith.cmpi slt, %bitcast_convert_type3A_1075, %lt3A_1080 : vector<64x16xi32>
    %sub3A_1082 = arith.constant 255 : i32
    %sub3A_1083 = vector.broadcast %sub3A_1082 : i32 to vector<64x16xi32>
    %sub3A_1084 = arith.subi %sub3A_1083, %and3A_1078 : vector<64x16xi32>
    %select_n3A_1085 = arith.select %lt3A_1081, %and3A_1078, %sub3A_1084 : vector<64x16xi1>, vector<64x16xi32>
    %and3A_1086 = arith.constant -256 : i32
    %and3A_1087 = vector.broadcast %and3A_1086 : i32 to vector<64x16xi32>
    %and3A_1088 = arith.andi %bitcast_convert_type3A_1075, %and3A_1087 : vector<64x16xi32>
    %or3A_1089 = arith.constant 128 : i32
    %or3A_1090 = vector.broadcast %or3A_1089 : i32 to vector<64x16xi32>
    %or3A_1091 = arith.ori %and3A_1088, %or3A_1090 : vector<64x16xi32>
    %bitcast_convert_type3A_1092 = tpu.bitcast %or3A_1091 : vector<64x16xi32> -> vector<64x16xf32>
    %slice3A_1093 = vector.extract_strided_slice %dot_general3A_23 {offsets = [64, 0], sizes = [64, 256], strides = [1, 1]} : vector<256x256xf32> to vector<64x256xf32>
    %bitcast_convert_type3A_1094 = tpu.bitcast %slice3A_1093 : vector<64x256xf32> -> vector<64x256xi32>
    %iota3A_1095 = tpu.iota {dimensions = array<i32: 1>} : vector<64x256xi32>
    %lt3A_1096 = arith.constant 0 : i32
    %lt3A_1097 = vector.broadcast %lt3A_1096 : i32 to vector<64x256xi32>
    %lt3A_1098 = arith.cmpi slt, %bitcast_convert_type3A_1094, %lt3A_1097 : vector<64x256xi32>
    %sub3A_1099 = arith.constant 255 : i32
    %sub3A_1100 = vector.broadcast %sub3A_1099 : i32 to vector<64x256xi32>
    %sub3A_1101 = arith.subi %sub3A_1100, %iota3A_1095 : vector<64x256xi32>
    %select_n3A_1102 = arith.select %lt3A_1098, %iota3A_1095, %sub3A_1101 : vector<64x256xi1>, vector<64x256xi32>
    %and3A_1103 = arith.constant -256 : i32
    %and3A_1104 = vector.broadcast %and3A_1103 : i32 to vector<64x256xi32>
    %and3A_1105 = arith.andi %bitcast_convert_type3A_1094, %and3A_1104 : vector<64x256xi32>
    %or3A_1106 = arith.ori %and3A_1105, %select_n3A_1102 : vector<64x256xi32>
    %bitcast_convert_type3A_1107 = tpu.bitcast %or3A_1106 : vector<64x256xi32> -> vector<64x256xf32>
    %reduce_max3A_1108 = arith.constant dense<0xFF800000> : vector<64xf32>
    %reduce_max3A_1109 = vector.multi_reduction <maximumf>, %bitcast_convert_type3A_1107, %reduce_max3A_1108 [1] : vector<64x256xf32> to vector<64xf32>
    %broadcast_in_dim3A_1110 = vector.shape_cast %reduce_max3A_1109 : vector<64xf32> to vector<64x1xf32>
    %eq3A_1111 = vector.broadcast %broadcast_in_dim3A_1110 : vector<64x1xf32> to vector<64x256xf32>
    %eq3A_1112 = arith.cmpf oeq, %bitcast_convert_type3A_1107, %eq3A_1111 : vector<64x256xf32>
    %jit3A_1113 = arith.constant 0xFF800000 : f32
    %broadcast_in_dim3A_1114 = vector.broadcast %jit3A_1113 : f32 to vector<64x256xf32>
    %select_n3A_1115 = arith.select %eq3A_1112, %broadcast_in_dim3A_1114, %bitcast_convert_type3A_1107 : vector<64x256xi1>, vector<64x256xf32>
    %reduce_max3A_1116 = arith.constant dense<0xFF800000> : vector<64xf32>
    %reduce_max3A_1117 = vector.multi_reduction <maximumf>, %select_n3A_1115, %reduce_max3A_1116 [1] : vector<64x256xf32> to vector<64xf32>
    %broadcast_in_dim3A_1118 = vector.shape_cast %reduce_max3A_1117 : vector<64xf32> to vector<64x1xf32>
    %eq3A_1119 = vector.broadcast %broadcast_in_dim3A_1118 : vector<64x1xf32> to vector<64x256xf32>
    %eq3A_1120 = arith.cmpf oeq, %select_n3A_1115, %eq3A_1119 : vector<64x256xf32>
    %jit3A_1121 = arith.constant 0xFF800000 : f32
    %broadcast_in_dim3A_1122 = vector.broadcast %jit3A_1121 : f32 to vector<64x256xf32>
    %select_n3A_1123 = arith.select %eq3A_1120, %broadcast_in_dim3A_1122, %select_n3A_1115 : vector<64x256xi1>, vector<64x256xf32>
    %reduce_max3A_1124 = arith.constant dense<0xFF800000> : vector<64xf32>
    %reduce_max3A_1125 = vector.multi_reduction <maximumf>, %select_n3A_1123, %reduce_max3A_1124 [1] : vector<64x256xf32> to vector<64xf32>
    %broadcast_in_dim3A_1126 = vector.shape_cast %reduce_max3A_1125 : vector<64xf32> to vector<64x1xf32>
    %eq3A_1127 = vector.broadcast %broadcast_in_dim3A_1126 : vector<64x1xf32> to vector<64x256xf32>
    %eq3A_1128 = arith.cmpf oeq, %select_n3A_1123, %eq3A_1127 : vector<64x256xf32>
    %jit3A_1129 = arith.constant 0xFF800000 : f32
    %broadcast_in_dim3A_1130 = vector.broadcast %jit3A_1129 : f32 to vector<64x256xf32>
    %select_n3A_1131 = arith.select %eq3A_1128, %broadcast_in_dim3A_1130, %select_n3A_1123 : vector<64x256xi1>, vector<64x256xf32>
    %reduce_max3A_1132 = arith.constant dense<0xFF800000> : vector<64xf32>
    %reduce_max3A_1133 = vector.multi_reduction <maximumf>, %select_n3A_1131, %reduce_max3A_1132 [1] : vector<64x256xf32> to vector<64xf32>
    %broadcast_in_dim3A_1134 = vector.shape_cast %reduce_max3A_1133 : vector<64xf32> to vector<64x1xf32>
    %eq3A_1135 = vector.broadcast %broadcast_in_dim3A_1134 : vector<64x1xf32> to vector<64x256xf32>
    %eq3A_1136 = arith.cmpf oeq, %select_n3A_1131, %eq3A_1135 : vector<64x256xf32>
    %jit3A_1137 = arith.constant 0xFF800000 : f32
    %broadcast_in_dim3A_1138 = vector.broadcast %jit3A_1137 : f32 to vector<64x256xf32>
    %select_n3A_1139 = arith.select %eq3A_1136, %broadcast_in_dim3A_1138, %select_n3A_1131 : vector<64x256xi1>, vector<64x256xf32>
    %reduce_max3A_1140 = arith.constant dense<0xFF800000> : vector<64xf32>
    %reduce_max3A_1141 = vector.multi_reduction <maximumf>, %select_n3A_1139, %reduce_max3A_1140 [1] : vector<64x256xf32> to vector<64xf32>
    %broadcast_in_dim3A_1142 = vector.shape_cast %reduce_max3A_1141 : vector<64xf32> to vector<64x1xf32>
    %eq3A_1143 = vector.broadcast %broadcast_in_dim3A_1142 : vector<64x1xf32> to vector<64x256xf32>
    %eq3A_1144 = arith.cmpf oeq, %select_n3A_1139, %eq3A_1143 : vector<64x256xf32>
    %jit3A_1145 = arith.constant 0xFF800000 : f32
    %broadcast_in_dim3A_1146 = vector.broadcast %jit3A_1145 : f32 to vector<64x256xf32>
    %select_n3A_1147 = arith.select %eq3A_1144, %broadcast_in_dim3A_1146, %select_n3A_1139 : vector<64x256xi1>, vector<64x256xf32>
    %reduce_max3A_1148 = arith.constant dense<0xFF800000> : vector<64xf32>
    %reduce_max3A_1149 = vector.multi_reduction <maximumf>, %select_n3A_1147, %reduce_max3A_1148 [1] : vector<64x256xf32> to vector<64xf32>
    %broadcast_in_dim3A_1150 = vector.shape_cast %reduce_max3A_1149 : vector<64xf32> to vector<64x1xf32>
    %eq3A_1151 = vector.broadcast %broadcast_in_dim3A_1150 : vector<64x1xf32> to vector<64x256xf32>
    %eq3A_1152 = arith.cmpf oeq, %select_n3A_1147, %eq3A_1151 : vector<64x256xf32>
    %jit3A_1153 = arith.constant 0xFF800000 : f32
    %broadcast_in_dim3A_1154 = vector.broadcast %jit3A_1153 : f32 to vector<64x256xf32>
    %select_n3A_1155 = arith.select %eq3A_1152, %broadcast_in_dim3A_1154, %select_n3A_1147 : vector<64x256xi1>, vector<64x256xf32>
    %reduce_max3A_1156 = arith.constant dense<0xFF800000> : vector<64xf32>
    %reduce_max3A_1157 = vector.multi_reduction <maximumf>, %select_n3A_1155, %reduce_max3A_1156 [1] : vector<64x256xf32> to vector<64xf32>
    %broadcast_in_dim3A_1158 = vector.shape_cast %reduce_max3A_1157 : vector<64xf32> to vector<64x1xf32>
    %eq3A_1159 = vector.broadcast %broadcast_in_dim3A_1158 : vector<64x1xf32> to vector<64x256xf32>
    %eq3A_1160 = arith.cmpf oeq, %select_n3A_1155, %eq3A_1159 : vector<64x256xf32>
    %jit3A_1161 = arith.constant 0xFF800000 : f32
    %broadcast_in_dim3A_1162 = vector.broadcast %jit3A_1161 : f32 to vector<64x256xf32>
    %select_n3A_1163 = arith.select %eq3A_1160, %broadcast_in_dim3A_1162, %select_n3A_1155 : vector<64x256xi1>, vector<64x256xf32>
    %reduce_max3A_1164 = arith.constant dense<0xFF800000> : vector<64xf32>
    %reduce_max3A_1165 = vector.multi_reduction <maximumf>, %select_n3A_1163, %reduce_max3A_1164 [1] : vector<64x256xf32> to vector<64xf32>
    %broadcast_in_dim3A_1166 = vector.shape_cast %reduce_max3A_1165 : vector<64xf32> to vector<64x1xf32>
    %eq3A_1167 = vector.broadcast %broadcast_in_dim3A_1166 : vector<64x1xf32> to vector<64x256xf32>
    %eq3A_1168 = arith.cmpf oeq, %select_n3A_1163, %eq3A_1167 : vector<64x256xf32>
    %jit3A_1169 = arith.constant 0xFF800000 : f32
    %broadcast_in_dim3A_1170 = vector.broadcast %jit3A_1169 : f32 to vector<64x256xf32>
    %select_n3A_1171 = arith.select %eq3A_1168, %broadcast_in_dim3A_1170, %select_n3A_1163 : vector<64x256xi1>, vector<64x256xf32>
    %reduce_max3A_1172 = arith.constant dense<0xFF800000> : vector<64xf32>
    %reduce_max3A_1173 = vector.multi_reduction <maximumf>, %select_n3A_1171, %reduce_max3A_1172 [1] : vector<64x256xf32> to vector<64xf32>
    %broadcast_in_dim3A_1174 = vector.shape_cast %reduce_max3A_1173 : vector<64xf32> to vector<64x1xf32>
    %eq3A_1175 = vector.broadcast %broadcast_in_dim3A_1174 : vector<64x1xf32> to vector<64x256xf32>
    %eq3A_1176 = arith.cmpf oeq, %select_n3A_1171, %eq3A_1175 : vector<64x256xf32>
    %jit3A_1177 = arith.constant 0xFF800000 : f32
    %broadcast_in_dim3A_1178 = vector.broadcast %jit3A_1177 : f32 to vector<64x256xf32>
    %select_n3A_1179 = arith.select %eq3A_1176, %broadcast_in_dim3A_1178, %select_n3A_1171 : vector<64x256xi1>, vector<64x256xf32>
    %reduce_max3A_1180 = arith.constant dense<0xFF800000> : vector<64xf32>
    %reduce_max3A_1181 = vector.multi_reduction <maximumf>, %select_n3A_1179, %reduce_max3A_1180 [1] : vector<64x256xf32> to vector<64xf32>
    %broadcast_in_dim3A_1182 = vector.shape_cast %reduce_max3A_1181 : vector<64xf32> to vector<64x1xf32>
    %eq3A_1183 = vector.broadcast %broadcast_in_dim3A_1182 : vector<64x1xf32> to vector<64x256xf32>
    %eq3A_1184 = arith.cmpf oeq, %select_n3A_1179, %eq3A_1183 : vector<64x256xf32>
    %jit3A_1185 = arith.constant 0xFF800000 : f32
    %broadcast_in_dim3A_1186 = vector.broadcast %jit3A_1185 : f32 to vector<64x256xf32>
    %select_n3A_1187 = arith.select %eq3A_1184, %broadcast_in_dim3A_1186, %select_n3A_1179 : vector<64x256xi1>, vector<64x256xf32>
    %reduce_max3A_1188 = arith.constant dense<0xFF800000> : vector<64xf32>
    %reduce_max3A_1189 = vector.multi_reduction <maximumf>, %select_n3A_1187, %reduce_max3A_1188 [1] : vector<64x256xf32> to vector<64xf32>
    %broadcast_in_dim3A_1190 = vector.shape_cast %reduce_max3A_1189 : vector<64xf32> to vector<64x1xf32>
    %eq3A_1191 = vector.broadcast %broadcast_in_dim3A_1190 : vector<64x1xf32> to vector<64x256xf32>
    %eq3A_1192 = arith.cmpf oeq, %select_n3A_1187, %eq3A_1191 : vector<64x256xf32>
    %jit3A_1193 = arith.constant 0xFF800000 : f32
    %broadcast_in_dim3A_1194 = vector.broadcast %jit3A_1193 : f32 to vector<64x256xf32>
    %select_n3A_1195 = arith.select %eq3A_1192, %broadcast_in_dim3A_1194, %select_n3A_1187 : vector<64x256xi1>, vector<64x256xf32>
    %reduce_max3A_1196 = arith.constant dense<0xFF800000> : vector<64xf32>
    %reduce_max3A_1197 = vector.multi_reduction <maximumf>, %select_n3A_1195, %reduce_max3A_1196 [1] : vector<64x256xf32> to vector<64xf32>
    %broadcast_in_dim3A_1198 = vector.shape_cast %reduce_max3A_1197 : vector<64xf32> to vector<64x1xf32>
    %eq3A_1199 = vector.broadcast %broadcast_in_dim3A_1198 : vector<64x1xf32> to vector<64x256xf32>
    %eq3A_1200 = arith.cmpf oeq, %select_n3A_1195, %eq3A_1199 : vector<64x256xf32>
    %jit3A_1201 = arith.constant 0xFF800000 : f32
    %broadcast_in_dim3A_1202 = vector.broadcast %jit3A_1201 : f32 to vector<64x256xf32>
    %select_n3A_1203 = arith.select %eq3A_1200, %broadcast_in_dim3A_1202, %select_n3A_1195 : vector<64x256xi1>, vector<64x256xf32>
    %reduce_max3A_1204 = arith.constant dense<0xFF800000> : vector<64xf32>
    %reduce_max3A_1205 = vector.multi_reduction <maximumf>, %select_n3A_1203, %reduce_max3A_1204 [1] : vector<64x256xf32> to vector<64xf32>
    %broadcast_in_dim3A_1206 = vector.shape_cast %reduce_max3A_1205 : vector<64xf32> to vector<64x1xf32>
    %eq3A_1207 = vector.broadcast %broadcast_in_dim3A_1206 : vector<64x1xf32> to vector<64x256xf32>
    %eq3A_1208 = arith.cmpf oeq, %select_n3A_1203, %eq3A_1207 : vector<64x256xf32>
    %jit3A_1209 = arith.constant 0xFF800000 : f32
    %broadcast_in_dim3A_1210 = vector.broadcast %jit3A_1209 : f32 to vector<64x256xf32>
    %select_n3A_1211 = arith.select %eq3A_1208, %broadcast_in_dim3A_1210, %select_n3A_1203 : vector<64x256xi1>, vector<64x256xf32>
    %reduce_max3A_1212 = arith.constant dense<0xFF800000> : vector<64xf32>
    %reduce_max3A_1213 = vector.multi_reduction <maximumf>, %select_n3A_1211, %reduce_max3A_1212 [1] : vector<64x256xf32> to vector<64xf32>
    %broadcast_in_dim3A_1214 = vector.shape_cast %reduce_max3A_1213 : vector<64xf32> to vector<64x1xf32>
    %eq3A_1215 = vector.broadcast %broadcast_in_dim3A_1214 : vector<64x1xf32> to vector<64x256xf32>
    %eq3A_1216 = arith.cmpf oeq, %select_n3A_1211, %eq3A_1215 : vector<64x256xf32>
    %jit3A_1217 = arith.constant 0xFF800000 : f32
    %broadcast_in_dim3A_1218 = vector.broadcast %jit3A_1217 : f32 to vector<64x256xf32>
    %select_n3A_1219 = arith.select %eq3A_1216, %broadcast_in_dim3A_1218, %select_n3A_1211 : vector<64x256xi1>, vector<64x256xf32>
    %reduce_max3A_1220 = arith.constant dense<0xFF800000> : vector<64xf32>
    %reduce_max3A_1221 = vector.multi_reduction <maximumf>, %select_n3A_1219, %reduce_max3A_1220 [1] : vector<64x256xf32> to vector<64xf32>
    %broadcast_in_dim3A_1222 = vector.shape_cast %reduce_max3A_1221 : vector<64xf32> to vector<64x1xf32>
    %eq3A_1223 = vector.broadcast %broadcast_in_dim3A_1222 : vector<64x1xf32> to vector<64x256xf32>
    %eq3A_1224 = arith.cmpf oeq, %select_n3A_1219, %eq3A_1223 : vector<64x256xf32>
    %jit3A_1225 = arith.constant 0xFF800000 : f32
    %broadcast_in_dim3A_1226 = vector.broadcast %jit3A_1225 : f32 to vector<64x256xf32>
    %select_n3A_1227 = arith.select %eq3A_1224, %broadcast_in_dim3A_1226, %select_n3A_1219 : vector<64x256xi1>, vector<64x256xf32>
    %reduce_max3A_1228 = arith.constant dense<0xFF800000> : vector<64xf32>
    %reduce_max3A_1229 = vector.multi_reduction <maximumf>, %select_n3A_1227, %reduce_max3A_1228 [1] : vector<64x256xf32> to vector<64xf32>
    %broadcast_in_dim3A_1230 = vector.shape_cast %reduce_max3A_1229 : vector<64xf32> to vector<64x1xf32>
    %concatenate3A_1231 = tpu.concatenate %broadcast_in_dim3A_1110, %broadcast_in_dim3A_1118, %broadcast_in_dim3A_1126, %broadcast_in_dim3A_1134, %broadcast_in_dim3A_1142, %broadcast_in_dim3A_1150, %broadcast_in_dim3A_1158, %broadcast_in_dim3A_1166, %broadcast_in_dim3A_1174, %broadcast_in_dim3A_1182, %broadcast_in_dim3A_1190, %broadcast_in_dim3A_1198, %broadcast_in_dim3A_1206, %broadcast_in_dim3A_1214, %broadcast_in_dim3A_1222, %broadcast_in_dim3A_1230 in 1 : vector<64x1xf32>, vector<64x1xf32>, vector<64x1xf32>, vector<64x1xf32>, vector<64x1xf32>, vector<64x1xf32>, vector<64x1xf32>, vector<64x1xf32>, vector<64x1xf32>, vector<64x1xf32>, vector<64x1xf32>, vector<64x1xf32>, vector<64x1xf32>, vector<64x1xf32>, vector<64x1xf32>, vector<64x1xf32> -> vector<64x16xf32>
    %bitcast_convert_type3A_1232 = tpu.bitcast %concatenate3A_1231 : vector<64x16xf32> -> vector<64x16xi32>
    %and3A_1233 = arith.constant 255 : i32
    %and3A_1234 = vector.broadcast %and3A_1233 : i32 to vector<64x16xi32>
    %and3A_1235 = arith.andi %bitcast_convert_type3A_1232, %and3A_1234 : vector<64x16xi32>
    %lt3A_1236 = arith.constant 0 : i32
    %lt3A_1237 = vector.broadcast %lt3A_1236 : i32 to vector<64x16xi32>
    %lt3A_1238 = arith.cmpi slt, %bitcast_convert_type3A_1232, %lt3A_1237 : vector<64x16xi32>
    %sub3A_1239 = arith.constant 255 : i32
    %sub3A_1240 = vector.broadcast %sub3A_1239 : i32 to vector<64x16xi32>
    %sub3A_1241 = arith.subi %sub3A_1240, %and3A_1235 : vector<64x16xi32>
    %select_n3A_1242 = arith.select %lt3A_1238, %and3A_1235, %sub3A_1241 : vector<64x16xi1>, vector<64x16xi32>
    %and3A_1243 = arith.constant -256 : i32
    %and3A_1244 = vector.broadcast %and3A_1243 : i32 to vector<64x16xi32>
    %and3A_1245 = arith.andi %bitcast_convert_type3A_1232, %and3A_1244 : vector<64x16xi32>
    %or3A_1246 = arith.constant 128 : i32
    %or3A_1247 = vector.broadcast %or3A_1246 : i32 to vector<64x16xi32>
    %or3A_1248 = arith.ori %and3A_1245, %or3A_1247 : vector<64x16xi32>
    %bitcast_convert_type3A_1249 = tpu.bitcast %or3A_1248 : vector<64x16xi32> -> vector<64x16xf32>
    %dot_general3A_1250 = arith.constant dense<0.000000e+00> : vector<64x256xf32>
    %dot_general3A_1251 = tpu.matmul %bitcast_convert_type3A_1092, %convert_element_type3A_48, %dot_general3A_1250 {dimension_numbers = #tpu.dot_dimension_numbers<[1], [0], [0], [1], [0, 0, 1, 1], [], []>, precision = #tpu.contract_precision<fp32>, transpose_lhs_hint = false} : vector<64x16xf32>, vector<16x256xf32>, vector<64x256xf32> -> vector<64x256xf32>
    %dot_general3A_1252 = arith.constant dense<0.000000e+00> : vector<64x256xf32>
    %dot_general3A_1253 = tpu.matmul %bitcast_convert_type3A_1249, %convert_element_type3A_72, %dot_general3A_1252 {dimension_numbers = #tpu.dot_dimension_numbers<[1], [0], [0], [1], [0, 0, 1, 1], [], []>, precision = #tpu.contract_precision<fp32>, transpose_lhs_hint = false} : vector<64x16xf32>, vector<16x256xf32>, vector<64x256xf32> -> vector<64x256xf32>
    %add3A_1254 = arith.addf %dot_general3A_1251, %dot_general3A_1253 : vector<64x256xf32>
    %bitcast_convert_type3A_1255 = tpu.bitcast %add3A_1254 : vector<64x256xf32> -> vector<64x256xi32>
    %iota3A_1256 = tpu.iota {dimensions = array<i32: 1>} : vector<64x256xi32>
    %lt3A_1257 = arith.constant 0 : i32
    %lt3A_1258 = vector.broadcast %lt3A_1257 : i32 to vector<64x256xi32>
    %lt3A_1259 = arith.cmpi slt, %bitcast_convert_type3A_1255, %lt3A_1258 : vector<64x256xi32>
    %sub3A_1260 = arith.constant 255 : i32
    %sub3A_1261 = vector.broadcast %sub3A_1260 : i32 to vector<64x256xi32>
    %sub3A_1262 = arith.subi %sub3A_1261, %iota3A_1256 : vector<64x256xi32>
    %select_n3A_1263 = arith.select %lt3A_1259, %iota3A_1256, %sub3A_1262 : vector<64x256xi1>, vector<64x256xi32>
    %and3A_1264 = arith.constant -256 : i32
    %and3A_1265 = vector.broadcast %and3A_1264 : i32 to vector<64x256xi32>
    %and3A_1266 = arith.andi %bitcast_convert_type3A_1255, %and3A_1265 : vector<64x256xi32>
    %or3A_1267 = arith.ori %and3A_1266, %select_n3A_1263 : vector<64x256xi32>
    %bitcast_convert_type3A_1268 = tpu.bitcast %or3A_1267 : vector<64x256xi32> -> vector<64x256xf32>
    %reduce_max3A_1269 = arith.constant dense<0xFF800000> : vector<64xf32>
    %reduce_max3A_1270 = vector.multi_reduction <maximumf>, %bitcast_convert_type3A_1268, %reduce_max3A_1269 [1] : vector<64x256xf32> to vector<64xf32>
    %broadcast_in_dim3A_1271 = vector.shape_cast %reduce_max3A_1270 : vector<64xf32> to vector<64x1xf32>
    %eq3A_1272 = vector.broadcast %broadcast_in_dim3A_1271 : vector<64x1xf32> to vector<64x256xf32>
    %eq3A_1273 = arith.cmpf oeq, %bitcast_convert_type3A_1268, %eq3A_1272 : vector<64x256xf32>
    %jit3A_1274 = arith.constant 0xFF800000 : f32
    %broadcast_in_dim3A_1275 = vector.broadcast %jit3A_1274 : f32 to vector<64x256xf32>
    %select_n3A_1276 = arith.select %eq3A_1273, %broadcast_in_dim3A_1275, %bitcast_convert_type3A_1268 : vector<64x256xi1>, vector<64x256xf32>
    %reduce_max3A_1277 = arith.constant dense<0xFF800000> : vector<64xf32>
    %reduce_max3A_1278 = vector.multi_reduction <maximumf>, %select_n3A_1276, %reduce_max3A_1277 [1] : vector<64x256xf32> to vector<64xf32>
    %broadcast_in_dim3A_1279 = vector.shape_cast %reduce_max3A_1278 : vector<64xf32> to vector<64x1xf32>
    %eq3A_1280 = vector.broadcast %broadcast_in_dim3A_1279 : vector<64x1xf32> to vector<64x256xf32>
    %eq3A_1281 = arith.cmpf oeq, %select_n3A_1276, %eq3A_1280 : vector<64x256xf32>
    %jit3A_1282 = arith.constant 0xFF800000 : f32
    %broadcast_in_dim3A_1283 = vector.broadcast %jit3A_1282 : f32 to vector<64x256xf32>
    %select_n3A_1284 = arith.select %eq3A_1281, %broadcast_in_dim3A_1283, %select_n3A_1276 : vector<64x256xi1>, vector<64x256xf32>
    %reduce_max3A_1285 = arith.constant dense<0xFF800000> : vector<64xf32>
    %reduce_max3A_1286 = vector.multi_reduction <maximumf>, %select_n3A_1284, %reduce_max3A_1285 [1] : vector<64x256xf32> to vector<64xf32>
    %broadcast_in_dim3A_1287 = vector.shape_cast %reduce_max3A_1286 : vector<64xf32> to vector<64x1xf32>
    %eq3A_1288 = vector.broadcast %broadcast_in_dim3A_1287 : vector<64x1xf32> to vector<64x256xf32>
    %eq3A_1289 = arith.cmpf oeq, %select_n3A_1284, %eq3A_1288 : vector<64x256xf32>
    %jit3A_1290 = arith.constant 0xFF800000 : f32
    %broadcast_in_dim3A_1291 = vector.broadcast %jit3A_1290 : f32 to vector<64x256xf32>
    %select_n3A_1292 = arith.select %eq3A_1289, %broadcast_in_dim3A_1291, %select_n3A_1284 : vector<64x256xi1>, vector<64x256xf32>
    %reduce_max3A_1293 = arith.constant dense<0xFF800000> : vector<64xf32>
    %reduce_max3A_1294 = vector.multi_reduction <maximumf>, %select_n3A_1292, %reduce_max3A_1293 [1] : vector<64x256xf32> to vector<64xf32>
    %broadcast_in_dim3A_1295 = vector.shape_cast %reduce_max3A_1294 : vector<64xf32> to vector<64x1xf32>
    %eq3A_1296 = vector.broadcast %broadcast_in_dim3A_1295 : vector<64x1xf32> to vector<64x256xf32>
    %eq3A_1297 = arith.cmpf oeq, %select_n3A_1292, %eq3A_1296 : vector<64x256xf32>
    %jit3A_1298 = arith.constant 0xFF800000 : f32
    %broadcast_in_dim3A_1299 = vector.broadcast %jit3A_1298 : f32 to vector<64x256xf32>
    %select_n3A_1300 = arith.select %eq3A_1297, %broadcast_in_dim3A_1299, %select_n3A_1292 : vector<64x256xi1>, vector<64x256xf32>
    %reduce_max3A_1301 = arith.constant dense<0xFF800000> : vector<64xf32>
    %reduce_max3A_1302 = vector.multi_reduction <maximumf>, %select_n3A_1300, %reduce_max3A_1301 [1] : vector<64x256xf32> to vector<64xf32>
    %broadcast_in_dim3A_1303 = vector.shape_cast %reduce_max3A_1302 : vector<64xf32> to vector<64x1xf32>
    %eq3A_1304 = vector.broadcast %broadcast_in_dim3A_1303 : vector<64x1xf32> to vector<64x256xf32>
    %eq3A_1305 = arith.cmpf oeq, %select_n3A_1300, %eq3A_1304 : vector<64x256xf32>
    %jit3A_1306 = arith.constant 0xFF800000 : f32
    %broadcast_in_dim3A_1307 = vector.broadcast %jit3A_1306 : f32 to vector<64x256xf32>
    %select_n3A_1308 = arith.select %eq3A_1305, %broadcast_in_dim3A_1307, %select_n3A_1300 : vector<64x256xi1>, vector<64x256xf32>
    %reduce_max3A_1309 = arith.constant dense<0xFF800000> : vector<64xf32>
    %reduce_max3A_1310 = vector.multi_reduction <maximumf>, %select_n3A_1308, %reduce_max3A_1309 [1] : vector<64x256xf32> to vector<64xf32>
    %broadcast_in_dim3A_1311 = vector.shape_cast %reduce_max3A_1310 : vector<64xf32> to vector<64x1xf32>
    %eq3A_1312 = vector.broadcast %broadcast_in_dim3A_1311 : vector<64x1xf32> to vector<64x256xf32>
    %eq3A_1313 = arith.cmpf oeq, %select_n3A_1308, %eq3A_1312 : vector<64x256xf32>
    %jit3A_1314 = arith.constant 0xFF800000 : f32
    %broadcast_in_dim3A_1315 = vector.broadcast %jit3A_1314 : f32 to vector<64x256xf32>
    %select_n3A_1316 = arith.select %eq3A_1313, %broadcast_in_dim3A_1315, %select_n3A_1308 : vector<64x256xi1>, vector<64x256xf32>
    %reduce_max3A_1317 = arith.constant dense<0xFF800000> : vector<64xf32>
    %reduce_max3A_1318 = vector.multi_reduction <maximumf>, %select_n3A_1316, %reduce_max3A_1317 [1] : vector<64x256xf32> to vector<64xf32>
    %broadcast_in_dim3A_1319 = vector.shape_cast %reduce_max3A_1318 : vector<64xf32> to vector<64x1xf32>
    %eq3A_1320 = vector.broadcast %broadcast_in_dim3A_1319 : vector<64x1xf32> to vector<64x256xf32>
    %eq3A_1321 = arith.cmpf oeq, %select_n3A_1316, %eq3A_1320 : vector<64x256xf32>
    %jit3A_1322 = arith.constant 0xFF800000 : f32
    %broadcast_in_dim3A_1323 = vector.broadcast %jit3A_1322 : f32 to vector<64x256xf32>
    %select_n3A_1324 = arith.select %eq3A_1321, %broadcast_in_dim3A_1323, %select_n3A_1316 : vector<64x256xi1>, vector<64x256xf32>
    %reduce_max3A_1325 = arith.constant dense<0xFF800000> : vector<64xf32>
    %reduce_max3A_1326 = vector.multi_reduction <maximumf>, %select_n3A_1324, %reduce_max3A_1325 [1] : vector<64x256xf32> to vector<64xf32>
    %broadcast_in_dim3A_1327 = vector.shape_cast %reduce_max3A_1326 : vector<64xf32> to vector<64x1xf32>
    %eq3A_1328 = vector.broadcast %broadcast_in_dim3A_1327 : vector<64x1xf32> to vector<64x256xf32>
    %eq3A_1329 = arith.cmpf oeq, %select_n3A_1324, %eq3A_1328 : vector<64x256xf32>
    %jit3A_1330 = arith.constant 0xFF800000 : f32
    %broadcast_in_dim3A_1331 = vector.broadcast %jit3A_1330 : f32 to vector<64x256xf32>
    %select_n3A_1332 = arith.select %eq3A_1329, %broadcast_in_dim3A_1331, %select_n3A_1324 : vector<64x256xi1>, vector<64x256xf32>
    %reduce_max3A_1333 = arith.constant dense<0xFF800000> : vector<64xf32>
    %reduce_max3A_1334 = vector.multi_reduction <maximumf>, %select_n3A_1332, %reduce_max3A_1333 [1] : vector<64x256xf32> to vector<64xf32>
    %broadcast_in_dim3A_1335 = vector.shape_cast %reduce_max3A_1334 : vector<64xf32> to vector<64x1xf32>
    %eq3A_1336 = vector.broadcast %broadcast_in_dim3A_1335 : vector<64x1xf32> to vector<64x256xf32>
    %eq3A_1337 = arith.cmpf oeq, %select_n3A_1332, %eq3A_1336 : vector<64x256xf32>
    %jit3A_1338 = arith.constant 0xFF800000 : f32
    %broadcast_in_dim3A_1339 = vector.broadcast %jit3A_1338 : f32 to vector<64x256xf32>
    %select_n3A_1340 = arith.select %eq3A_1337, %broadcast_in_dim3A_1339, %select_n3A_1332 : vector<64x256xi1>, vector<64x256xf32>
    %reduce_max3A_1341 = arith.constant dense<0xFF800000> : vector<64xf32>
    %reduce_max3A_1342 = vector.multi_reduction <maximumf>, %select_n3A_1340, %reduce_max3A_1341 [1] : vector<64x256xf32> to vector<64xf32>
    %broadcast_in_dim3A_1343 = vector.shape_cast %reduce_max3A_1342 : vector<64xf32> to vector<64x1xf32>
    %eq3A_1344 = vector.broadcast %broadcast_in_dim3A_1343 : vector<64x1xf32> to vector<64x256xf32>
    %eq3A_1345 = arith.cmpf oeq, %select_n3A_1340, %eq3A_1344 : vector<64x256xf32>
    %jit3A_1346 = arith.constant 0xFF800000 : f32
    %broadcast_in_dim3A_1347 = vector.broadcast %jit3A_1346 : f32 to vector<64x256xf32>
    %select_n3A_1348 = arith.select %eq3A_1345, %broadcast_in_dim3A_1347, %select_n3A_1340 : vector<64x256xi1>, vector<64x256xf32>
    %reduce_max3A_1349 = arith.constant dense<0xFF800000> : vector<64xf32>
    %reduce_max3A_1350 = vector.multi_reduction <maximumf>, %select_n3A_1348, %reduce_max3A_1349 [1] : vector<64x256xf32> to vector<64xf32>
    %broadcast_in_dim3A_1351 = vector.shape_cast %reduce_max3A_1350 : vector<64xf32> to vector<64x1xf32>
    %eq3A_1352 = vector.broadcast %broadcast_in_dim3A_1351 : vector<64x1xf32> to vector<64x256xf32>
    %eq3A_1353 = arith.cmpf oeq, %select_n3A_1348, %eq3A_1352 : vector<64x256xf32>
    %jit3A_1354 = arith.constant 0xFF800000 : f32
    %broadcast_in_dim3A_1355 = vector.broadcast %jit3A_1354 : f32 to vector<64x256xf32>
    %select_n3A_1356 = arith.select %eq3A_1353, %broadcast_in_dim3A_1355, %select_n3A_1348 : vector<64x256xi1>, vector<64x256xf32>
    %reduce_max3A_1357 = arith.constant dense<0xFF800000> : vector<64xf32>
    %reduce_max3A_1358 = vector.multi_reduction <maximumf>, %select_n3A_1356, %reduce_max3A_1357 [1] : vector<64x256xf32> to vector<64xf32>
    %broadcast_in_dim3A_1359 = vector.shape_cast %reduce_max3A_1358 : vector<64xf32> to vector<64x1xf32>
    %eq3A_1360 = vector.broadcast %broadcast_in_dim3A_1359 : vector<64x1xf32> to vector<64x256xf32>
    %eq3A_1361 = arith.cmpf oeq, %select_n3A_1356, %eq3A_1360 : vector<64x256xf32>
    %jit3A_1362 = arith.constant 0xFF800000 : f32
    %broadcast_in_dim3A_1363 = vector.broadcast %jit3A_1362 : f32 to vector<64x256xf32>
    %select_n3A_1364 = arith.select %eq3A_1361, %broadcast_in_dim3A_1363, %select_n3A_1356 : vector<64x256xi1>, vector<64x256xf32>
    %reduce_max3A_1365 = arith.constant dense<0xFF800000> : vector<64xf32>
    %reduce_max3A_1366 = vector.multi_reduction <maximumf>, %select_n3A_1364, %reduce_max3A_1365 [1] : vector<64x256xf32> to vector<64xf32>
    %broadcast_in_dim3A_1367 = vector.shape_cast %reduce_max3A_1366 : vector<64xf32> to vector<64x1xf32>
    %eq3A_1368 = vector.broadcast %broadcast_in_dim3A_1367 : vector<64x1xf32> to vector<64x256xf32>
    %eq3A_1369 = arith.cmpf oeq, %select_n3A_1364, %eq3A_1368 : vector<64x256xf32>
    %jit3A_1370 = arith.constant 0xFF800000 : f32
    %broadcast_in_dim3A_1371 = vector.broadcast %jit3A_1370 : f32 to vector<64x256xf32>
    %select_n3A_1372 = arith.select %eq3A_1369, %broadcast_in_dim3A_1371, %select_n3A_1364 : vector<64x256xi1>, vector<64x256xf32>
    %reduce_max3A_1373 = arith.constant dense<0xFF800000> : vector<64xf32>
    %reduce_max3A_1374 = vector.multi_reduction <maximumf>, %select_n3A_1372, %reduce_max3A_1373 [1] : vector<64x256xf32> to vector<64xf32>
    %broadcast_in_dim3A_1375 = vector.shape_cast %reduce_max3A_1374 : vector<64xf32> to vector<64x1xf32>
    %eq3A_1376 = vector.broadcast %broadcast_in_dim3A_1375 : vector<64x1xf32> to vector<64x256xf32>
    %eq3A_1377 = arith.cmpf oeq, %select_n3A_1372, %eq3A_1376 : vector<64x256xf32>
    %jit3A_1378 = arith.constant 0xFF800000 : f32
    %broadcast_in_dim3A_1379 = vector.broadcast %jit3A_1378 : f32 to vector<64x256xf32>
    %select_n3A_1380 = arith.select %eq3A_1377, %broadcast_in_dim3A_1379, %select_n3A_1372 : vector<64x256xi1>, vector<64x256xf32>
    %reduce_max3A_1381 = arith.constant dense<0xFF800000> : vector<64xf32>
    %reduce_max3A_1382 = vector.multi_reduction <maximumf>, %select_n3A_1380, %reduce_max3A_1381 [1] : vector<64x256xf32> to vector<64xf32>
    %broadcast_in_dim3A_1383 = vector.shape_cast %reduce_max3A_1382 : vector<64xf32> to vector<64x1xf32>
    %eq3A_1384 = vector.broadcast %broadcast_in_dim3A_1383 : vector<64x1xf32> to vector<64x256xf32>
    %eq3A_1385 = arith.cmpf oeq, %select_n3A_1380, %eq3A_1384 : vector<64x256xf32>
    %jit3A_1386 = arith.constant 0xFF800000 : f32
    %broadcast_in_dim3A_1387 = vector.broadcast %jit3A_1386 : f32 to vector<64x256xf32>
    %select_n3A_1388 = arith.select %eq3A_1385, %broadcast_in_dim3A_1387, %select_n3A_1380 : vector<64x256xi1>, vector<64x256xf32>
    %reduce_max3A_1389 = arith.constant dense<0xFF800000> : vector<64xf32>
    %reduce_max3A_1390 = vector.multi_reduction <maximumf>, %select_n3A_1388, %reduce_max3A_1389 [1] : vector<64x256xf32> to vector<64xf32>
    %broadcast_in_dim3A_1391 = vector.shape_cast %reduce_max3A_1390 : vector<64xf32> to vector<64x1xf32>
    %concatenate3A_1392 = tpu.concatenate %broadcast_in_dim3A_1271, %broadcast_in_dim3A_1279, %broadcast_in_dim3A_1287, %broadcast_in_dim3A_1295, %broadcast_in_dim3A_1303, %broadcast_in_dim3A_1311, %broadcast_in_dim3A_1319, %broadcast_in_dim3A_1327, %broadcast_in_dim3A_1335, %broadcast_in_dim3A_1343, %broadcast_in_dim3A_1351, %broadcast_in_dim3A_1359, %broadcast_in_dim3A_1367, %broadcast_in_dim3A_1375, %broadcast_in_dim3A_1383, %broadcast_in_dim3A_1391 in 1 : vector<64x1xf32>, vector<64x1xf32>, vector<64x1xf32>, vector<64x1xf32>, vector<64x1xf32>, vector<64x1xf32>, vector<64x1xf32>, vector<64x1xf32>, vector<64x1xf32>, vector<64x1xf32>, vector<64x1xf32>, vector<64x1xf32>, vector<64x1xf32>, vector<64x1xf32>, vector<64x1xf32>, vector<64x1xf32> -> vector<64x16xf32>
    %bitcast_convert_type3A_1393 = tpu.bitcast %concatenate3A_1392 : vector<64x16xf32> -> vector<64x16xi32>
    %and3A_1394 = arith.constant 255 : i32
    %and3A_1395 = vector.broadcast %and3A_1394 : i32 to vector<64x16xi32>
    %and3A_1396 = arith.andi %bitcast_convert_type3A_1393, %and3A_1395 : vector<64x16xi32>
    %lt3A_1397 = arith.constant 0 : i32
    %lt3A_1398 = vector.broadcast %lt3A_1397 : i32 to vector<64x16xi32>
    %lt3A_1399 = arith.cmpi slt, %bitcast_convert_type3A_1393, %lt3A_1398 : vector<64x16xi32>
    %sub3A_1400 = arith.constant 255 : i32
    %sub3A_1401 = vector.broadcast %sub3A_1400 : i32 to vector<64x16xi32>
    %sub3A_1402 = arith.subi %sub3A_1401, %and3A_1396 : vector<64x16xi32>
    %select_n3A_1403 = arith.select %lt3A_1399, %and3A_1396, %sub3A_1402 : vector<64x16xi1>, vector<64x16xi32>
    %and3A_1404 = arith.constant -256 : i32
    %and3A_1405 = vector.broadcast %and3A_1404 : i32 to vector<64x16xi32>
    %and3A_1406 = arith.andi %bitcast_convert_type3A_1393, %and3A_1405 : vector<64x16xi32>
    %or3A_1407 = arith.constant 128 : i32
    %or3A_1408 = vector.broadcast %or3A_1407 : i32 to vector<64x16xi32>
    %or3A_1409 = arith.ori %and3A_1406, %or3A_1408 : vector<64x16xi32>
    %bitcast_convert_type3A_1410 = tpu.bitcast %or3A_1409 : vector<64x16xi32> -> vector<64x16xf32>
    %jit3A_1411 = arith.constant 16 : i32
    %div3A_1412 = vector.broadcast %jit3A_1411 : i32 to vector<64x16xi32>
    %div3A_1413 = arith.divsi %select_n3A_1403, %div3A_1412 : vector<64x16xi32>
    %sign3A_1414 = arith.constant 0 : i32
    %sign3A_1415 = vector.broadcast %sign3A_1414 : i32 to vector<64x16xi32>
    %sign3A_1416 = arith.cmpi sgt, %select_n3A_1403, %sign3A_1415 : vector<64x16xi32>
    %sign3A_1417 = arith.extui %sign3A_1416 : vector<64x16xi1> to vector<64x16xi32>
    %sign3A_1418 = arith.constant 0 : i32
    %sign3A_1419 = vector.broadcast %sign3A_1418 : i32 to vector<64x16xi32>
    %sign3A_1420 = arith.cmpi slt, %select_n3A_1403, %sign3A_1419 : vector<64x16xi32>
    %sign3A_1421 = arith.extui %sign3A_1420 : vector<64x16xi1> to vector<64x16xi32>
    %sign3A_1422 = arith.subi %sign3A_1417, %sign3A_1421 : vector<64x16xi32>
    %sign3A_1423 = arith.constant 0 : i32
    %sign3A_1424 = arith.cmpi sgt, %jit3A_1411, %sign3A_1423 : i32
    %sign3A_1425 = arith.extui %sign3A_1424 : i1 to i32
    %sign3A_1426 = arith.constant 0 : i32
    %sign3A_1427 = arith.cmpi slt, %jit3A_1411, %sign3A_1426 : i32
    %sign3A_1428 = arith.extui %sign3A_1427 : i1 to i32
    %sign3A_1429 = arith.subi %sign3A_1425, %sign3A_1428 : i32
    %ne3A_1430 = vector.broadcast %sign3A_1429 : i32 to vector<64x16xi32>
    %ne3A_1431 = arith.cmpi ne, %sign3A_1422, %ne3A_1430 : vector<64x16xi32>
    %rem3A_1432 = vector.broadcast %jit3A_1411 : i32 to vector<64x16xi32>
    %rem3A_1433 = arith.remsi %select_n3A_1403, %rem3A_1432 : vector<64x16xi32>
    %ne3A_1434 = arith.constant 0 : i32
    %ne3A_1435 = vector.broadcast %ne3A_1434 : i32 to vector<64x16xi32>
    %ne3A_1436 = arith.cmpi ne, %rem3A_1433, %ne3A_1435 : vector<64x16xi32>
    %and3A_1437 = arith.andi %ne3A_1431, %ne3A_1436 : vector<64x16xi1>
    %sub3A_1438 = arith.constant 1 : i32
    %sub3A_1439 = vector.broadcast %sub3A_1438 : i32 to vector<64x16xi32>
    %sub3A_1440 = arith.subi %div3A_1413, %sub3A_1439 : vector<64x16xi32>
    %select_n3A_1441 = arith.select %and3A_1437, %sub3A_1440, %div3A_1413 : vector<64x16xi1>, vector<64x16xi32>
    %convert_element_type3A_1442 = arith.sitofp %select_n3A_1085 : vector<64x16xi32> to vector<64x16xf32>
    %broadcast_in_dim3A_1443 = arith.constant 0.000000e+00 : f32
    %broadcast_in_dim3A_1444 = vector.broadcast %broadcast_in_dim3A_1443 : f32 to vector<64x16xf32>
    %eq3A_1445 = arith.constant 0 : i32
    %eq3A_1446 = vector.broadcast %eq3A_1445 : i32 to vector<64x16xi32>
    %eq3A_1447 = arith.cmpi eq, %select_n3A_1441, %eq3A_1446 : vector<64x16xi32>
    %slice3A_1448 = vector.extract_strided_slice %convert_element_type3A_1442 {offsets = [0, 0], sizes = [64, 1], strides = [1, 1]} : vector<64x16xf32> to vector<64x1xf32>
    %jit3A_1449 = arith.constant 0.000000e+00 : f32
    %broadcast_in_dim3A_1450 = vector.shape_cast %slice3A_1448 : vector<64x1xf32> to vector<64x1xf32>
    %broadcast_in_dim3A_1451 = vector.broadcast %broadcast_in_dim3A_1450 : vector<64x1xf32> to vector<64x16xf32>
    %broadcast_in_dim3A_1452 = vector.broadcast %jit3A_1449 : f32 to vector<64x16xf32>
    %select_n3A_1453 = arith.select %eq3A_1447, %broadcast_in_dim3A_1451, %broadcast_in_dim3A_1452 : vector<64x16xi1>, vector<64x16xf32>
    %add3A_1454 = arith.addf %broadcast_in_dim3A_1444, %select_n3A_1453 : vector<64x16xf32>
    %eq3A_1455 = arith.constant 1 : i32
    %eq3A_1456 = vector.broadcast %eq3A_1455 : i32 to vector<64x16xi32>
    %eq3A_1457 = arith.cmpi eq, %select_n3A_1441, %eq3A_1456 : vector<64x16xi32>
    %slice3A_1458 = vector.extract_strided_slice %convert_element_type3A_1442 {offsets = [0, 1], sizes = [64, 1], strides = [1, 1]} : vector<64x16xf32> to vector<64x1xf32>
    %jit3A_1459 = arith.constant 0.000000e+00 : f32
    %broadcast_in_dim3A_1460 = vector.shape_cast %slice3A_1458 : vector<64x1xf32> to vector<64x1xf32>
    %broadcast_in_dim3A_1461 = vector.broadcast %broadcast_in_dim3A_1460 : vector<64x1xf32> to vector<64x16xf32>
    %broadcast_in_dim3A_1462 = vector.broadcast %jit3A_1459 : f32 to vector<64x16xf32>
    %select_n3A_1463 = arith.select %eq3A_1457, %broadcast_in_dim3A_1461, %broadcast_in_dim3A_1462 : vector<64x16xi1>, vector<64x16xf32>
    %add3A_1464 = arith.addf %add3A_1454, %select_n3A_1463 : vector<64x16xf32>
    %eq3A_1465 = arith.constant 2 : i32
    %eq3A_1466 = vector.broadcast %eq3A_1465 : i32 to vector<64x16xi32>
    %eq3A_1467 = arith.cmpi eq, %select_n3A_1441, %eq3A_1466 : vector<64x16xi32>
    %slice3A_1468 = vector.extract_strided_slice %convert_element_type3A_1442 {offsets = [0, 2], sizes = [64, 1], strides = [1, 1]} : vector<64x16xf32> to vector<64x1xf32>
    %jit3A_1469 = arith.constant 0.000000e+00 : f32
    %broadcast_in_dim3A_1470 = vector.shape_cast %slice3A_1468 : vector<64x1xf32> to vector<64x1xf32>
    %broadcast_in_dim3A_1471 = vector.broadcast %broadcast_in_dim3A_1470 : vector<64x1xf32> to vector<64x16xf32>
    %broadcast_in_dim3A_1472 = vector.broadcast %jit3A_1469 : f32 to vector<64x16xf32>
    %select_n3A_1473 = arith.select %eq3A_1467, %broadcast_in_dim3A_1471, %broadcast_in_dim3A_1472 : vector<64x16xi1>, vector<64x16xf32>
    %add3A_1474 = arith.addf %add3A_1464, %select_n3A_1473 : vector<64x16xf32>
    %eq3A_1475 = arith.constant 3 : i32
    %eq3A_1476 = vector.broadcast %eq3A_1475 : i32 to vector<64x16xi32>
    %eq3A_1477 = arith.cmpi eq, %select_n3A_1441, %eq3A_1476 : vector<64x16xi32>
    %slice3A_1478 = vector.extract_strided_slice %convert_element_type3A_1442 {offsets = [0, 3], sizes = [64, 1], strides = [1, 1]} : vector<64x16xf32> to vector<64x1xf32>
    %jit3A_1479 = arith.constant 0.000000e+00 : f32
    %broadcast_in_dim3A_1480 = vector.shape_cast %slice3A_1478 : vector<64x1xf32> to vector<64x1xf32>
    %broadcast_in_dim3A_1481 = vector.broadcast %broadcast_in_dim3A_1480 : vector<64x1xf32> to vector<64x16xf32>
    %broadcast_in_dim3A_1482 = vector.broadcast %jit3A_1479 : f32 to vector<64x16xf32>
    %select_n3A_1483 = arith.select %eq3A_1477, %broadcast_in_dim3A_1481, %broadcast_in_dim3A_1482 : vector<64x16xi1>, vector<64x16xf32>
    %add3A_1484 = arith.addf %add3A_1474, %select_n3A_1483 : vector<64x16xf32>
    %eq3A_1485 = arith.constant 4 : i32
    %eq3A_1486 = vector.broadcast %eq3A_1485 : i32 to vector<64x16xi32>
    %eq3A_1487 = arith.cmpi eq, %select_n3A_1441, %eq3A_1486 : vector<64x16xi32>
    %slice3A_1488 = vector.extract_strided_slice %convert_element_type3A_1442 {offsets = [0, 4], sizes = [64, 1], strides = [1, 1]} : vector<64x16xf32> to vector<64x1xf32>
    %jit3A_1489 = arith.constant 0.000000e+00 : f32
    %broadcast_in_dim3A_1490 = vector.shape_cast %slice3A_1488 : vector<64x1xf32> to vector<64x1xf32>
    %broadcast_in_dim3A_1491 = vector.broadcast %broadcast_in_dim3A_1490 : vector<64x1xf32> to vector<64x16xf32>
    %broadcast_in_dim3A_1492 = vector.broadcast %jit3A_1489 : f32 to vector<64x16xf32>
    %select_n3A_1493 = arith.select %eq3A_1487, %broadcast_in_dim3A_1491, %broadcast_in_dim3A_1492 : vector<64x16xi1>, vector<64x16xf32>
    %add3A_1494 = arith.addf %add3A_1484, %select_n3A_1493 : vector<64x16xf32>
    %eq3A_1495 = arith.constant 5 : i32
    %eq3A_1496 = vector.broadcast %eq3A_1495 : i32 to vector<64x16xi32>
    %eq3A_1497 = arith.cmpi eq, %select_n3A_1441, %eq3A_1496 : vector<64x16xi32>
    %slice3A_1498 = vector.extract_strided_slice %convert_element_type3A_1442 {offsets = [0, 5], sizes = [64, 1], strides = [1, 1]} : vector<64x16xf32> to vector<64x1xf32>
    %jit3A_1499 = arith.constant 0.000000e+00 : f32
    %broadcast_in_dim3A_1500 = vector.shape_cast %slice3A_1498 : vector<64x1xf32> to vector<64x1xf32>
    %broadcast_in_dim3A_1501 = vector.broadcast %broadcast_in_dim3A_1500 : vector<64x1xf32> to vector<64x16xf32>
    %broadcast_in_dim3A_1502 = vector.broadcast %jit3A_1499 : f32 to vector<64x16xf32>
    %select_n3A_1503 = arith.select %eq3A_1497, %broadcast_in_dim3A_1501, %broadcast_in_dim3A_1502 : vector<64x16xi1>, vector<64x16xf32>
    %add3A_1504 = arith.addf %add3A_1494, %select_n3A_1503 : vector<64x16xf32>
    %eq3A_1505 = arith.constant 6 : i32
    %eq3A_1506 = vector.broadcast %eq3A_1505 : i32 to vector<64x16xi32>
    %eq3A_1507 = arith.cmpi eq, %select_n3A_1441, %eq3A_1506 : vector<64x16xi32>
    %slice3A_1508 = vector.extract_strided_slice %convert_element_type3A_1442 {offsets = [0, 6], sizes = [64, 1], strides = [1, 1]} : vector<64x16xf32> to vector<64x1xf32>
    %jit3A_1509 = arith.constant 0.000000e+00 : f32
    %broadcast_in_dim3A_1510 = vector.shape_cast %slice3A_1508 : vector<64x1xf32> to vector<64x1xf32>
    %broadcast_in_dim3A_1511 = vector.broadcast %broadcast_in_dim3A_1510 : vector<64x1xf32> to vector<64x16xf32>
    %broadcast_in_dim3A_1512 = vector.broadcast %jit3A_1509 : f32 to vector<64x16xf32>
    %select_n3A_1513 = arith.select %eq3A_1507, %broadcast_in_dim3A_1511, %broadcast_in_dim3A_1512 : vector<64x16xi1>, vector<64x16xf32>
    %add3A_1514 = arith.addf %add3A_1504, %select_n3A_1513 : vector<64x16xf32>
    %eq3A_1515 = arith.constant 7 : i32
    %eq3A_1516 = vector.broadcast %eq3A_1515 : i32 to vector<64x16xi32>
    %eq3A_1517 = arith.cmpi eq, %select_n3A_1441, %eq3A_1516 : vector<64x16xi32>
    %slice3A_1518 = vector.extract_strided_slice %convert_element_type3A_1442 {offsets = [0, 7], sizes = [64, 1], strides = [1, 1]} : vector<64x16xf32> to vector<64x1xf32>
    %jit3A_1519 = arith.constant 0.000000e+00 : f32
    %broadcast_in_dim3A_1520 = vector.shape_cast %slice3A_1518 : vector<64x1xf32> to vector<64x1xf32>
    %broadcast_in_dim3A_1521 = vector.broadcast %broadcast_in_dim3A_1520 : vector<64x1xf32> to vector<64x16xf32>
    %broadcast_in_dim3A_1522 = vector.broadcast %jit3A_1519 : f32 to vector<64x16xf32>
    %select_n3A_1523 = arith.select %eq3A_1517, %broadcast_in_dim3A_1521, %broadcast_in_dim3A_1522 : vector<64x16xi1>, vector<64x16xf32>
    %add3A_1524 = arith.addf %add3A_1514, %select_n3A_1523 : vector<64x16xf32>
    %eq3A_1525 = arith.constant 8 : i32
    %eq3A_1526 = vector.broadcast %eq3A_1525 : i32 to vector<64x16xi32>
    %eq3A_1527 = arith.cmpi eq, %select_n3A_1441, %eq3A_1526 : vector<64x16xi32>
    %slice3A_1528 = vector.extract_strided_slice %convert_element_type3A_1442 {offsets = [0, 8], sizes = [64, 1], strides = [1, 1]} : vector<64x16xf32> to vector<64x1xf32>
    %jit3A_1529 = arith.constant 0.000000e+00 : f32
    %broadcast_in_dim3A_1530 = vector.shape_cast %slice3A_1528 : vector<64x1xf32> to vector<64x1xf32>
    %broadcast_in_dim3A_1531 = vector.broadcast %broadcast_in_dim3A_1530 : vector<64x1xf32> to vector<64x16xf32>
    %broadcast_in_dim3A_1532 = vector.broadcast %jit3A_1529 : f32 to vector<64x16xf32>
    %select_n3A_1533 = arith.select %eq3A_1527, %broadcast_in_dim3A_1531, %broadcast_in_dim3A_1532 : vector<64x16xi1>, vector<64x16xf32>
    %add3A_1534 = arith.addf %add3A_1524, %select_n3A_1533 : vector<64x16xf32>
    %eq3A_1535 = arith.constant 9 : i32
    %eq3A_1536 = vector.broadcast %eq3A_1535 : i32 to vector<64x16xi32>
    %eq3A_1537 = arith.cmpi eq, %select_n3A_1441, %eq3A_1536 : vector<64x16xi32>
    %slice3A_1538 = vector.extract_strided_slice %convert_element_type3A_1442 {offsets = [0, 9], sizes = [64, 1], strides = [1, 1]} : vector<64x16xf32> to vector<64x1xf32>
    %jit3A_1539 = arith.constant 0.000000e+00 : f32
    %broadcast_in_dim3A_1540 = vector.shape_cast %slice3A_1538 : vector<64x1xf32> to vector<64x1xf32>
    %broadcast_in_dim3A_1541 = vector.broadcast %broadcast_in_dim3A_1540 : vector<64x1xf32> to vector<64x16xf32>
    %broadcast_in_dim3A_1542 = vector.broadcast %jit3A_1539 : f32 to vector<64x16xf32>
    %select_n3A_1543 = arith.select %eq3A_1537, %broadcast_in_dim3A_1541, %broadcast_in_dim3A_1542 : vector<64x16xi1>, vector<64x16xf32>
    %add3A_1544 = arith.addf %add3A_1534, %select_n3A_1543 : vector<64x16xf32>
    %eq3A_1545 = arith.constant 10 : i32
    %eq3A_1546 = vector.broadcast %eq3A_1545 : i32 to vector<64x16xi32>
    %eq3A_1547 = arith.cmpi eq, %select_n3A_1441, %eq3A_1546 : vector<64x16xi32>
    %slice3A_1548 = vector.extract_strided_slice %convert_element_type3A_1442 {offsets = [0, 10], sizes = [64, 1], strides = [1, 1]} : vector<64x16xf32> to vector<64x1xf32>
    %jit3A_1549 = arith.constant 0.000000e+00 : f32
    %broadcast_in_dim3A_1550 = vector.shape_cast %slice3A_1548 : vector<64x1xf32> to vector<64x1xf32>
    %broadcast_in_dim3A_1551 = vector.broadcast %broadcast_in_dim3A_1550 : vector<64x1xf32> to vector<64x16xf32>
    %broadcast_in_dim3A_1552 = vector.broadcast %jit3A_1549 : f32 to vector<64x16xf32>
    %select_n3A_1553 = arith.select %eq3A_1547, %broadcast_in_dim3A_1551, %broadcast_in_dim3A_1552 : vector<64x16xi1>, vector<64x16xf32>
    %add3A_1554 = arith.addf %add3A_1544, %select_n3A_1553 : vector<64x16xf32>
    %eq3A_1555 = arith.constant 11 : i32
    %eq3A_1556 = vector.broadcast %eq3A_1555 : i32 to vector<64x16xi32>
    %eq3A_1557 = arith.cmpi eq, %select_n3A_1441, %eq3A_1556 : vector<64x16xi32>
    %slice3A_1558 = vector.extract_strided_slice %convert_element_type3A_1442 {offsets = [0, 11], sizes = [64, 1], strides = [1, 1]} : vector<64x16xf32> to vector<64x1xf32>
    %jit3A_1559 = arith.constant 0.000000e+00 : f32
    %broadcast_in_dim3A_1560 = vector.shape_cast %slice3A_1558 : vector<64x1xf32> to vector<64x1xf32>
    %broadcast_in_dim3A_1561 = vector.broadcast %broadcast_in_dim3A_1560 : vector<64x1xf32> to vector<64x16xf32>
    %broadcast_in_dim3A_1562 = vector.broadcast %jit3A_1559 : f32 to vector<64x16xf32>
    %select_n3A_1563 = arith.select %eq3A_1557, %broadcast_in_dim3A_1561, %broadcast_in_dim3A_1562 : vector<64x16xi1>, vector<64x16xf32>
    %add3A_1564 = arith.addf %add3A_1554, %select_n3A_1563 : vector<64x16xf32>
    %eq3A_1565 = arith.constant 12 : i32
    %eq3A_1566 = vector.broadcast %eq3A_1565 : i32 to vector<64x16xi32>
    %eq3A_1567 = arith.cmpi eq, %select_n3A_1441, %eq3A_1566 : vector<64x16xi32>
    %slice3A_1568 = vector.extract_strided_slice %convert_element_type3A_1442 {offsets = [0, 12], sizes = [64, 1], strides = [1, 1]} : vector<64x16xf32> to vector<64x1xf32>
    %jit3A_1569 = arith.constant 0.000000e+00 : f32
    %broadcast_in_dim3A_1570 = vector.shape_cast %slice3A_1568 : vector<64x1xf32> to vector<64x1xf32>
    %broadcast_in_dim3A_1571 = vector.broadcast %broadcast_in_dim3A_1570 : vector<64x1xf32> to vector<64x16xf32>
    %broadcast_in_dim3A_1572 = vector.broadcast %jit3A_1569 : f32 to vector<64x16xf32>
    %select_n3A_1573 = arith.select %eq3A_1567, %broadcast_in_dim3A_1571, %broadcast_in_dim3A_1572 : vector<64x16xi1>, vector<64x16xf32>
    %add3A_1574 = arith.addf %add3A_1564, %select_n3A_1573 : vector<64x16xf32>
    %eq3A_1575 = arith.constant 13 : i32
    %eq3A_1576 = vector.broadcast %eq3A_1575 : i32 to vector<64x16xi32>
    %eq3A_1577 = arith.cmpi eq, %select_n3A_1441, %eq3A_1576 : vector<64x16xi32>
    %slice3A_1578 = vector.extract_strided_slice %convert_element_type3A_1442 {offsets = [0, 13], sizes = [64, 1], strides = [1, 1]} : vector<64x16xf32> to vector<64x1xf32>
    %jit3A_1579 = arith.constant 0.000000e+00 : f32
    %broadcast_in_dim3A_1580 = vector.shape_cast %slice3A_1578 : vector<64x1xf32> to vector<64x1xf32>
    %broadcast_in_dim3A_1581 = vector.broadcast %broadcast_in_dim3A_1580 : vector<64x1xf32> to vector<64x16xf32>
    %broadcast_in_dim3A_1582 = vector.broadcast %jit3A_1579 : f32 to vector<64x16xf32>
    %select_n3A_1583 = arith.select %eq3A_1577, %broadcast_in_dim3A_1581, %broadcast_in_dim3A_1582 : vector<64x16xi1>, vector<64x16xf32>
    %add3A_1584 = arith.addf %add3A_1574, %select_n3A_1583 : vector<64x16xf32>
    %eq3A_1585 = arith.constant 14 : i32
    %eq3A_1586 = vector.broadcast %eq3A_1585 : i32 to vector<64x16xi32>
    %eq3A_1587 = arith.cmpi eq, %select_n3A_1441, %eq3A_1586 : vector<64x16xi32>
    %slice3A_1588 = vector.extract_strided_slice %convert_element_type3A_1442 {offsets = [0, 14], sizes = [64, 1], strides = [1, 1]} : vector<64x16xf32> to vector<64x1xf32>
    %jit3A_1589 = arith.constant 0.000000e+00 : f32
    %broadcast_in_dim3A_1590 = vector.shape_cast %slice3A_1588 : vector<64x1xf32> to vector<64x1xf32>
    %broadcast_in_dim3A_1591 = vector.broadcast %broadcast_in_dim3A_1590 : vector<64x1xf32> to vector<64x16xf32>
    %broadcast_in_dim3A_1592 = vector.broadcast %jit3A_1589 : f32 to vector<64x16xf32>
    %select_n3A_1593 = arith.select %eq3A_1587, %broadcast_in_dim3A_1591, %broadcast_in_dim3A_1592 : vector<64x16xi1>, vector<64x16xf32>
    %add3A_1594 = arith.addf %add3A_1584, %select_n3A_1593 : vector<64x16xf32>
    %eq3A_1595 = arith.constant 15 : i32
    %eq3A_1596 = vector.broadcast %eq3A_1595 : i32 to vector<64x16xi32>
    %eq3A_1597 = arith.cmpi eq, %select_n3A_1441, %eq3A_1596 : vector<64x16xi32>
    %slice3A_1598 = vector.extract_strided_slice %convert_element_type3A_1442 {offsets = [0, 15], sizes = [64, 1], strides = [1, 1]} : vector<64x16xf32> to vector<64x1xf32>
    %jit3A_1599 = arith.constant 0.000000e+00 : f32
    %broadcast_in_dim3A_1600 = vector.shape_cast %slice3A_1598 : vector<64x1xf32> to vector<64x1xf32>
    %broadcast_in_dim3A_1601 = vector.broadcast %broadcast_in_dim3A_1600 : vector<64x1xf32> to vector<64x16xf32>
    %broadcast_in_dim3A_1602 = vector.broadcast %jit3A_1599 : f32 to vector<64x16xf32>
    %select_n3A_1603 = arith.select %eq3A_1597, %broadcast_in_dim3A_1601, %broadcast_in_dim3A_1602 : vector<64x16xi1>, vector<64x16xf32>
    %add3A_1604 = arith.addf %add3A_1594, %select_n3A_1603 : vector<64x16xf32>
    %jit3A_1605 = arith.constant 16 : i32
    %eq3A_1606 = arith.constant 0 : i32
    %eq3A_1607 = arith.cmpi eq, %jit3A_1605, %eq3A_1606 : i32
    %jit3A_1608 = arith.constant 1 : i32
    %select_n3A_1609 = arith.select %eq3A_1607, %jit3A_1608, %jit3A_1605 : i32
    %rem3A_1610 = vector.broadcast %select_n3A_1609 : i32 to vector<64x16xi32>
    %rem3A_1611 = arith.remsi %select_n3A_1403, %rem3A_1610 : vector<64x16xi32>
    %ne3A_1612 = arith.constant 0 : i32
    %ne3A_1613 = vector.broadcast %ne3A_1612 : i32 to vector<64x16xi32>
    %ne3A_1614 = arith.cmpi ne, %rem3A_1611, %ne3A_1613 : vector<64x16xi32>
    %lt3A_1615 = arith.constant 0 : i32
    %lt3A_1616 = vector.broadcast %lt3A_1615 : i32 to vector<64x16xi32>
    %lt3A_1617 = arith.cmpi slt, %rem3A_1611, %lt3A_1616 : vector<64x16xi32>
    %lt3A_1618 = arith.constant 0 : i32
    %lt3A_1619 = arith.cmpi slt, %select_n3A_1609, %lt3A_1618 : i32
    %ne3A_1620 = vector.broadcast %lt3A_1619 : i1 to vector<64x16xi1>
    %ne3A_1621 = vector.broadcast %ne3A_1620 : vector<64x16xi1> to vector<64x16xi1>
    %ne3A_1622 = arith.xori %lt3A_1617, %ne3A_1621 : vector<64x16xi1>
    %and3A_1623 = arith.andi %ne3A_1622, %ne3A_1614 : vector<64x16xi1>
    %add3A_1624 = vector.broadcast %select_n3A_1609 : i32 to vector<64x16xi32>
    %add3A_1625 = arith.addi %rem3A_1611, %add3A_1624 : vector<64x16xi32>
    %select_n3A_1626 = arith.select %and3A_1623, %add3A_1625, %rem3A_1611 : vector<64x16xi1>, vector<64x16xi32>
    %convert_element_type3A_1627 = arith.sitofp %select_n3A_1242 : vector<64x16xi32> to vector<64x16xf32>
    %broadcast_in_dim3A_1628 = arith.constant 0.000000e+00 : f32
    %broadcast_in_dim3A_1629 = vector.broadcast %broadcast_in_dim3A_1628 : f32 to vector<64x16xf32>
    %eq3A_1630 = arith.constant 0 : i32
    %eq3A_1631 = vector.broadcast %eq3A_1630 : i32 to vector<64x16xi32>
    %eq3A_1632 = arith.cmpi eq, %select_n3A_1626, %eq3A_1631 : vector<64x16xi32>
    %slice3A_1633 = vector.extract_strided_slice %convert_element_type3A_1627 {offsets = [0, 0], sizes = [64, 1], strides = [1, 1]} : vector<64x16xf32> to vector<64x1xf32>
    %jit3A_1634 = arith.constant 0.000000e+00 : f32
    %broadcast_in_dim3A_1635 = vector.shape_cast %slice3A_1633 : vector<64x1xf32> to vector<64x1xf32>
    %broadcast_in_dim3A_1636 = vector.broadcast %broadcast_in_dim3A_1635 : vector<64x1xf32> to vector<64x16xf32>
    %broadcast_in_dim3A_1637 = vector.broadcast %jit3A_1634 : f32 to vector<64x16xf32>
    %select_n3A_1638 = arith.select %eq3A_1632, %broadcast_in_dim3A_1636, %broadcast_in_dim3A_1637 : vector<64x16xi1>, vector<64x16xf32>
    %add3A_1639 = arith.addf %broadcast_in_dim3A_1629, %select_n3A_1638 : vector<64x16xf32>
    %eq3A_1640 = arith.constant 1 : i32
    %eq3A_1641 = vector.broadcast %eq3A_1640 : i32 to vector<64x16xi32>
    %eq3A_1642 = arith.cmpi eq, %select_n3A_1626, %eq3A_1641 : vector<64x16xi32>
    %slice3A_1643 = vector.extract_strided_slice %convert_element_type3A_1627 {offsets = [0, 1], sizes = [64, 1], strides = [1, 1]} : vector<64x16xf32> to vector<64x1xf32>
    %jit3A_1644 = arith.constant 0.000000e+00 : f32
    %broadcast_in_dim3A_1645 = vector.shape_cast %slice3A_1643 : vector<64x1xf32> to vector<64x1xf32>
    %broadcast_in_dim3A_1646 = vector.broadcast %broadcast_in_dim3A_1645 : vector<64x1xf32> to vector<64x16xf32>
    %broadcast_in_dim3A_1647 = vector.broadcast %jit3A_1644 : f32 to vector<64x16xf32>
    %select_n3A_1648 = arith.select %eq3A_1642, %broadcast_in_dim3A_1646, %broadcast_in_dim3A_1647 : vector<64x16xi1>, vector<64x16xf32>
    %add3A_1649 = arith.addf %add3A_1639, %select_n3A_1648 : vector<64x16xf32>
    %eq3A_1650 = arith.constant 2 : i32
    %eq3A_1651 = vector.broadcast %eq3A_1650 : i32 to vector<64x16xi32>
    %eq3A_1652 = arith.cmpi eq, %select_n3A_1626, %eq3A_1651 : vector<64x16xi32>
    %slice3A_1653 = vector.extract_strided_slice %convert_element_type3A_1627 {offsets = [0, 2], sizes = [64, 1], strides = [1, 1]} : vector<64x16xf32> to vector<64x1xf32>
    %jit3A_1654 = arith.constant 0.000000e+00 : f32
    %broadcast_in_dim3A_1655 = vector.shape_cast %slice3A_1653 : vector<64x1xf32> to vector<64x1xf32>
    %broadcast_in_dim3A_1656 = vector.broadcast %broadcast_in_dim3A_1655 : vector<64x1xf32> to vector<64x16xf32>
    %broadcast_in_dim3A_1657 = vector.broadcast %jit3A_1654 : f32 to vector<64x16xf32>
    %select_n3A_1658 = arith.select %eq3A_1652, %broadcast_in_dim3A_1656, %broadcast_in_dim3A_1657 : vector<64x16xi1>, vector<64x16xf32>
    %add3A_1659 = arith.addf %add3A_1649, %select_n3A_1658 : vector<64x16xf32>
    %eq3A_1660 = arith.constant 3 : i32
    %eq3A_1661 = vector.broadcast %eq3A_1660 : i32 to vector<64x16xi32>
    %eq3A_1662 = arith.cmpi eq, %select_n3A_1626, %eq3A_1661 : vector<64x16xi32>
    %slice3A_1663 = vector.extract_strided_slice %convert_element_type3A_1627 {offsets = [0, 3], sizes = [64, 1], strides = [1, 1]} : vector<64x16xf32> to vector<64x1xf32>
    %jit3A_1664 = arith.constant 0.000000e+00 : f32
    %broadcast_in_dim3A_1665 = vector.shape_cast %slice3A_1663 : vector<64x1xf32> to vector<64x1xf32>
    %broadcast_in_dim3A_1666 = vector.broadcast %broadcast_in_dim3A_1665 : vector<64x1xf32> to vector<64x16xf32>
    %broadcast_in_dim3A_1667 = vector.broadcast %jit3A_1664 : f32 to vector<64x16xf32>
    %select_n3A_1668 = arith.select %eq3A_1662, %broadcast_in_dim3A_1666, %broadcast_in_dim3A_1667 : vector<64x16xi1>, vector<64x16xf32>
    %add3A_1669 = arith.addf %add3A_1659, %select_n3A_1668 : vector<64x16xf32>
    %eq3A_1670 = arith.constant 4 : i32
    %eq3A_1671 = vector.broadcast %eq3A_1670 : i32 to vector<64x16xi32>
    %eq3A_1672 = arith.cmpi eq, %select_n3A_1626, %eq3A_1671 : vector<64x16xi32>
    %slice3A_1673 = vector.extract_strided_slice %convert_element_type3A_1627 {offsets = [0, 4], sizes = [64, 1], strides = [1, 1]} : vector<64x16xf32> to vector<64x1xf32>
    %jit3A_1674 = arith.constant 0.000000e+00 : f32
    %broadcast_in_dim3A_1675 = vector.shape_cast %slice3A_1673 : vector<64x1xf32> to vector<64x1xf32>
    %broadcast_in_dim3A_1676 = vector.broadcast %broadcast_in_dim3A_1675 : vector<64x1xf32> to vector<64x16xf32>
    %broadcast_in_dim3A_1677 = vector.broadcast %jit3A_1674 : f32 to vector<64x16xf32>
    %select_n3A_1678 = arith.select %eq3A_1672, %broadcast_in_dim3A_1676, %broadcast_in_dim3A_1677 : vector<64x16xi1>, vector<64x16xf32>
    %add3A_1679 = arith.addf %add3A_1669, %select_n3A_1678 : vector<64x16xf32>
    %eq3A_1680 = arith.constant 5 : i32
    %eq3A_1681 = vector.broadcast %eq3A_1680 : i32 to vector<64x16xi32>
    %eq3A_1682 = arith.cmpi eq, %select_n3A_1626, %eq3A_1681 : vector<64x16xi32>
    %slice3A_1683 = vector.extract_strided_slice %convert_element_type3A_1627 {offsets = [0, 5], sizes = [64, 1], strides = [1, 1]} : vector<64x16xf32> to vector<64x1xf32>
    %jit3A_1684 = arith.constant 0.000000e+00 : f32
    %broadcast_in_dim3A_1685 = vector.shape_cast %slice3A_1683 : vector<64x1xf32> to vector<64x1xf32>
    %broadcast_in_dim3A_1686 = vector.broadcast %broadcast_in_dim3A_1685 : vector<64x1xf32> to vector<64x16xf32>
    %broadcast_in_dim3A_1687 = vector.broadcast %jit3A_1684 : f32 to vector<64x16xf32>
    %select_n3A_1688 = arith.select %eq3A_1682, %broadcast_in_dim3A_1686, %broadcast_in_dim3A_1687 : vector<64x16xi1>, vector<64x16xf32>
    %add3A_1689 = arith.addf %add3A_1679, %select_n3A_1688 : vector<64x16xf32>
    %eq3A_1690 = arith.constant 6 : i32
    %eq3A_1691 = vector.broadcast %eq3A_1690 : i32 to vector<64x16xi32>
    %eq3A_1692 = arith.cmpi eq, %select_n3A_1626, %eq3A_1691 : vector<64x16xi32>
    %slice3A_1693 = vector.extract_strided_slice %convert_element_type3A_1627 {offsets = [0, 6], sizes = [64, 1], strides = [1, 1]} : vector<64x16xf32> to vector<64x1xf32>
    %jit3A_1694 = arith.constant 0.000000e+00 : f32
    %broadcast_in_dim3A_1695 = vector.shape_cast %slice3A_1693 : vector<64x1xf32> to vector<64x1xf32>
    %broadcast_in_dim3A_1696 = vector.broadcast %broadcast_in_dim3A_1695 : vector<64x1xf32> to vector<64x16xf32>
    %broadcast_in_dim3A_1697 = vector.broadcast %jit3A_1694 : f32 to vector<64x16xf32>
    %select_n3A_1698 = arith.select %eq3A_1692, %broadcast_in_dim3A_1696, %broadcast_in_dim3A_1697 : vector<64x16xi1>, vector<64x16xf32>
    %add3A_1699 = arith.addf %add3A_1689, %select_n3A_1698 : vector<64x16xf32>
    %eq3A_1700 = arith.constant 7 : i32
    %eq3A_1701 = vector.broadcast %eq3A_1700 : i32 to vector<64x16xi32>
    %eq3A_1702 = arith.cmpi eq, %select_n3A_1626, %eq3A_1701 : vector<64x16xi32>
    %slice3A_1703 = vector.extract_strided_slice %convert_element_type3A_1627 {offsets = [0, 7], sizes = [64, 1], strides = [1, 1]} : vector<64x16xf32> to vector<64x1xf32>
    %jit3A_1704 = arith.constant 0.000000e+00 : f32
    %broadcast_in_dim3A_1705 = vector.shape_cast %slice3A_1703 : vector<64x1xf32> to vector<64x1xf32>
    %broadcast_in_dim3A_1706 = vector.broadcast %broadcast_in_dim3A_1705 : vector<64x1xf32> to vector<64x16xf32>
    %broadcast_in_dim3A_1707 = vector.broadcast %jit3A_1704 : f32 to vector<64x16xf32>
    %select_n3A_1708 = arith.select %eq3A_1702, %broadcast_in_dim3A_1706, %broadcast_in_dim3A_1707 : vector<64x16xi1>, vector<64x16xf32>
    %add3A_1709 = arith.addf %add3A_1699, %select_n3A_1708 : vector<64x16xf32>
    %eq3A_1710 = arith.constant 8 : i32
    %eq3A_1711 = vector.broadcast %eq3A_1710 : i32 to vector<64x16xi32>
    %eq3A_1712 = arith.cmpi eq, %select_n3A_1626, %eq3A_1711 : vector<64x16xi32>
    %slice3A_1713 = vector.extract_strided_slice %convert_element_type3A_1627 {offsets = [0, 8], sizes = [64, 1], strides = [1, 1]} : vector<64x16xf32> to vector<64x1xf32>
    %jit3A_1714 = arith.constant 0.000000e+00 : f32
    %broadcast_in_dim3A_1715 = vector.shape_cast %slice3A_1713 : vector<64x1xf32> to vector<64x1xf32>
    %broadcast_in_dim3A_1716 = vector.broadcast %broadcast_in_dim3A_1715 : vector<64x1xf32> to vector<64x16xf32>
    %broadcast_in_dim3A_1717 = vector.broadcast %jit3A_1714 : f32 to vector<64x16xf32>
    %select_n3A_1718 = arith.select %eq3A_1712, %broadcast_in_dim3A_1716, %broadcast_in_dim3A_1717 : vector<64x16xi1>, vector<64x16xf32>
    %add3A_1719 = arith.addf %add3A_1709, %select_n3A_1718 : vector<64x16xf32>
    %eq3A_1720 = arith.constant 9 : i32
    %eq3A_1721 = vector.broadcast %eq3A_1720 : i32 to vector<64x16xi32>
    %eq3A_1722 = arith.cmpi eq, %select_n3A_1626, %eq3A_1721 : vector<64x16xi32>
    %slice3A_1723 = vector.extract_strided_slice %convert_element_type3A_1627 {offsets = [0, 9], sizes = [64, 1], strides = [1, 1]} : vector<64x16xf32> to vector<64x1xf32>
    %jit3A_1724 = arith.constant 0.000000e+00 : f32
    %broadcast_in_dim3A_1725 = vector.shape_cast %slice3A_1723 : vector<64x1xf32> to vector<64x1xf32>
    %broadcast_in_dim3A_1726 = vector.broadcast %broadcast_in_dim3A_1725 : vector<64x1xf32> to vector<64x16xf32>
    %broadcast_in_dim3A_1727 = vector.broadcast %jit3A_1724 : f32 to vector<64x16xf32>
    %select_n3A_1728 = arith.select %eq3A_1722, %broadcast_in_dim3A_1726, %broadcast_in_dim3A_1727 : vector<64x16xi1>, vector<64x16xf32>
    %add3A_1729 = arith.addf %add3A_1719, %select_n3A_1728 : vector<64x16xf32>
    %eq3A_1730 = arith.constant 10 : i32
    %eq3A_1731 = vector.broadcast %eq3A_1730 : i32 to vector<64x16xi32>
    %eq3A_1732 = arith.cmpi eq, %select_n3A_1626, %eq3A_1731 : vector<64x16xi32>
    %slice3A_1733 = vector.extract_strided_slice %convert_element_type3A_1627 {offsets = [0, 10], sizes = [64, 1], strides = [1, 1]} : vector<64x16xf32> to vector<64x1xf32>
    %jit3A_1734 = arith.constant 0.000000e+00 : f32
    %broadcast_in_dim3A_1735 = vector.shape_cast %slice3A_1733 : vector<64x1xf32> to vector<64x1xf32>
    %broadcast_in_dim3A_1736 = vector.broadcast %broadcast_in_dim3A_1735 : vector<64x1xf32> to vector<64x16xf32>
    %broadcast_in_dim3A_1737 = vector.broadcast %jit3A_1734 : f32 to vector<64x16xf32>
    %select_n3A_1738 = arith.select %eq3A_1732, %broadcast_in_dim3A_1736, %broadcast_in_dim3A_1737 : vector<64x16xi1>, vector<64x16xf32>
    %add3A_1739 = arith.addf %add3A_1729, %select_n3A_1738 : vector<64x16xf32>
    %eq3A_1740 = arith.constant 11 : i32
    %eq3A_1741 = vector.broadcast %eq3A_1740 : i32 to vector<64x16xi32>
    %eq3A_1742 = arith.cmpi eq, %select_n3A_1626, %eq3A_1741 : vector<64x16xi32>
    %slice3A_1743 = vector.extract_strided_slice %convert_element_type3A_1627 {offsets = [0, 11], sizes = [64, 1], strides = [1, 1]} : vector<64x16xf32> to vector<64x1xf32>
    %jit3A_1744 = arith.constant 0.000000e+00 : f32
    %broadcast_in_dim3A_1745 = vector.shape_cast %slice3A_1743 : vector<64x1xf32> to vector<64x1xf32>
    %broadcast_in_dim3A_1746 = vector.broadcast %broadcast_in_dim3A_1745 : vector<64x1xf32> to vector<64x16xf32>
    %broadcast_in_dim3A_1747 = vector.broadcast %jit3A_1744 : f32 to vector<64x16xf32>
    %select_n3A_1748 = arith.select %eq3A_1742, %broadcast_in_dim3A_1746, %broadcast_in_dim3A_1747 : vector<64x16xi1>, vector<64x16xf32>
    %add3A_1749 = arith.addf %add3A_1739, %select_n3A_1748 : vector<64x16xf32>
    %eq3A_1750 = arith.constant 12 : i32
    %eq3A_1751 = vector.broadcast %eq3A_1750 : i32 to vector<64x16xi32>
    %eq3A_1752 = arith.cmpi eq, %select_n3A_1626, %eq3A_1751 : vector<64x16xi32>
    %slice3A_1753 = vector.extract_strided_slice %convert_element_type3A_1627 {offsets = [0, 12], sizes = [64, 1], strides = [1, 1]} : vector<64x16xf32> to vector<64x1xf32>
    %jit3A_1754 = arith.constant 0.000000e+00 : f32
    %broadcast_in_dim3A_1755 = vector.shape_cast %slice3A_1753 : vector<64x1xf32> to vector<64x1xf32>
    %broadcast_in_dim3A_1756 = vector.broadcast %broadcast_in_dim3A_1755 : vector<64x1xf32> to vector<64x16xf32>
    %broadcast_in_dim3A_1757 = vector.broadcast %jit3A_1754 : f32 to vector<64x16xf32>
    %select_n3A_1758 = arith.select %eq3A_1752, %broadcast_in_dim3A_1756, %broadcast_in_dim3A_1757 : vector<64x16xi1>, vector<64x16xf32>
    %add3A_1759 = arith.addf %add3A_1749, %select_n3A_1758 : vector<64x16xf32>
    %eq3A_1760 = arith.constant 13 : i32
    %eq3A_1761 = vector.broadcast %eq3A_1760 : i32 to vector<64x16xi32>
    %eq3A_1762 = arith.cmpi eq, %select_n3A_1626, %eq3A_1761 : vector<64x16xi32>
    %slice3A_1763 = vector.extract_strided_slice %convert_element_type3A_1627 {offsets = [0, 13], sizes = [64, 1], strides = [1, 1]} : vector<64x16xf32> to vector<64x1xf32>
    %jit3A_1764 = arith.constant 0.000000e+00 : f32
    %broadcast_in_dim3A_1765 = vector.shape_cast %slice3A_1763 : vector<64x1xf32> to vector<64x1xf32>
    %broadcast_in_dim3A_1766 = vector.broadcast %broadcast_in_dim3A_1765 : vector<64x1xf32> to vector<64x16xf32>
    %broadcast_in_dim3A_1767 = vector.broadcast %jit3A_1764 : f32 to vector<64x16xf32>
    %select_n3A_1768 = arith.select %eq3A_1762, %broadcast_in_dim3A_1766, %broadcast_in_dim3A_1767 : vector<64x16xi1>, vector<64x16xf32>
    %add3A_1769 = arith.addf %add3A_1759, %select_n3A_1768 : vector<64x16xf32>
    %eq3A_1770 = arith.constant 14 : i32
    %eq3A_1771 = vector.broadcast %eq3A_1770 : i32 to vector<64x16xi32>
    %eq3A_1772 = arith.cmpi eq, %select_n3A_1626, %eq3A_1771 : vector<64x16xi32>
    %slice3A_1773 = vector.extract_strided_slice %convert_element_type3A_1627 {offsets = [0, 14], sizes = [64, 1], strides = [1, 1]} : vector<64x16xf32> to vector<64x1xf32>
    %jit3A_1774 = arith.constant 0.000000e+00 : f32
    %broadcast_in_dim3A_1775 = vector.shape_cast %slice3A_1773 : vector<64x1xf32> to vector<64x1xf32>
    %broadcast_in_dim3A_1776 = vector.broadcast %broadcast_in_dim3A_1775 : vector<64x1xf32> to vector<64x16xf32>
    %broadcast_in_dim3A_1777 = vector.broadcast %jit3A_1774 : f32 to vector<64x16xf32>
    %select_n3A_1778 = arith.select %eq3A_1772, %broadcast_in_dim3A_1776, %broadcast_in_dim3A_1777 : vector<64x16xi1>, vector<64x16xf32>
    %add3A_1779 = arith.addf %add3A_1769, %select_n3A_1778 : vector<64x16xf32>
    %eq3A_1780 = arith.constant 15 : i32
    %eq3A_1781 = vector.broadcast %eq3A_1780 : i32 to vector<64x16xi32>
    %eq3A_1782 = arith.cmpi eq, %select_n3A_1626, %eq3A_1781 : vector<64x16xi32>
    %slice3A_1783 = vector.extract_strided_slice %convert_element_type3A_1627 {offsets = [0, 15], sizes = [64, 1], strides = [1, 1]} : vector<64x16xf32> to vector<64x1xf32>
    %jit3A_1784 = arith.constant 0.000000e+00 : f32
    %broadcast_in_dim3A_1785 = vector.shape_cast %slice3A_1783 : vector<64x1xf32> to vector<64x1xf32>
    %broadcast_in_dim3A_1786 = vector.broadcast %broadcast_in_dim3A_1785 : vector<64x1xf32> to vector<64x16xf32>
    %broadcast_in_dim3A_1787 = vector.broadcast %jit3A_1784 : f32 to vector<64x16xf32>
    %select_n3A_1788 = arith.select %eq3A_1782, %broadcast_in_dim3A_1786, %broadcast_in_dim3A_1787 : vector<64x16xi1>, vector<64x16xf32>
    %add3A_1789 = arith.addf %add3A_1779, %select_n3A_1788 : vector<64x16xf32>
    %reduce_max3A_1790 = arith.constant dense<0xFF800000> : vector<64xf32>
    %reduce_max3A_1791 = vector.multi_reduction <maximumf>, %bitcast_convert_type3A_1410, %reduce_max3A_1790 [1] : vector<64x16xf32> to vector<64xf32>
    %broadcast_in_dim3A_1792 = vector.shape_cast %reduce_max3A_1791 : vector<64xf32> to vector<64x1xf32>
    %sub3A_1793 = vector.broadcast %broadcast_in_dim3A_1792 : vector<64x1xf32> to vector<64x16xf32>
    %sub3A_1794 = arith.subf %bitcast_convert_type3A_1410, %sub3A_1793 : vector<64x16xf32>
    %exp3A_1795 = math.exp %sub3A_1794 : vector<64x16xf32>
    %reduce_sum3A_1796 = arith.constant dense<0.000000e+00> : vector<64xf32>
    %reduce_sum3A_1797 = vector.multi_reduction <add>, %exp3A_1795, %reduce_sum3A_1796 [1] : vector<64x16xf32> to vector<64xf32>
    %broadcast_in_dim3A_1798 = vector.shape_cast %reduce_sum3A_1797 : vector<64xf32> to vector<64x1xf32>
    %div3A_1799 = vector.broadcast %broadcast_in_dim3A_1798 : vector<64x1xf32> to vector<64x16xf32>
    %div3A_1800 = arith.divf %exp3A_1795, %div3A_1799 : vector<64x16xf32>
    %mul3A_1801 = arith.constant 2.560000e+02 : f32
    %mul3A_1802 = vector.broadcast %mul3A_1801 : f32 to vector<64x16xf32>
    %mul3A_1803 = arith.mulf %add3A_1604, %mul3A_1802 : vector<64x16xf32>
    %add3A_1804 = arith.addf %mul3A_1803, %add3A_1789 : vector<64x16xf32>
    %convert_element_type3A_1805 = arith.fptosi %add3A_1804 : vector<64x16xf32> to vector<64x16xi32>
    %slice3A_1806 = vector.extract_strided_slice %dot_general3A_15 {offsets = [128, 0], sizes = [64, 256], strides = [1, 1]} : vector<256x256xf32> to vector<64x256xf32>
    %bitcast_convert_type3A_1807 = tpu.bitcast %slice3A_1806 : vector<64x256xf32> -> vector<64x256xi32>
    %iota3A_1808 = tpu.iota {dimensions = array<i32: 1>} : vector<64x256xi32>
    %lt3A_1809 = arith.constant 0 : i32
    %lt3A_1810 = vector.broadcast %lt3A_1809 : i32 to vector<64x256xi32>
    %lt3A_1811 = arith.cmpi slt, %bitcast_convert_type3A_1807, %lt3A_1810 : vector<64x256xi32>
    %sub3A_1812 = arith.constant 255 : i32
    %sub3A_1813 = vector.broadcast %sub3A_1812 : i32 to vector<64x256xi32>
    %sub3A_1814 = arith.subi %sub3A_1813, %iota3A_1808 : vector<64x256xi32>
    %select_n3A_1815 = arith.select %lt3A_1811, %iota3A_1808, %sub3A_1814 : vector<64x256xi1>, vector<64x256xi32>
    %and3A_1816 = arith.constant -256 : i32
    %and3A_1817 = vector.broadcast %and3A_1816 : i32 to vector<64x256xi32>
    %and3A_1818 = arith.andi %bitcast_convert_type3A_1807, %and3A_1817 : vector<64x256xi32>
    %or3A_1819 = arith.ori %and3A_1818, %select_n3A_1815 : vector<64x256xi32>
    %bitcast_convert_type3A_1820 = tpu.bitcast %or3A_1819 : vector<64x256xi32> -> vector<64x256xf32>
    %reduce_max3A_1821 = arith.constant dense<0xFF800000> : vector<64xf32>
    %reduce_max3A_1822 = vector.multi_reduction <maximumf>, %bitcast_convert_type3A_1820, %reduce_max3A_1821 [1] : vector<64x256xf32> to vector<64xf32>
    %broadcast_in_dim3A_1823 = vector.shape_cast %reduce_max3A_1822 : vector<64xf32> to vector<64x1xf32>
    %eq3A_1824 = vector.broadcast %broadcast_in_dim3A_1823 : vector<64x1xf32> to vector<64x256xf32>
    %eq3A_1825 = arith.cmpf oeq, %bitcast_convert_type3A_1820, %eq3A_1824 : vector<64x256xf32>
    %jit3A_1826 = arith.constant 0xFF800000 : f32
    %broadcast_in_dim3A_1827 = vector.broadcast %jit3A_1826 : f32 to vector<64x256xf32>
    %select_n3A_1828 = arith.select %eq3A_1825, %broadcast_in_dim3A_1827, %bitcast_convert_type3A_1820 : vector<64x256xi1>, vector<64x256xf32>
    %reduce_max3A_1829 = arith.constant dense<0xFF800000> : vector<64xf32>
    %reduce_max3A_1830 = vector.multi_reduction <maximumf>, %select_n3A_1828, %reduce_max3A_1829 [1] : vector<64x256xf32> to vector<64xf32>
    %broadcast_in_dim3A_1831 = vector.shape_cast %reduce_max3A_1830 : vector<64xf32> to vector<64x1xf32>
    %eq3A_1832 = vector.broadcast %broadcast_in_dim3A_1831 : vector<64x1xf32> to vector<64x256xf32>
    %eq3A_1833 = arith.cmpf oeq, %select_n3A_1828, %eq3A_1832 : vector<64x256xf32>
    %jit3A_1834 = arith.constant 0xFF800000 : f32
    %broadcast_in_dim3A_1835 = vector.broadcast %jit3A_1834 : f32 to vector<64x256xf32>
    %select_n3A_1836 = arith.select %eq3A_1833, %broadcast_in_dim3A_1835, %select_n3A_1828 : vector<64x256xi1>, vector<64x256xf32>
    %reduce_max3A_1837 = arith.constant dense<0xFF800000> : vector<64xf32>
    %reduce_max3A_1838 = vector.multi_reduction <maximumf>, %select_n3A_1836, %reduce_max3A_1837 [1] : vector<64x256xf32> to vector<64xf32>
    %broadcast_in_dim3A_1839 = vector.shape_cast %reduce_max3A_1838 : vector<64xf32> to vector<64x1xf32>
    %eq3A_1840 = vector.broadcast %broadcast_in_dim3A_1839 : vector<64x1xf32> to vector<64x256xf32>
    %eq3A_1841 = arith.cmpf oeq, %select_n3A_1836, %eq3A_1840 : vector<64x256xf32>
    %jit3A_1842 = arith.constant 0xFF800000 : f32
    %broadcast_in_dim3A_1843 = vector.broadcast %jit3A_1842 : f32 to vector<64x256xf32>
    %select_n3A_1844 = arith.select %eq3A_1841, %broadcast_in_dim3A_1843, %select_n3A_1836 : vector<64x256xi1>, vector<64x256xf32>
    %reduce_max3A_1845 = arith.constant dense<0xFF800000> : vector<64xf32>
    %reduce_max3A_1846 = vector.multi_reduction <maximumf>, %select_n3A_1844, %reduce_max3A_1845 [1] : vector<64x256xf32> to vector<64xf32>
    %broadcast_in_dim3A_1847 = vector.shape_cast %reduce_max3A_1846 : vector<64xf32> to vector<64x1xf32>
    %eq3A_1848 = vector.broadcast %broadcast_in_dim3A_1847 : vector<64x1xf32> to vector<64x256xf32>
    %eq3A_1849 = arith.cmpf oeq, %select_n3A_1844, %eq3A_1848 : vector<64x256xf32>
    %jit3A_1850 = arith.constant 0xFF800000 : f32
    %broadcast_in_dim3A_1851 = vector.broadcast %jit3A_1850 : f32 to vector<64x256xf32>
    %select_n3A_1852 = arith.select %eq3A_1849, %broadcast_in_dim3A_1851, %select_n3A_1844 : vector<64x256xi1>, vector<64x256xf32>
    %reduce_max3A_1853 = arith.constant dense<0xFF800000> : vector<64xf32>
    %reduce_max3A_1854 = vector.multi_reduction <maximumf>, %select_n3A_1852, %reduce_max3A_1853 [1] : vector<64x256xf32> to vector<64xf32>
    %broadcast_in_dim3A_1855 = vector.shape_cast %reduce_max3A_1854 : vector<64xf32> to vector<64x1xf32>
    %eq3A_1856 = vector.broadcast %broadcast_in_dim3A_1855 : vector<64x1xf32> to vector<64x256xf32>
    %eq3A_1857 = arith.cmpf oeq, %select_n3A_1852, %eq3A_1856 : vector<64x256xf32>
    %jit3A_1858 = arith.constant 0xFF800000 : f32
    %broadcast_in_dim3A_1859 = vector.broadcast %jit3A_1858 : f32 to vector<64x256xf32>
    %select_n3A_1860 = arith.select %eq3A_1857, %broadcast_in_dim3A_1859, %select_n3A_1852 : vector<64x256xi1>, vector<64x256xf32>
    %reduce_max3A_1861 = arith.constant dense<0xFF800000> : vector<64xf32>
    %reduce_max3A_1862 = vector.multi_reduction <maximumf>, %select_n3A_1860, %reduce_max3A_1861 [1] : vector<64x256xf32> to vector<64xf32>
    %broadcast_in_dim3A_1863 = vector.shape_cast %reduce_max3A_1862 : vector<64xf32> to vector<64x1xf32>
    %eq3A_1864 = vector.broadcast %broadcast_in_dim3A_1863 : vector<64x1xf32> to vector<64x256xf32>
    %eq3A_1865 = arith.cmpf oeq, %select_n3A_1860, %eq3A_1864 : vector<64x256xf32>
    %jit3A_1866 = arith.constant 0xFF800000 : f32
    %broadcast_in_dim3A_1867 = vector.broadcast %jit3A_1866 : f32 to vector<64x256xf32>
    %select_n3A_1868 = arith.select %eq3A_1865, %broadcast_in_dim3A_1867, %select_n3A_1860 : vector<64x256xi1>, vector<64x256xf32>
    %reduce_max3A_1869 = arith.constant dense<0xFF800000> : vector<64xf32>
    %reduce_max3A_1870 = vector.multi_reduction <maximumf>, %select_n3A_1868, %reduce_max3A_1869 [1] : vector<64x256xf32> to vector<64xf32>
    %broadcast_in_dim3A_1871 = vector.shape_cast %reduce_max3A_1870 : vector<64xf32> to vector<64x1xf32>
    %eq3A_1872 = vector.broadcast %broadcast_in_dim3A_1871 : vector<64x1xf32> to vector<64x256xf32>
    %eq3A_1873 = arith.cmpf oeq, %select_n3A_1868, %eq3A_1872 : vector<64x256xf32>
    %jit3A_1874 = arith.constant 0xFF800000 : f32
    %broadcast_in_dim3A_1875 = vector.broadcast %jit3A_1874 : f32 to vector<64x256xf32>
    %select_n3A_1876 = arith.select %eq3A_1873, %broadcast_in_dim3A_1875, %select_n3A_1868 : vector<64x256xi1>, vector<64x256xf32>
    %reduce_max3A_1877 = arith.constant dense<0xFF800000> : vector<64xf32>
    %reduce_max3A_1878 = vector.multi_reduction <maximumf>, %select_n3A_1876, %reduce_max3A_1877 [1] : vector<64x256xf32> to vector<64xf32>
    %broadcast_in_dim3A_1879 = vector.shape_cast %reduce_max3A_1878 : vector<64xf32> to vector<64x1xf32>
    %eq3A_1880 = vector.broadcast %broadcast_in_dim3A_1879 : vector<64x1xf32> to vector<64x256xf32>
    %eq3A_1881 = arith.cmpf oeq, %select_n3A_1876, %eq3A_1880 : vector<64x256xf32>
    %jit3A_1882 = arith.constant 0xFF800000 : f32
    %broadcast_in_dim3A_1883 = vector.broadcast %jit3A_1882 : f32 to vector<64x256xf32>
    %select_n3A_1884 = arith.select %eq3A_1881, %broadcast_in_dim3A_1883, %select_n3A_1876 : vector<64x256xi1>, vector<64x256xf32>
    %reduce_max3A_1885 = arith.constant dense<0xFF800000> : vector<64xf32>
    %reduce_max3A_1886 = vector.multi_reduction <maximumf>, %select_n3A_1884, %reduce_max3A_1885 [1] : vector<64x256xf32> to vector<64xf32>
    %broadcast_in_dim3A_1887 = vector.shape_cast %reduce_max3A_1886 : vector<64xf32> to vector<64x1xf32>
    %eq3A_1888 = vector.broadcast %broadcast_in_dim3A_1887 : vector<64x1xf32> to vector<64x256xf32>
    %eq3A_1889 = arith.cmpf oeq, %select_n3A_1884, %eq3A_1888 : vector<64x256xf32>
    %jit3A_1890 = arith.constant 0xFF800000 : f32
    %broadcast_in_dim3A_1891 = vector.broadcast %jit3A_1890 : f32 to vector<64x256xf32>
    %select_n3A_1892 = arith.select %eq3A_1889, %broadcast_in_dim3A_1891, %select_n3A_1884 : vector<64x256xi1>, vector<64x256xf32>
    %reduce_max3A_1893 = arith.constant dense<0xFF800000> : vector<64xf32>
    %reduce_max3A_1894 = vector.multi_reduction <maximumf>, %select_n3A_1892, %reduce_max3A_1893 [1] : vector<64x256xf32> to vector<64xf32>
    %broadcast_in_dim3A_1895 = vector.shape_cast %reduce_max3A_1894 : vector<64xf32> to vector<64x1xf32>
    %eq3A_1896 = vector.broadcast %broadcast_in_dim3A_1895 : vector<64x1xf32> to vector<64x256xf32>
    %eq3A_1897 = arith.cmpf oeq, %select_n3A_1892, %eq3A_1896 : vector<64x256xf32>
    %jit3A_1898 = arith.constant 0xFF800000 : f32
    %broadcast_in_dim3A_1899 = vector.broadcast %jit3A_1898 : f32 to vector<64x256xf32>
    %select_n3A_1900 = arith.select %eq3A_1897, %broadcast_in_dim3A_1899, %select_n3A_1892 : vector<64x256xi1>, vector<64x256xf32>
    %reduce_max3A_1901 = arith.constant dense<0xFF800000> : vector<64xf32>
    %reduce_max3A_1902 = vector.multi_reduction <maximumf>, %select_n3A_1900, %reduce_max3A_1901 [1] : vector<64x256xf32> to vector<64xf32>
    %broadcast_in_dim3A_1903 = vector.shape_cast %reduce_max3A_1902 : vector<64xf32> to vector<64x1xf32>
    %eq3A_1904 = vector.broadcast %broadcast_in_dim3A_1903 : vector<64x1xf32> to vector<64x256xf32>
    %eq3A_1905 = arith.cmpf oeq, %select_n3A_1900, %eq3A_1904 : vector<64x256xf32>
    %jit3A_1906 = arith.constant 0xFF800000 : f32
    %broadcast_in_dim3A_1907 = vector.broadcast %jit3A_1906 : f32 to vector<64x256xf32>
    %select_n3A_1908 = arith.select %eq3A_1905, %broadcast_in_dim3A_1907, %select_n3A_1900 : vector<64x256xi1>, vector<64x256xf32>
    %reduce_max3A_1909 = arith.constant dense<0xFF800000> : vector<64xf32>
    %reduce_max3A_1910 = vector.multi_reduction <maximumf>, %select_n3A_1908, %reduce_max3A_1909 [1] : vector<64x256xf32> to vector<64xf32>
    %broadcast_in_dim3A_1911 = vector.shape_cast %reduce_max3A_1910 : vector<64xf32> to vector<64x1xf32>
    %eq3A_1912 = vector.broadcast %broadcast_in_dim3A_1911 : vector<64x1xf32> to vector<64x256xf32>
    %eq3A_1913 = arith.cmpf oeq, %select_n3A_1908, %eq3A_1912 : vector<64x256xf32>
    %jit3A_1914 = arith.constant 0xFF800000 : f32
    %broadcast_in_dim3A_1915 = vector.broadcast %jit3A_1914 : f32 to vector<64x256xf32>
    %select_n3A_1916 = arith.select %eq3A_1913, %broadcast_in_dim3A_1915, %select_n3A_1908 : vector<64x256xi1>, vector<64x256xf32>
    %reduce_max3A_1917 = arith.constant dense<0xFF800000> : vector<64xf32>
    %reduce_max3A_1918 = vector.multi_reduction <maximumf>, %select_n3A_1916, %reduce_max3A_1917 [1] : vector<64x256xf32> to vector<64xf32>
    %broadcast_in_dim3A_1919 = vector.shape_cast %reduce_max3A_1918 : vector<64xf32> to vector<64x1xf32>
    %eq3A_1920 = vector.broadcast %broadcast_in_dim3A_1919 : vector<64x1xf32> to vector<64x256xf32>
    %eq3A_1921 = arith.cmpf oeq, %select_n3A_1916, %eq3A_1920 : vector<64x256xf32>
    %jit3A_1922 = arith.constant 0xFF800000 : f32
    %broadcast_in_dim3A_1923 = vector.broadcast %jit3A_1922 : f32 to vector<64x256xf32>
    %select_n3A_1924 = arith.select %eq3A_1921, %broadcast_in_dim3A_1923, %select_n3A_1916 : vector<64x256xi1>, vector<64x256xf32>
    %reduce_max3A_1925 = arith.constant dense<0xFF800000> : vector<64xf32>
    %reduce_max3A_1926 = vector.multi_reduction <maximumf>, %select_n3A_1924, %reduce_max3A_1925 [1] : vector<64x256xf32> to vector<64xf32>
    %broadcast_in_dim3A_1927 = vector.shape_cast %reduce_max3A_1926 : vector<64xf32> to vector<64x1xf32>
    %eq3A_1928 = vector.broadcast %broadcast_in_dim3A_1927 : vector<64x1xf32> to vector<64x256xf32>
    %eq3A_1929 = arith.cmpf oeq, %select_n3A_1924, %eq3A_1928 : vector<64x256xf32>
    %jit3A_1930 = arith.constant 0xFF800000 : f32
    %broadcast_in_dim3A_1931 = vector.broadcast %jit3A_1930 : f32 to vector<64x256xf32>
    %select_n3A_1932 = arith.select %eq3A_1929, %broadcast_in_dim3A_1931, %select_n3A_1924 : vector<64x256xi1>, vector<64x256xf32>
    %reduce_max3A_1933 = arith.constant dense<0xFF800000> : vector<64xf32>
    %reduce_max3A_1934 = vector.multi_reduction <maximumf>, %select_n3A_1932, %reduce_max3A_1933 [1] : vector<64x256xf32> to vector<64xf32>
    %broadcast_in_dim3A_1935 = vector.shape_cast %reduce_max3A_1934 : vector<64xf32> to vector<64x1xf32>
    %eq3A_1936 = vector.broadcast %broadcast_in_dim3A_1935 : vector<64x1xf32> to vector<64x256xf32>
    %eq3A_1937 = arith.cmpf oeq, %select_n3A_1932, %eq3A_1936 : vector<64x256xf32>
    %jit3A_1938 = arith.constant 0xFF800000 : f32
    %broadcast_in_dim3A_1939 = vector.broadcast %jit3A_1938 : f32 to vector<64x256xf32>
    %select_n3A_1940 = arith.select %eq3A_1937, %broadcast_in_dim3A_1939, %select_n3A_1932 : vector<64x256xi1>, vector<64x256xf32>
    %reduce_max3A_1941 = arith.constant dense<0xFF800000> : vector<64xf32>
    %reduce_max3A_1942 = vector.multi_reduction <maximumf>, %select_n3A_1940, %reduce_max3A_1941 [1] : vector<64x256xf32> to vector<64xf32>
    %broadcast_in_dim3A_1943 = vector.shape_cast %reduce_max3A_1942 : vector<64xf32> to vector<64x1xf32>
    %concatenate3A_1944 = tpu.concatenate %broadcast_in_dim3A_1823, %broadcast_in_dim3A_1831, %broadcast_in_dim3A_1839, %broadcast_in_dim3A_1847, %broadcast_in_dim3A_1855, %broadcast_in_dim3A_1863, %broadcast_in_dim3A_1871, %broadcast_in_dim3A_1879, %broadcast_in_dim3A_1887, %broadcast_in_dim3A_1895, %broadcast_in_dim3A_1903, %broadcast_in_dim3A_1911, %broadcast_in_dim3A_1919, %broadcast_in_dim3A_1927, %broadcast_in_dim3A_1935, %broadcast_in_dim3A_1943 in 1 : vector<64x1xf32>, vector<64x1xf32>, vector<64x1xf32>, vector<64x1xf32>, vector<64x1xf32>, vector<64x1xf32>, vector<64x1xf32>, vector<64x1xf32>, vector<64x1xf32>, vector<64x1xf32>, vector<64x1xf32>, vector<64x1xf32>, vector<64x1xf32>, vector<64x1xf32>, vector<64x1xf32>, vector<64x1xf32> -> vector<64x16xf32>
    %bitcast_convert_type3A_1945 = tpu.bitcast %concatenate3A_1944 : vector<64x16xf32> -> vector<64x16xi32>
    %and3A_1946 = arith.constant 255 : i32
    %and3A_1947 = vector.broadcast %and3A_1946 : i32 to vector<64x16xi32>
    %and3A_1948 = arith.andi %bitcast_convert_type3A_1945, %and3A_1947 : vector<64x16xi32>
    %lt3A_1949 = arith.constant 0 : i32
    %lt3A_1950 = vector.broadcast %lt3A_1949 : i32 to vector<64x16xi32>
    %lt3A_1951 = arith.cmpi slt, %bitcast_convert_type3A_1945, %lt3A_1950 : vector<64x16xi32>
    %sub3A_1952 = arith.constant 255 : i32
    %sub3A_1953 = vector.broadcast %sub3A_1952 : i32 to vector<64x16xi32>
    %sub3A_1954 = arith.subi %sub3A_1953, %and3A_1948 : vector<64x16xi32>
    %select_n3A_1955 = arith.select %lt3A_1951, %and3A_1948, %sub3A_1954 : vector<64x16xi1>, vector<64x16xi32>
    %and3A_1956 = arith.constant -256 : i32
    %and3A_1957 = vector.broadcast %and3A_1956 : i32 to vector<64x16xi32>
    %and3A_1958 = arith.andi %bitcast_convert_type3A_1945, %and3A_1957 : vector<64x16xi32>
    %or3A_1959 = arith.constant 128 : i32
    %or3A_1960 = vector.broadcast %or3A_1959 : i32 to vector<64x16xi32>
    %or3A_1961 = arith.ori %and3A_1958, %or3A_1960 : vector<64x16xi32>
    %bitcast_convert_type3A_1962 = tpu.bitcast %or3A_1961 : vector<64x16xi32> -> vector<64x16xf32>
    %slice3A_1963 = vector.extract_strided_slice %dot_general3A_23 {offsets = [128, 0], sizes = [64, 256], strides = [1, 1]} : vector<256x256xf32> to vector<64x256xf32>
    %bitcast_convert_type3A_1964 = tpu.bitcast %slice3A_1963 : vector<64x256xf32> -> vector<64x256xi32>
    %iota3A_1965 = tpu.iota {dimensions = array<i32: 1>} : vector<64x256xi32>
    %lt3A_1966 = arith.constant 0 : i32
    %lt3A_1967 = vector.broadcast %lt3A_1966 : i32 to vector<64x256xi32>
    %lt3A_1968 = arith.cmpi slt, %bitcast_convert_type3A_1964, %lt3A_1967 : vector<64x256xi32>
    %sub3A_1969 = arith.constant 255 : i32
    %sub3A_1970 = vector.broadcast %sub3A_1969 : i32 to vector<64x256xi32>
    %sub3A_1971 = arith.subi %sub3A_1970, %iota3A_1965 : vector<64x256xi32>
    %select_n3A_1972 = arith.select %lt3A_1968, %iota3A_1965, %sub3A_1971 : vector<64x256xi1>, vector<64x256xi32>
    %and3A_1973 = arith.constant -256 : i32
    %and3A_1974 = vector.broadcast %and3A_1973 : i32 to vector<64x256xi32>
    %and3A_1975 = arith.andi %bitcast_convert_type3A_1964, %and3A_1974 : vector<64x256xi32>
    %or3A_1976 = arith.ori %and3A_1975, %select_n3A_1972 : vector<64x256xi32>
    %bitcast_convert_type3A_1977 = tpu.bitcast %or3A_1976 : vector<64x256xi32> -> vector<64x256xf32>
    %reduce_max3A_1978 = arith.constant dense<0xFF800000> : vector<64xf32>
    %reduce_max3A_1979 = vector.multi_reduction <maximumf>, %bitcast_convert_type3A_1977, %reduce_max3A_1978 [1] : vector<64x256xf32> to vector<64xf32>
    %broadcast_in_dim3A_1980 = vector.shape_cast %reduce_max3A_1979 : vector<64xf32> to vector<64x1xf32>
    %eq3A_1981 = vector.broadcast %broadcast_in_dim3A_1980 : vector<64x1xf32> to vector<64x256xf32>
    %eq3A_1982 = arith.cmpf oeq, %bitcast_convert_type3A_1977, %eq3A_1981 : vector<64x256xf32>
    %jit3A_1983 = arith.constant 0xFF800000 : f32
    %broadcast_in_dim3A_1984 = vector.broadcast %jit3A_1983 : f32 to vector<64x256xf32>
    %select_n3A_1985 = arith.select %eq3A_1982, %broadcast_in_dim3A_1984, %bitcast_convert_type3A_1977 : vector<64x256xi1>, vector<64x256xf32>
    %reduce_max3A_1986 = arith.constant dense<0xFF800000> : vector<64xf32>
    %reduce_max3A_1987 = vector.multi_reduction <maximumf>, %select_n3A_1985, %reduce_max3A_1986 [1] : vector<64x256xf32> to vector<64xf32>
    %broadcast_in_dim3A_1988 = vector.shape_cast %reduce_max3A_1987 : vector<64xf32> to vector<64x1xf32>
    %eq3A_1989 = vector.broadcast %broadcast_in_dim3A_1988 : vector<64x1xf32> to vector<64x256xf32>
    %eq3A_1990 = arith.cmpf oeq, %select_n3A_1985, %eq3A_1989 : vector<64x256xf32>
    %jit3A_1991 = arith.constant 0xFF800000 : f32
    %broadcast_in_dim3A_1992 = vector.broadcast %jit3A_1991 : f32 to vector<64x256xf32>
    %select_n3A_1993 = arith.select %eq3A_1990, %broadcast_in_dim3A_1992, %select_n3A_1985 : vector<64x256xi1>, vector<64x256xf32>
    %reduce_max3A_1994 = arith.constant dense<0xFF800000> : vector<64xf32>
    %reduce_max3A_1995 = vector.multi_reduction <maximumf>, %select_n3A_1993, %reduce_max3A_1994 [1] : vector<64x256xf32> to vector<64xf32>
    %broadcast_in_dim3A_1996 = vector.shape_cast %reduce_max3A_1995 : vector<64xf32> to vector<64x1xf32>
    %eq3A_1997 = vector.broadcast %broadcast_in_dim3A_1996 : vector<64x1xf32> to vector<64x256xf32>
    %eq3A_1998 = arith.cmpf oeq, %select_n3A_1993, %eq3A_1997 : vector<64x256xf32>
    %jit3A_1999 = arith.constant 0xFF800000 : f32
    %broadcast_in_dim3A_2000 = vector.broadcast %jit3A_1999 : f32 to vector<64x256xf32>
    %select_n3A_2001 = arith.select %eq3A_1998, %broadcast_in_dim3A_2000, %select_n3A_1993 : vector<64x256xi1>, vector<64x256xf32>
    %reduce_max3A_2002 = arith.constant dense<0xFF800000> : vector<64xf32>
    %reduce_max3A_2003 = vector.multi_reduction <maximumf>, %select_n3A_2001, %reduce_max3A_2002 [1] : vector<64x256xf32> to vector<64xf32>
    %broadcast_in_dim3A_2004 = vector.shape_cast %reduce_max3A_2003 : vector<64xf32> to vector<64x1xf32>
    %eq3A_2005 = vector.broadcast %broadcast_in_dim3A_2004 : vector<64x1xf32> to vector<64x256xf32>
    %eq3A_2006 = arith.cmpf oeq, %select_n3A_2001, %eq3A_2005 : vector<64x256xf32>
    %jit3A_2007 = arith.constant 0xFF800000 : f32
    %broadcast_in_dim3A_2008 = vector.broadcast %jit3A_2007 : f32 to vector<64x256xf32>
    %select_n3A_2009 = arith.select %eq3A_2006, %broadcast_in_dim3A_2008, %select_n3A_2001 : vector<64x256xi1>, vector<64x256xf32>
    %reduce_max3A_2010 = arith.constant dense<0xFF800000> : vector<64xf32>
    %reduce_max3A_2011 = vector.multi_reduction <maximumf>, %select_n3A_2009, %reduce_max3A_2010 [1] : vector<64x256xf32> to vector<64xf32>
    %broadcast_in_dim3A_2012 = vector.shape_cast %reduce_max3A_2011 : vector<64xf32> to vector<64x1xf32>
    %eq3A_2013 = vector.broadcast %broadcast_in_dim3A_2012 : vector<64x1xf32> to vector<64x256xf32>
    %eq3A_2014 = arith.cmpf oeq, %select_n3A_2009, %eq3A_2013 : vector<64x256xf32>
    %jit3A_2015 = arith.constant 0xFF800000 : f32
    %broadcast_in_dim3A_2016 = vector.broadcast %jit3A_2015 : f32 to vector<64x256xf32>
    %select_n3A_2017 = arith.select %eq3A_2014, %broadcast_in_dim3A_2016, %select_n3A_2009 : vector<64x256xi1>, vector<64x256xf32>
    %reduce_max3A_2018 = arith.constant dense<0xFF800000> : vector<64xf32>
    %reduce_max3A_2019 = vector.multi_reduction <maximumf>, %select_n3A_2017, %reduce_max3A_2018 [1] : vector<64x256xf32> to vector<64xf32>
    %broadcast_in_dim3A_2020 = vector.shape_cast %reduce_max3A_2019 : vector<64xf32> to vector<64x1xf32>
    %eq3A_2021 = vector.broadcast %broadcast_in_dim3A_2020 : vector<64x1xf32> to vector<64x256xf32>
    %eq3A_2022 = arith.cmpf oeq, %select_n3A_2017, %eq3A_2021 : vector<64x256xf32>
    %jit3A_2023 = arith.constant 0xFF800000 : f32
    %broadcast_in_dim3A_2024 = vector.broadcast %jit3A_2023 : f32 to vector<64x256xf32>
    %select_n3A_2025 = arith.select %eq3A_2022, %broadcast_in_dim3A_2024, %select_n3A_2017 : vector<64x256xi1>, vector<64x256xf32>
    %reduce_max3A_2026 = arith.constant dense<0xFF800000> : vector<64xf32>
    %reduce_max3A_2027 = vector.multi_reduction <maximumf>, %select_n3A_2025, %reduce_max3A_2026 [1] : vector<64x256xf32> to vector<64xf32>
    %broadcast_in_dim3A_2028 = vector.shape_cast %reduce_max3A_2027 : vector<64xf32> to vector<64x1xf32>
    %eq3A_2029 = vector.broadcast %broadcast_in_dim3A_2028 : vector<64x1xf32> to vector<64x256xf32>
    %eq3A_2030 = arith.cmpf oeq, %select_n3A_2025, %eq3A_2029 : vector<64x256xf32>
    %jit3A_2031 = arith.constant 0xFF800000 : f32
    %broadcast_in_dim3A_2032 = vector.broadcast %jit3A_2031 : f32 to vector<64x256xf32>
    %select_n3A_2033 = arith.select %eq3A_2030, %broadcast_in_dim3A_2032, %select_n3A_2025 : vector<64x256xi1>, vector<64x256xf32>
    %reduce_max3A_2034 = arith.constant dense<0xFF800000> : vector<64xf32>
    %reduce_max3A_2035 = vector.multi_reduction <maximumf>, %select_n3A_2033, %reduce_max3A_2034 [1] : vector<64x256xf32> to vector<64xf32>
    %broadcast_in_dim3A_2036 = vector.shape_cast %reduce_max3A_2035 : vector<64xf32> to vector<64x1xf32>
    %eq3A_2037 = vector.broadcast %broadcast_in_dim3A_2036 : vector<64x1xf32> to vector<64x256xf32>
    %eq3A_2038 = arith.cmpf oeq, %select_n3A_2033, %eq3A_2037 : vector<64x256xf32>
    %jit3A_2039 = arith.constant 0xFF800000 : f32
    %broadcast_in_dim3A_2040 = vector.broadcast %jit3A_2039 : f32 to vector<64x256xf32>
    %select_n3A_2041 = arith.select %eq3A_2038, %broadcast_in_dim3A_2040, %select_n3A_2033 : vector<64x256xi1>, vector<64x256xf32>
    %reduce_max3A_2042 = arith.constant dense<0xFF800000> : vector<64xf32>
    %reduce_max3A_2043 = vector.multi_reduction <maximumf>, %select_n3A_2041, %reduce_max3A_2042 [1] : vector<64x256xf32> to vector<64xf32>
    %broadcast_in_dim3A_2044 = vector.shape_cast %reduce_max3A_2043 : vector<64xf32> to vector<64x1xf32>
    %eq3A_2045 = vector.broadcast %broadcast_in_dim3A_2044 : vector<64x1xf32> to vector<64x256xf32>
    %eq3A_2046 = arith.cmpf oeq, %select_n3A_2041, %eq3A_2045 : vector<64x256xf32>
    %jit3A_2047 = arith.constant 0xFF800000 : f32
    %broadcast_in_dim3A_2048 = vector.broadcast %jit3A_2047 : f32 to vector<64x256xf32>
    %select_n3A_2049 = arith.select %eq3A_2046, %broadcast_in_dim3A_2048, %select_n3A_2041 : vector<64x256xi1>, vector<64x256xf32>
    %reduce_max3A_2050 = arith.constant dense<0xFF800000> : vector<64xf32>
    %reduce_max3A_2051 = vector.multi_reduction <maximumf>, %select_n3A_2049, %reduce_max3A_2050 [1] : vector<64x256xf32> to vector<64xf32>
    %broadcast_in_dim3A_2052 = vector.shape_cast %reduce_max3A_2051 : vector<64xf32> to vector<64x1xf32>
    %eq3A_2053 = vector.broadcast %broadcast_in_dim3A_2052 : vector<64x1xf32> to vector<64x256xf32>
    %eq3A_2054 = arith.cmpf oeq, %select_n3A_2049, %eq3A_2053 : vector<64x256xf32>
    %jit3A_2055 = arith.constant 0xFF800000 : f32
    %broadcast_in_dim3A_2056 = vector.broadcast %jit3A_2055 : f32 to vector<64x256xf32>
    %select_n3A_2057 = arith.select %eq3A_2054, %broadcast_in_dim3A_2056, %select_n3A_2049 : vector<64x256xi1>, vector<64x256xf32>
    %reduce_max3A_2058 = arith.constant dense<0xFF800000> : vector<64xf32>
    %reduce_max3A_2059 = vector.multi_reduction <maximumf>, %select_n3A_2057, %reduce_max3A_2058 [1] : vector<64x256xf32> to vector<64xf32>
    %broadcast_in_dim3A_2060 = vector.shape_cast %reduce_max3A_2059 : vector<64xf32> to vector<64x1xf32>
    %eq3A_2061 = vector.broadcast %broadcast_in_dim3A_2060 : vector<64x1xf32> to vector<64x256xf32>
    %eq3A_2062 = arith.cmpf oeq, %select_n3A_2057, %eq3A_2061 : vector<64x256xf32>
    %jit3A_2063 = arith.constant 0xFF800000 : f32
    %broadcast_in_dim3A_2064 = vector.broadcast %jit3A_2063 : f32 to vector<64x256xf32>
    %select_n3A_2065 = arith.select %eq3A_2062, %broadcast_in_dim3A_2064, %select_n3A_2057 : vector<64x256xi1>, vector<64x256xf32>
    %reduce_max3A_2066 = arith.constant dense<0xFF800000> : vector<64xf32>
    %reduce_max3A_2067 = vector.multi_reduction <maximumf>, %select_n3A_2065, %reduce_max3A_2066 [1] : vector<64x256xf32> to vector<64xf32>
    %broadcast_in_dim3A_2068 = vector.shape_cast %reduce_max3A_2067 : vector<64xf32> to vector<64x1xf32>
    %eq3A_2069 = vector.broadcast %broadcast_in_dim3A_2068 : vector<64x1xf32> to vector<64x256xf32>
    %eq3A_2070 = arith.cmpf oeq, %select_n3A_2065, %eq3A_2069 : vector<64x256xf32>
    %jit3A_2071 = arith.constant 0xFF800000 : f32
    %broadcast_in_dim3A_2072 = vector.broadcast %jit3A_2071 : f32 to vector<64x256xf32>
    %select_n3A_2073 = arith.select %eq3A_2070, %broadcast_in_dim3A_2072, %select_n3A_2065 : vector<64x256xi1>, vector<64x256xf32>
    %reduce_max3A_2074 = arith.constant dense<0xFF800000> : vector<64xf32>
    %reduce_max3A_2075 = vector.multi_reduction <maximumf>, %select_n3A_2073, %reduce_max3A_2074 [1] : vector<64x256xf32> to vector<64xf32>
    %broadcast_in_dim3A_2076 = vector.shape_cast %reduce_max3A_2075 : vector<64xf32> to vector<64x1xf32>
    %eq3A_2077 = vector.broadcast %broadcast_in_dim3A_2076 : vector<64x1xf32> to vector<64x256xf32>
    %eq3A_2078 = arith.cmpf oeq, %select_n3A_2073, %eq3A_2077 : vector<64x256xf32>
    %jit3A_2079 = arith.constant 0xFF800000 : f32
    %broadcast_in_dim3A_2080 = vector.broadcast %jit3A_2079 : f32 to vector<64x256xf32>
    %select_n3A_2081 = arith.select %eq3A_2078, %broadcast_in_dim3A_2080, %select_n3A_2073 : vector<64x256xi1>, vector<64x256xf32>
    %reduce_max3A_2082 = arith.constant dense<0xFF800000> : vector<64xf32>
    %reduce_max3A_2083 = vector.multi_reduction <maximumf>, %select_n3A_2081, %reduce_max3A_2082 [1] : vector<64x256xf32> to vector<64xf32>
    %broadcast_in_dim3A_2084 = vector.shape_cast %reduce_max3A_2083 : vector<64xf32> to vector<64x1xf32>
    %eq3A_2085 = vector.broadcast %broadcast_in_dim3A_2084 : vector<64x1xf32> to vector<64x256xf32>
    %eq3A_2086 = arith.cmpf oeq, %select_n3A_2081, %eq3A_2085 : vector<64x256xf32>
    %jit3A_2087 = arith.constant 0xFF800000 : f32
    %broadcast_in_dim3A_2088 = vector.broadcast %jit3A_2087 : f32 to vector<64x256xf32>
    %select_n3A_2089 = arith.select %eq3A_2086, %broadcast_in_dim3A_2088, %select_n3A_2081 : vector<64x256xi1>, vector<64x256xf32>
    %reduce_max3A_2090 = arith.constant dense<0xFF800000> : vector<64xf32>
    %reduce_max3A_2091 = vector.multi_reduction <maximumf>, %select_n3A_2089, %reduce_max3A_2090 [1] : vector<64x256xf32> to vector<64xf32>
    %broadcast_in_dim3A_2092 = vector.shape_cast %reduce_max3A_2091 : vector<64xf32> to vector<64x1xf32>
    %eq3A_2093 = vector.broadcast %broadcast_in_dim3A_2092 : vector<64x1xf32> to vector<64x256xf32>
    %eq3A_2094 = arith.cmpf oeq, %select_n3A_2089, %eq3A_2093 : vector<64x256xf32>
    %jit3A_2095 = arith.constant 0xFF800000 : f32
    %broadcast_in_dim3A_2096 = vector.broadcast %jit3A_2095 : f32 to vector<64x256xf32>
    %select_n3A_2097 = arith.select %eq3A_2094, %broadcast_in_dim3A_2096, %select_n3A_2089 : vector<64x256xi1>, vector<64x256xf32>
    %reduce_max3A_2098 = arith.constant dense<0xFF800000> : vector<64xf32>
    %reduce_max3A_2099 = vector.multi_reduction <maximumf>, %select_n3A_2097, %reduce_max3A_2098 [1] : vector<64x256xf32> to vector<64xf32>
    %broadcast_in_dim3A_2100 = vector.shape_cast %reduce_max3A_2099 : vector<64xf32> to vector<64x1xf32>
    %concatenate3A_2101 = tpu.concatenate %broadcast_in_dim3A_1980, %broadcast_in_dim3A_1988, %broadcast_in_dim3A_1996, %broadcast_in_dim3A_2004, %broadcast_in_dim3A_2012, %broadcast_in_dim3A_2020, %broadcast_in_dim3A_2028, %broadcast_in_dim3A_2036, %broadcast_in_dim3A_2044, %broadcast_in_dim3A_2052, %broadcast_in_dim3A_2060, %broadcast_in_dim3A_2068, %broadcast_in_dim3A_2076, %broadcast_in_dim3A_2084, %broadcast_in_dim3A_2092, %broadcast_in_dim3A_2100 in 1 : vector<64x1xf32>, vector<64x1xf32>, vector<64x1xf32>, vector<64x1xf32>, vector<64x1xf32>, vector<64x1xf32>, vector<64x1xf32>, vector<64x1xf32>, vector<64x1xf32>, vector<64x1xf32>, vector<64x1xf32>, vector<64x1xf32>, vector<64x1xf32>, vector<64x1xf32>, vector<64x1xf32>, vector<64x1xf32> -> vector<64x16xf32>
    %bitcast_convert_type3A_2102 = tpu.bitcast %concatenate3A_2101 : vector<64x16xf32> -> vector<64x16xi32>
    %and3A_2103 = arith.constant 255 : i32
    %and3A_2104 = vector.broadcast %and3A_2103 : i32 to vector<64x16xi32>
    %and3A_2105 = arith.andi %bitcast_convert_type3A_2102, %and3A_2104 : vector<64x16xi32>
    %lt3A_2106 = arith.constant 0 : i32
    %lt3A_2107 = vector.broadcast %lt3A_2106 : i32 to vector<64x16xi32>
    %lt3A_2108 = arith.cmpi slt, %bitcast_convert_type3A_2102, %lt3A_2107 : vector<64x16xi32>
    %sub3A_2109 = arith.constant 255 : i32
    %sub3A_2110 = vector.broadcast %sub3A_2109 : i32 to vector<64x16xi32>
    %sub3A_2111 = arith.subi %sub3A_2110, %and3A_2105 : vector<64x16xi32>
    %select_n3A_2112 = arith.select %lt3A_2108, %and3A_2105, %sub3A_2111 : vector<64x16xi1>, vector<64x16xi32>
    %and3A_2113 = arith.constant -256 : i32
    %and3A_2114 = vector.broadcast %and3A_2113 : i32 to vector<64x16xi32>
    %and3A_2115 = arith.andi %bitcast_convert_type3A_2102, %and3A_2114 : vector<64x16xi32>
    %or3A_2116 = arith.constant 128 : i32
    %or3A_2117 = vector.broadcast %or3A_2116 : i32 to vector<64x16xi32>
    %or3A_2118 = arith.ori %and3A_2115, %or3A_2117 : vector<64x16xi32>
    %bitcast_convert_type3A_2119 = tpu.bitcast %or3A_2118 : vector<64x16xi32> -> vector<64x16xf32>
    %dot_general3A_2120 = arith.constant dense<0.000000e+00> : vector<64x256xf32>
    %dot_general3A_2121 = tpu.matmul %bitcast_convert_type3A_1962, %convert_element_type3A_48, %dot_general3A_2120 {dimension_numbers = #tpu.dot_dimension_numbers<[1], [0], [0], [1], [0, 0, 1, 1], [], []>, precision = #tpu.contract_precision<fp32>, transpose_lhs_hint = false} : vector<64x16xf32>, vector<16x256xf32>, vector<64x256xf32> -> vector<64x256xf32>
    %dot_general3A_2122 = arith.constant dense<0.000000e+00> : vector<64x256xf32>
    %dot_general3A_2123 = tpu.matmul %bitcast_convert_type3A_2119, %convert_element_type3A_72, %dot_general3A_2122 {dimension_numbers = #tpu.dot_dimension_numbers<[1], [0], [0], [1], [0, 0, 1, 1], [], []>, precision = #tpu.contract_precision<fp32>, transpose_lhs_hint = false} : vector<64x16xf32>, vector<16x256xf32>, vector<64x256xf32> -> vector<64x256xf32>
    %add3A_2124 = arith.addf %dot_general3A_2121, %dot_general3A_2123 : vector<64x256xf32>
    %bitcast_convert_type3A_2125 = tpu.bitcast %add3A_2124 : vector<64x256xf32> -> vector<64x256xi32>
    %iota3A_2126 = tpu.iota {dimensions = array<i32: 1>} : vector<64x256xi32>
    %lt3A_2127 = arith.constant 0 : i32
    %lt3A_2128 = vector.broadcast %lt3A_2127 : i32 to vector<64x256xi32>
    %lt3A_2129 = arith.cmpi slt, %bitcast_convert_type3A_2125, %lt3A_2128 : vector<64x256xi32>
    %sub3A_2130 = arith.constant 255 : i32
    %sub3A_2131 = vector.broadcast %sub3A_2130 : i32 to vector<64x256xi32>
    %sub3A_2132 = arith.subi %sub3A_2131, %iota3A_2126 : vector<64x256xi32>
    %select_n3A_2133 = arith.select %lt3A_2129, %iota3A_2126, %sub3A_2132 : vector<64x256xi1>, vector<64x256xi32>
    %and3A_2134 = arith.constant -256 : i32
    %and3A_2135 = vector.broadcast %and3A_2134 : i32 to vector<64x256xi32>
    %and3A_2136 = arith.andi %bitcast_convert_type3A_2125, %and3A_2135 : vector<64x256xi32>
    %or3A_2137 = arith.ori %and3A_2136, %select_n3A_2133 : vector<64x256xi32>
    %bitcast_convert_type3A_2138 = tpu.bitcast %or3A_2137 : vector<64x256xi32> -> vector<64x256xf32>
    %reduce_max3A_2139 = arith.constant dense<0xFF800000> : vector<64xf32>
    %reduce_max3A_2140 = vector.multi_reduction <maximumf>, %bitcast_convert_type3A_2138, %reduce_max3A_2139 [1] : vector<64x256xf32> to vector<64xf32>
    %broadcast_in_dim3A_2141 = vector.shape_cast %reduce_max3A_2140 : vector<64xf32> to vector<64x1xf32>
    %eq3A_2142 = vector.broadcast %broadcast_in_dim3A_2141 : vector<64x1xf32> to vector<64x256xf32>
    %eq3A_2143 = arith.cmpf oeq, %bitcast_convert_type3A_2138, %eq3A_2142 : vector<64x256xf32>
    %jit3A_2144 = arith.constant 0xFF800000 : f32
    %broadcast_in_dim3A_2145 = vector.broadcast %jit3A_2144 : f32 to vector<64x256xf32>
    %select_n3A_2146 = arith.select %eq3A_2143, %broadcast_in_dim3A_2145, %bitcast_convert_type3A_2138 : vector<64x256xi1>, vector<64x256xf32>
    %reduce_max3A_2147 = arith.constant dense<0xFF800000> : vector<64xf32>
    %reduce_max3A_2148 = vector.multi_reduction <maximumf>, %select_n3A_2146, %reduce_max3A_2147 [1] : vector<64x256xf32> to vector<64xf32>
    %broadcast_in_dim3A_2149 = vector.shape_cast %reduce_max3A_2148 : vector<64xf32> to vector<64x1xf32>
    %eq3A_2150 = vector.broadcast %broadcast_in_dim3A_2149 : vector<64x1xf32> to vector<64x256xf32>
    %eq3A_2151 = arith.cmpf oeq, %select_n3A_2146, %eq3A_2150 : vector<64x256xf32>
    %jit3A_2152 = arith.constant 0xFF800000 : f32
    %broadcast_in_dim3A_2153 = vector.broadcast %jit3A_2152 : f32 to vector<64x256xf32>
    %select_n3A_2154 = arith.select %eq3A_2151, %broadcast_in_dim3A_2153, %select_n3A_2146 : vector<64x256xi1>, vector<64x256xf32>
    %reduce_max3A_2155 = arith.constant dense<0xFF800000> : vector<64xf32>
    %reduce_max3A_2156 = vector.multi_reduction <maximumf>, %select_n3A_2154, %reduce_max3A_2155 [1] : vector<64x256xf32> to vector<64xf32>
    %broadcast_in_dim3A_2157 = vector.shape_cast %reduce_max3A_2156 : vector<64xf32> to vector<64x1xf32>
    %eq3A_2158 = vector.broadcast %broadcast_in_dim3A_2157 : vector<64x1xf32> to vector<64x256xf32>
    %eq3A_2159 = arith.cmpf oeq, %select_n3A_2154, %eq3A_2158 : vector<64x256xf32>
    %jit3A_2160 = arith.constant 0xFF800000 : f32
    %broadcast_in_dim3A_2161 = vector.broadcast %jit3A_2160 : f32 to vector<64x256xf32>
    %select_n3A_2162 = arith.select %eq3A_2159, %broadcast_in_dim3A_2161, %select_n3A_2154 : vector<64x256xi1>, vector<64x256xf32>
    %reduce_max3A_2163 = arith.constant dense<0xFF800000> : vector<64xf32>
    %reduce_max3A_2164 = vector.multi_reduction <maximumf>, %select_n3A_2162, %reduce_max3A_2163 [1] : vector<64x256xf32> to vector<64xf32>
    %broadcast_in_dim3A_2165 = vector.shape_cast %reduce_max3A_2164 : vector<64xf32> to vector<64x1xf32>
    %eq3A_2166 = vector.broadcast %broadcast_in_dim3A_2165 : vector<64x1xf32> to vector<64x256xf32>
    %eq3A_2167 = arith.cmpf oeq, %select_n3A_2162, %eq3A_2166 : vector<64x256xf32>
    %jit3A_2168 = arith.constant 0xFF800000 : f32
    %broadcast_in_dim3A_2169 = vector.broadcast %jit3A_2168 : f32 to vector<64x256xf32>
    %select_n3A_2170 = arith.select %eq3A_2167, %broadcast_in_dim3A_2169, %select_n3A_2162 : vector<64x256xi1>, vector<64x256xf32>
    %reduce_max3A_2171 = arith.constant dense<0xFF800000> : vector<64xf32>
    %reduce_max3A_2172 = vector.multi_reduction <maximumf>, %select_n3A_2170, %reduce_max3A_2171 [1] : vector<64x256xf32> to vector<64xf32>
    %broadcast_in_dim3A_2173 = vector.shape_cast %reduce_max3A_2172 : vector<64xf32> to vector<64x1xf32>
    %eq3A_2174 = vector.broadcast %broadcast_in_dim3A_2173 : vector<64x1xf32> to vector<64x256xf32>
    %eq3A_2175 = arith.cmpf oeq, %select_n3A_2170, %eq3A_2174 : vector<64x256xf32>
    %jit3A_2176 = arith.constant 0xFF800000 : f32
    %broadcast_in_dim3A_2177 = vector.broadcast %jit3A_2176 : f32 to vector<64x256xf32>
    %select_n3A_2178 = arith.select %eq3A_2175, %broadcast_in_dim3A_2177, %select_n3A_2170 : vector<64x256xi1>, vector<64x256xf32>
    %reduce_max3A_2179 = arith.constant dense<0xFF800000> : vector<64xf32>
    %reduce_max3A_2180 = vector.multi_reduction <maximumf>, %select_n3A_2178, %reduce_max3A_2179 [1] : vector<64x256xf32> to vector<64xf32>
    %broadcast_in_dim3A_2181 = vector.shape_cast %reduce_max3A_2180 : vector<64xf32> to vector<64x1xf32>
    %eq3A_2182 = vector.broadcast %broadcast_in_dim3A_2181 : vector<64x1xf32> to vector<64x256xf32>
    %eq3A_2183 = arith.cmpf oeq, %select_n3A_2178, %eq3A_2182 : vector<64x256xf32>
    %jit3A_2184 = arith.constant 0xFF800000 : f32
    %broadcast_in_dim3A_2185 = vector.broadcast %jit3A_2184 : f32 to vector<64x256xf32>
    %select_n3A_2186 = arith.select %eq3A_2183, %broadcast_in_dim3A_2185, %select_n3A_2178 : vector<64x256xi1>, vector<64x256xf32>
    %reduce_max3A_2187 = arith.constant dense<0xFF800000> : vector<64xf32>
    %reduce_max3A_2188 = vector.multi_reduction <maximumf>, %select_n3A_2186, %reduce_max3A_2187 [1] : vector<64x256xf32> to vector<64xf32>
    %broadcast_in_dim3A_2189 = vector.shape_cast %reduce_max3A_2188 : vector<64xf32> to vector<64x1xf32>
    %eq3A_2190 = vector.broadcast %broadcast_in_dim3A_2189 : vector<64x1xf32> to vector<64x256xf32>
    %eq3A_2191 = arith.cmpf oeq, %select_n3A_2186, %eq3A_2190 : vector<64x256xf32>
    %jit3A_2192 = arith.constant 0xFF800000 : f32
    %broadcast_in_dim3A_2193 = vector.broadcast %jit3A_2192 : f32 to vector<64x256xf32>
    %select_n3A_2194 = arith.select %eq3A_2191, %broadcast_in_dim3A_2193, %select_n3A_2186 : vector<64x256xi1>, vector<64x256xf32>
    %reduce_max3A_2195 = arith.constant dense<0xFF800000> : vector<64xf32>
    %reduce_max3A_2196 = vector.multi_reduction <maximumf>, %select_n3A_2194, %reduce_max3A_2195 [1] : vector<64x256xf32> to vector<64xf32>
    %broadcast_in_dim3A_2197 = vector.shape_cast %reduce_max3A_2196 : vector<64xf32> to vector<64x1xf32>
    %eq3A_2198 = vector.broadcast %broadcast_in_dim3A_2197 : vector<64x1xf32> to vector<64x256xf32>
    %eq3A_2199 = arith.cmpf oeq, %select_n3A_2194, %eq3A_2198 : vector<64x256xf32>
    %jit3A_2200 = arith.constant 0xFF800000 : f32
    %broadcast_in_dim3A_2201 = vector.broadcast %jit3A_2200 : f32 to vector<64x256xf32>
    %select_n3A_2202 = arith.select %eq3A_2199, %broadcast_in_dim3A_2201, %select_n3A_2194 : vector<64x256xi1>, vector<64x256xf32>
    %reduce_max3A_2203 = arith.constant dense<0xFF800000> : vector<64xf32>
    %reduce_max3A_2204 = vector.multi_reduction <maximumf>, %select_n3A_2202, %reduce_max3A_2203 [1] : vector<64x256xf32> to vector<64xf32>
    %broadcast_in_dim3A_2205 = vector.shape_cast %reduce_max3A_2204 : vector<64xf32> to vector<64x1xf32>
    %eq3A_2206 = vector.broadcast %broadcast_in_dim3A_2205 : vector<64x1xf32> to vector<64x256xf32>
    %eq3A_2207 = arith.cmpf oeq, %select_n3A_2202, %eq3A_2206 : vector<64x256xf32>
    %jit3A_2208 = arith.constant 0xFF800000 : f32
    %broadcast_in_dim3A_2209 = vector.broadcast %jit3A_2208 : f32 to vector<64x256xf32>
    %select_n3A_2210 = arith.select %eq3A_2207, %broadcast_in_dim3A_2209, %select_n3A_2202 : vector<64x256xi1>, vector<64x256xf32>
    %reduce_max3A_2211 = arith.constant dense<0xFF800000> : vector<64xf32>
    %reduce_max3A_2212 = vector.multi_reduction <maximumf>, %select_n3A_2210, %reduce_max3A_2211 [1] : vector<64x256xf32> to vector<64xf32>
    %broadcast_in_dim3A_2213 = vector.shape_cast %reduce_max3A_2212 : vector<64xf32> to vector<64x1xf32>
    %eq3A_2214 = vector.broadcast %broadcast_in_dim3A_2213 : vector<64x1xf32> to vector<64x256xf32>
    %eq3A_2215 = arith.cmpf oeq, %select_n3A_2210, %eq3A_2214 : vector<64x256xf32>
    %jit3A_2216 = arith.constant 0xFF800000 : f32
    %broadcast_in_dim3A_2217 = vector.broadcast %jit3A_2216 : f32 to vector<64x256xf32>
    %select_n3A_2218 = arith.select %eq3A_2215, %broadcast_in_dim3A_2217, %select_n3A_2210 : vector<64x256xi1>, vector<64x256xf32>
    %reduce_max3A_2219 = arith.constant dense<0xFF800000> : vector<64xf32>
    %reduce_max3A_2220 = vector.multi_reduction <maximumf>, %select_n3A_2218, %reduce_max3A_2219 [1] : vector<64x256xf32> to vector<64xf32>
    %broadcast_in_dim3A_2221 = vector.shape_cast %reduce_max3A_2220 : vector<64xf32> to vector<64x1xf32>
    %eq3A_2222 = vector.broadcast %broadcast_in_dim3A_2221 : vector<64x1xf32> to vector<64x256xf32>
    %eq3A_2223 = arith.cmpf oeq, %select_n3A_2218, %eq3A_2222 : vector<64x256xf32>
    %jit3A_2224 = arith.constant 0xFF800000 : f32
    %broadcast_in_dim3A_2225 = vector.broadcast %jit3A_2224 : f32 to vector<64x256xf32>
    %select_n3A_2226 = arith.select %eq3A_2223, %broadcast_in_dim3A_2225, %select_n3A_2218 : vector<64x256xi1>, vector<64x256xf32>
    %reduce_max3A_2227 = arith.constant dense<0xFF800000> : vector<64xf32>
    %reduce_max3A_2228 = vector.multi_reduction <maximumf>, %select_n3A_2226, %reduce_max3A_2227 [1] : vector<64x256xf32> to vector<64xf32>
    %broadcast_in_dim3A_2229 = vector.shape_cast %reduce_max3A_2228 : vector<64xf32> to vector<64x1xf32>
    %eq3A_2230 = vector.broadcast %broadcast_in_dim3A_2229 : vector<64x1xf32> to vector<64x256xf32>
    %eq3A_2231 = arith.cmpf oeq, %select_n3A_2226, %eq3A_2230 : vector<64x256xf32>
    %jit3A_2232 = arith.constant 0xFF800000 : f32
    %broadcast_in_dim3A_2233 = vector.broadcast %jit3A_2232 : f32 to vector<64x256xf32>
    %select_n3A_2234 = arith.select %eq3A_2231, %broadcast_in_dim3A_2233, %select_n3A_2226 : vector<64x256xi1>, vector<64x256xf32>
    %reduce_max3A_2235 = arith.constant dense<0xFF800000> : vector<64xf32>
    %reduce_max3A_2236 = vector.multi_reduction <maximumf>, %select_n3A_2234, %reduce_max3A_2235 [1] : vector<64x256xf32> to vector<64xf32>
    %broadcast_in_dim3A_2237 = vector.shape_cast %reduce_max3A_2236 : vector<64xf32> to vector<64x1xf32>
    %eq3A_2238 = vector.broadcast %broadcast_in_dim3A_2237 : vector<64x1xf32> to vector<64x256xf32>
    %eq3A_2239 = arith.cmpf oeq, %select_n3A_2234, %eq3A_2238 : vector<64x256xf32>
    %jit3A_2240 = arith.constant 0xFF800000 : f32
    %broadcast_in_dim3A_2241 = vector.broadcast %jit3A_2240 : f32 to vector<64x256xf32>
    %select_n3A_2242 = arith.select %eq3A_2239, %broadcast_in_dim3A_2241, %select_n3A_2234 : vector<64x256xi1>, vector<64x256xf32>
    %reduce_max3A_2243 = arith.constant dense<0xFF800000> : vector<64xf32>
    %reduce_max3A_2244 = vector.multi_reduction <maximumf>, %select_n3A_2242, %reduce_max3A_2243 [1] : vector<64x256xf32> to vector<64xf32>
    %broadcast_in_dim3A_2245 = vector.shape_cast %reduce_max3A_2244 : vector<64xf32> to vector<64x1xf32>
    %eq3A_2246 = vector.broadcast %broadcast_in_dim3A_2245 : vector<64x1xf32> to vector<64x256xf32>
    %eq3A_2247 = arith.cmpf oeq, %select_n3A_2242, %eq3A_2246 : vector<64x256xf32>
    %jit3A_2248 = arith.constant 0xFF800000 : f32
    %broadcast_in_dim3A_2249 = vector.broadcast %jit3A_2248 : f32 to vector<64x256xf32>
    %select_n3A_2250 = arith.select %eq3A_2247, %broadcast_in_dim3A_2249, %select_n3A_2242 : vector<64x256xi1>, vector<64x256xf32>
    %reduce_max3A_2251 = arith.constant dense<0xFF800000> : vector<64xf32>
    %reduce_max3A_2252 = vector.multi_reduction <maximumf>, %select_n3A_2250, %reduce_max3A_2251 [1] : vector<64x256xf32> to vector<64xf32>
    %broadcast_in_dim3A_2253 = vector.shape_cast %reduce_max3A_2252 : vector<64xf32> to vector<64x1xf32>
    %eq3A_2254 = vector.broadcast %broadcast_in_dim3A_2253 : vector<64x1xf32> to vector<64x256xf32>
    %eq3A_2255 = arith.cmpf oeq, %select_n3A_2250, %eq3A_2254 : vector<64x256xf32>
    %jit3A_2256 = arith.constant 0xFF800000 : f32
    %broadcast_in_dim3A_2257 = vector.broadcast %jit3A_2256 : f32 to vector<64x256xf32>
    %select_n3A_2258 = arith.select %eq3A_2255, %broadcast_in_dim3A_2257, %select_n3A_2250 : vector<64x256xi1>, vector<64x256xf32>
    %reduce_max3A_2259 = arith.constant dense<0xFF800000> : vector<64xf32>
    %reduce_max3A_2260 = vector.multi_reduction <maximumf>, %select_n3A_2258, %reduce_max3A_2259 [1] : vector<64x256xf32> to vector<64xf32>
    %broadcast_in_dim3A_2261 = vector.shape_cast %reduce_max3A_2260 : vector<64xf32> to vector<64x1xf32>
    %concatenate3A_2262 = tpu.concatenate %broadcast_in_dim3A_2141, %broadcast_in_dim3A_2149, %broadcast_in_dim3A_2157, %broadcast_in_dim3A_2165, %broadcast_in_dim3A_2173, %broadcast_in_dim3A_2181, %broadcast_in_dim3A_2189, %broadcast_in_dim3A_2197, %broadcast_in_dim3A_2205, %broadcast_in_dim3A_2213, %broadcast_in_dim3A_2221, %broadcast_in_dim3A_2229, %broadcast_in_dim3A_2237, %broadcast_in_dim3A_2245, %broadcast_in_dim3A_2253, %broadcast_in_dim3A_2261 in 1 : vector<64x1xf32>, vector<64x1xf32>, vector<64x1xf32>, vector<64x1xf32>, vector<64x1xf32>, vector<64x1xf32>, vector<64x1xf32>, vector<64x1xf32>, vector<64x1xf32>, vector<64x1xf32>, vector<64x1xf32>, vector<64x1xf32>, vector<64x1xf32>, vector<64x1xf32>, vector<64x1xf32>, vector<64x1xf32> -> vector<64x16xf32>
    %bitcast_convert_type3A_2263 = tpu.bitcast %concatenate3A_2262 : vector<64x16xf32> -> vector<64x16xi32>
    %and3A_2264 = arith.constant 255 : i32
    %and3A_2265 = vector.broadcast %and3A_2264 : i32 to vector<64x16xi32>
    %and3A_2266 = arith.andi %bitcast_convert_type3A_2263, %and3A_2265 : vector<64x16xi32>
    %lt3A_2267 = arith.constant 0 : i32
    %lt3A_2268 = vector.broadcast %lt3A_2267 : i32 to vector<64x16xi32>
    %lt3A_2269 = arith.cmpi slt, %bitcast_convert_type3A_2263, %lt3A_2268 : vector<64x16xi32>
    %sub3A_2270 = arith.constant 255 : i32
    %sub3A_2271 = vector.broadcast %sub3A_2270 : i32 to vector<64x16xi32>
    %sub3A_2272 = arith.subi %sub3A_2271, %and3A_2266 : vector<64x16xi32>
    %select_n3A_2273 = arith.select %lt3A_2269, %and3A_2266, %sub3A_2272 : vector<64x16xi1>, vector<64x16xi32>
    %and3A_2274 = arith.constant -256 : i32
    %and3A_2275 = vector.broadcast %and3A_2274 : i32 to vector<64x16xi32>
    %and3A_2276 = arith.andi %bitcast_convert_type3A_2263, %and3A_2275 : vector<64x16xi32>
    %or3A_2277 = arith.constant 128 : i32
    %or3A_2278 = vector.broadcast %or3A_2277 : i32 to vector<64x16xi32>
    %or3A_2279 = arith.ori %and3A_2276, %or3A_2278 : vector<64x16xi32>
    %bitcast_convert_type3A_2280 = tpu.bitcast %or3A_2279 : vector<64x16xi32> -> vector<64x16xf32>
    %jit3A_2281 = arith.constant 16 : i32
    %div3A_2282 = vector.broadcast %jit3A_2281 : i32 to vector<64x16xi32>
    %div3A_2283 = arith.divsi %select_n3A_2273, %div3A_2282 : vector<64x16xi32>
    %sign3A_2284 = arith.constant 0 : i32
    %sign3A_2285 = vector.broadcast %sign3A_2284 : i32 to vector<64x16xi32>
    %sign3A_2286 = arith.cmpi sgt, %select_n3A_2273, %sign3A_2285 : vector<64x16xi32>
    %sign3A_2287 = arith.extui %sign3A_2286 : vector<64x16xi1> to vector<64x16xi32>
    %sign3A_2288 = arith.constant 0 : i32
    %sign3A_2289 = vector.broadcast %sign3A_2288 : i32 to vector<64x16xi32>
    %sign3A_2290 = arith.cmpi slt, %select_n3A_2273, %sign3A_2289 : vector<64x16xi32>
    %sign3A_2291 = arith.extui %sign3A_2290 : vector<64x16xi1> to vector<64x16xi32>
    %sign3A_2292 = arith.subi %sign3A_2287, %sign3A_2291 : vector<64x16xi32>
    %sign3A_2293 = arith.constant 0 : i32
    %sign3A_2294 = arith.cmpi sgt, %jit3A_2281, %sign3A_2293 : i32
    %sign3A_2295 = arith.extui %sign3A_2294 : i1 to i32
    %sign3A_2296 = arith.constant 0 : i32
    %sign3A_2297 = arith.cmpi slt, %jit3A_2281, %sign3A_2296 : i32
    %sign3A_2298 = arith.extui %sign3A_2297 : i1 to i32
    %sign3A_2299 = arith.subi %sign3A_2295, %sign3A_2298 : i32
    %ne3A_2300 = vector.broadcast %sign3A_2299 : i32 to vector<64x16xi32>
    %ne3A_2301 = arith.cmpi ne, %sign3A_2292, %ne3A_2300 : vector<64x16xi32>
    %rem3A_2302 = vector.broadcast %jit3A_2281 : i32 to vector<64x16xi32>
    %rem3A_2303 = arith.remsi %select_n3A_2273, %rem3A_2302 : vector<64x16xi32>
    %ne3A_2304 = arith.constant 0 : i32
    %ne3A_2305 = vector.broadcast %ne3A_2304 : i32 to vector<64x16xi32>
    %ne3A_2306 = arith.cmpi ne, %rem3A_2303, %ne3A_2305 : vector<64x16xi32>
    %and3A_2307 = arith.andi %ne3A_2301, %ne3A_2306 : vector<64x16xi1>
    %sub3A_2308 = arith.constant 1 : i32
    %sub3A_2309 = vector.broadcast %sub3A_2308 : i32 to vector<64x16xi32>
    %sub3A_2310 = arith.subi %div3A_2283, %sub3A_2309 : vector<64x16xi32>
    %select_n3A_2311 = arith.select %and3A_2307, %sub3A_2310, %div3A_2283 : vector<64x16xi1>, vector<64x16xi32>
    %convert_element_type3A_2312 = arith.sitofp %select_n3A_1955 : vector<64x16xi32> to vector<64x16xf32>
    %broadcast_in_dim3A_2313 = arith.constant 0.000000e+00 : f32
    %broadcast_in_dim3A_2314 = vector.broadcast %broadcast_in_dim3A_2313 : f32 to vector<64x16xf32>
    %eq3A_2315 = arith.constant 0 : i32
    %eq3A_2316 = vector.broadcast %eq3A_2315 : i32 to vector<64x16xi32>
    %eq3A_2317 = arith.cmpi eq, %select_n3A_2311, %eq3A_2316 : vector<64x16xi32>
    %slice3A_2318 = vector.extract_strided_slice %convert_element_type3A_2312 {offsets = [0, 0], sizes = [64, 1], strides = [1, 1]} : vector<64x16xf32> to vector<64x1xf32>
    %jit3A_2319 = arith.constant 0.000000e+00 : f32
    %broadcast_in_dim3A_2320 = vector.shape_cast %slice3A_2318 : vector<64x1xf32> to vector<64x1xf32>
    %broadcast_in_dim3A_2321 = vector.broadcast %broadcast_in_dim3A_2320 : vector<64x1xf32> to vector<64x16xf32>
    %broadcast_in_dim3A_2322 = vector.broadcast %jit3A_2319 : f32 to vector<64x16xf32>
    %select_n3A_2323 = arith.select %eq3A_2317, %broadcast_in_dim3A_2321, %broadcast_in_dim3A_2322 : vector<64x16xi1>, vector<64x16xf32>
    %add3A_2324 = arith.addf %broadcast_in_dim3A_2314, %select_n3A_2323 : vector<64x16xf32>
    %eq3A_2325 = arith.constant 1 : i32
    %eq3A_2326 = vector.broadcast %eq3A_2325 : i32 to vector<64x16xi32>
    %eq3A_2327 = arith.cmpi eq, %select_n3A_2311, %eq3A_2326 : vector<64x16xi32>
    %slice3A_2328 = vector.extract_strided_slice %convert_element_type3A_2312 {offsets = [0, 1], sizes = [64, 1], strides = [1, 1]} : vector<64x16xf32> to vector<64x1xf32>
    %jit3A_2329 = arith.constant 0.000000e+00 : f32
    %broadcast_in_dim3A_2330 = vector.shape_cast %slice3A_2328 : vector<64x1xf32> to vector<64x1xf32>
    %broadcast_in_dim3A_2331 = vector.broadcast %broadcast_in_dim3A_2330 : vector<64x1xf32> to vector<64x16xf32>
    %broadcast_in_dim3A_2332 = vector.broadcast %jit3A_2329 : f32 to vector<64x16xf32>
    %select_n3A_2333 = arith.select %eq3A_2327, %broadcast_in_dim3A_2331, %broadcast_in_dim3A_2332 : vector<64x16xi1>, vector<64x16xf32>
    %add3A_2334 = arith.addf %add3A_2324, %select_n3A_2333 : vector<64x16xf32>
    %eq3A_2335 = arith.constant 2 : i32
    %eq3A_2336 = vector.broadcast %eq3A_2335 : i32 to vector<64x16xi32>
    %eq3A_2337 = arith.cmpi eq, %select_n3A_2311, %eq3A_2336 : vector<64x16xi32>
    %slice3A_2338 = vector.extract_strided_slice %convert_element_type3A_2312 {offsets = [0, 2], sizes = [64, 1], strides = [1, 1]} : vector<64x16xf32> to vector<64x1xf32>
    %jit3A_2339 = arith.constant 0.000000e+00 : f32
    %broadcast_in_dim3A_2340 = vector.shape_cast %slice3A_2338 : vector<64x1xf32> to vector<64x1xf32>
    %broadcast_in_dim3A_2341 = vector.broadcast %broadcast_in_dim3A_2340 : vector<64x1xf32> to vector<64x16xf32>
    %broadcast_in_dim3A_2342 = vector.broadcast %jit3A_2339 : f32 to vector<64x16xf32>
    %select_n3A_2343 = arith.select %eq3A_2337, %broadcast_in_dim3A_2341, %broadcast_in_dim3A_2342 : vector<64x16xi1>, vector<64x16xf32>
    %add3A_2344 = arith.addf %add3A_2334, %select_n3A_2343 : vector<64x16xf32>
    %eq3A_2345 = arith.constant 3 : i32
    %eq3A_2346 = vector.broadcast %eq3A_2345 : i32 to vector<64x16xi32>
    %eq3A_2347 = arith.cmpi eq, %select_n3A_2311, %eq3A_2346 : vector<64x16xi32>
    %slice3A_2348 = vector.extract_strided_slice %convert_element_type3A_2312 {offsets = [0, 3], sizes = [64, 1], strides = [1, 1]} : vector<64x16xf32> to vector<64x1xf32>
    %jit3A_2349 = arith.constant 0.000000e+00 : f32
    %broadcast_in_dim3A_2350 = vector.shape_cast %slice3A_2348 : vector<64x1xf32> to vector<64x1xf32>
    %broadcast_in_dim3A_2351 = vector.broadcast %broadcast_in_dim3A_2350 : vector<64x1xf32> to vector<64x16xf32>
    %broadcast_in_dim3A_2352 = vector.broadcast %jit3A_2349 : f32 to vector<64x16xf32>
    %select_n3A_2353 = arith.select %eq3A_2347, %broadcast_in_dim3A_2351, %broadcast_in_dim3A_2352 : vector<64x16xi1>, vector<64x16xf32>
    %add3A_2354 = arith.addf %add3A_2344, %select_n3A_2353 : vector<64x16xf32>
    %eq3A_2355 = arith.constant 4 : i32
    %eq3A_2356 = vector.broadcast %eq3A_2355 : i32 to vector<64x16xi32>
    %eq3A_2357 = arith.cmpi eq, %select_n3A_2311, %eq3A_2356 : vector<64x16xi32>
    %slice3A_2358 = vector.extract_strided_slice %convert_element_type3A_2312 {offsets = [0, 4], sizes = [64, 1], strides = [1, 1]} : vector<64x16xf32> to vector<64x1xf32>
    %jit3A_2359 = arith.constant 0.000000e+00 : f32
    %broadcast_in_dim3A_2360 = vector.shape_cast %slice3A_2358 : vector<64x1xf32> to vector<64x1xf32>
    %broadcast_in_dim3A_2361 = vector.broadcast %broadcast_in_dim3A_2360 : vector<64x1xf32> to vector<64x16xf32>
    %broadcast_in_dim3A_2362 = vector.broadcast %jit3A_2359 : f32 to vector<64x16xf32>
    %select_n3A_2363 = arith.select %eq3A_2357, %broadcast_in_dim3A_2361, %broadcast_in_dim3A_2362 : vector<64x16xi1>, vector<64x16xf32>
    %add3A_2364 = arith.addf %add3A_2354, %select_n3A_2363 : vector<64x16xf32>
    %eq3A_2365 = arith.constant 5 : i32
    %eq3A_2366 = vector.broadcast %eq3A_2365 : i32 to vector<64x16xi32>
    %eq3A_2367 = arith.cmpi eq, %select_n3A_2311, %eq3A_2366 : vector<64x16xi32>
    %slice3A_2368 = vector.extract_strided_slice %convert_element_type3A_2312 {offsets = [0, 5], sizes = [64, 1], strides = [1, 1]} : vector<64x16xf32> to vector<64x1xf32>
    %jit3A_2369 = arith.constant 0.000000e+00 : f32
    %broadcast_in_dim3A_2370 = vector.shape_cast %slice3A_2368 : vector<64x1xf32> to vector<64x1xf32>
    %broadcast_in_dim3A_2371 = vector.broadcast %broadcast_in_dim3A_2370 : vector<64x1xf32> to vector<64x16xf32>
    %broadcast_in_dim3A_2372 = vector.broadcast %jit3A_2369 : f32 to vector<64x16xf32>
    %select_n3A_2373 = arith.select %eq3A_2367, %broadcast_in_dim3A_2371, %broadcast_in_dim3A_2372 : vector<64x16xi1>, vector<64x16xf32>
    %add3A_2374 = arith.addf %add3A_2364, %select_n3A_2373 : vector<64x16xf32>
    %eq3A_2375 = arith.constant 6 : i32
    %eq3A_2376 = vector.broadcast %eq3A_2375 : i32 to vector<64x16xi32>
    %eq3A_2377 = arith.cmpi eq, %select_n3A_2311, %eq3A_2376 : vector<64x16xi32>
    %slice3A_2378 = vector.extract_strided_slice %convert_element_type3A_2312 {offsets = [0, 6], sizes = [64, 1], strides = [1, 1]} : vector<64x16xf32> to vector<64x1xf32>
    %jit3A_2379 = arith.constant 0.000000e+00 : f32
    %broadcast_in_dim3A_2380 = vector.shape_cast %slice3A_2378 : vector<64x1xf32> to vector<64x1xf32>
    %broadcast_in_dim3A_2381 = vector.broadcast %broadcast_in_dim3A_2380 : vector<64x1xf32> to vector<64x16xf32>
    %broadcast_in_dim3A_2382 = vector.broadcast %jit3A_2379 : f32 to vector<64x16xf32>
    %select_n3A_2383 = arith.select %eq3A_2377, %broadcast_in_dim3A_2381, %broadcast_in_dim3A_2382 : vector<64x16xi1>, vector<64x16xf32>
    %add3A_2384 = arith.addf %add3A_2374, %select_n3A_2383 : vector<64x16xf32>
    %eq3A_2385 = arith.constant 7 : i32
    %eq3A_2386 = vector.broadcast %eq3A_2385 : i32 to vector<64x16xi32>
    %eq3A_2387 = arith.cmpi eq, %select_n3A_2311, %eq3A_2386 : vector<64x16xi32>
    %slice3A_2388 = vector.extract_strided_slice %convert_element_type3A_2312 {offsets = [0, 7], sizes = [64, 1], strides = [1, 1]} : vector<64x16xf32> to vector<64x1xf32>
    %jit3A_2389 = arith.constant 0.000000e+00 : f32
    %broadcast_in_dim3A_2390 = vector.shape_cast %slice3A_2388 : vector<64x1xf32> to vector<64x1xf32>
    %broadcast_in_dim3A_2391 = vector.broadcast %broadcast_in_dim3A_2390 : vector<64x1xf32> to vector<64x16xf32>
    %broadcast_in_dim3A_2392 = vector.broadcast %jit3A_2389 : f32 to vector<64x16xf32>
    %select_n3A_2393 = arith.select %eq3A_2387, %broadcast_in_dim3A_2391, %broadcast_in_dim3A_2392 : vector<64x16xi1>, vector<64x16xf32>
    %add3A_2394 = arith.addf %add3A_2384, %select_n3A_2393 : vector<64x16xf32>
    %eq3A_2395 = arith.constant 8 : i32
    %eq3A_2396 = vector.broadcast %eq3A_2395 : i32 to vector<64x16xi32>
    %eq3A_2397 = arith.cmpi eq, %select_n3A_2311, %eq3A_2396 : vector<64x16xi32>
    %slice3A_2398 = vector.extract_strided_slice %convert_element_type3A_2312 {offsets = [0, 8], sizes = [64, 1], strides = [1, 1]} : vector<64x16xf32> to vector<64x1xf32>
    %jit3A_2399 = arith.constant 0.000000e+00 : f32
    %broadcast_in_dim3A_2400 = vector.shape_cast %slice3A_2398 : vector<64x1xf32> to vector<64x1xf32>
    %broadcast_in_dim3A_2401 = vector.broadcast %broadcast_in_dim3A_2400 : vector<64x1xf32> to vector<64x16xf32>
    %broadcast_in_dim3A_2402 = vector.broadcast %jit3A_2399 : f32 to vector<64x16xf32>
    %select_n3A_2403 = arith.select %eq3A_2397, %broadcast_in_dim3A_2401, %broadcast_in_dim3A_2402 : vector<64x16xi1>, vector<64x16xf32>
    %add3A_2404 = arith.addf %add3A_2394, %select_n3A_2403 : vector<64x16xf32>
    %eq3A_2405 = arith.constant 9 : i32
    %eq3A_2406 = vector.broadcast %eq3A_2405 : i32 to vector<64x16xi32>
    %eq3A_2407 = arith.cmpi eq, %select_n3A_2311, %eq3A_2406 : vector<64x16xi32>
    %slice3A_2408 = vector.extract_strided_slice %convert_element_type3A_2312 {offsets = [0, 9], sizes = [64, 1], strides = [1, 1]} : vector<64x16xf32> to vector<64x1xf32>
    %jit3A_2409 = arith.constant 0.000000e+00 : f32
    %broadcast_in_dim3A_2410 = vector.shape_cast %slice3A_2408 : vector<64x1xf32> to vector<64x1xf32>
    %broadcast_in_dim3A_2411 = vector.broadcast %broadcast_in_dim3A_2410 : vector<64x1xf32> to vector<64x16xf32>
    %broadcast_in_dim3A_2412 = vector.broadcast %jit3A_2409 : f32 to vector<64x16xf32>
    %select_n3A_2413 = arith.select %eq3A_2407, %broadcast_in_dim3A_2411, %broadcast_in_dim3A_2412 : vector<64x16xi1>, vector<64x16xf32>
    %add3A_2414 = arith.addf %add3A_2404, %select_n3A_2413 : vector<64x16xf32>
    %eq3A_2415 = arith.constant 10 : i32
    %eq3A_2416 = vector.broadcast %eq3A_2415 : i32 to vector<64x16xi32>
    %eq3A_2417 = arith.cmpi eq, %select_n3A_2311, %eq3A_2416 : vector<64x16xi32>
    %slice3A_2418 = vector.extract_strided_slice %convert_element_type3A_2312 {offsets = [0, 10], sizes = [64, 1], strides = [1, 1]} : vector<64x16xf32> to vector<64x1xf32>
    %jit3A_2419 = arith.constant 0.000000e+00 : f32
    %broadcast_in_dim3A_2420 = vector.shape_cast %slice3A_2418 : vector<64x1xf32> to vector<64x1xf32>
    %broadcast_in_dim3A_2421 = vector.broadcast %broadcast_in_dim3A_2420 : vector<64x1xf32> to vector<64x16xf32>
    %broadcast_in_dim3A_2422 = vector.broadcast %jit3A_2419 : f32 to vector<64x16xf32>
    %select_n3A_2423 = arith.select %eq3A_2417, %broadcast_in_dim3A_2421, %broadcast_in_dim3A_2422 : vector<64x16xi1>, vector<64x16xf32>
    %add3A_2424 = arith.addf %add3A_2414, %select_n3A_2423 : vector<64x16xf32>
    %eq3A_2425 = arith.constant 11 : i32
    %eq3A_2426 = vector.broadcast %eq3A_2425 : i32 to vector<64x16xi32>
    %eq3A_2427 = arith.cmpi eq, %select_n3A_2311, %eq3A_2426 : vector<64x16xi32>
    %slice3A_2428 = vector.extract_strided_slice %convert_element_type3A_2312 {offsets = [0, 11], sizes = [64, 1], strides = [1, 1]} : vector<64x16xf32> to vector<64x1xf32>
    %jit3A_2429 = arith.constant 0.000000e+00 : f32
    %broadcast_in_dim3A_2430 = vector.shape_cast %slice3A_2428 : vector<64x1xf32> to vector<64x1xf32>
    %broadcast_in_dim3A_2431 = vector.broadcast %broadcast_in_dim3A_2430 : vector<64x1xf32> to vector<64x16xf32>
    %broadcast_in_dim3A_2432 = vector.broadcast %jit3A_2429 : f32 to vector<64x16xf32>
    %select_n3A_2433 = arith.select %eq3A_2427, %broadcast_in_dim3A_2431, %broadcast_in_dim3A_2432 : vector<64x16xi1>, vector<64x16xf32>
    %add3A_2434 = arith.addf %add3A_2424, %select_n3A_2433 : vector<64x16xf32>
    %eq3A_2435 = arith.constant 12 : i32
    %eq3A_2436 = vector.broadcast %eq3A_2435 : i32 to vector<64x16xi32>
    %eq3A_2437 = arith.cmpi eq, %select_n3A_2311, %eq3A_2436 : vector<64x16xi32>
    %slice3A_2438 = vector.extract_strided_slice %convert_element_type3A_2312 {offsets = [0, 12], sizes = [64, 1], strides = [1, 1]} : vector<64x16xf32> to vector<64x1xf32>
    %jit3A_2439 = arith.constant 0.000000e+00 : f32
    %broadcast_in_dim3A_2440 = vector.shape_cast %slice3A_2438 : vector<64x1xf32> to vector<64x1xf32>
    %broadcast_in_dim3A_2441 = vector.broadcast %broadcast_in_dim3A_2440 : vector<64x1xf32> to vector<64x16xf32>
    %broadcast_in_dim3A_2442 = vector.broadcast %jit3A_2439 : f32 to vector<64x16xf32>
    %select_n3A_2443 = arith.select %eq3A_2437, %broadcast_in_dim3A_2441, %broadcast_in_dim3A_2442 : vector<64x16xi1>, vector<64x16xf32>
    %add3A_2444 = arith.addf %add3A_2434, %select_n3A_2443 : vector<64x16xf32>
    %eq3A_2445 = arith.constant 13 : i32
    %eq3A_2446 = vector.broadcast %eq3A_2445 : i32 to vector<64x16xi32>
    %eq3A_2447 = arith.cmpi eq, %select_n3A_2311, %eq3A_2446 : vector<64x16xi32>
    %slice3A_2448 = vector.extract_strided_slice %convert_element_type3A_2312 {offsets = [0, 13], sizes = [64, 1], strides = [1, 1]} : vector<64x16xf32> to vector<64x1xf32>
    %jit3A_2449 = arith.constant 0.000000e+00 : f32
    %broadcast_in_dim3A_2450 = vector.shape_cast %slice3A_2448 : vector<64x1xf32> to vector<64x1xf32>
    %broadcast_in_dim3A_2451 = vector.broadcast %broadcast_in_dim3A_2450 : vector<64x1xf32> to vector<64x16xf32>
    %broadcast_in_dim3A_2452 = vector.broadcast %jit3A_2449 : f32 to vector<64x16xf32>
    %select_n3A_2453 = arith.select %eq3A_2447, %broadcast_in_dim3A_2451, %broadcast_in_dim3A_2452 : vector<64x16xi1>, vector<64x16xf32>
    %add3A_2454 = arith.addf %add3A_2444, %select_n3A_2453 : vector<64x16xf32>
    %eq3A_2455 = arith.constant 14 : i32
    %eq3A_2456 = vector.broadcast %eq3A_2455 : i32 to vector<64x16xi32>
    %eq3A_2457 = arith.cmpi eq, %select_n3A_2311, %eq3A_2456 : vector<64x16xi32>
    %slice3A_2458 = vector.extract_strided_slice %convert_element_type3A_2312 {offsets = [0, 14], sizes = [64, 1], strides = [1, 1]} : vector<64x16xf32> to vector<64x1xf32>
    %jit3A_2459 = arith.constant 0.000000e+00 : f32
    %broadcast_in_dim3A_2460 = vector.shape_cast %slice3A_2458 : vector<64x1xf32> to vector<64x1xf32>
    %broadcast_in_dim3A_2461 = vector.broadcast %broadcast_in_dim3A_2460 : vector<64x1xf32> to vector<64x16xf32>
    %broadcast_in_dim3A_2462 = vector.broadcast %jit3A_2459 : f32 to vector<64x16xf32>
    %select_n3A_2463 = arith.select %eq3A_2457, %broadcast_in_dim3A_2461, %broadcast_in_dim3A_2462 : vector<64x16xi1>, vector<64x16xf32>
    %add3A_2464 = arith.addf %add3A_2454, %select_n3A_2463 : vector<64x16xf32>
    %eq3A_2465 = arith.constant 15 : i32
    %eq3A_2466 = vector.broadcast %eq3A_2465 : i32 to vector<64x16xi32>
    %eq3A_2467 = arith.cmpi eq, %select_n3A_2311, %eq3A_2466 : vector<64x16xi32>
    %slice3A_2468 = vector.extract_strided_slice %convert_element_type3A_2312 {offsets = [0, 15], sizes = [64, 1], strides = [1, 1]} : vector<64x16xf32> to vector<64x1xf32>
    %jit3A_2469 = arith.constant 0.000000e+00 : f32
    %broadcast_in_dim3A_2470 = vector.shape_cast %slice3A_2468 : vector<64x1xf32> to vector<64x1xf32>
    %broadcast_in_dim3A_2471 = vector.broadcast %broadcast_in_dim3A_2470 : vector<64x1xf32> to vector<64x16xf32>
    %broadcast_in_dim3A_2472 = vector.broadcast %jit3A_2469 : f32 to vector<64x16xf32>
    %select_n3A_2473 = arith.select %eq3A_2467, %broadcast_in_dim3A_2471, %broadcast_in_dim3A_2472 : vector<64x16xi1>, vector<64x16xf32>
    %add3A_2474 = arith.addf %add3A_2464, %select_n3A_2473 : vector<64x16xf32>
    %jit3A_2475 = arith.constant 16 : i32
    %eq3A_2476 = arith.constant 0 : i32
    %eq3A_2477 = arith.cmpi eq, %jit3A_2475, %eq3A_2476 : i32
    %jit3A_2478 = arith.constant 1 : i32
    %select_n3A_2479 = arith.select %eq3A_2477, %jit3A_2478, %jit3A_2475 : i32
    %rem3A_2480 = vector.broadcast %select_n3A_2479 : i32 to vector<64x16xi32>
    %rem3A_2481 = arith.remsi %select_n3A_2273, %rem3A_2480 : vector<64x16xi32>
    %ne3A_2482 = arith.constant 0 : i32
    %ne3A_2483 = vector.broadcast %ne3A_2482 : i32 to vector<64x16xi32>
    %ne3A_2484 = arith.cmpi ne, %rem3A_2481, %ne3A_2483 : vector<64x16xi32>
    %lt3A_2485 = arith.constant 0 : i32
    %lt3A_2486 = vector.broadcast %lt3A_2485 : i32 to vector<64x16xi32>
    %lt3A_2487 = arith.cmpi slt, %rem3A_2481, %lt3A_2486 : vector<64x16xi32>
    %lt3A_2488 = arith.constant 0 : i32
    %lt3A_2489 = arith.cmpi slt, %select_n3A_2479, %lt3A_2488 : i32
    %ne3A_2490 = vector.broadcast %lt3A_2489 : i1 to vector<64x16xi1>
    %ne3A_2491 = vector.broadcast %ne3A_2490 : vector<64x16xi1> to vector<64x16xi1>
    %ne3A_2492 = arith.xori %lt3A_2487, %ne3A_2491 : vector<64x16xi1>
    %and3A_2493 = arith.andi %ne3A_2492, %ne3A_2484 : vector<64x16xi1>
    %add3A_2494 = vector.broadcast %select_n3A_2479 : i32 to vector<64x16xi32>
    %add3A_2495 = arith.addi %rem3A_2481, %add3A_2494 : vector<64x16xi32>
    %select_n3A_2496 = arith.select %and3A_2493, %add3A_2495, %rem3A_2481 : vector<64x16xi1>, vector<64x16xi32>
    %convert_element_type3A_2497 = arith.sitofp %select_n3A_2112 : vector<64x16xi32> to vector<64x16xf32>
    %broadcast_in_dim3A_2498 = arith.constant 0.000000e+00 : f32
    %broadcast_in_dim3A_2499 = vector.broadcast %broadcast_in_dim3A_2498 : f32 to vector<64x16xf32>
    %eq3A_2500 = arith.constant 0 : i32
    %eq3A_2501 = vector.broadcast %eq3A_2500 : i32 to vector<64x16xi32>
    %eq3A_2502 = arith.cmpi eq, %select_n3A_2496, %eq3A_2501 : vector<64x16xi32>
    %slice3A_2503 = vector.extract_strided_slice %convert_element_type3A_2497 {offsets = [0, 0], sizes = [64, 1], strides = [1, 1]} : vector<64x16xf32> to vector<64x1xf32>
    %jit3A_2504 = arith.constant 0.000000e+00 : f32
    %broadcast_in_dim3A_2505 = vector.shape_cast %slice3A_2503 : vector<64x1xf32> to vector<64x1xf32>
    %broadcast_in_dim3A_2506 = vector.broadcast %broadcast_in_dim3A_2505 : vector<64x1xf32> to vector<64x16xf32>
    %broadcast_in_dim3A_2507 = vector.broadcast %jit3A_2504 : f32 to vector<64x16xf32>
    %select_n3A_2508 = arith.select %eq3A_2502, %broadcast_in_dim3A_2506, %broadcast_in_dim3A_2507 : vector<64x16xi1>, vector<64x16xf32>
    %add3A_2509 = arith.addf %broadcast_in_dim3A_2499, %select_n3A_2508 : vector<64x16xf32>
    %eq3A_2510 = arith.constant 1 : i32
    %eq3A_2511 = vector.broadcast %eq3A_2510 : i32 to vector<64x16xi32>
    %eq3A_2512 = arith.cmpi eq, %select_n3A_2496, %eq3A_2511 : vector<64x16xi32>
    %slice3A_2513 = vector.extract_strided_slice %convert_element_type3A_2497 {offsets = [0, 1], sizes = [64, 1], strides = [1, 1]} : vector<64x16xf32> to vector<64x1xf32>
    %jit3A_2514 = arith.constant 0.000000e+00 : f32
    %broadcast_in_dim3A_2515 = vector.shape_cast %slice3A_2513 : vector<64x1xf32> to vector<64x1xf32>
    %broadcast_in_dim3A_2516 = vector.broadcast %broadcast_in_dim3A_2515 : vector<64x1xf32> to vector<64x16xf32>
    %broadcast_in_dim3A_2517 = vector.broadcast %jit3A_2514 : f32 to vector<64x16xf32>
    %select_n3A_2518 = arith.select %eq3A_2512, %broadcast_in_dim3A_2516, %broadcast_in_dim3A_2517 : vector<64x16xi1>, vector<64x16xf32>
    %add3A_2519 = arith.addf %add3A_2509, %select_n3A_2518 : vector<64x16xf32>
    %eq3A_2520 = arith.constant 2 : i32
    %eq3A_2521 = vector.broadcast %eq3A_2520 : i32 to vector<64x16xi32>
    %eq3A_2522 = arith.cmpi eq, %select_n3A_2496, %eq3A_2521 : vector<64x16xi32>
    %slice3A_2523 = vector.extract_strided_slice %convert_element_type3A_2497 {offsets = [0, 2], sizes = [64, 1], strides = [1, 1]} : vector<64x16xf32> to vector<64x1xf32>
    %jit3A_2524 = arith.constant 0.000000e+00 : f32
    %broadcast_in_dim3A_2525 = vector.shape_cast %slice3A_2523 : vector<64x1xf32> to vector<64x1xf32>
    %broadcast_in_dim3A_2526 = vector.broadcast %broadcast_in_dim3A_2525 : vector<64x1xf32> to vector<64x16xf32>
    %broadcast_in_dim3A_2527 = vector.broadcast %jit3A_2524 : f32 to vector<64x16xf32>
    %select_n3A_2528 = arith.select %eq3A_2522, %broadcast_in_dim3A_2526, %broadcast_in_dim3A_2527 : vector<64x16xi1>, vector<64x16xf32>
    %add3A_2529 = arith.addf %add3A_2519, %select_n3A_2528 : vector<64x16xf32>
    %eq3A_2530 = arith.constant 3 : i32
    %eq3A_2531 = vector.broadcast %eq3A_2530 : i32 to vector<64x16xi32>
    %eq3A_2532 = arith.cmpi eq, %select_n3A_2496, %eq3A_2531 : vector<64x16xi32>
    %slice3A_2533 = vector.extract_strided_slice %convert_element_type3A_2497 {offsets = [0, 3], sizes = [64, 1], strides = [1, 1]} : vector<64x16xf32> to vector<64x1xf32>
    %jit3A_2534 = arith.constant 0.000000e+00 : f32
    %broadcast_in_dim3A_2535 = vector.shape_cast %slice3A_2533 : vector<64x1xf32> to vector<64x1xf32>
    %broadcast_in_dim3A_2536 = vector.broadcast %broadcast_in_dim3A_2535 : vector<64x1xf32> to vector<64x16xf32>
    %broadcast_in_dim3A_2537 = vector.broadcast %jit3A_2534 : f32 to vector<64x16xf32>
    %select_n3A_2538 = arith.select %eq3A_2532, %broadcast_in_dim3A_2536, %broadcast_in_dim3A_2537 : vector<64x16xi1>, vector<64x16xf32>
    %add3A_2539 = arith.addf %add3A_2529, %select_n3A_2538 : vector<64x16xf32>
    %eq3A_2540 = arith.constant 4 : i32
    %eq3A_2541 = vector.broadcast %eq3A_2540 : i32 to vector<64x16xi32>
    %eq3A_2542 = arith.cmpi eq, %select_n3A_2496, %eq3A_2541 : vector<64x16xi32>
    %slice3A_2543 = vector.extract_strided_slice %convert_element_type3A_2497 {offsets = [0, 4], sizes = [64, 1], strides = [1, 1]} : vector<64x16xf32> to vector<64x1xf32>
    %jit3A_2544 = arith.constant 0.000000e+00 : f32
    %broadcast_in_dim3A_2545 = vector.shape_cast %slice3A_2543 : vector<64x1xf32> to vector<64x1xf32>
    %broadcast_in_dim3A_2546 = vector.broadcast %broadcast_in_dim3A_2545 : vector<64x1xf32> to vector<64x16xf32>
    %broadcast_in_dim3A_2547 = vector.broadcast %jit3A_2544 : f32 to vector<64x16xf32>
    %select_n3A_2548 = arith.select %eq3A_2542, %broadcast_in_dim3A_2546, %broadcast_in_dim3A_2547 : vector<64x16xi1>, vector<64x16xf32>
    %add3A_2549 = arith.addf %add3A_2539, %select_n3A_2548 : vector<64x16xf32>
    %eq3A_2550 = arith.constant 5 : i32
    %eq3A_2551 = vector.broadcast %eq3A_2550 : i32 to vector<64x16xi32>
    %eq3A_2552 = arith.cmpi eq, %select_n3A_2496, %eq3A_2551 : vector<64x16xi32>
    %slice3A_2553 = vector.extract_strided_slice %convert_element_type3A_2497 {offsets = [0, 5], sizes = [64, 1], strides = [1, 1]} : vector<64x16xf32> to vector<64x1xf32>
    %jit3A_2554 = arith.constant 0.000000e+00 : f32
    %broadcast_in_dim3A_2555 = vector.shape_cast %slice3A_2553 : vector<64x1xf32> to vector<64x1xf32>
    %broadcast_in_dim3A_2556 = vector.broadcast %broadcast_in_dim3A_2555 : vector<64x1xf32> to vector<64x16xf32>
    %broadcast_in_dim3A_2557 = vector.broadcast %jit3A_2554 : f32 to vector<64x16xf32>
    %select_n3A_2558 = arith.select %eq3A_2552, %broadcast_in_dim3A_2556, %broadcast_in_dim3A_2557 : vector<64x16xi1>, vector<64x16xf32>
    %add3A_2559 = arith.addf %add3A_2549, %select_n3A_2558 : vector<64x16xf32>
    %eq3A_2560 = arith.constant 6 : i32
    %eq3A_2561 = vector.broadcast %eq3A_2560 : i32 to vector<64x16xi32>
    %eq3A_2562 = arith.cmpi eq, %select_n3A_2496, %eq3A_2561 : vector<64x16xi32>
    %slice3A_2563 = vector.extract_strided_slice %convert_element_type3A_2497 {offsets = [0, 6], sizes = [64, 1], strides = [1, 1]} : vector<64x16xf32> to vector<64x1xf32>
    %jit3A_2564 = arith.constant 0.000000e+00 : f32
    %broadcast_in_dim3A_2565 = vector.shape_cast %slice3A_2563 : vector<64x1xf32> to vector<64x1xf32>
    %broadcast_in_dim3A_2566 = vector.broadcast %broadcast_in_dim3A_2565 : vector<64x1xf32> to vector<64x16xf32>
    %broadcast_in_dim3A_2567 = vector.broadcast %jit3A_2564 : f32 to vector<64x16xf32>
    %select_n3A_2568 = arith.select %eq3A_2562, %broadcast_in_dim3A_2566, %broadcast_in_dim3A_2567 : vector<64x16xi1>, vector<64x16xf32>
    %add3A_2569 = arith.addf %add3A_2559, %select_n3A_2568 : vector<64x16xf32>
    %eq3A_2570 = arith.constant 7 : i32
    %eq3A_2571 = vector.broadcast %eq3A_2570 : i32 to vector<64x16xi32>
    %eq3A_2572 = arith.cmpi eq, %select_n3A_2496, %eq3A_2571 : vector<64x16xi32>
    %slice3A_2573 = vector.extract_strided_slice %convert_element_type3A_2497 {offsets = [0, 7], sizes = [64, 1], strides = [1, 1]} : vector<64x16xf32> to vector<64x1xf32>
    %jit3A_2574 = arith.constant 0.000000e+00 : f32
    %broadcast_in_dim3A_2575 = vector.shape_cast %slice3A_2573 : vector<64x1xf32> to vector<64x1xf32>
    %broadcast_in_dim3A_2576 = vector.broadcast %broadcast_in_dim3A_2575 : vector<64x1xf32> to vector<64x16xf32>
    %broadcast_in_dim3A_2577 = vector.broadcast %jit3A_2574 : f32 to vector<64x16xf32>
    %select_n3A_2578 = arith.select %eq3A_2572, %broadcast_in_dim3A_2576, %broadcast_in_dim3A_2577 : vector<64x16xi1>, vector<64x16xf32>
    %add3A_2579 = arith.addf %add3A_2569, %select_n3A_2578 : vector<64x16xf32>
    %eq3A_2580 = arith.constant 8 : i32
    %eq3A_2581 = vector.broadcast %eq3A_2580 : i32 to vector<64x16xi32>
    %eq3A_2582 = arith.cmpi eq, %select_n3A_2496, %eq3A_2581 : vector<64x16xi32>
    %slice3A_2583 = vector.extract_strided_slice %convert_element_type3A_2497 {offsets = [0, 8], sizes = [64, 1], strides = [1, 1]} : vector<64x16xf32> to vector<64x1xf32>
    %jit3A_2584 = arith.constant 0.000000e+00 : f32
    %broadcast_in_dim3A_2585 = vector.shape_cast %slice3A_2583 : vector<64x1xf32> to vector<64x1xf32>
    %broadcast_in_dim3A_2586 = vector.broadcast %broadcast_in_dim3A_2585 : vector<64x1xf32> to vector<64x16xf32>
    %broadcast_in_dim3A_2587 = vector.broadcast %jit3A_2584 : f32 to vector<64x16xf32>
    %select_n3A_2588 = arith.select %eq3A_2582, %broadcast_in_dim3A_2586, %broadcast_in_dim3A_2587 : vector<64x16xi1>, vector<64x16xf32>
    %add3A_2589 = arith.addf %add3A_2579, %select_n3A_2588 : vector<64x16xf32>
    %eq3A_2590 = arith.constant 9 : i32
    %eq3A_2591 = vector.broadcast %eq3A_2590 : i32 to vector<64x16xi32>
    %eq3A_2592 = arith.cmpi eq, %select_n3A_2496, %eq3A_2591 : vector<64x16xi32>
    %slice3A_2593 = vector.extract_strided_slice %convert_element_type3A_2497 {offsets = [0, 9], sizes = [64, 1], strides = [1, 1]} : vector<64x16xf32> to vector<64x1xf32>
    %jit3A_2594 = arith.constant 0.000000e+00 : f32
    %broadcast_in_dim3A_2595 = vector.shape_cast %slice3A_2593 : vector<64x1xf32> to vector<64x1xf32>
    %broadcast_in_dim3A_2596 = vector.broadcast %broadcast_in_dim3A_2595 : vector<64x1xf32> to vector<64x16xf32>
    %broadcast_in_dim3A_2597 = vector.broadcast %jit3A_2594 : f32 to vector<64x16xf32>
    %select_n3A_2598 = arith.select %eq3A_2592, %broadcast_in_dim3A_2596, %broadcast_in_dim3A_2597 : vector<64x16xi1>, vector<64x16xf32>
    %add3A_2599 = arith.addf %add3A_2589, %select_n3A_2598 : vector<64x16xf32>
    %eq3A_2600 = arith.constant 10 : i32
    %eq3A_2601 = vector.broadcast %eq3A_2600 : i32 to vector<64x16xi32>
    %eq3A_2602 = arith.cmpi eq, %select_n3A_2496, %eq3A_2601 : vector<64x16xi32>
    %slice3A_2603 = vector.extract_strided_slice %convert_element_type3A_2497 {offsets = [0, 10], sizes = [64, 1], strides = [1, 1]} : vector<64x16xf32> to vector<64x1xf32>
    %jit3A_2604 = arith.constant 0.000000e+00 : f32
    %broadcast_in_dim3A_2605 = vector.shape_cast %slice3A_2603 : vector<64x1xf32> to vector<64x1xf32>
    %broadcast_in_dim3A_2606 = vector.broadcast %broadcast_in_dim3A_2605 : vector<64x1xf32> to vector<64x16xf32>
    %broadcast_in_dim3A_2607 = vector.broadcast %jit3A_2604 : f32 to vector<64x16xf32>
    %select_n3A_2608 = arith.select %eq3A_2602, %broadcast_in_dim3A_2606, %broadcast_in_dim3A_2607 : vector<64x16xi1>, vector<64x16xf32>
    %add3A_2609 = arith.addf %add3A_2599, %select_n3A_2608 : vector<64x16xf32>
    %eq3A_2610 = arith.constant 11 : i32
    %eq3A_2611 = vector.broadcast %eq3A_2610 : i32 to vector<64x16xi32>
    %eq3A_2612 = arith.cmpi eq, %select_n3A_2496, %eq3A_2611 : vector<64x16xi32>
    %slice3A_2613 = vector.extract_strided_slice %convert_element_type3A_2497 {offsets = [0, 11], sizes = [64, 1], strides = [1, 1]} : vector<64x16xf32> to vector<64x1xf32>
    %jit3A_2614 = arith.constant 0.000000e+00 : f32
    %broadcast_in_dim3A_2615 = vector.shape_cast %slice3A_2613 : vector<64x1xf32> to vector<64x1xf32>
    %broadcast_in_dim3A_2616 = vector.broadcast %broadcast_in_dim3A_2615 : vector<64x1xf32> to vector<64x16xf32>
    %broadcast_in_dim3A_2617 = vector.broadcast %jit3A_2614 : f32 to vector<64x16xf32>
    %select_n3A_2618 = arith.select %eq3A_2612, %broadcast_in_dim3A_2616, %broadcast_in_dim3A_2617 : vector<64x16xi1>, vector<64x16xf32>
    %add3A_2619 = arith.addf %add3A_2609, %select_n3A_2618 : vector<64x16xf32>
    %eq3A_2620 = arith.constant 12 : i32
    %eq3A_2621 = vector.broadcast %eq3A_2620 : i32 to vector<64x16xi32>
    %eq3A_2622 = arith.cmpi eq, %select_n3A_2496, %eq3A_2621 : vector<64x16xi32>
    %slice3A_2623 = vector.extract_strided_slice %convert_element_type3A_2497 {offsets = [0, 12], sizes = [64, 1], strides = [1, 1]} : vector<64x16xf32> to vector<64x1xf32>
    %jit3A_2624 = arith.constant 0.000000e+00 : f32
    %broadcast_in_dim3A_2625 = vector.shape_cast %slice3A_2623 : vector<64x1xf32> to vector<64x1xf32>
    %broadcast_in_dim3A_2626 = vector.broadcast %broadcast_in_dim3A_2625 : vector<64x1xf32> to vector<64x16xf32>
    %broadcast_in_dim3A_2627 = vector.broadcast %jit3A_2624 : f32 to vector<64x16xf32>
    %select_n3A_2628 = arith.select %eq3A_2622, %broadcast_in_dim3A_2626, %broadcast_in_dim3A_2627 : vector<64x16xi1>, vector<64x16xf32>
    %add3A_2629 = arith.addf %add3A_2619, %select_n3A_2628 : vector<64x16xf32>
    %eq3A_2630 = arith.constant 13 : i32
    %eq3A_2631 = vector.broadcast %eq3A_2630 : i32 to vector<64x16xi32>
    %eq3A_2632 = arith.cmpi eq, %select_n3A_2496, %eq3A_2631 : vector<64x16xi32>
    %slice3A_2633 = vector.extract_strided_slice %convert_element_type3A_2497 {offsets = [0, 13], sizes = [64, 1], strides = [1, 1]} : vector<64x16xf32> to vector<64x1xf32>
    %jit3A_2634 = arith.constant 0.000000e+00 : f32
    %broadcast_in_dim3A_2635 = vector.shape_cast %slice3A_2633 : vector<64x1xf32> to vector<64x1xf32>
    %broadcast_in_dim3A_2636 = vector.broadcast %broadcast_in_dim3A_2635 : vector<64x1xf32> to vector<64x16xf32>
    %broadcast_in_dim3A_2637 = vector.broadcast %jit3A_2634 : f32 to vector<64x16xf32>
    %select_n3A_2638 = arith.select %eq3A_2632, %broadcast_in_dim3A_2636, %broadcast_in_dim3A_2637 : vector<64x16xi1>, vector<64x16xf32>
    %add3A_2639 = arith.addf %add3A_2629, %select_n3A_2638 : vector<64x16xf32>
    %eq3A_2640 = arith.constant 14 : i32
    %eq3A_2641 = vector.broadcast %eq3A_2640 : i32 to vector<64x16xi32>
    %eq3A_2642 = arith.cmpi eq, %select_n3A_2496, %eq3A_2641 : vector<64x16xi32>
    %slice3A_2643 = vector.extract_strided_slice %convert_element_type3A_2497 {offsets = [0, 14], sizes = [64, 1], strides = [1, 1]} : vector<64x16xf32> to vector<64x1xf32>
    %jit3A_2644 = arith.constant 0.000000e+00 : f32
    %broadcast_in_dim3A_2645 = vector.shape_cast %slice3A_2643 : vector<64x1xf32> to vector<64x1xf32>
    %broadcast_in_dim3A_2646 = vector.broadcast %broadcast_in_dim3A_2645 : vector<64x1xf32> to vector<64x16xf32>
    %broadcast_in_dim3A_2647 = vector.broadcast %jit3A_2644 : f32 to vector<64x16xf32>
    %select_n3A_2648 = arith.select %eq3A_2642, %broadcast_in_dim3A_2646, %broadcast_in_dim3A_2647 : vector<64x16xi1>, vector<64x16xf32>
    %add3A_2649 = arith.addf %add3A_2639, %select_n3A_2648 : vector<64x16xf32>
    %eq3A_2650 = arith.constant 15 : i32
    %eq3A_2651 = vector.broadcast %eq3A_2650 : i32 to vector<64x16xi32>
    %eq3A_2652 = arith.cmpi eq, %select_n3A_2496, %eq3A_2651 : vector<64x16xi32>
    %slice3A_2653 = vector.extract_strided_slice %convert_element_type3A_2497 {offsets = [0, 15], sizes = [64, 1], strides = [1, 1]} : vector<64x16xf32> to vector<64x1xf32>
    %jit3A_2654 = arith.constant 0.000000e+00 : f32
    %broadcast_in_dim3A_2655 = vector.shape_cast %slice3A_2653 : vector<64x1xf32> to vector<64x1xf32>
    %broadcast_in_dim3A_2656 = vector.broadcast %broadcast_in_dim3A_2655 : vector<64x1xf32> to vector<64x16xf32>
    %broadcast_in_dim3A_2657 = vector.broadcast %jit3A_2654 : f32 to vector<64x16xf32>
    %select_n3A_2658 = arith.select %eq3A_2652, %broadcast_in_dim3A_2656, %broadcast_in_dim3A_2657 : vector<64x16xi1>, vector<64x16xf32>
    %add3A_2659 = arith.addf %add3A_2649, %select_n3A_2658 : vector<64x16xf32>
    %reduce_max3A_2660 = arith.constant dense<0xFF800000> : vector<64xf32>
    %reduce_max3A_2661 = vector.multi_reduction <maximumf>, %bitcast_convert_type3A_2280, %reduce_max3A_2660 [1] : vector<64x16xf32> to vector<64xf32>
    %broadcast_in_dim3A_2662 = vector.shape_cast %reduce_max3A_2661 : vector<64xf32> to vector<64x1xf32>
    %sub3A_2663 = vector.broadcast %broadcast_in_dim3A_2662 : vector<64x1xf32> to vector<64x16xf32>
    %sub3A_2664 = arith.subf %bitcast_convert_type3A_2280, %sub3A_2663 : vector<64x16xf32>
    %exp3A_2665 = math.exp %sub3A_2664 : vector<64x16xf32>
    %reduce_sum3A_2666 = arith.constant dense<0.000000e+00> : vector<64xf32>
    %reduce_sum3A_2667 = vector.multi_reduction <add>, %exp3A_2665, %reduce_sum3A_2666 [1] : vector<64x16xf32> to vector<64xf32>
    %broadcast_in_dim3A_2668 = vector.shape_cast %reduce_sum3A_2667 : vector<64xf32> to vector<64x1xf32>
    %div3A_2669 = vector.broadcast %broadcast_in_dim3A_2668 : vector<64x1xf32> to vector<64x16xf32>
    %div3A_2670 = arith.divf %exp3A_2665, %div3A_2669 : vector<64x16xf32>
    %mul3A_2671 = arith.constant 2.560000e+02 : f32
    %mul3A_2672 = vector.broadcast %mul3A_2671 : f32 to vector<64x16xf32>
    %mul3A_2673 = arith.mulf %add3A_2474, %mul3A_2672 : vector<64x16xf32>
    %add3A_2674 = arith.addf %mul3A_2673, %add3A_2659 : vector<64x16xf32>
    %convert_element_type3A_2675 = arith.fptosi %add3A_2674 : vector<64x16xf32> to vector<64x16xi32>
    %slice3A_2676 = vector.extract_strided_slice %dot_general3A_15 {offsets = [192, 0], sizes = [64, 256], strides = [1, 1]} : vector<256x256xf32> to vector<64x256xf32>
    %bitcast_convert_type3A_2677 = tpu.bitcast %slice3A_2676 : vector<64x256xf32> -> vector<64x256xi32>
    %iota3A_2678 = tpu.iota {dimensions = array<i32: 1>} : vector<64x256xi32>
    %lt3A_2679 = arith.constant 0 : i32
    %lt3A_2680 = vector.broadcast %lt3A_2679 : i32 to vector<64x256xi32>
    %lt3A_2681 = arith.cmpi slt, %bitcast_convert_type3A_2677, %lt3A_2680 : vector<64x256xi32>
    %sub3A_2682 = arith.constant 255 : i32
    %sub3A_2683 = vector.broadcast %sub3A_2682 : i32 to vector<64x256xi32>
    %sub3A_2684 = arith.subi %sub3A_2683, %iota3A_2678 : vector<64x256xi32>
    %select_n3A_2685 = arith.select %lt3A_2681, %iota3A_2678, %sub3A_2684 : vector<64x256xi1>, vector<64x256xi32>
    %and3A_2686 = arith.constant -256 : i32
    %and3A_2687 = vector.broadcast %and3A_2686 : i32 to vector<64x256xi32>
    %and3A_2688 = arith.andi %bitcast_convert_type3A_2677, %and3A_2687 : vector<64x256xi32>
    %or3A_2689 = arith.ori %and3A_2688, %select_n3A_2685 : vector<64x256xi32>
    %bitcast_convert_type3A_2690 = tpu.bitcast %or3A_2689 : vector<64x256xi32> -> vector<64x256xf32>
    %reduce_max3A_2691 = arith.constant dense<0xFF800000> : vector<64xf32>
    %reduce_max3A_2692 = vector.multi_reduction <maximumf>, %bitcast_convert_type3A_2690, %reduce_max3A_2691 [1] : vector<64x256xf32> to vector<64xf32>
    %broadcast_in_dim3A_2693 = vector.shape_cast %reduce_max3A_2692 : vector<64xf32> to vector<64x1xf32>
    %eq3A_2694 = vector.broadcast %broadcast_in_dim3A_2693 : vector<64x1xf32> to vector<64x256xf32>
    %eq3A_2695 = arith.cmpf oeq, %bitcast_convert_type3A_2690, %eq3A_2694 : vector<64x256xf32>
    %jit3A_2696 = arith.constant 0xFF800000 : f32
    %broadcast_in_dim3A_2697 = vector.broadcast %jit3A_2696 : f32 to vector<64x256xf32>
    %select_n3A_2698 = arith.select %eq3A_2695, %broadcast_in_dim3A_2697, %bitcast_convert_type3A_2690 : vector<64x256xi1>, vector<64x256xf32>
    %reduce_max3A_2699 = arith.constant dense<0xFF800000> : vector<64xf32>
    %reduce_max3A_2700 = vector.multi_reduction <maximumf>, %select_n3A_2698, %reduce_max3A_2699 [1] : vector<64x256xf32> to vector<64xf32>
    %broadcast_in_dim3A_2701 = vector.shape_cast %reduce_max3A_2700 : vector<64xf32> to vector<64x1xf32>
    %eq3A_2702 = vector.broadcast %broadcast_in_dim3A_2701 : vector<64x1xf32> to vector<64x256xf32>
    %eq3A_2703 = arith.cmpf oeq, %select_n3A_2698, %eq3A_2702 : vector<64x256xf32>
    %jit3A_2704 = arith.constant 0xFF800000 : f32
    %broadcast_in_dim3A_2705 = vector.broadcast %jit3A_2704 : f32 to vector<64x256xf32>
    %select_n3A_2706 = arith.select %eq3A_2703, %broadcast_in_dim3A_2705, %select_n3A_2698 : vector<64x256xi1>, vector<64x256xf32>
    %reduce_max3A_2707 = arith.constant dense<0xFF800000> : vector<64xf32>
    %reduce_max3A_2708 = vector.multi_reduction <maximumf>, %select_n3A_2706, %reduce_max3A_2707 [1] : vector<64x256xf32> to vector<64xf32>
    %broadcast_in_dim3A_2709 = vector.shape_cast %reduce_max3A_2708 : vector<64xf32> to vector<64x1xf32>
    %eq3A_2710 = vector.broadcast %broadcast_in_dim3A_2709 : vector<64x1xf32> to vector<64x256xf32>
    %eq3A_2711 = arith.cmpf oeq, %select_n3A_2706, %eq3A_2710 : vector<64x256xf32>
    %jit3A_2712 = arith.constant 0xFF800000 : f32
    %broadcast_in_dim3A_2713 = vector.broadcast %jit3A_2712 : f32 to vector<64x256xf32>
    %select_n3A_2714 = arith.select %eq3A_2711, %broadcast_in_dim3A_2713, %select_n3A_2706 : vector<64x256xi1>, vector<64x256xf32>
    %reduce_max3A_2715 = arith.constant dense<0xFF800000> : vector<64xf32>
    %reduce_max3A_2716 = vector.multi_reduction <maximumf>, %select_n3A_2714, %reduce_max3A_2715 [1] : vector<64x256xf32> to vector<64xf32>
    %broadcast_in_dim3A_2717 = vector.shape_cast %reduce_max3A_2716 : vector<64xf32> to vector<64x1xf32>
    %eq3A_2718 = vector.broadcast %broadcast_in_dim3A_2717 : vector<64x1xf32> to vector<64x256xf32>
    %eq3A_2719 = arith.cmpf oeq, %select_n3A_2714, %eq3A_2718 : vector<64x256xf32>
    %jit3A_2720 = arith.constant 0xFF800000 : f32
    %broadcast_in_dim3A_2721 = vector.broadcast %jit3A_2720 : f32 to vector<64x256xf32>
    %select_n3A_2722 = arith.select %eq3A_2719, %broadcast_in_dim3A_2721, %select_n3A_2714 : vector<64x256xi1>, vector<64x256xf32>
    %reduce_max3A_2723 = arith.constant dense<0xFF800000> : vector<64xf32>
    %reduce_max3A_2724 = vector.multi_reduction <maximumf>, %select_n3A_2722, %reduce_max3A_2723 [1] : vector<64x256xf32> to vector<64xf32>
    %broadcast_in_dim3A_2725 = vector.shape_cast %reduce_max3A_2724 : vector<64xf32> to vector<64x1xf32>
    %eq3A_2726 = vector.broadcast %broadcast_in_dim3A_2725 : vector<64x1xf32> to vector<64x256xf32>
    %eq3A_2727 = arith.cmpf oeq, %select_n3A_2722, %eq3A_2726 : vector<64x256xf32>
    %jit3A_2728 = arith.constant 0xFF800000 : f32
    %broadcast_in_dim3A_2729 = vector.broadcast %jit3A_2728 : f32 to vector<64x256xf32>
    %select_n3A_2730 = arith.select %eq3A_2727, %broadcast_in_dim3A_2729, %select_n3A_2722 : vector<64x256xi1>, vector<64x256xf32>
    %reduce_max3A_2731 = arith.constant dense<0xFF800000> : vector<64xf32>
    %reduce_max3A_2732 = vector.multi_reduction <maximumf>, %select_n3A_2730, %reduce_max3A_2731 [1] : vector<64x256xf32> to vector<64xf32>
    %broadcast_in_dim3A_2733 = vector.shape_cast %reduce_max3A_2732 : vector<64xf32> to vector<64x1xf32>
    %eq3A_2734 = vector.broadcast %broadcast_in_dim3A_2733 : vector<64x1xf32> to vector<64x256xf32>
    %eq3A_2735 = arith.cmpf oeq, %select_n3A_2730, %eq3A_2734 : vector<64x256xf32>
    %jit3A_2736 = arith.constant 0xFF800000 : f32
    %broadcast_in_dim3A_2737 = vector.broadcast %jit3A_2736 : f32 to vector<64x256xf32>
    %select_n3A_2738 = arith.select %eq3A_2735, %broadcast_in_dim3A_2737, %select_n3A_2730 : vector<64x256xi1>, vector<64x256xf32>
    %reduce_max3A_2739 = arith.constant dense<0xFF800000> : vector<64xf32>
    %reduce_max3A_2740 = vector.multi_reduction <maximumf>, %select_n3A_2738, %reduce_max3A_2739 [1] : vector<64x256xf32> to vector<64xf32>
    %broadcast_in_dim3A_2741 = vector.shape_cast %reduce_max3A_2740 : vector<64xf32> to vector<64x1xf32>
    %eq3A_2742 = vector.broadcast %broadcast_in_dim3A_2741 : vector<64x1xf32> to vector<64x256xf32>
    %eq3A_2743 = arith.cmpf oeq, %select_n3A_2738, %eq3A_2742 : vector<64x256xf32>
    %jit3A_2744 = arith.constant 0xFF800000 : f32
    %broadcast_in_dim3A_2745 = vector.broadcast %jit3A_2744 : f32 to vector<64x256xf32>
    %select_n3A_2746 = arith.select %eq3A_2743, %broadcast_in_dim3A_2745, %select_n3A_2738 : vector<64x256xi1>, vector<64x256xf32>
    %reduce_max3A_2747 = arith.constant dense<0xFF800000> : vector<64xf32>
    %reduce_max3A_2748 = vector.multi_reduction <maximumf>, %select_n3A_2746, %reduce_max3A_2747 [1] : vector<64x256xf32> to vector<64xf32>
    %broadcast_in_dim3A_2749 = vector.shape_cast %reduce_max3A_2748 : vector<64xf32> to vector<64x1xf32>
    %eq3A_2750 = vector.broadcast %broadcast_in_dim3A_2749 : vector<64x1xf32> to vector<64x256xf32>
    %eq3A_2751 = arith.cmpf oeq, %select_n3A_2746, %eq3A_2750 : vector<64x256xf32>
    %jit3A_2752 = arith.constant 0xFF800000 : f32
    %broadcast_in_dim3A_2753 = vector.broadcast %jit3A_2752 : f32 to vector<64x256xf32>
    %select_n3A_2754 = arith.select %eq3A_2751, %broadcast_in_dim3A_2753, %select_n3A_2746 : vector<64x256xi1>, vector<64x256xf32>
    %reduce_max3A_2755 = arith.constant dense<0xFF800000> : vector<64xf32>
    %reduce_max3A_2756 = vector.multi_reduction <maximumf>, %select_n3A_2754, %reduce_max3A_2755 [1] : vector<64x256xf32> to vector<64xf32>
    %broadcast_in_dim3A_2757 = vector.shape_cast %reduce_max3A_2756 : vector<64xf32> to vector<64x1xf32>
    %eq3A_2758 = vector.broadcast %broadcast_in_dim3A_2757 : vector<64x1xf32> to vector<64x256xf32>
    %eq3A_2759 = arith.cmpf oeq, %select_n3A_2754, %eq3A_2758 : vector<64x256xf32>
    %jit3A_2760 = arith.constant 0xFF800000 : f32
    %broadcast_in_dim3A_2761 = vector.broadcast %jit3A_2760 : f32 to vector<64x256xf32>
    %select_n3A_2762 = arith.select %eq3A_2759, %broadcast_in_dim3A_2761, %select_n3A_2754 : vector<64x256xi1>, vector<64x256xf32>
    %reduce_max3A_2763 = arith.constant dense<0xFF800000> : vector<64xf32>
    %reduce_max3A_2764 = vector.multi_reduction <maximumf>, %select_n3A_2762, %reduce_max3A_2763 [1] : vector<64x256xf32> to vector<64xf32>
    %broadcast_in_dim3A_2765 = vector.shape_cast %reduce_max3A_2764 : vector<64xf32> to vector<64x1xf32>
    %eq3A_2766 = vector.broadcast %broadcast_in_dim3A_2765 : vector<64x1xf32> to vector<64x256xf32>
    %eq3A_2767 = arith.cmpf oeq, %select_n3A_2762, %eq3A_2766 : vector<64x256xf32>
    %jit3A_2768 = arith.constant 0xFF800000 : f32
    %broadcast_in_dim3A_2769 = vector.broadcast %jit3A_2768 : f32 to vector<64x256xf32>
    %select_n3A_2770 = arith.select %eq3A_2767, %broadcast_in_dim3A_2769, %select_n3A_2762 : vector<64x256xi1>, vector<64x256xf32>
    %reduce_max3A_2771 = arith.constant dense<0xFF800000> : vector<64xf32>
    %reduce_max3A_2772 = vector.multi_reduction <maximumf>, %select_n3A_2770, %reduce_max3A_2771 [1] : vector<64x256xf32> to vector<64xf32>
    %broadcast_in_dim3A_2773 = vector.shape_cast %reduce_max3A_2772 : vector<64xf32> to vector<64x1xf32>
    %eq3A_2774 = vector.broadcast %broadcast_in_dim3A_2773 : vector<64x1xf32> to vector<64x256xf32>
    %eq3A_2775 = arith.cmpf oeq, %select_n3A_2770, %eq3A_2774 : vector<64x256xf32>
    %jit3A_2776 = arith.constant 0xFF800000 : f32
    %broadcast_in_dim3A_2777 = vector.broadcast %jit3A_2776 : f32 to vector<64x256xf32>
    %select_n3A_2778 = arith.select %eq3A_2775, %broadcast_in_dim3A_2777, %select_n3A_2770 : vector<64x256xi1>, vector<64x256xf32>
    %reduce_max3A_2779 = arith.constant dense<0xFF800000> : vector<64xf32>
    %reduce_max3A_2780 = vector.multi_reduction <maximumf>, %select_n3A_2778, %reduce_max3A_2779 [1] : vector<64x256xf32> to vector<64xf32>
    %broadcast_in_dim3A_2781 = vector.shape_cast %reduce_max3A_2780 : vector<64xf32> to vector<64x1xf32>
    %eq3A_2782 = vector.broadcast %broadcast_in_dim3A_2781 : vector<64x1xf32> to vector<64x256xf32>
    %eq3A_2783 = arith.cmpf oeq, %select_n3A_2778, %eq3A_2782 : vector<64x256xf32>
    %jit3A_2784 = arith.constant 0xFF800000 : f32
    %broadcast_in_dim3A_2785 = vector.broadcast %jit3A_2784 : f32 to vector<64x256xf32>
    %select_n3A_2786 = arith.select %eq3A_2783, %broadcast_in_dim3A_2785, %select_n3A_2778 : vector<64x256xi1>, vector<64x256xf32>
    %reduce_max3A_2787 = arith.constant dense<0xFF800000> : vector<64xf32>
    %reduce_max3A_2788 = vector.multi_reduction <maximumf>, %select_n3A_2786, %reduce_max3A_2787 [1] : vector<64x256xf32> to vector<64xf32>
    %broadcast_in_dim3A_2789 = vector.shape_cast %reduce_max3A_2788 : vector<64xf32> to vector<64x1xf32>
    %eq3A_2790 = vector.broadcast %broadcast_in_dim3A_2789 : vector<64x1xf32> to vector<64x256xf32>
    %eq3A_2791 = arith.cmpf oeq, %select_n3A_2786, %eq3A_2790 : vector<64x256xf32>
    %jit3A_2792 = arith.constant 0xFF800000 : f32
    %broadcast_in_dim3A_2793 = vector.broadcast %jit3A_2792 : f32 to vector<64x256xf32>
    %select_n3A_2794 = arith.select %eq3A_2791, %broadcast_in_dim3A_2793, %select_n3A_2786 : vector<64x256xi1>, vector<64x256xf32>
    %reduce_max3A_2795 = arith.constant dense<0xFF800000> : vector<64xf32>
    %reduce_max3A_2796 = vector.multi_reduction <maximumf>, %select_n3A_2794, %reduce_max3A_2795 [1] : vector<64x256xf32> to vector<64xf32>
    %broadcast_in_dim3A_2797 = vector.shape_cast %reduce_max3A_2796 : vector<64xf32> to vector<64x1xf32>
    %eq3A_2798 = vector.broadcast %broadcast_in_dim3A_2797 : vector<64x1xf32> to vector<64x256xf32>
    %eq3A_2799 = arith.cmpf oeq, %select_n3A_2794, %eq3A_2798 : vector<64x256xf32>
    %jit3A_2800 = arith.constant 0xFF800000 : f32
    %broadcast_in_dim3A_2801 = vector.broadcast %jit3A_2800 : f32 to vector<64x256xf32>
    %select_n3A_2802 = arith.select %eq3A_2799, %broadcast_in_dim3A_2801, %select_n3A_2794 : vector<64x256xi1>, vector<64x256xf32>
    %reduce_max3A_2803 = arith.constant dense<0xFF800000> : vector<64xf32>
    %reduce_max3A_2804 = vector.multi_reduction <maximumf>, %select_n3A_2802, %reduce_max3A_2803 [1] : vector<64x256xf32> to vector<64xf32>
    %broadcast_in_dim3A_2805 = vector.shape_cast %reduce_max3A_2804 : vector<64xf32> to vector<64x1xf32>
    %eq3A_2806 = vector.broadcast %broadcast_in_dim3A_2805 : vector<64x1xf32> to vector<64x256xf32>
    %eq3A_2807 = arith.cmpf oeq, %select_n3A_2802, %eq3A_2806 : vector<64x256xf32>
    %jit3A_2808 = arith.constant 0xFF800000 : f32
    %broadcast_in_dim3A_2809 = vector.broadcast %jit3A_2808 : f32 to vector<64x256xf32>
    %select_n3A_2810 = arith.select %eq3A_2807, %broadcast_in_dim3A_2809, %select_n3A_2802 : vector<64x256xi1>, vector<64x256xf32>
    %reduce_max3A_2811 = arith.constant dense<0xFF800000> : vector<64xf32>
    %reduce_max3A_2812 = vector.multi_reduction <maximumf>, %select_n3A_2810, %reduce_max3A_2811 [1] : vector<64x256xf32> to vector<64xf32>
    %broadcast_in_dim3A_2813 = vector.shape_cast %reduce_max3A_2812 : vector<64xf32> to vector<64x1xf32>
    %concatenate3A_2814 = tpu.concatenate %broadcast_in_dim3A_2693, %broadcast_in_dim3A_2701, %broadcast_in_dim3A_2709, %broadcast_in_dim3A_2717, %broadcast_in_dim3A_2725, %broadcast_in_dim3A_2733, %broadcast_in_dim3A_2741, %broadcast_in_dim3A_2749, %broadcast_in_dim3A_2757, %broadcast_in_dim3A_2765, %broadcast_in_dim3A_2773, %broadcast_in_dim3A_2781, %broadcast_in_dim3A_2789, %broadcast_in_dim3A_2797, %broadcast_in_dim3A_2805, %broadcast_in_dim3A_2813 in 1 : vector<64x1xf32>, vector<64x1xf32>, vector<64x1xf32>, vector<64x1xf32>, vector<64x1xf32>, vector<64x1xf32>, vector<64x1xf32>, vector<64x1xf32>, vector<64x1xf32>, vector<64x1xf32>, vector<64x1xf32>, vector<64x1xf32>, vector<64x1xf32>, vector<64x1xf32>, vector<64x1xf32>, vector<64x1xf32> -> vector<64x16xf32>
    %bitcast_convert_type3A_2815 = tpu.bitcast %concatenate3A_2814 : vector<64x16xf32> -> vector<64x16xi32>
    %and3A_2816 = arith.constant 255 : i32
    %and3A_2817 = vector.broadcast %and3A_2816 : i32 to vector<64x16xi32>
    %and3A_2818 = arith.andi %bitcast_convert_type3A_2815, %and3A_2817 : vector<64x16xi32>
    %lt3A_2819 = arith.constant 0 : i32
    %lt3A_2820 = vector.broadcast %lt3A_2819 : i32 to vector<64x16xi32>
    %lt3A_2821 = arith.cmpi slt, %bitcast_convert_type3A_2815, %lt3A_2820 : vector<64x16xi32>
    %sub3A_2822 = arith.constant 255 : i32
    %sub3A_2823 = vector.broadcast %sub3A_2822 : i32 to vector<64x16xi32>
    %sub3A_2824 = arith.subi %sub3A_2823, %and3A_2818 : vector<64x16xi32>
    %select_n3A_2825 = arith.select %lt3A_2821, %and3A_2818, %sub3A_2824 : vector<64x16xi1>, vector<64x16xi32>
    %and3A_2826 = arith.constant -256 : i32
    %and3A_2827 = vector.broadcast %and3A_2826 : i32 to vector<64x16xi32>
    %and3A_2828 = arith.andi %bitcast_convert_type3A_2815, %and3A_2827 : vector<64x16xi32>
    %or3A_2829 = arith.constant 128 : i32
    %or3A_2830 = vector.broadcast %or3A_2829 : i32 to vector<64x16xi32>
    %or3A_2831 = arith.ori %and3A_2828, %or3A_2830 : vector<64x16xi32>
    %bitcast_convert_type3A_2832 = tpu.bitcast %or3A_2831 : vector<64x16xi32> -> vector<64x16xf32>
    %slice3A_2833 = vector.extract_strided_slice %dot_general3A_23 {offsets = [192, 0], sizes = [64, 256], strides = [1, 1]} : vector<256x256xf32> to vector<64x256xf32>
    %bitcast_convert_type3A_2834 = tpu.bitcast %slice3A_2833 : vector<64x256xf32> -> vector<64x256xi32>
    %iota3A_2835 = tpu.iota {dimensions = array<i32: 1>} : vector<64x256xi32>
    %lt3A_2836 = arith.constant 0 : i32
    %lt3A_2837 = vector.broadcast %lt3A_2836 : i32 to vector<64x256xi32>
    %lt3A_2838 = arith.cmpi slt, %bitcast_convert_type3A_2834, %lt3A_2837 : vector<64x256xi32>
    %sub3A_2839 = arith.constant 255 : i32
    %sub3A_2840 = vector.broadcast %sub3A_2839 : i32 to vector<64x256xi32>
    %sub3A_2841 = arith.subi %sub3A_2840, %iota3A_2835 : vector<64x256xi32>
    %select_n3A_2842 = arith.select %lt3A_2838, %iota3A_2835, %sub3A_2841 : vector<64x256xi1>, vector<64x256xi32>
    %and3A_2843 = arith.constant -256 : i32
    %and3A_2844 = vector.broadcast %and3A_2843 : i32 to vector<64x256xi32>
    %and3A_2845 = arith.andi %bitcast_convert_type3A_2834, %and3A_2844 : vector<64x256xi32>
    %or3A_2846 = arith.ori %and3A_2845, %select_n3A_2842 : vector<64x256xi32>
    %bitcast_convert_type3A_2847 = tpu.bitcast %or3A_2846 : vector<64x256xi32> -> vector<64x256xf32>
    %reduce_max3A_2848 = arith.constant dense<0xFF800000> : vector<64xf32>
    %reduce_max3A_2849 = vector.multi_reduction <maximumf>, %bitcast_convert_type3A_2847, %reduce_max3A_2848 [1] : vector<64x256xf32> to vector<64xf32>
    %broadcast_in_dim3A_2850 = vector.shape_cast %reduce_max3A_2849 : vector<64xf32> to vector<64x1xf32>
    %eq3A_2851 = vector.broadcast %broadcast_in_dim3A_2850 : vector<64x1xf32> to vector<64x256xf32>
    %eq3A_2852 = arith.cmpf oeq, %bitcast_convert_type3A_2847, %eq3A_2851 : vector<64x256xf32>
    %jit3A_2853 = arith.constant 0xFF800000 : f32
    %broadcast_in_dim3A_2854 = vector.broadcast %jit3A_2853 : f32 to vector<64x256xf32>
    %select_n3A_2855 = arith.select %eq3A_2852, %broadcast_in_dim3A_2854, %bitcast_convert_type3A_2847 : vector<64x256xi1>, vector<64x256xf32>
    %reduce_max3A_2856 = arith.constant dense<0xFF800000> : vector<64xf32>
    %reduce_max3A_2857 = vector.multi_reduction <maximumf>, %select_n3A_2855, %reduce_max3A_2856 [1] : vector<64x256xf32> to vector<64xf32>
    %broadcast_in_dim3A_2858 = vector.shape_cast %reduce_max3A_2857 : vector<64xf32> to vector<64x1xf32>
    %eq3A_2859 = vector.broadcast %broadcast_in_dim3A_2858 : vector<64x1xf32> to vector<64x256xf32>
    %eq3A_2860 = arith.cmpf oeq, %select_n3A_2855, %eq3A_2859 : vector<64x256xf32>
    %jit3A_2861 = arith.constant 0xFF800000 : f32
    %broadcast_in_dim3A_2862 = vector.broadcast %jit3A_2861 : f32 to vector<64x256xf32>
    %select_n3A_2863 = arith.select %eq3A_2860, %broadcast_in_dim3A_2862, %select_n3A_2855 : vector<64x256xi1>, vector<64x256xf32>
    %reduce_max3A_2864 = arith.constant dense<0xFF800000> : vector<64xf32>
    %reduce_max3A_2865 = vector.multi_reduction <maximumf>, %select_n3A_2863, %reduce_max3A_2864 [1] : vector<64x256xf32> to vector<64xf32>
    %broadcast_in_dim3A_2866 = vector.shape_cast %reduce_max3A_2865 : vector<64xf32> to vector<64x1xf32>
    %eq3A_2867 = vector.broadcast %broadcast_in_dim3A_2866 : vector<64x1xf32> to vector<64x256xf32>
    %eq3A_2868 = arith.cmpf oeq, %select_n3A_2863, %eq3A_2867 : vector<64x256xf32>
    %jit3A_2869 = arith.constant 0xFF800000 : f32
    %broadcast_in_dim3A_2870 = vector.broadcast %jit3A_2869 : f32 to vector<64x256xf32>
    %select_n3A_2871 = arith.select %eq3A_2868, %broadcast_in_dim3A_2870, %select_n3A_2863 : vector<64x256xi1>, vector<64x256xf32>
    %reduce_max3A_2872 = arith.constant dense<0xFF800000> : vector<64xf32>
    %reduce_max3A_2873 = vector.multi_reduction <maximumf>, %select_n3A_2871, %reduce_max3A_2872 [1] : vector<64x256xf32> to vector<64xf32>
    %broadcast_in_dim3A_2874 = vector.shape_cast %reduce_max3A_2873 : vector<64xf32> to vector<64x1xf32>
    %eq3A_2875 = vector.broadcast %broadcast_in_dim3A_2874 : vector<64x1xf32> to vector<64x256xf32>
    %eq3A_2876 = arith.cmpf oeq, %select_n3A_2871, %eq3A_2875 : vector<64x256xf32>
    %jit3A_2877 = arith.constant 0xFF800000 : f32
    %broadcast_in_dim3A_2878 = vector.broadcast %jit3A_2877 : f32 to vector<64x256xf32>
    %select_n3A_2879 = arith.select %eq3A_2876, %broadcast_in_dim3A_2878, %select_n3A_2871 : vector<64x256xi1>, vector<64x256xf32>
    %reduce_max3A_2880 = arith.constant dense<0xFF800000> : vector<64xf32>
    %reduce_max3A_2881 = vector.multi_reduction <maximumf>, %select_n3A_2879, %reduce_max3A_2880 [1] : vector<64x256xf32> to vector<64xf32>
    %broadcast_in_dim3A_2882 = vector.shape_cast %reduce_max3A_2881 : vector<64xf32> to vector<64x1xf32>
    %eq3A_2883 = vector.broadcast %broadcast_in_dim3A_2882 : vector<64x1xf32> to vector<64x256xf32>
    %eq3A_2884 = arith.cmpf oeq, %select_n3A_2879, %eq3A_2883 : vector<64x256xf32>
    %jit3A_2885 = arith.constant 0xFF800000 : f32
    %broadcast_in_dim3A_2886 = vector.broadcast %jit3A_2885 : f32 to vector<64x256xf32>
    %select_n3A_2887 = arith.select %eq3A_2884, %broadcast_in_dim3A_2886, %select_n3A_2879 : vector<64x256xi1>, vector<64x256xf32>
    %reduce_max3A_2888 = arith.constant dense<0xFF800000> : vector<64xf32>
    %reduce_max3A_2889 = vector.multi_reduction <maximumf>, %select_n3A_2887, %reduce_max3A_2888 [1] : vector<64x256xf32> to vector<64xf32>
    %broadcast_in_dim3A_2890 = vector.shape_cast %reduce_max3A_2889 : vector<64xf32> to vector<64x1xf32>
    %eq3A_2891 = vector.broadcast %broadcast_in_dim3A_2890 : vector<64x1xf32> to vector<64x256xf32>
    %eq3A_2892 = arith.cmpf oeq, %select_n3A_2887, %eq3A_2891 : vector<64x256xf32>
    %jit3A_2893 = arith.constant 0xFF800000 : f32
    %broadcast_in_dim3A_2894 = vector.broadcast %jit3A_2893 : f32 to vector<64x256xf32>
    %select_n3A_2895 = arith.select %eq3A_2892, %broadcast_in_dim3A_2894, %select_n3A_2887 : vector<64x256xi1>, vector<64x256xf32>
    %reduce_max3A_2896 = arith.constant dense<0xFF800000> : vector<64xf32>
    %reduce_max3A_2897 = vector.multi_reduction <maximumf>, %select_n3A_2895, %reduce_max3A_2896 [1] : vector<64x256xf32> to vector<64xf32>
    %broadcast_in_dim3A_2898 = vector.shape_cast %reduce_max3A_2897 : vector<64xf32> to vector<64x1xf32>
    %eq3A_2899 = vector.broadcast %broadcast_in_dim3A_2898 : vector<64x1xf32> to vector<64x256xf32>
    %eq3A_2900 = arith.cmpf oeq, %select_n3A_2895, %eq3A_2899 : vector<64x256xf32>
    %jit3A_2901 = arith.constant 0xFF800000 : f32
    %broadcast_in_dim3A_2902 = vector.broadcast %jit3A_2901 : f32 to vector<64x256xf32>
    %select_n3A_2903 = arith.select %eq3A_2900, %broadcast_in_dim3A_2902, %select_n3A_2895 : vector<64x256xi1>, vector<64x256xf32>
    %reduce_max3A_2904 = arith.constant dense<0xFF800000> : vector<64xf32>
    %reduce_max3A_2905 = vector.multi_reduction <maximumf>, %select_n3A_2903, %reduce_max3A_2904 [1] : vector<64x256xf32> to vector<64xf32>
    %broadcast_in_dim3A_2906 = vector.shape_cast %reduce_max3A_2905 : vector<64xf32> to vector<64x1xf32>
    %eq3A_2907 = vector.broadcast %broadcast_in_dim3A_2906 : vector<64x1xf32> to vector<64x256xf32>
    %eq3A_2908 = arith.cmpf oeq, %select_n3A_2903, %eq3A_2907 : vector<64x256xf32>
    %jit3A_2909 = arith.constant 0xFF800000 : f32
    %broadcast_in_dim3A_2910 = vector.broadcast %jit3A_2909 : f32 to vector<64x256xf32>
    %select_n3A_2911 = arith.select %eq3A_2908, %broadcast_in_dim3A_2910, %select_n3A_2903 : vector<64x256xi1>, vector<64x256xf32>
    %reduce_max3A_2912 = arith.constant dense<0xFF800000> : vector<64xf32>
    %reduce_max3A_2913 = vector.multi_reduction <maximumf>, %select_n3A_2911, %reduce_max3A_2912 [1] : vector<64x256xf32> to vector<64xf32>
    %broadcast_in_dim3A_2914 = vector.shape_cast %reduce_max3A_2913 : vector<64xf32> to vector<64x1xf32>
    %eq3A_2915 = vector.broadcast %broadcast_in_dim3A_2914 : vector<64x1xf32> to vector<64x256xf32>
    %eq3A_2916 = arith.cmpf oeq, %select_n3A_2911, %eq3A_2915 : vector<64x256xf32>
    %jit3A_2917 = arith.constant 0xFF800000 : f32
    %broadcast_in_dim3A_2918 = vector.broadcast %jit3A_2917 : f32 to vector<64x256xf32>
    %select_n3A_2919 = arith.select %eq3A_2916, %broadcast_in_dim3A_2918, %select_n3A_2911 : vector<64x256xi1>, vector<64x256xf32>
    %reduce_max3A_2920 = arith.constant dense<0xFF800000> : vector<64xf32>
    %reduce_max3A_2921 = vector.multi_reduction <maximumf>, %select_n3A_2919, %reduce_max3A_2920 [1] : vector<64x256xf32> to vector<64xf32>
    %broadcast_in_dim3A_2922 = vector.shape_cast %reduce_max3A_2921 : vector<64xf32> to vector<64x1xf32>
    %eq3A_2923 = vector.broadcast %broadcast_in_dim3A_2922 : vector<64x1xf32> to vector<64x256xf32>
    %eq3A_2924 = arith.cmpf oeq, %select_n3A_2919, %eq3A_2923 : vector<64x256xf32>
    %jit3A_2925 = arith.constant 0xFF800000 : f32
    %broadcast_in_dim3A_2926 = vector.broadcast %jit3A_2925 : f32 to vector<64x256xf32>
    %select_n3A_2927 = arith.select %eq3A_2924, %broadcast_in_dim3A_2926, %select_n3A_2919 : vector<64x256xi1>, vector<64x256xf32>
    %reduce_max3A_2928 = arith.constant dense<0xFF800000> : vector<64xf32>
    %reduce_max3A_2929 = vector.multi_reduction <maximumf>, %select_n3A_2927, %reduce_max3A_2928 [1] : vector<64x256xf32> to vector<64xf32>
    %broadcast_in_dim3A_2930 = vector.shape_cast %reduce_max3A_2929 : vector<64xf32> to vector<64x1xf32>
    %eq3A_2931 = vector.broadcast %broadcast_in_dim3A_2930 : vector<64x1xf32> to vector<64x256xf32>
    %eq3A_2932 = arith.cmpf oeq, %select_n3A_2927, %eq3A_2931 : vector<64x256xf32>
    %jit3A_2933 = arith.constant 0xFF800000 : f32
    %broadcast_in_dim3A_2934 = vector.broadcast %jit3A_2933 : f32 to vector<64x256xf32>
    %select_n3A_2935 = arith.select %eq3A_2932, %broadcast_in_dim3A_2934, %select_n3A_2927 : vector<64x256xi1>, vector<64x256xf32>
    %reduce_max3A_2936 = arith.constant dense<0xFF800000> : vector<64xf32>
    %reduce_max3A_2937 = vector.multi_reduction <maximumf>, %select_n3A_2935, %reduce_max3A_2936 [1] : vector<64x256xf32> to vector<64xf32>
    %broadcast_in_dim3A_2938 = vector.shape_cast %reduce_max3A_2937 : vector<64xf32> to vector<64x1xf32>
    %eq3A_2939 = vector.broadcast %broadcast_in_dim3A_2938 : vector<64x1xf32> to vector<64x256xf32>
    %eq3A_2940 = arith.cmpf oeq, %select_n3A_2935, %eq3A_2939 : vector<64x256xf32>
    %jit3A_2941 = arith.constant 0xFF800000 : f32
    %broadcast_in_dim3A_2942 = vector.broadcast %jit3A_2941 : f32 to vector<64x256xf32>
    %select_n3A_2943 = arith.select %eq3A_2940, %broadcast_in_dim3A_2942, %select_n3A_2935 : vector<64x256xi1>, vector<64x256xf32>
    %reduce_max3A_2944 = arith.constant dense<0xFF800000> : vector<64xf32>
    %reduce_max3A_2945 = vector.multi_reduction <maximumf>, %select_n3A_2943, %reduce_max3A_2944 [1] : vector<64x256xf32> to vector<64xf32>
    %broadcast_in_dim3A_2946 = vector.shape_cast %reduce_max3A_2945 : vector<64xf32> to vector<64x1xf32>
    %eq3A_2947 = vector.broadcast %broadcast_in_dim3A_2946 : vector<64x1xf32> to vector<64x256xf32>
    %eq3A_2948 = arith.cmpf oeq, %select_n3A_2943, %eq3A_2947 : vector<64x256xf32>
    %jit3A_2949 = arith.constant 0xFF800000 : f32
    %broadcast_in_dim3A_2950 = vector.broadcast %jit3A_2949 : f32 to vector<64x256xf32>
    %select_n3A_2951 = arith.select %eq3A_2948, %broadcast_in_dim3A_2950, %select_n3A_2943 : vector<64x256xi1>, vector<64x256xf32>
    %reduce_max3A_2952 = arith.constant dense<0xFF800000> : vector<64xf32>
    %reduce_max3A_2953 = vector.multi_reduction <maximumf>, %select_n3A_2951, %reduce_max3A_2952 [1] : vector<64x256xf32> to vector<64xf32>
    %broadcast_in_dim3A_2954 = vector.shape_cast %reduce_max3A_2953 : vector<64xf32> to vector<64x1xf32>
    %eq3A_2955 = vector.broadcast %broadcast_in_dim3A_2954 : vector<64x1xf32> to vector<64x256xf32>
    %eq3A_2956 = arith.cmpf oeq, %select_n3A_2951, %eq3A_2955 : vector<64x256xf32>
    %jit3A_2957 = arith.constant 0xFF800000 : f32
    %broadcast_in_dim3A_2958 = vector.broadcast %jit3A_2957 : f32 to vector<64x256xf32>
    %select_n3A_2959 = arith.select %eq3A_2956, %broadcast_in_dim3A_2958, %select_n3A_2951 : vector<64x256xi1>, vector<64x256xf32>
    %reduce_max3A_2960 = arith.constant dense<0xFF800000> : vector<64xf32>
    %reduce_max3A_2961 = vector.multi_reduction <maximumf>, %select_n3A_2959, %reduce_max3A_2960 [1] : vector<64x256xf32> to vector<64xf32>
    %broadcast_in_dim3A_2962 = vector.shape_cast %reduce_max3A_2961 : vector<64xf32> to vector<64x1xf32>
    %eq3A_2963 = vector.broadcast %broadcast_in_dim3A_2962 : vector<64x1xf32> to vector<64x256xf32>
    %eq3A_2964 = arith.cmpf oeq, %select_n3A_2959, %eq3A_2963 : vector<64x256xf32>
    %jit3A_2965 = arith.constant 0xFF800000 : f32
    %broadcast_in_dim3A_2966 = vector.broadcast %jit3A_2965 : f32 to vector<64x256xf32>
    %select_n3A_2967 = arith.select %eq3A_2964, %broadcast_in_dim3A_2966, %select_n3A_2959 : vector<64x256xi1>, vector<64x256xf32>
    %reduce_max3A_2968 = arith.constant dense<0xFF800000> : vector<64xf32>
    %reduce_max3A_2969 = vector.multi_reduction <maximumf>, %select_n3A_2967, %reduce_max3A_2968 [1] : vector<64x256xf32> to vector<64xf32>
    %broadcast_in_dim3A_2970 = vector.shape_cast %reduce_max3A_2969 : vector<64xf32> to vector<64x1xf32>
    %concatenate3A_2971 = tpu.concatenate %broadcast_in_dim3A_2850, %broadcast_in_dim3A_2858, %broadcast_in_dim3A_2866, %broadcast_in_dim3A_2874, %broadcast_in_dim3A_2882, %broadcast_in_dim3A_2890, %broadcast_in_dim3A_2898, %broadcast_in_dim3A_2906, %broadcast_in_dim3A_2914, %broadcast_in_dim3A_2922, %broadcast_in_dim3A_2930, %broadcast_in_dim3A_2938, %broadcast_in_dim3A_2946, %broadcast_in_dim3A_2954, %broadcast_in_dim3A_2962, %broadcast_in_dim3A_2970 in 1 : vector<64x1xf32>, vector<64x1xf32>, vector<64x1xf32>, vector<64x1xf32>, vector<64x1xf32>, vector<64x1xf32>, vector<64x1xf32>, vector<64x1xf32>, vector<64x1xf32>, vector<64x1xf32>, vector<64x1xf32>, vector<64x1xf32>, vector<64x1xf32>, vector<64x1xf32>, vector<64x1xf32>, vector<64x1xf32> -> vector<64x16xf32>
    %bitcast_convert_type3A_2972 = tpu.bitcast %concatenate3A_2971 : vector<64x16xf32> -> vector<64x16xi32>
    %and3A_2973 = arith.constant 255 : i32
    %and3A_2974 = vector.broadcast %and3A_2973 : i32 to vector<64x16xi32>
    %and3A_2975 = arith.andi %bitcast_convert_type3A_2972, %and3A_2974 : vector<64x16xi32>
    %lt3A_2976 = arith.constant 0 : i32
    %lt3A_2977 = vector.broadcast %lt3A_2976 : i32 to vector<64x16xi32>
    %lt3A_2978 = arith.cmpi slt, %bitcast_convert_type3A_2972, %lt3A_2977 : vector<64x16xi32>
    %sub3A_2979 = arith.constant 255 : i32
    %sub3A_2980 = vector.broadcast %sub3A_2979 : i32 to vector<64x16xi32>
    %sub3A_2981 = arith.subi %sub3A_2980, %and3A_2975 : vector<64x16xi32>
    %select_n3A_2982 = arith.select %lt3A_2978, %and3A_2975, %sub3A_2981 : vector<64x16xi1>, vector<64x16xi32>
    %and3A_2983 = arith.constant -256 : i32
    %and3A_2984 = vector.broadcast %and3A_2983 : i32 to vector<64x16xi32>
    %and3A_2985 = arith.andi %bitcast_convert_type3A_2972, %and3A_2984 : vector<64x16xi32>
    %or3A_2986 = arith.constant 128 : i32
    %or3A_2987 = vector.broadcast %or3A_2986 : i32 to vector<64x16xi32>
    %or3A_2988 = arith.ori %and3A_2985, %or3A_2987 : vector<64x16xi32>
    %bitcast_convert_type3A_2989 = tpu.bitcast %or3A_2988 : vector<64x16xi32> -> vector<64x16xf32>
    %dot_general3A_2990 = arith.constant dense<0.000000e+00> : vector<64x256xf32>
    %dot_general3A_2991 = tpu.matmul %bitcast_convert_type3A_2832, %convert_element_type3A_48, %dot_general3A_2990 {dimension_numbers = #tpu.dot_dimension_numbers<[1], [0], [0], [1], [0, 0, 1, 1], [], []>, precision = #tpu.contract_precision<fp32>, transpose_lhs_hint = false} : vector<64x16xf32>, vector<16x256xf32>, vector<64x256xf32> -> vector<64x256xf32>
    %dot_general3A_2992 = arith.constant dense<0.000000e+00> : vector<64x256xf32>
    %dot_general3A_2993 = tpu.matmul %bitcast_convert_type3A_2989, %convert_element_type3A_72, %dot_general3A_2992 {dimension_numbers = #tpu.dot_dimension_numbers<[1], [0], [0], [1], [0, 0, 1, 1], [], []>, precision = #tpu.contract_precision<fp32>, transpose_lhs_hint = false} : vector<64x16xf32>, vector<16x256xf32>, vector<64x256xf32> -> vector<64x256xf32>
    %add3A_2994 = arith.addf %dot_general3A_2991, %dot_general3A_2993 : vector<64x256xf32>
    %bitcast_convert_type3A_2995 = tpu.bitcast %add3A_2994 : vector<64x256xf32> -> vector<64x256xi32>
    %iota3A_2996 = tpu.iota {dimensions = array<i32: 1>} : vector<64x256xi32>
    %lt3A_2997 = arith.constant 0 : i32
    %lt3A_2998 = vector.broadcast %lt3A_2997 : i32 to vector<64x256xi32>
    %lt3A_2999 = arith.cmpi slt, %bitcast_convert_type3A_2995, %lt3A_2998 : vector<64x256xi32>
    %sub3A_3000 = arith.constant 255 : i32
    %sub3A_3001 = vector.broadcast %sub3A_3000 : i32 to vector<64x256xi32>
    %sub3A_3002 = arith.subi %sub3A_3001, %iota3A_2996 : vector<64x256xi32>
    %select_n3A_3003 = arith.select %lt3A_2999, %iota3A_2996, %sub3A_3002 : vector<64x256xi1>, vector<64x256xi32>
    %and3A_3004 = arith.constant -256 : i32
    %and3A_3005 = vector.broadcast %and3A_3004 : i32 to vector<64x256xi32>
    %and3A_3006 = arith.andi %bitcast_convert_type3A_2995, %and3A_3005 : vector<64x256xi32>
    %or3A_3007 = arith.ori %and3A_3006, %select_n3A_3003 : vector<64x256xi32>
    %bitcast_convert_type3A_3008 = tpu.bitcast %or3A_3007 : vector<64x256xi32> -> vector<64x256xf32>
    %reduce_max3A_3009 = arith.constant dense<0xFF800000> : vector<64xf32>
    %reduce_max3A_3010 = vector.multi_reduction <maximumf>, %bitcast_convert_type3A_3008, %reduce_max3A_3009 [1] : vector<64x256xf32> to vector<64xf32>
    %broadcast_in_dim3A_3011 = vector.shape_cast %reduce_max3A_3010 : vector<64xf32> to vector<64x1xf32>
    %eq3A_3012 = vector.broadcast %broadcast_in_dim3A_3011 : vector<64x1xf32> to vector<64x256xf32>
    %eq3A_3013 = arith.cmpf oeq, %bitcast_convert_type3A_3008, %eq3A_3012 : vector<64x256xf32>
    %jit3A_3014 = arith.constant 0xFF800000 : f32
    %broadcast_in_dim3A_3015 = vector.broadcast %jit3A_3014 : f32 to vector<64x256xf32>
    %select_n3A_3016 = arith.select %eq3A_3013, %broadcast_in_dim3A_3015, %bitcast_convert_type3A_3008 : vector<64x256xi1>, vector<64x256xf32>
    %reduce_max3A_3017 = arith.constant dense<0xFF800000> : vector<64xf32>
    %reduce_max3A_3018 = vector.multi_reduction <maximumf>, %select_n3A_3016, %reduce_max3A_3017 [1] : vector<64x256xf32> to vector<64xf32>
    %broadcast_in_dim3A_3019 = vector.shape_cast %reduce_max3A_3018 : vector<64xf32> to vector<64x1xf32>
    %eq3A_3020 = vector.broadcast %broadcast_in_dim3A_3019 : vector<64x1xf32> to vector<64x256xf32>
    %eq3A_3021 = arith.cmpf oeq, %select_n3A_3016, %eq3A_3020 : vector<64x256xf32>
    %jit3A_3022 = arith.constant 0xFF800000 : f32
    %broadcast_in_dim3A_3023 = vector.broadcast %jit3A_3022 : f32 to vector<64x256xf32>
    %select_n3A_3024 = arith.select %eq3A_3021, %broadcast_in_dim3A_3023, %select_n3A_3016 : vector<64x256xi1>, vector<64x256xf32>
    %reduce_max3A_3025 = arith.constant dense<0xFF800000> : vector<64xf32>
    %reduce_max3A_3026 = vector.multi_reduction <maximumf>, %select_n3A_3024, %reduce_max3A_3025 [1] : vector<64x256xf32> to vector<64xf32>
    %broadcast_in_dim3A_3027 = vector.shape_cast %reduce_max3A_3026 : vector<64xf32> to vector<64x1xf32>
    %eq3A_3028 = vector.broadcast %broadcast_in_dim3A_3027 : vector<64x1xf32> to vector<64x256xf32>
    %eq3A_3029 = arith.cmpf oeq, %select_n3A_3024, %eq3A_3028 : vector<64x256xf32>
    %jit3A_3030 = arith.constant 0xFF800000 : f32
    %broadcast_in_dim3A_3031 = vector.broadcast %jit3A_3030 : f32 to vector<64x256xf32>
    %select_n3A_3032 = arith.select %eq3A_3029, %broadcast_in_dim3A_3031, %select_n3A_3024 : vector<64x256xi1>, vector<64x256xf32>
    %reduce_max3A_3033 = arith.constant dense<0xFF800000> : vector<64xf32>
    %reduce_max3A_3034 = vector.multi_reduction <maximumf>, %select_n3A_3032, %reduce_max3A_3033 [1] : vector<64x256xf32> to vector<64xf32>
    %broadcast_in_dim3A_3035 = vector.shape_cast %reduce_max3A_3034 : vector<64xf32> to vector<64x1xf32>
    %eq3A_3036 = vector.broadcast %broadcast_in_dim3A_3035 : vector<64x1xf32> to vector<64x256xf32>
    %eq3A_3037 = arith.cmpf oeq, %select_n3A_3032, %eq3A_3036 : vector<64x256xf32>
    %jit3A_3038 = arith.constant 0xFF800000 : f32
    %broadcast_in_dim3A_3039 = vector.broadcast %jit3A_3038 : f32 to vector<64x256xf32>
    %select_n3A_3040 = arith.select %eq3A_3037, %broadcast_in_dim3A_3039, %select_n3A_3032 : vector<64x256xi1>, vector<64x256xf32>
    %reduce_max3A_3041 = arith.constant dense<0xFF800000> : vector<64xf32>
    %reduce_max3A_3042 = vector.multi_reduction <maximumf>, %select_n3A_3040, %reduce_max3A_3041 [1] : vector<64x256xf32> to vector<64xf32>
    %broadcast_in_dim3A_3043 = vector.shape_cast %reduce_max3A_3042 : vector<64xf32> to vector<64x1xf32>
    %eq3A_3044 = vector.broadcast %broadcast_in_dim3A_3043 : vector<64x1xf32> to vector<64x256xf32>
    %eq3A_3045 = arith.cmpf oeq, %select_n3A_3040, %eq3A_3044 : vector<64x256xf32>
    %jit3A_3046 = arith.constant 0xFF800000 : f32
    %broadcast_in_dim3A_3047 = vector.broadcast %jit3A_3046 : f32 to vector<64x256xf32>
    %select_n3A_3048 = arith.select %eq3A_3045, %broadcast_in_dim3A_3047, %select_n3A_3040 : vector<64x256xi1>, vector<64x256xf32>
    %reduce_max3A_3049 = arith.constant dense<0xFF800000> : vector<64xf32>
    %reduce_max3A_3050 = vector.multi_reduction <maximumf>, %select_n3A_3048, %reduce_max3A_3049 [1] : vector<64x256xf32> to vector<64xf32>
    %broadcast_in_dim3A_3051 = vector.shape_cast %reduce_max3A_3050 : vector<64xf32> to vector<64x1xf32>
    %eq3A_3052 = vector.broadcast %broadcast_in_dim3A_3051 : vector<64x1xf32> to vector<64x256xf32>
    %eq3A_3053 = arith.cmpf oeq, %select_n3A_3048, %eq3A_3052 : vector<64x256xf32>
    %jit3A_3054 = arith.constant 0xFF800000 : f32
    %broadcast_in_dim3A_3055 = vector.broadcast %jit3A_3054 : f32 to vector<64x256xf32>
    %select_n3A_3056 = arith.select %eq3A_3053, %broadcast_in_dim3A_3055, %select_n3A_3048 : vector<64x256xi1>, vector<64x256xf32>
    %reduce_max3A_3057 = arith.constant dense<0xFF800000> : vector<64xf32>
    %reduce_max3A_3058 = vector.multi_reduction <maximumf>, %select_n3A_3056, %reduce_max3A_3057 [1] : vector<64x256xf32> to vector<64xf32>
    %broadcast_in_dim3A_3059 = vector.shape_cast %reduce_max3A_3058 : vector<64xf32> to vector<64x1xf32>
    %eq3A_3060 = vector.broadcast %broadcast_in_dim3A_3059 : vector<64x1xf32> to vector<64x256xf32>
    %eq3A_3061 = arith.cmpf oeq, %select_n3A_3056, %eq3A_3060 : vector<64x256xf32>
    %jit3A_3062 = arith.constant 0xFF800000 : f32
    %broadcast_in_dim3A_3063 = vector.broadcast %jit3A_3062 : f32 to vector<64x256xf32>
    %select_n3A_3064 = arith.select %eq3A_3061, %broadcast_in_dim3A_3063, %select_n3A_3056 : vector<64x256xi1>, vector<64x256xf32>
    %reduce_max3A_3065 = arith.constant dense<0xFF800000> : vector<64xf32>
    %reduce_max3A_3066 = vector.multi_reduction <maximumf>, %select_n3A_3064, %reduce_max3A_3065 [1] : vector<64x256xf32> to vector<64xf32>
    %broadcast_in_dim3A_3067 = vector.shape_cast %reduce_max3A_3066 : vector<64xf32> to vector<64x1xf32>
    %eq3A_3068 = vector.broadcast %broadcast_in_dim3A_3067 : vector<64x1xf32> to vector<64x256xf32>
    %eq3A_3069 = arith.cmpf oeq, %select_n3A_3064, %eq3A_3068 : vector<64x256xf32>
    %jit3A_3070 = arith.constant 0xFF800000 : f32
    %broadcast_in_dim3A_3071 = vector.broadcast %jit3A_3070 : f32 to vector<64x256xf32>
    %select_n3A_3072 = arith.select %eq3A_3069, %broadcast_in_dim3A_3071, %select_n3A_3064 : vector<64x256xi1>, vector<64x256xf32>
    %reduce_max3A_3073 = arith.constant dense<0xFF800000> : vector<64xf32>
    %reduce_max3A_3074 = vector.multi_reduction <maximumf>, %select_n3A_3072, %reduce_max3A_3073 [1] : vector<64x256xf32> to vector<64xf32>
    %broadcast_in_dim3A_3075 = vector.shape_cast %reduce_max3A_3074 : vector<64xf32> to vector<64x1xf32>
    %eq3A_3076 = vector.broadcast %broadcast_in_dim3A_3075 : vector<64x1xf32> to vector<64x256xf32>
    %eq3A_3077 = arith.cmpf oeq, %select_n3A_3072, %eq3A_3076 : vector<64x256xf32>
    %jit3A_3078 = arith.constant 0xFF800000 : f32
    %broadcast_in_dim3A_3079 = vector.broadcast %jit3A_3078 : f32 to vector<64x256xf32>
    %select_n3A_3080 = arith.select %eq3A_3077, %broadcast_in_dim3A_3079, %select_n3A_3072 : vector<64x256xi1>, vector<64x256xf32>
    %reduce_max3A_3081 = arith.constant dense<0xFF800000> : vector<64xf32>
    %reduce_max3A_3082 = vector.multi_reduction <maximumf>, %select_n3A_3080, %reduce_max3A_3081 [1] : vector<64x256xf32> to vector<64xf32>
    %broadcast_in_dim3A_3083 = vector.shape_cast %reduce_max3A_3082 : vector<64xf32> to vector<64x1xf32>
    %eq3A_3084 = vector.broadcast %broadcast_in_dim3A_3083 : vector<64x1xf32> to vector<64x256xf32>
    %eq3A_3085 = arith.cmpf oeq, %select_n3A_3080, %eq3A_3084 : vector<64x256xf32>
    %jit3A_3086 = arith.constant 0xFF800000 : f32
    %broadcast_in_dim3A_3087 = vector.broadcast %jit3A_3086 : f32 to vector<64x256xf32>
    %select_n3A_3088 = arith.select %eq3A_3085, %broadcast_in_dim3A_3087, %select_n3A_3080 : vector<64x256xi1>, vector<64x256xf32>
    %reduce_max3A_3089 = arith.constant dense<0xFF800000> : vector<64xf32>
    %reduce_max3A_3090 = vector.multi_reduction <maximumf>, %select_n3A_3088, %reduce_max3A_3089 [1] : vector<64x256xf32> to vector<64xf32>
    %broadcast_in_dim3A_3091 = vector.shape_cast %reduce_max3A_3090 : vector<64xf32> to vector<64x1xf32>
    %eq3A_3092 = vector.broadcast %broadcast_in_dim3A_3091 : vector<64x1xf32> to vector<64x256xf32>
    %eq3A_3093 = arith.cmpf oeq, %select_n3A_3088, %eq3A_3092 : vector<64x256xf32>
    %jit3A_3094 = arith.constant 0xFF800000 : f32
    %broadcast_in_dim3A_3095 = vector.broadcast %jit3A_3094 : f32 to vector<64x256xf32>
    %select_n3A_3096 = arith.select %eq3A_3093, %broadcast_in_dim3A_3095, %select_n3A_3088 : vector<64x256xi1>, vector<64x256xf32>
    %reduce_max3A_3097 = arith.constant dense<0xFF800000> : vector<64xf32>
    %reduce_max3A_3098 = vector.multi_reduction <maximumf>, %select_n3A_3096, %reduce_max3A_3097 [1] : vector<64x256xf32> to vector<64xf32>
    %broadcast_in_dim3A_3099 = vector.shape_cast %reduce_max3A_3098 : vector<64xf32> to vector<64x1xf32>
    %eq3A_3100 = vector.broadcast %broadcast_in_dim3A_3099 : vector<64x1xf32> to vector<64x256xf32>
    %eq3A_3101 = arith.cmpf oeq, %select_n3A_3096, %eq3A_3100 : vector<64x256xf32>
    %jit3A_3102 = arith.constant 0xFF800000 : f32
    %broadcast_in_dim3A_3103 = vector.broadcast %jit3A_3102 : f32 to vector<64x256xf32>
    %select_n3A_3104 = arith.select %eq3A_3101, %broadcast_in_dim3A_3103, %select_n3A_3096 : vector<64x256xi1>, vector<64x256xf32>
    %reduce_max3A_3105 = arith.constant dense<0xFF800000> : vector<64xf32>
    %reduce_max3A_3106 = vector.multi_reduction <maximumf>, %select_n3A_3104, %reduce_max3A_3105 [1] : vector<64x256xf32> to vector<64xf32>
    %broadcast_in_dim3A_3107 = vector.shape_cast %reduce_max3A_3106 : vector<64xf32> to vector<64x1xf32>
    %eq3A_3108 = vector.broadcast %broadcast_in_dim3A_3107 : vector<64x1xf32> to vector<64x256xf32>
    %eq3A_3109 = arith.cmpf oeq, %select_n3A_3104, %eq3A_3108 : vector<64x256xf32>
    %jit3A_3110 = arith.constant 0xFF800000 : f32
    %broadcast_in_dim3A_3111 = vector.broadcast %jit3A_3110 : f32 to vector<64x256xf32>
    %select_n3A_3112 = arith.select %eq3A_3109, %broadcast_in_dim3A_3111, %select_n3A_3104 : vector<64x256xi1>, vector<64x256xf32>
    %reduce_max3A_3113 = arith.constant dense<0xFF800000> : vector<64xf32>
    %reduce_max3A_3114 = vector.multi_reduction <maximumf>, %select_n3A_3112, %reduce_max3A_3113 [1] : vector<64x256xf32> to vector<64xf32>
    %broadcast_in_dim3A_3115 = vector.shape_cast %reduce_max3A_3114 : vector<64xf32> to vector<64x1xf32>
    %eq3A_3116 = vector.broadcast %broadcast_in_dim3A_3115 : vector<64x1xf32> to vector<64x256xf32>
    %eq3A_3117 = arith.cmpf oeq, %select_n3A_3112, %eq3A_3116 : vector<64x256xf32>
    %jit3A_3118 = arith.constant 0xFF800000 : f32
    %broadcast_in_dim3A_3119 = vector.broadcast %jit3A_3118 : f32 to vector<64x256xf32>
    %select_n3A_3120 = arith.select %eq3A_3117, %broadcast_in_dim3A_3119, %select_n3A_3112 : vector<64x256xi1>, vector<64x256xf32>
    %reduce_max3A_3121 = arith.constant dense<0xFF800000> : vector<64xf32>
    %reduce_max3A_3122 = vector.multi_reduction <maximumf>, %select_n3A_3120, %reduce_max3A_3121 [1] : vector<64x256xf32> to vector<64xf32>
    %broadcast_in_dim3A_3123 = vector.shape_cast %reduce_max3A_3122 : vector<64xf32> to vector<64x1xf32>
    %eq3A_3124 = vector.broadcast %broadcast_in_dim3A_3123 : vector<64x1xf32> to vector<64x256xf32>
    %eq3A_3125 = arith.cmpf oeq, %select_n3A_3120, %eq3A_3124 : vector<64x256xf32>
    %jit3A_3126 = arith.constant 0xFF800000 : f32
    %broadcast_in_dim3A_3127 = vector.broadcast %jit3A_3126 : f32 to vector<64x256xf32>
    %select_n3A_3128 = arith.select %eq3A_3125, %broadcast_in_dim3A_3127, %select_n3A_3120 : vector<64x256xi1>, vector<64x256xf32>
    %reduce_max3A_3129 = arith.constant dense<0xFF800000> : vector<64xf32>
    %reduce_max3A_3130 = vector.multi_reduction <maximumf>, %select_n3A_3128, %reduce_max3A_3129 [1] : vector<64x256xf32> to vector<64xf32>
    %broadcast_in_dim3A_3131 = vector.shape_cast %reduce_max3A_3130 : vector<64xf32> to vector<64x1xf32>
    %concatenate3A_3132 = tpu.concatenate %broadcast_in_dim3A_3011, %broadcast_in_dim3A_3019, %broadcast_in_dim3A_3027, %broadcast_in_dim3A_3035, %broadcast_in_dim3A_3043, %broadcast_in_dim3A_3051, %broadcast_in_dim3A_3059, %broadcast_in_dim3A_3067, %broadcast_in_dim3A_3075, %broadcast_in_dim3A_3083, %broadcast_in_dim3A_3091, %broadcast_in_dim3A_3099, %broadcast_in_dim3A_3107, %broadcast_in_dim3A_3115, %broadcast_in_dim3A_3123, %broadcast_in_dim3A_3131 in 1 : vector<64x1xf32>, vector<64x1xf32>, vector<64x1xf32>, vector<64x1xf32>, vector<64x1xf32>, vector<64x1xf32>, vector<64x1xf32>, vector<64x1xf32>, vector<64x1xf32>, vector<64x1xf32>, vector<64x1xf32>, vector<64x1xf32>, vector<64x1xf32>, vector<64x1xf32>, vector<64x1xf32>, vector<64x1xf32> -> vector<64x16xf32>
    %bitcast_convert_type3A_3133 = tpu.bitcast %concatenate3A_3132 : vector<64x16xf32> -> vector<64x16xi32>
    %and3A_3134 = arith.constant 255 : i32
    %and3A_3135 = vector.broadcast %and3A_3134 : i32 to vector<64x16xi32>
    %and3A_3136 = arith.andi %bitcast_convert_type3A_3133, %and3A_3135 : vector<64x16xi32>
    %lt3A_3137 = arith.constant 0 : i32
    %lt3A_3138 = vector.broadcast %lt3A_3137 : i32 to vector<64x16xi32>
    %lt3A_3139 = arith.cmpi slt, %bitcast_convert_type3A_3133, %lt3A_3138 : vector<64x16xi32>
    %sub3A_3140 = arith.constant 255 : i32
    %sub3A_3141 = vector.broadcast %sub3A_3140 : i32 to vector<64x16xi32>
    %sub3A_3142 = arith.subi %sub3A_3141, %and3A_3136 : vector<64x16xi32>
    %select_n3A_3143 = arith.select %lt3A_3139, %and3A_3136, %sub3A_3142 : vector<64x16xi1>, vector<64x16xi32>
    %and3A_3144 = arith.constant -256 : i32
    %and3A_3145 = vector.broadcast %and3A_3144 : i32 to vector<64x16xi32>
    %and3A_3146 = arith.andi %bitcast_convert_type3A_3133, %and3A_3145 : vector<64x16xi32>
    %or3A_3147 = arith.constant 128 : i32
    %or3A_3148 = vector.broadcast %or3A_3147 : i32 to vector<64x16xi32>
    %or3A_3149 = arith.ori %and3A_3146, %or3A_3148 : vector<64x16xi32>
    %bitcast_convert_type3A_3150 = tpu.bitcast %or3A_3149 : vector<64x16xi32> -> vector<64x16xf32>
    %jit3A_3151 = arith.constant 16 : i32
    %div3A_3152 = vector.broadcast %jit3A_3151 : i32 to vector<64x16xi32>
    %div3A_3153 = arith.divsi %select_n3A_3143, %div3A_3152 : vector<64x16xi32>
    %sign3A_3154 = arith.constant 0 : i32
    %sign3A_3155 = vector.broadcast %sign3A_3154 : i32 to vector<64x16xi32>
    %sign3A_3156 = arith.cmpi sgt, %select_n3A_3143, %sign3A_3155 : vector<64x16xi32>
    %sign3A_3157 = arith.extui %sign3A_3156 : vector<64x16xi1> to vector<64x16xi32>
    %sign3A_3158 = arith.constant 0 : i32
    %sign3A_3159 = vector.broadcast %sign3A_3158 : i32 to vector<64x16xi32>
    %sign3A_3160 = arith.cmpi slt, %select_n3A_3143, %sign3A_3159 : vector<64x16xi32>
    %sign3A_3161 = arith.extui %sign3A_3160 : vector<64x16xi1> to vector<64x16xi32>
    %sign3A_3162 = arith.subi %sign3A_3157, %sign3A_3161 : vector<64x16xi32>
    %sign3A_3163 = arith.constant 0 : i32
    %sign3A_3164 = arith.cmpi sgt, %jit3A_3151, %sign3A_3163 : i32
    %sign3A_3165 = arith.extui %sign3A_3164 : i1 to i32
    %sign3A_3166 = arith.constant 0 : i32
    %sign3A_3167 = arith.cmpi slt, %jit3A_3151, %sign3A_3166 : i32
    %sign3A_3168 = arith.extui %sign3A_3167 : i1 to i32
    %sign3A_3169 = arith.subi %sign3A_3165, %sign3A_3168 : i32
    %ne3A_3170 = vector.broadcast %sign3A_3169 : i32 to vector<64x16xi32>
    %ne3A_3171 = arith.cmpi ne, %sign3A_3162, %ne3A_3170 : vector<64x16xi32>
    %rem3A_3172 = vector.broadcast %jit3A_3151 : i32 to vector<64x16xi32>
    %rem3A_3173 = arith.remsi %select_n3A_3143, %rem3A_3172 : vector<64x16xi32>
    %ne3A_3174 = arith.constant 0 : i32
    %ne3A_3175 = vector.broadcast %ne3A_3174 : i32 to vector<64x16xi32>
    %ne3A_3176 = arith.cmpi ne, %rem3A_3173, %ne3A_3175 : vector<64x16xi32>
    %and3A_3177 = arith.andi %ne3A_3171, %ne3A_3176 : vector<64x16xi1>
    %sub3A_3178 = arith.constant 1 : i32
    %sub3A_3179 = vector.broadcast %sub3A_3178 : i32 to vector<64x16xi32>
    %sub3A_3180 = arith.subi %div3A_3153, %sub3A_3179 : vector<64x16xi32>
    %select_n3A_3181 = arith.select %and3A_3177, %sub3A_3180, %div3A_3153 : vector<64x16xi1>, vector<64x16xi32>
    %convert_element_type3A_3182 = arith.sitofp %select_n3A_2825 : vector<64x16xi32> to vector<64x16xf32>
    %broadcast_in_dim3A_3183 = arith.constant 0.000000e+00 : f32
    %broadcast_in_dim3A_3184 = vector.broadcast %broadcast_in_dim3A_3183 : f32 to vector<64x16xf32>
    %eq3A_3185 = arith.constant 0 : i32
    %eq3A_3186 = vector.broadcast %eq3A_3185 : i32 to vector<64x16xi32>
    %eq3A_3187 = arith.cmpi eq, %select_n3A_3181, %eq3A_3186 : vector<64x16xi32>
    %slice3A_3188 = vector.extract_strided_slice %convert_element_type3A_3182 {offsets = [0, 0], sizes = [64, 1], strides = [1, 1]} : vector<64x16xf32> to vector<64x1xf32>
    %jit3A_3189 = arith.constant 0.000000e+00 : f32
    %broadcast_in_dim3A_3190 = vector.shape_cast %slice3A_3188 : vector<64x1xf32> to vector<64x1xf32>
    %broadcast_in_dim3A_3191 = vector.broadcast %broadcast_in_dim3A_3190 : vector<64x1xf32> to vector<64x16xf32>
    %broadcast_in_dim3A_3192 = vector.broadcast %jit3A_3189 : f32 to vector<64x16xf32>
    %select_n3A_3193 = arith.select %eq3A_3187, %broadcast_in_dim3A_3191, %broadcast_in_dim3A_3192 : vector<64x16xi1>, vector<64x16xf32>
    %add3A_3194 = arith.addf %broadcast_in_dim3A_3184, %select_n3A_3193 : vector<64x16xf32>
    %eq3A_3195 = arith.constant 1 : i32
    %eq3A_3196 = vector.broadcast %eq3A_3195 : i32 to vector<64x16xi32>
    %eq3A_3197 = arith.cmpi eq, %select_n3A_3181, %eq3A_3196 : vector<64x16xi32>
    %slice3A_3198 = vector.extract_strided_slice %convert_element_type3A_3182 {offsets = [0, 1], sizes = [64, 1], strides = [1, 1]} : vector<64x16xf32> to vector<64x1xf32>
    %jit3A_3199 = arith.constant 0.000000e+00 : f32
    %broadcast_in_dim3A_3200 = vector.shape_cast %slice3A_3198 : vector<64x1xf32> to vector<64x1xf32>
    %broadcast_in_dim3A_3201 = vector.broadcast %broadcast_in_dim3A_3200 : vector<64x1xf32> to vector<64x16xf32>
    %broadcast_in_dim3A_3202 = vector.broadcast %jit3A_3199 : f32 to vector<64x16xf32>
    %select_n3A_3203 = arith.select %eq3A_3197, %broadcast_in_dim3A_3201, %broadcast_in_dim3A_3202 : vector<64x16xi1>, vector<64x16xf32>
    %add3A_3204 = arith.addf %add3A_3194, %select_n3A_3203 : vector<64x16xf32>
    %eq3A_3205 = arith.constant 2 : i32
    %eq3A_3206 = vector.broadcast %eq3A_3205 : i32 to vector<64x16xi32>
    %eq3A_3207 = arith.cmpi eq, %select_n3A_3181, %eq3A_3206 : vector<64x16xi32>
    %slice3A_3208 = vector.extract_strided_slice %convert_element_type3A_3182 {offsets = [0, 2], sizes = [64, 1], strides = [1, 1]} : vector<64x16xf32> to vector<64x1xf32>
    %jit3A_3209 = arith.constant 0.000000e+00 : f32
    %broadcast_in_dim3A_3210 = vector.shape_cast %slice3A_3208 : vector<64x1xf32> to vector<64x1xf32>
    %broadcast_in_dim3A_3211 = vector.broadcast %broadcast_in_dim3A_3210 : vector<64x1xf32> to vector<64x16xf32>
    %broadcast_in_dim3A_3212 = vector.broadcast %jit3A_3209 : f32 to vector<64x16xf32>
    %select_n3A_3213 = arith.select %eq3A_3207, %broadcast_in_dim3A_3211, %broadcast_in_dim3A_3212 : vector<64x16xi1>, vector<64x16xf32>
    %add3A_3214 = arith.addf %add3A_3204, %select_n3A_3213 : vector<64x16xf32>
    %eq3A_3215 = arith.constant 3 : i32
    %eq3A_3216 = vector.broadcast %eq3A_3215 : i32 to vector<64x16xi32>
    %eq3A_3217 = arith.cmpi eq, %select_n3A_3181, %eq3A_3216 : vector<64x16xi32>
    %slice3A_3218 = vector.extract_strided_slice %convert_element_type3A_3182 {offsets = [0, 3], sizes = [64, 1], strides = [1, 1]} : vector<64x16xf32> to vector<64x1xf32>
    %jit3A_3219 = arith.constant 0.000000e+00 : f32
    %broadcast_in_dim3A_3220 = vector.shape_cast %slice3A_3218 : vector<64x1xf32> to vector<64x1xf32>
    %broadcast_in_dim3A_3221 = vector.broadcast %broadcast_in_dim3A_3220 : vector<64x1xf32> to vector<64x16xf32>
    %broadcast_in_dim3A_3222 = vector.broadcast %jit3A_3219 : f32 to vector<64x16xf32>
    %select_n3A_3223 = arith.select %eq3A_3217, %broadcast_in_dim3A_3221, %broadcast_in_dim3A_3222 : vector<64x16xi1>, vector<64x16xf32>
    %add3A_3224 = arith.addf %add3A_3214, %select_n3A_3223 : vector<64x16xf32>
    %eq3A_3225 = arith.constant 4 : i32
    %eq3A_3226 = vector.broadcast %eq3A_3225 : i32 to vector<64x16xi32>
    %eq3A_3227 = arith.cmpi eq, %select_n3A_3181, %eq3A_3226 : vector<64x16xi32>
    %slice3A_3228 = vector.extract_strided_slice %convert_element_type3A_3182 {offsets = [0, 4], sizes = [64, 1], strides = [1, 1]} : vector<64x16xf32> to vector<64x1xf32>
    %jit3A_3229 = arith.constant 0.000000e+00 : f32
    %broadcast_in_dim3A_3230 = vector.shape_cast %slice3A_3228 : vector<64x1xf32> to vector<64x1xf32>
    %broadcast_in_dim3A_3231 = vector.broadcast %broadcast_in_dim3A_3230 : vector<64x1xf32> to vector<64x16xf32>
    %broadcast_in_dim3A_3232 = vector.broadcast %jit3A_3229 : f32 to vector<64x16xf32>
    %select_n3A_3233 = arith.select %eq3A_3227, %broadcast_in_dim3A_3231, %broadcast_in_dim3A_3232 : vector<64x16xi1>, vector<64x16xf32>
    %add3A_3234 = arith.addf %add3A_3224, %select_n3A_3233 : vector<64x16xf32>
    %eq3A_3235 = arith.constant 5 : i32
    %eq3A_3236 = vector.broadcast %eq3A_3235 : i32 to vector<64x16xi32>
    %eq3A_3237 = arith.cmpi eq, %select_n3A_3181, %eq3A_3236 : vector<64x16xi32>
    %slice3A_3238 = vector.extract_strided_slice %convert_element_type3A_3182 {offsets = [0, 5], sizes = [64, 1], strides = [1, 1]} : vector<64x16xf32> to vector<64x1xf32>
    %jit3A_3239 = arith.constant 0.000000e+00 : f32
    %broadcast_in_dim3A_3240 = vector.shape_cast %slice3A_3238 : vector<64x1xf32> to vector<64x1xf32>
    %broadcast_in_dim3A_3241 = vector.broadcast %broadcast_in_dim3A_3240 : vector<64x1xf32> to vector<64x16xf32>
    %broadcast_in_dim3A_3242 = vector.broadcast %jit3A_3239 : f32 to vector<64x16xf32>
    %select_n3A_3243 = arith.select %eq3A_3237, %broadcast_in_dim3A_3241, %broadcast_in_dim3A_3242 : vector<64x16xi1>, vector<64x16xf32>
    %add3A_3244 = arith.addf %add3A_3234, %select_n3A_3243 : vector<64x16xf32>
    %eq3A_3245 = arith.constant 6 : i32
    %eq3A_3246 = vector.broadcast %eq3A_3245 : i32 to vector<64x16xi32>
    %eq3A_3247 = arith.cmpi eq, %select_n3A_3181, %eq3A_3246 : vector<64x16xi32>
    %slice3A_3248 = vector.extract_strided_slice %convert_element_type3A_3182 {offsets = [0, 6], sizes = [64, 1], strides = [1, 1]} : vector<64x16xf32> to vector<64x1xf32>
    %jit3A_3249 = arith.constant 0.000000e+00 : f32
    %broadcast_in_dim3A_3250 = vector.shape_cast %slice3A_3248 : vector<64x1xf32> to vector<64x1xf32>
    %broadcast_in_dim3A_3251 = vector.broadcast %broadcast_in_dim3A_3250 : vector<64x1xf32> to vector<64x16xf32>
    %broadcast_in_dim3A_3252 = vector.broadcast %jit3A_3249 : f32 to vector<64x16xf32>
    %select_n3A_3253 = arith.select %eq3A_3247, %broadcast_in_dim3A_3251, %broadcast_in_dim3A_3252 : vector<64x16xi1>, vector<64x16xf32>
    %add3A_3254 = arith.addf %add3A_3244, %select_n3A_3253 : vector<64x16xf32>
    %eq3A_3255 = arith.constant 7 : i32
    %eq3A_3256 = vector.broadcast %eq3A_3255 : i32 to vector<64x16xi32>
    %eq3A_3257 = arith.cmpi eq, %select_n3A_3181, %eq3A_3256 : vector<64x16xi32>
    %slice3A_3258 = vector.extract_strided_slice %convert_element_type3A_3182 {offsets = [0, 7], sizes = [64, 1], strides = [1, 1]} : vector<64x16xf32> to vector<64x1xf32>
    %jit3A_3259 = arith.constant 0.000000e+00 : f32
    %broadcast_in_dim3A_3260 = vector.shape_cast %slice3A_3258 : vector<64x1xf32> to vector<64x1xf32>
    %broadcast_in_dim3A_3261 = vector.broadcast %broadcast_in_dim3A_3260 : vector<64x1xf32> to vector<64x16xf32>
    %broadcast_in_dim3A_3262 = vector.broadcast %jit3A_3259 : f32 to vector<64x16xf32>
    %select_n3A_3263 = arith.select %eq3A_3257, %broadcast_in_dim3A_3261, %broadcast_in_dim3A_3262 : vector<64x16xi1>, vector<64x16xf32>
    %add3A_3264 = arith.addf %add3A_3254, %select_n3A_3263 : vector<64x16xf32>
    %eq3A_3265 = arith.constant 8 : i32
    %eq3A_3266 = vector.broadcast %eq3A_3265 : i32 to vector<64x16xi32>
    %eq3A_3267 = arith.cmpi eq, %select_n3A_3181, %eq3A_3266 : vector<64x16xi32>
    %slice3A_3268 = vector.extract_strided_slice %convert_element_type3A_3182 {offsets = [0, 8], sizes = [64, 1], strides = [1, 1]} : vector<64x16xf32> to vector<64x1xf32>
    %jit3A_3269 = arith.constant 0.000000e+00 : f32
    %broadcast_in_dim3A_3270 = vector.shape_cast %slice3A_3268 : vector<64x1xf32> to vector<64x1xf32>
    %broadcast_in_dim3A_3271 = vector.broadcast %broadcast_in_dim3A_3270 : vector<64x1xf32> to vector<64x16xf32>
    %broadcast_in_dim3A_3272 = vector.broadcast %jit3A_3269 : f32 to vector<64x16xf32>
    %select_n3A_3273 = arith.select %eq3A_3267, %broadcast_in_dim3A_3271, %broadcast_in_dim3A_3272 : vector<64x16xi1>, vector<64x16xf32>
    %add3A_3274 = arith.addf %add3A_3264, %select_n3A_3273 : vector<64x16xf32>
    %eq3A_3275 = arith.constant 9 : i32
    %eq3A_3276 = vector.broadcast %eq3A_3275 : i32 to vector<64x16xi32>
    %eq3A_3277 = arith.cmpi eq, %select_n3A_3181, %eq3A_3276 : vector<64x16xi32>
    %slice3A_3278 = vector.extract_strided_slice %convert_element_type3A_3182 {offsets = [0, 9], sizes = [64, 1], strides = [1, 1]} : vector<64x16xf32> to vector<64x1xf32>
    %jit3A_3279 = arith.constant 0.000000e+00 : f32
    %broadcast_in_dim3A_3280 = vector.shape_cast %slice3A_3278 : vector<64x1xf32> to vector<64x1xf32>
    %broadcast_in_dim3A_3281 = vector.broadcast %broadcast_in_dim3A_3280 : vector<64x1xf32> to vector<64x16xf32>
    %broadcast_in_dim3A_3282 = vector.broadcast %jit3A_3279 : f32 to vector<64x16xf32>
    %select_n3A_3283 = arith.select %eq3A_3277, %broadcast_in_dim3A_3281, %broadcast_in_dim3A_3282 : vector<64x16xi1>, vector<64x16xf32>
    %add3A_3284 = arith.addf %add3A_3274, %select_n3A_3283 : vector<64x16xf32>
    %eq3A_3285 = arith.constant 10 : i32
    %eq3A_3286 = vector.broadcast %eq3A_3285 : i32 to vector<64x16xi32>
    %eq3A_3287 = arith.cmpi eq, %select_n3A_3181, %eq3A_3286 : vector<64x16xi32>
    %slice3A_3288 = vector.extract_strided_slice %convert_element_type3A_3182 {offsets = [0, 10], sizes = [64, 1], strides = [1, 1]} : vector<64x16xf32> to vector<64x1xf32>
    %jit3A_3289 = arith.constant 0.000000e+00 : f32
    %broadcast_in_dim3A_3290 = vector.shape_cast %slice3A_3288 : vector<64x1xf32> to vector<64x1xf32>
    %broadcast_in_dim3A_3291 = vector.broadcast %broadcast_in_dim3A_3290 : vector<64x1xf32> to vector<64x16xf32>
    %broadcast_in_dim3A_3292 = vector.broadcast %jit3A_3289 : f32 to vector<64x16xf32>
    %select_n3A_3293 = arith.select %eq3A_3287, %broadcast_in_dim3A_3291, %broadcast_in_dim3A_3292 : vector<64x16xi1>, vector<64x16xf32>
    %add3A_3294 = arith.addf %add3A_3284, %select_n3A_3293 : vector<64x16xf32>
    %eq3A_3295 = arith.constant 11 : i32
    %eq3A_3296 = vector.broadcast %eq3A_3295 : i32 to vector<64x16xi32>
    %eq3A_3297 = arith.cmpi eq, %select_n3A_3181, %eq3A_3296 : vector<64x16xi32>
    %slice3A_3298 = vector.extract_strided_slice %convert_element_type3A_3182 {offsets = [0, 11], sizes = [64, 1], strides = [1, 1]} : vector<64x16xf32> to vector<64x1xf32>
    %jit3A_3299 = arith.constant 0.000000e+00 : f32
    %broadcast_in_dim3A_3300 = vector.shape_cast %slice3A_3298 : vector<64x1xf32> to vector<64x1xf32>
    %broadcast_in_dim3A_3301 = vector.broadcast %broadcast_in_dim3A_3300 : vector<64x1xf32> to vector<64x16xf32>
    %broadcast_in_dim3A_3302 = vector.broadcast %jit3A_3299 : f32 to vector<64x16xf32>
    %select_n3A_3303 = arith.select %eq3A_3297, %broadcast_in_dim3A_3301, %broadcast_in_dim3A_3302 : vector<64x16xi1>, vector<64x16xf32>
    %add3A_3304 = arith.addf %add3A_3294, %select_n3A_3303 : vector<64x16xf32>
    %eq3A_3305 = arith.constant 12 : i32
    %eq3A_3306 = vector.broadcast %eq3A_3305 : i32 to vector<64x16xi32>
    %eq3A_3307 = arith.cmpi eq, %select_n3A_3181, %eq3A_3306 : vector<64x16xi32>
    %slice3A_3308 = vector.extract_strided_slice %convert_element_type3A_3182 {offsets = [0, 12], sizes = [64, 1], strides = [1, 1]} : vector<64x16xf32> to vector<64x1xf32>
    %jit3A_3309 = arith.constant 0.000000e+00 : f32
    %broadcast_in_dim3A_3310 = vector.shape_cast %slice3A_3308 : vector<64x1xf32> to vector<64x1xf32>
    %broadcast_in_dim3A_3311 = vector.broadcast %broadcast_in_dim3A_3310 : vector<64x1xf32> to vector<64x16xf32>
    %broadcast_in_dim3A_3312 = vector.broadcast %jit3A_3309 : f32 to vector<64x16xf32>
    %select_n3A_3313 = arith.select %eq3A_3307, %broadcast_in_dim3A_3311, %broadcast_in_dim3A_3312 : vector<64x16xi1>, vector<64x16xf32>
    %add3A_3314 = arith.addf %add3A_3304, %select_n3A_3313 : vector<64x16xf32>
    %eq3A_3315 = arith.constant 13 : i32
    %eq3A_3316 = vector.broadcast %eq3A_3315 : i32 to vector<64x16xi32>
    %eq3A_3317 = arith.cmpi eq, %select_n3A_3181, %eq3A_3316 : vector<64x16xi32>
    %slice3A_3318 = vector.extract_strided_slice %convert_element_type3A_3182 {offsets = [0, 13], sizes = [64, 1], strides = [1, 1]} : vector<64x16xf32> to vector<64x1xf32>
    %jit3A_3319 = arith.constant 0.000000e+00 : f32
    %broadcast_in_dim3A_3320 = vector.shape_cast %slice3A_3318 : vector<64x1xf32> to vector<64x1xf32>
    %broadcast_in_dim3A_3321 = vector.broadcast %broadcast_in_dim3A_3320 : vector<64x1xf32> to vector<64x16xf32>
    %broadcast_in_dim3A_3322 = vector.broadcast %jit3A_3319 : f32 to vector<64x16xf32>
    %select_n3A_3323 = arith.select %eq3A_3317, %broadcast_in_dim3A_3321, %broadcast_in_dim3A_3322 : vector<64x16xi1>, vector<64x16xf32>
    %add3A_3324 = arith.addf %add3A_3314, %select_n3A_3323 : vector<64x16xf32>
    %eq3A_3325 = arith.constant 14 : i32
    %eq3A_3326 = vector.broadcast %eq3A_3325 : i32 to vector<64x16xi32>
    %eq3A_3327 = arith.cmpi eq, %select_n3A_3181, %eq3A_3326 : vector<64x16xi32>
    %slice3A_3328 = vector.extract_strided_slice %convert_element_type3A_3182 {offsets = [0, 14], sizes = [64, 1], strides = [1, 1]} : vector<64x16xf32> to vector<64x1xf32>
    %jit3A_3329 = arith.constant 0.000000e+00 : f32
    %broadcast_in_dim3A_3330 = vector.shape_cast %slice3A_3328 : vector<64x1xf32> to vector<64x1xf32>
    %broadcast_in_dim3A_3331 = vector.broadcast %broadcast_in_dim3A_3330 : vector<64x1xf32> to vector<64x16xf32>
    %broadcast_in_dim3A_3332 = vector.broadcast %jit3A_3329 : f32 to vector<64x16xf32>
    %select_n3A_3333 = arith.select %eq3A_3327, %broadcast_in_dim3A_3331, %broadcast_in_dim3A_3332 : vector<64x16xi1>, vector<64x16xf32>
    %add3A_3334 = arith.addf %add3A_3324, %select_n3A_3333 : vector<64x16xf32>
    %eq3A_3335 = arith.constant 15 : i32
    %eq3A_3336 = vector.broadcast %eq3A_3335 : i32 to vector<64x16xi32>
    %eq3A_3337 = arith.cmpi eq, %select_n3A_3181, %eq3A_3336 : vector<64x16xi32>
    %slice3A_3338 = vector.extract_strided_slice %convert_element_type3A_3182 {offsets = [0, 15], sizes = [64, 1], strides = [1, 1]} : vector<64x16xf32> to vector<64x1xf32>
    %jit3A_3339 = arith.constant 0.000000e+00 : f32
    %broadcast_in_dim3A_3340 = vector.shape_cast %slice3A_3338 : vector<64x1xf32> to vector<64x1xf32>
    %broadcast_in_dim3A_3341 = vector.broadcast %broadcast_in_dim3A_3340 : vector<64x1xf32> to vector<64x16xf32>
    %broadcast_in_dim3A_3342 = vector.broadcast %jit3A_3339 : f32 to vector<64x16xf32>
    %select_n3A_3343 = arith.select %eq3A_3337, %broadcast_in_dim3A_3341, %broadcast_in_dim3A_3342 : vector<64x16xi1>, vector<64x16xf32>
    %add3A_3344 = arith.addf %add3A_3334, %select_n3A_3343 : vector<64x16xf32>
    %jit3A_3345 = arith.constant 16 : i32
    %eq3A_3346 = arith.constant 0 : i32
    %eq3A_3347 = arith.cmpi eq, %jit3A_3345, %eq3A_3346 : i32
    %jit3A_3348 = arith.constant 1 : i32
    %select_n3A_3349 = arith.select %eq3A_3347, %jit3A_3348, %jit3A_3345 : i32
    %rem3A_3350 = vector.broadcast %select_n3A_3349 : i32 to vector<64x16xi32>
    %rem3A_3351 = arith.remsi %select_n3A_3143, %rem3A_3350 : vector<64x16xi32>
    %ne3A_3352 = arith.constant 0 : i32
    %ne3A_3353 = vector.broadcast %ne3A_3352 : i32 to vector<64x16xi32>
    %ne3A_3354 = arith.cmpi ne, %rem3A_3351, %ne3A_3353 : vector<64x16xi32>
    %lt3A_3355 = arith.constant 0 : i32
    %lt3A_3356 = vector.broadcast %lt3A_3355 : i32 to vector<64x16xi32>
    %lt3A_3357 = arith.cmpi slt, %rem3A_3351, %lt3A_3356 : vector<64x16xi32>
    %lt3A_3358 = arith.constant 0 : i32
    %lt3A_3359 = arith.cmpi slt, %select_n3A_3349, %lt3A_3358 : i32
    %ne3A_3360 = vector.broadcast %lt3A_3359 : i1 to vector<64x16xi1>
    %ne3A_3361 = vector.broadcast %ne3A_3360 : vector<64x16xi1> to vector<64x16xi1>
    %ne3A_3362 = arith.xori %lt3A_3357, %ne3A_3361 : vector<64x16xi1>
    %and3A_3363 = arith.andi %ne3A_3362, %ne3A_3354 : vector<64x16xi1>
    %add3A_3364 = vector.broadcast %select_n3A_3349 : i32 to vector<64x16xi32>
    %add3A_3365 = arith.addi %rem3A_3351, %add3A_3364 : vector<64x16xi32>
    %select_n3A_3366 = arith.select %and3A_3363, %add3A_3365, %rem3A_3351 : vector<64x16xi1>, vector<64x16xi32>
    %convert_element_type3A_3367 = arith.sitofp %select_n3A_2982 : vector<64x16xi32> to vector<64x16xf32>
    %broadcast_in_dim3A_3368 = arith.constant 0.000000e+00 : f32
    %broadcast_in_dim3A_3369 = vector.broadcast %broadcast_in_dim3A_3368 : f32 to vector<64x16xf32>
    %eq3A_3370 = arith.constant 0 : i32
    %eq3A_3371 = vector.broadcast %eq3A_3370 : i32 to vector<64x16xi32>
    %eq3A_3372 = arith.cmpi eq, %select_n3A_3366, %eq3A_3371 : vector<64x16xi32>
    %slice3A_3373 = vector.extract_strided_slice %convert_element_type3A_3367 {offsets = [0, 0], sizes = [64, 1], strides = [1, 1]} : vector<64x16xf32> to vector<64x1xf32>
    %jit3A_3374 = arith.constant 0.000000e+00 : f32
    %broadcast_in_dim3A_3375 = vector.shape_cast %slice3A_3373 : vector<64x1xf32> to vector<64x1xf32>
    %broadcast_in_dim3A_3376 = vector.broadcast %broadcast_in_dim3A_3375 : vector<64x1xf32> to vector<64x16xf32>
    %broadcast_in_dim3A_3377 = vector.broadcast %jit3A_3374 : f32 to vector<64x16xf32>
    %select_n3A_3378 = arith.select %eq3A_3372, %broadcast_in_dim3A_3376, %broadcast_in_dim3A_3377 : vector<64x16xi1>, vector<64x16xf32>
    %add3A_3379 = arith.addf %broadcast_in_dim3A_3369, %select_n3A_3378 : vector<64x16xf32>
    %eq3A_3380 = arith.constant 1 : i32
    %eq3A_3381 = vector.broadcast %eq3A_3380 : i32 to vector<64x16xi32>
    %eq3A_3382 = arith.cmpi eq, %select_n3A_3366, %eq3A_3381 : vector<64x16xi32>
    %slice3A_3383 = vector.extract_strided_slice %convert_element_type3A_3367 {offsets = [0, 1], sizes = [64, 1], strides = [1, 1]} : vector<64x16xf32> to vector<64x1xf32>
    %jit3A_3384 = arith.constant 0.000000e+00 : f32
    %broadcast_in_dim3A_3385 = vector.shape_cast %slice3A_3383 : vector<64x1xf32> to vector<64x1xf32>
    %broadcast_in_dim3A_3386 = vector.broadcast %broadcast_in_dim3A_3385 : vector<64x1xf32> to vector<64x16xf32>
    %broadcast_in_dim3A_3387 = vector.broadcast %jit3A_3384 : f32 to vector<64x16xf32>
    %select_n3A_3388 = arith.select %eq3A_3382, %broadcast_in_dim3A_3386, %broadcast_in_dim3A_3387 : vector<64x16xi1>, vector<64x16xf32>
    %add3A_3389 = arith.addf %add3A_3379, %select_n3A_3388 : vector<64x16xf32>
    %eq3A_3390 = arith.constant 2 : i32
    %eq3A_3391 = vector.broadcast %eq3A_3390 : i32 to vector<64x16xi32>
    %eq3A_3392 = arith.cmpi eq, %select_n3A_3366, %eq3A_3391 : vector<64x16xi32>
    %slice3A_3393 = vector.extract_strided_slice %convert_element_type3A_3367 {offsets = [0, 2], sizes = [64, 1], strides = [1, 1]} : vector<64x16xf32> to vector<64x1xf32>
    %jit3A_3394 = arith.constant 0.000000e+00 : f32
    %broadcast_in_dim3A_3395 = vector.shape_cast %slice3A_3393 : vector<64x1xf32> to vector<64x1xf32>
    %broadcast_in_dim3A_3396 = vector.broadcast %broadcast_in_dim3A_3395 : vector<64x1xf32> to vector<64x16xf32>
    %broadcast_in_dim3A_3397 = vector.broadcast %jit3A_3394 : f32 to vector<64x16xf32>
    %select_n3A_3398 = arith.select %eq3A_3392, %broadcast_in_dim3A_3396, %broadcast_in_dim3A_3397 : vector<64x16xi1>, vector<64x16xf32>
    %add3A_3399 = arith.addf %add3A_3389, %select_n3A_3398 : vector<64x16xf32>
    %eq3A_3400 = arith.constant 3 : i32
    %eq3A_3401 = vector.broadcast %eq3A_3400 : i32 to vector<64x16xi32>
    %eq3A_3402 = arith.cmpi eq, %select_n3A_3366, %eq3A_3401 : vector<64x16xi32>
    %slice3A_3403 = vector.extract_strided_slice %convert_element_type3A_3367 {offsets = [0, 3], sizes = [64, 1], strides = [1, 1]} : vector<64x16xf32> to vector<64x1xf32>
    %jit3A_3404 = arith.constant 0.000000e+00 : f32
    %broadcast_in_dim3A_3405 = vector.shape_cast %slice3A_3403 : vector<64x1xf32> to vector<64x1xf32>
    %broadcast_in_dim3A_3406 = vector.broadcast %broadcast_in_dim3A_3405 : vector<64x1xf32> to vector<64x16xf32>
    %broadcast_in_dim3A_3407 = vector.broadcast %jit3A_3404 : f32 to vector<64x16xf32>
    %select_n3A_3408 = arith.select %eq3A_3402, %broadcast_in_dim3A_3406, %broadcast_in_dim3A_3407 : vector<64x16xi1>, vector<64x16xf32>
    %add3A_3409 = arith.addf %add3A_3399, %select_n3A_3408 : vector<64x16xf32>
    %eq3A_3410 = arith.constant 4 : i32
    %eq3A_3411 = vector.broadcast %eq3A_3410 : i32 to vector<64x16xi32>
    %eq3A_3412 = arith.cmpi eq, %select_n3A_3366, %eq3A_3411 : vector<64x16xi32>
    %slice3A_3413 = vector.extract_strided_slice %convert_element_type3A_3367 {offsets = [0, 4], sizes = [64, 1], strides = [1, 1]} : vector<64x16xf32> to vector<64x1xf32>
    %jit3A_3414 = arith.constant 0.000000e+00 : f32
    %broadcast_in_dim3A_3415 = vector.shape_cast %slice3A_3413 : vector<64x1xf32> to vector<64x1xf32>
    %broadcast_in_dim3A_3416 = vector.broadcast %broadcast_in_dim3A_3415 : vector<64x1xf32> to vector<64x16xf32>
    %broadcast_in_dim3A_3417 = vector.broadcast %jit3A_3414 : f32 to vector<64x16xf32>
    %select_n3A_3418 = arith.select %eq3A_3412, %broadcast_in_dim3A_3416, %broadcast_in_dim3A_3417 : vector<64x16xi1>, vector<64x16xf32>
    %add3A_3419 = arith.addf %add3A_3409, %select_n3A_3418 : vector<64x16xf32>
    %eq3A_3420 = arith.constant 5 : i32
    %eq3A_3421 = vector.broadcast %eq3A_3420 : i32 to vector<64x16xi32>
    %eq3A_3422 = arith.cmpi eq, %select_n3A_3366, %eq3A_3421 : vector<64x16xi32>
    %slice3A_3423 = vector.extract_strided_slice %convert_element_type3A_3367 {offsets = [0, 5], sizes = [64, 1], strides = [1, 1]} : vector<64x16xf32> to vector<64x1xf32>
    %jit3A_3424 = arith.constant 0.000000e+00 : f32
    %broadcast_in_dim3A_3425 = vector.shape_cast %slice3A_3423 : vector<64x1xf32> to vector<64x1xf32>
    %broadcast_in_dim3A_3426 = vector.broadcast %broadcast_in_dim3A_3425 : vector<64x1xf32> to vector<64x16xf32>
    %broadcast_in_dim3A_3427 = vector.broadcast %jit3A_3424 : f32 to vector<64x16xf32>
    %select_n3A_3428 = arith.select %eq3A_3422, %broadcast_in_dim3A_3426, %broadcast_in_dim3A_3427 : vector<64x16xi1>, vector<64x16xf32>
    %add3A_3429 = arith.addf %add3A_3419, %select_n3A_3428 : vector<64x16xf32>
    %eq3A_3430 = arith.constant 6 : i32
    %eq3A_3431 = vector.broadcast %eq3A_3430 : i32 to vector<64x16xi32>
    %eq3A_3432 = arith.cmpi eq, %select_n3A_3366, %eq3A_3431 : vector<64x16xi32>
    %slice3A_3433 = vector.extract_strided_slice %convert_element_type3A_3367 {offsets = [0, 6], sizes = [64, 1], strides = [1, 1]} : vector<64x16xf32> to vector<64x1xf32>
    %jit3A_3434 = arith.constant 0.000000e+00 : f32
    %broadcast_in_dim3A_3435 = vector.shape_cast %slice3A_3433 : vector<64x1xf32> to vector<64x1xf32>
    %broadcast_in_dim3A_3436 = vector.broadcast %broadcast_in_dim3A_3435 : vector<64x1xf32> to vector<64x16xf32>
    %broadcast_in_dim3A_3437 = vector.broadcast %jit3A_3434 : f32 to vector<64x16xf32>
    %select_n3A_3438 = arith.select %eq3A_3432, %broadcast_in_dim3A_3436, %broadcast_in_dim3A_3437 : vector<64x16xi1>, vector<64x16xf32>
    %add3A_3439 = arith.addf %add3A_3429, %select_n3A_3438 : vector<64x16xf32>
    %eq3A_3440 = arith.constant 7 : i32
    %eq3A_3441 = vector.broadcast %eq3A_3440 : i32 to vector<64x16xi32>
    %eq3A_3442 = arith.cmpi eq, %select_n3A_3366, %eq3A_3441 : vector<64x16xi32>
    %slice3A_3443 = vector.extract_strided_slice %convert_element_type3A_3367 {offsets = [0, 7], sizes = [64, 1], strides = [1, 1]} : vector<64x16xf32> to vector<64x1xf32>
    %jit3A_3444 = arith.constant 0.000000e+00 : f32
    %broadcast_in_dim3A_3445 = vector.shape_cast %slice3A_3443 : vector<64x1xf32> to vector<64x1xf32>
    %broadcast_in_dim3A_3446 = vector.broadcast %broadcast_in_dim3A_3445 : vector<64x1xf32> to vector<64x16xf32>
    %broadcast_in_dim3A_3447 = vector.broadcast %jit3A_3444 : f32 to vector<64x16xf32>
    %select_n3A_3448 = arith.select %eq3A_3442, %broadcast_in_dim3A_3446, %broadcast_in_dim3A_3447 : vector<64x16xi1>, vector<64x16xf32>
    %add3A_3449 = arith.addf %add3A_3439, %select_n3A_3448 : vector<64x16xf32>
    %eq3A_3450 = arith.constant 8 : i32
    %eq3A_3451 = vector.broadcast %eq3A_3450 : i32 to vector<64x16xi32>
    %eq3A_3452 = arith.cmpi eq, %select_n3A_3366, %eq3A_3451 : vector<64x16xi32>
    %slice3A_3453 = vector.extract_strided_slice %convert_element_type3A_3367 {offsets = [0, 8], sizes = [64, 1], strides = [1, 1]} : vector<64x16xf32> to vector<64x1xf32>
    %jit3A_3454 = arith.constant 0.000000e+00 : f32
    %broadcast_in_dim3A_3455 = vector.shape_cast %slice3A_3453 : vector<64x1xf32> to vector<64x1xf32>
    %broadcast_in_dim3A_3456 = vector.broadcast %broadcast_in_dim3A_3455 : vector<64x1xf32> to vector<64x16xf32>
    %broadcast_in_dim3A_3457 = vector.broadcast %jit3A_3454 : f32 to vector<64x16xf32>
    %select_n3A_3458 = arith.select %eq3A_3452, %broadcast_in_dim3A_3456, %broadcast_in_dim3A_3457 : vector<64x16xi1>, vector<64x16xf32>
    %add3A_3459 = arith.addf %add3A_3449, %select_n3A_3458 : vector<64x16xf32>
    %eq3A_3460 = arith.constant 9 : i32
    %eq3A_3461 = vector.broadcast %eq3A_3460 : i32 to vector<64x16xi32>
    %eq3A_3462 = arith.cmpi eq, %select_n3A_3366, %eq3A_3461 : vector<64x16xi32>
    %slice3A_3463 = vector.extract_strided_slice %convert_element_type3A_3367 {offsets = [0, 9], sizes = [64, 1], strides = [1, 1]} : vector<64x16xf32> to vector<64x1xf32>
    %jit3A_3464 = arith.constant 0.000000e+00 : f32
    %broadcast_in_dim3A_3465 = vector.shape_cast %slice3A_3463 : vector<64x1xf32> to vector<64x1xf32>
    %broadcast_in_dim3A_3466 = vector.broadcast %broadcast_in_dim3A_3465 : vector<64x1xf32> to vector<64x16xf32>
    %broadcast_in_dim3A_3467 = vector.broadcast %jit3A_3464 : f32 to vector<64x16xf32>
    %select_n3A_3468 = arith.select %eq3A_3462, %broadcast_in_dim3A_3466, %broadcast_in_dim3A_3467 : vector<64x16xi1>, vector<64x16xf32>
    %add3A_3469 = arith.addf %add3A_3459, %select_n3A_3468 : vector<64x16xf32>
    %eq3A_3470 = arith.constant 10 : i32
    %eq3A_3471 = vector.broadcast %eq3A_3470 : i32 to vector<64x16xi32>
    %eq3A_3472 = arith.cmpi eq, %select_n3A_3366, %eq3A_3471 : vector<64x16xi32>
    %slice3A_3473 = vector.extract_strided_slice %convert_element_type3A_3367 {offsets = [0, 10], sizes = [64, 1], strides = [1, 1]} : vector<64x16xf32> to vector<64x1xf32>
    %jit3A_3474 = arith.constant 0.000000e+00 : f32
    %broadcast_in_dim3A_3475 = vector.shape_cast %slice3A_3473 : vector<64x1xf32> to vector<64x1xf32>
    %broadcast_in_dim3A_3476 = vector.broadcast %broadcast_in_dim3A_3475 : vector<64x1xf32> to vector<64x16xf32>
    %broadcast_in_dim3A_3477 = vector.broadcast %jit3A_3474 : f32 to vector<64x16xf32>
    %select_n3A_3478 = arith.select %eq3A_3472, %broadcast_in_dim3A_3476, %broadcast_in_dim3A_3477 : vector<64x16xi1>, vector<64x16xf32>
    %add3A_3479 = arith.addf %add3A_3469, %select_n3A_3478 : vector<64x16xf32>
    %eq3A_3480 = arith.constant 11 : i32
    %eq3A_3481 = vector.broadcast %eq3A_3480 : i32 to vector<64x16xi32>
    %eq3A_3482 = arith.cmpi eq, %select_n3A_3366, %eq3A_3481 : vector<64x16xi32>
    %slice3A_3483 = vector.extract_strided_slice %convert_element_type3A_3367 {offsets = [0, 11], sizes = [64, 1], strides = [1, 1]} : vector<64x16xf32> to vector<64x1xf32>
    %jit3A_3484 = arith.constant 0.000000e+00 : f32
    %broadcast_in_dim3A_3485 = vector.shape_cast %slice3A_3483 : vector<64x1xf32> to vector<64x1xf32>
    %broadcast_in_dim3A_3486 = vector.broadcast %broadcast_in_dim3A_3485 : vector<64x1xf32> to vector<64x16xf32>
    %broadcast_in_dim3A_3487 = vector.broadcast %jit3A_3484 : f32 to vector<64x16xf32>
    %select_n3A_3488 = arith.select %eq3A_3482, %broadcast_in_dim3A_3486, %broadcast_in_dim3A_3487 : vector<64x16xi1>, vector<64x16xf32>
    %add3A_3489 = arith.addf %add3A_3479, %select_n3A_3488 : vector<64x16xf32>
    %eq3A_3490 = arith.constant 12 : i32
    %eq3A_3491 = vector.broadcast %eq3A_3490 : i32 to vector<64x16xi32>
    %eq3A_3492 = arith.cmpi eq, %select_n3A_3366, %eq3A_3491 : vector<64x16xi32>
    %slice3A_3493 = vector.extract_strided_slice %convert_element_type3A_3367 {offsets = [0, 12], sizes = [64, 1], strides = [1, 1]} : vector<64x16xf32> to vector<64x1xf32>
    %jit3A_3494 = arith.constant 0.000000e+00 : f32
    %broadcast_in_dim3A_3495 = vector.shape_cast %slice3A_3493 : vector<64x1xf32> to vector<64x1xf32>
    %broadcast_in_dim3A_3496 = vector.broadcast %broadcast_in_dim3A_3495 : vector<64x1xf32> to vector<64x16xf32>
    %broadcast_in_dim3A_3497 = vector.broadcast %jit3A_3494 : f32 to vector<64x16xf32>
    %select_n3A_3498 = arith.select %eq3A_3492, %broadcast_in_dim3A_3496, %broadcast_in_dim3A_3497 : vector<64x16xi1>, vector<64x16xf32>
    %add3A_3499 = arith.addf %add3A_3489, %select_n3A_3498 : vector<64x16xf32>
    %eq3A_3500 = arith.constant 13 : i32
    %eq3A_3501 = vector.broadcast %eq3A_3500 : i32 to vector<64x16xi32>
    %eq3A_3502 = arith.cmpi eq, %select_n3A_3366, %eq3A_3501 : vector<64x16xi32>
    %slice3A_3503 = vector.extract_strided_slice %convert_element_type3A_3367 {offsets = [0, 13], sizes = [64, 1], strides = [1, 1]} : vector<64x16xf32> to vector<64x1xf32>
    %jit3A_3504 = arith.constant 0.000000e+00 : f32
    %broadcast_in_dim3A_3505 = vector.shape_cast %slice3A_3503 : vector<64x1xf32> to vector<64x1xf32>
    %broadcast_in_dim3A_3506 = vector.broadcast %broadcast_in_dim3A_3505 : vector<64x1xf32> to vector<64x16xf32>
    %broadcast_in_dim3A_3507 = vector.broadcast %jit3A_3504 : f32 to vector<64x16xf32>
    %select_n3A_3508 = arith.select %eq3A_3502, %broadcast_in_dim3A_3506, %broadcast_in_dim3A_3507 : vector<64x16xi1>, vector<64x16xf32>
    %add3A_3509 = arith.addf %add3A_3499, %select_n3A_3508 : vector<64x16xf32>
    %eq3A_3510 = arith.constant 14 : i32
    %eq3A_3511 = vector.broadcast %eq3A_3510 : i32 to vector<64x16xi32>
    %eq3A_3512 = arith.cmpi eq, %select_n3A_3366, %eq3A_3511 : vector<64x16xi32>
    %slice3A_3513 = vector.extract_strided_slice %convert_element_type3A_3367 {offsets = [0, 14], sizes = [64, 1], strides = [1, 1]} : vector<64x16xf32> to vector<64x1xf32>
    %jit3A_3514 = arith.constant 0.000000e+00 : f32
    %broadcast_in_dim3A_3515 = vector.shape_cast %slice3A_3513 : vector<64x1xf32> to vector<64x1xf32>
    %broadcast_in_dim3A_3516 = vector.broadcast %broadcast_in_dim3A_3515 : vector<64x1xf32> to vector<64x16xf32>
    %broadcast_in_dim3A_3517 = vector.broadcast %jit3A_3514 : f32 to vector<64x16xf32>
    %select_n3A_3518 = arith.select %eq3A_3512, %broadcast_in_dim3A_3516, %broadcast_in_dim3A_3517 : vector<64x16xi1>, vector<64x16xf32>
    %add3A_3519 = arith.addf %add3A_3509, %select_n3A_3518 : vector<64x16xf32>
    %eq3A_3520 = arith.constant 15 : i32
    %eq3A_3521 = vector.broadcast %eq3A_3520 : i32 to vector<64x16xi32>
    %eq3A_3522 = arith.cmpi eq, %select_n3A_3366, %eq3A_3521 : vector<64x16xi32>
    %slice3A_3523 = vector.extract_strided_slice %convert_element_type3A_3367 {offsets = [0, 15], sizes = [64, 1], strides = [1, 1]} : vector<64x16xf32> to vector<64x1xf32>
    %jit3A_3524 = arith.constant 0.000000e+00 : f32
    %broadcast_in_dim3A_3525 = vector.shape_cast %slice3A_3523 : vector<64x1xf32> to vector<64x1xf32>
    %broadcast_in_dim3A_3526 = vector.broadcast %broadcast_in_dim3A_3525 : vector<64x1xf32> to vector<64x16xf32>
    %broadcast_in_dim3A_3527 = vector.broadcast %jit3A_3524 : f32 to vector<64x16xf32>
    %select_n3A_3528 = arith.select %eq3A_3522, %broadcast_in_dim3A_3526, %broadcast_in_dim3A_3527 : vector<64x16xi1>, vector<64x16xf32>
    %add3A_3529 = arith.addf %add3A_3519, %select_n3A_3528 : vector<64x16xf32>
    %reduce_max3A_3530 = arith.constant dense<0xFF800000> : vector<64xf32>
    %reduce_max3A_3531 = vector.multi_reduction <maximumf>, %bitcast_convert_type3A_3150, %reduce_max3A_3530 [1] : vector<64x16xf32> to vector<64xf32>
    %broadcast_in_dim3A_3532 = vector.shape_cast %reduce_max3A_3531 : vector<64xf32> to vector<64x1xf32>
    %sub3A_3533 = vector.broadcast %broadcast_in_dim3A_3532 : vector<64x1xf32> to vector<64x16xf32>
    %sub3A_3534 = arith.subf %bitcast_convert_type3A_3150, %sub3A_3533 : vector<64x16xf32>
    %exp3A_3535 = math.exp %sub3A_3534 : vector<64x16xf32>
    %reduce_sum3A_3536 = arith.constant dense<0.000000e+00> : vector<64xf32>
    %reduce_sum3A_3537 = vector.multi_reduction <add>, %exp3A_3535, %reduce_sum3A_3536 [1] : vector<64x16xf32> to vector<64xf32>
    %broadcast_in_dim3A_3538 = vector.shape_cast %reduce_sum3A_3537 : vector<64xf32> to vector<64x1xf32>
    %div3A_3539 = vector.broadcast %broadcast_in_dim3A_3538 : vector<64x1xf32> to vector<64x16xf32>
    %div3A_3540 = arith.divf %exp3A_3535, %div3A_3539 : vector<64x16xf32>
    %mul3A_3541 = arith.constant 2.560000e+02 : f32
    %mul3A_3542 = vector.broadcast %mul3A_3541 : f32 to vector<64x16xf32>
    %mul3A_3543 = arith.mulf %add3A_3344, %mul3A_3542 : vector<64x16xf32>
    %add3A_3544 = arith.addf %mul3A_3543, %add3A_3529 : vector<64x16xf32>
    %convert_element_type3A_3545 = arith.fptosi %add3A_3544 : vector<64x16xf32> to vector<64x16xi32>
    %concatenate3A_3546 = tpu.concatenate %div3A_930, %div3A_1800, %div3A_2670, %div3A_3540 in 0 : vector<64x16xf32>, vector<64x16xf32>, vector<64x16xf32>, vector<64x16xf32> -> vector<256x16xf32>
    %swap3A = arith.constant 0 : index
    %swap3A_3547 = arith.constant 0 : index
    %swap3A_3548 = arith.constant 0 : index
    %swap3A_3549 = vector.load %arg8[%swap3A, %swap3A_3547, %swap3A_3548] : memref<1x256x16xf32, #tpu.memory_space<vmem>>, vector<1x256x16xf32>
    %swap3A_3550 = vector.shape_cast %swap3A_3549 : vector<1x256x16xf32> to vector<256x16xf32>
    %swap3A_3551 = vector.shape_cast %concatenate3A_3546 : vector<256x16xf32> to vector<1x256x16xf32>
    tpu.vector_store %arg8[%swap3A, %swap3A_3547, %swap3A_3548], %swap3A_3551 {strides = array<i32>} : memref<1x256x16xf32, #tpu.memory_space<vmem>>, vector<1x256x16xf32>,
    %concatenate3A_3552 = tpu.concatenate %convert_element_type3A_935, %convert_element_type3A_1805, %convert_element_type3A_2675, %convert_element_type3A_3545 in 0 : vector<64x16xi32>, vector<64x16xi32>, vector<64x16xi32>, vector<64x16xi32> -> vector<256x16xi32>
    %swap3A_3553 = arith.constant 0 : index
    %swap3A_3554 = arith.constant 0 : index
    %swap3A_3555 = arith.constant 0 : index
    %swap3A_3556 = vector.load %arg9[%swap3A_3553, %swap3A_3554, %swap3A_3555] : memref<1x256x16xi32, #tpu.memory_space<vmem>>, vector<1x256x16xi32>
    %swap3A_3557 = vector.shape_cast %swap3A_3556 : vector<1x256x16xi32> to vector<256x16xi32>
    %swap3A_3558 = vector.shape_cast %concatenate3A_3552 : vector<256x16xi32> to vector<1x256x16xi32>
    tpu.vector_store %arg9[%swap3A_3553, %swap3A_3554, %swap3A_3555], %swap3A_3558 {strides = array<i32>} : memref<1x256x16xi32, #tpu.memory_space<vmem>>, vector<1x256x16xi32>,
    return
  }
  func.func @transform_0(%arg0: i32, %arg1: i32, %arg2: i32) -> (i32, i32) {
    %mul3A = arith.constant 2 : i32
    %mul3A_0 = arith.muli %arg0, %mul3A : i32
    %add3A = arith.addi %mul3A_0, %arg2 : i32
    %c0_i32 = arith.constant 0 : i32
    return %add3A, %arg1 : i32, i32
  }
  func.func @transform_1(%arg0: i32, %arg1: i32, %arg2: i32) -> (i32, i32) {
    %c0_i32 = arith.constant 0 : i32
    %c0_i32_0 = arith.constant 0 : i32
    return %c0_i32, %arg1 : i32, i32
  }
  func.func @transform_2(%arg0: i32, %arg1: i32, %arg2: i32) -> (i32, i32) {
    %c0_i32 = arith.constant 0 : i32
    %c0_i32_0 = arith.constant 0 : i32
    return %c0_i32, %arg1 : i32, i32
  }
  func.func @transform_3(%arg0: i32, %arg1: i32, %arg2: i32) -> (i32, i32, i32) {
    %c0_i32 = arith.constant 0 : i32
    %c0_i32_0 = arith.constant 0 : i32
    %c0_i32_1 = arith.constant 0 : i32
    return %arg0, %c0_i32, %c0_i32_0 : i32, i32, i32
  }
  func.func @transform_4(%arg0: i32, %arg1: i32, %arg2: i32) -> (i32, i32, i32) {
    %c0_i32 = arith.constant 0 : i32
    %c0_i32_0 = arith.constant 0 : i32
    %c0_i32_1 = arith.constant 0 : i32
    return %arg0, %c0_i32, %c0_i32_0 : i32, i32, i32
  }
  func.func @transform_5(%arg0: i32, %arg1: i32, %arg2: i32) -> (i32, i32, i32) {
    %mul3A = arith.constant 4 : i32
    %mul3A_0 = arith.muli %arg0, %mul3A : i32
    %add3A = arith.addi %mul3A_0, %arg1 : i32
    %c0_i32 = arith.constant 0 : i32
    %c0_i32_1 = arith.constant 0 : i32
    return %add3A, %arg2, %c0_i32 : i32, i32, i32
  }
  func.func @transform_6(%arg0: i32, %arg1: i32, %arg2: i32) -> (i32, i32, i32) {
    %mul3A = arith.constant 4 : i32
    %mul3A_0 = arith.muli %arg0, %mul3A : i32
    %add3A = arith.addi %mul3A_0, %arg1 : i32
    %c0_i32 = arith.constant 0 : i32
    %c0_i32_1 = arith.constant 0 : i32
    return %add3A, %arg2, %c0_i32 : i32, i32, i32
  }
}

module attributes {stable_mosaic.version = 14 : i64} {
  func.func @_matvec_kernel(%arg0: i32, %arg1: memref<32x16x128xf32, #tpu.memory_space<vmem>>, %arg2: memref<16x128x1024xf32, #tpu.memory_space<vmem>>, %arg3: memref<1x1024xf32, #tpu.memory_space<vmem>>) attributes {dimension_semantics = [#tpu.dimension_semantics<arbitrary>], iteration_bounds = array<i64: 32>, scalar_prefetch = 0 : i64, scratch_operands = 0 : i64, tpu.core_type = #tpu.core_type<tc>, window_params = [{transform_indices = @transform_0, window_bounds = array<i64: 32, 16, 128>}, {transform_indices = @transform_1, window_bounds = array<i64: 16, 128, 1024>}, {pipeline_mode = #tpu.pipeline_mode<synchronous>, transform_indices = @transform_2, window_bounds = array<i64: 1, 1024>}]} {
    %eq3A = arith.constant 0 : i32
    %eq3A_0 = arith.cmpi eq, %arg0, %eq3A : i32
    %convert_element_type3A = arith.extui %eq3A_0 : i1 to i32
    %cond3A = arith.constant 0 : i32
    %cond3A_1 = arith.cmpi ne, %convert_element_type3A, %cond3A : i32
    scf.if %cond3A_1 {
      %broadcast_in_dim3A_18 = arith.constant 0.000000e+00 : f32
      %broadcast_in_dim3A_19 = vector.broadcast %broadcast_in_dim3A_18 : f32 to vector<1x1024xf32>
      %swap3A_20 = arith.constant 0 : index
      %swap3A_21 = arith.constant 0 : index
      %swap3A_22 = vector.load %arg3[%swap3A_20, %swap3A_21] : memref<1x1024xf32, #tpu.memory_space<vmem>>, vector<1x1024xf32>
      tpu.vector_store %arg3[%swap3A_20, %swap3A_21], %broadcast_in_dim3A_19 {strides = array<i32>} : memref<1x1024xf32, #tpu.memory_space<vmem>>, vector<1x1024xf32>,
    } else {
    }
    %get3A = arith.constant 0 : index
    %get3A_2 = arith.constant 0 : index
    %get3A_3 = arith.constant 0 : index
    %get3A_4 = vector.load %arg1[%get3A, %get3A_2, %get3A_3] : memref<32x16x128xf32, #tpu.memory_space<vmem>>, vector<32x16x128xf32>
    %reduce_sum3A = arith.constant dense<0.000000e+00> : vector<16x128xf32>
    %reduce_sum3A_5 = vector.multi_reduction <add>, %get3A_4, %reduce_sum3A [0] : vector<32x16x128xf32> to vector<16x128xf32>
    %get3A_6 = arith.constant 0 : index
    %get3A_7 = arith.constant 0 : index
    %get3A_8 = arith.constant 0 : index
    %get3A_9 = vector.load %arg2[%get3A_6, %get3A_7, %get3A_8] : memref<16x128x1024xf32, #tpu.memory_space<vmem>>, vector<16x128x1024xf32>
    %broadcast_in_dim3A = vector.shape_cast %reduce_sum3A_5 : vector<16x128xf32> to vector<16x128x1xf32>
    %mul3A = vector.broadcast %broadcast_in_dim3A : vector<16x128x1xf32> to vector<16x128x1024xf32>
    %mul3A_10 = arith.mulf %get3A_9, %mul3A : vector<16x128x1024xf32>
    %get3A_11 = arith.constant 0 : index
    %get3A_12 = arith.constant 0 : index
    %get3A_13 = vector.load %arg3[%get3A_11, %get3A_12] : memref<1x1024xf32, #tpu.memory_space<vmem>>, vector<1x1024xf32>
    %reduce_sum3A_14 = arith.constant dense<0.000000e+00> : vector<1024xf32>
    %reduce_sum3A_15 = vector.multi_reduction <add>, %mul3A_10, %reduce_sum3A_14 [0, 1] : vector<16x128x1024xf32> to vector<1024xf32>
    %reshape3A = vector.shape_cast %reduce_sum3A_15 : vector<1024xf32> to vector<1x1024xf32>
    %add3A = arith.addf %get3A_13, %reshape3A : vector<1x1024xf32>
    %swap3A = arith.constant 0 : index
    %swap3A_16 = arith.constant 0 : index
    %swap3A_17 = vector.load %arg3[%swap3A, %swap3A_16] : memref<1x1024xf32, #tpu.memory_space<vmem>>, vector<1x1024xf32>
    tpu.vector_store %arg3[%swap3A, %swap3A_16], %add3A {strides = array<i32>} : memref<1x1024xf32, #tpu.memory_space<vmem>>, vector<1x1024xf32>,
    return
  }
  func.func @transform_0(%arg0: i32) -> (i32, i32, i32) {
    %c0_i32 = arith.constant 0 : i32
    %c0_i32_0 = arith.constant 0 : i32
    %c0_i32_1 = arith.constant 0 : i32
    return %c0_i32, %arg0, %c0_i32_0 : i32, i32, i32
  }
  func.func @transform_1(%arg0: i32) -> (i32, i32, i32) {
    %c0_i32 = arith.constant 0 : i32
    %c0_i32_0 = arith.constant 0 : i32
    %c0_i32_1 = arith.constant 0 : i32
    return %arg0, %c0_i32, %c0_i32_0 : i32, i32, i32
  }
  func.func @transform_2(%arg0: i32) -> (i32, i32) {
    %c0_i32 = arith.constant 0 : i32
    %c0_i32_0 = arith.constant 0 : i32
    %c0_i32_1 = arith.constant 0 : i32
    return %c0_i32, %c0_i32_0 : i32, i32
  }
}

</mosaic_0001>

<sc_bundles>
// kernel: kernel.6.cloned.1.call-start
scs
__scs_entry_jumppad:
0x0: {  	(pc) =	sbr.rel $0x88, $3  }
0x1: {  	(tag) =	ssettag $0x0;
	lr =	simm.s32 $0x1  }
0x2: {  	[smem:$0x3F98] =	sst lr;
	_ =	strace $0xD0000000  }
0x3: {  	_ = 	snop  }
0x4: {  	_ = 	snop  }
0x5: {  	_ = 	snop  }
0x6: {  	_ = 	snop  }
0x7: {  	_ = 	snop  }
__scs_overlays_trampoline_lowered:
0x8: {  	[smem:$0x3FA7] =	sst s0  }
0x9: {  	[smem:$0x3FA8] =	sst s1  }
0xa: {  	[smem:$0x3FA9] =	sst s2  }
0xb: {  	[smem:$0x3FAA] =	sst s3  }
0xc: {  	[smem:$0x3FAB] =	sst s4  }
0xd: {  	[smem:$0x3FAC] =	sst s5  }
0xe: {  	[smem:$0x3FAD] =	sst s6  }
0xf: {  	[smem:$0x3FAE] =	sst s7  }
0x10: {  	[smem:$0x3FAF] =	sst s8  }
0x11: {  	[smem:$0x3FB0] =	sst s9;
	s0 =	simm.s32 @!p0 $0x0  }
0x12: {  	s1 =	sld [smem:$0x3F96];
	s0 =	simm.s32 @p0 $0x1  }
0x13: {  	[smem:$0x3FB1] =	sst s0;
	s0 =	simm.s32 @!p1 $0x0  }
0x14: {  	s2 =	sld [smem:$0x3F95];
	s0 =	simm.s32 @p1 $0x1  }
0x15: {  	[smem:$0x3FB2] =	sst s0;
	s0 =	simm.s32 @!p2 $0x0  }
0x16: {  	s3 =	sld [smem:$0x3FDB];
	s0 =	simm.s32 @p2 $0x1  }
0x17: {  	s4 =	simm.s32 $0x1BF5;
	[smem:$0x3FB4] =	sst s0  }
0x18: {  	s0 =	sld [smem:$0x3F97];
	_ =	swait.ge [sflag:s4], $0x0  }
0x19: {  	s7 =	sld [smem:$0x3F98]  }
0x1a: {  	s8 =	sadd.s32 $0xFFFFE003, lr  }
0x1b: {  	s9 =	sadd.s32 $0xFFFFFEF7, lr;
	s5 =	simm.s32 $0xFFFFFFFF;
	p2 =	slt.u32 s8, $0xFFFFF086  }
0x1c: {  	p1 =	slt.u32 s9, $0xF7A;
	s5 =	simm.s32 @!p2 $0x0  }
0x1d: {  	s5 =	simm.s32 @p1 $0x1;
	p0 =	seq.s32 s7, s2  }
0x1e: {  	s7 =	smul.u32 @!p0 $0xF7A, s2;
	p2 =	seq.s32 @!p0 s5, $0x0  }
0x1f: {  	s9 =	smul.u32 $0xF7A, s1;
	s8 =	simm.s32 @!p0 $0x1BF5;
	p2 =	por !p2, p0  }
0x20: {  	[sflag:s8] =	ssyncset.s32 @!p0 $0xFFFFF086;
	s6 =	sadd.s32 @!p0 s3, s7;
	s7 =	simm.s32 @!p0 $0x108  }
0x21: {  	s3 =	sadd.s32 s3, s9;
	s6 =	sadd.s32 @!p0 $0x88, s6;
	s7 =	simm.s32 @p2 $0x1082  }
0x22: {  	[simem:s7], [sflag:s8] =	dma.local @!p0 [hbm:s6], $0xF7A  }
0x23: {  	s9 =	sor.u32 $0xD0000000, s2;
	s6 =	simm.s32 $0x108;
	_ =	swait.ge @!p0 [sflag:s8], $0x0  }
0x24: {  	s3 =	sadd.s32 $0x88, s3;
	s6 =	simm.s32 @!p1 $0x1082;
	[sflag:s4] =	ssyncset.s32 $0xFFFFF086  }
0x25: {  	[simem:s6], [sflag:s4] =	dma.local [hbm:s3], $0xF7A  }
0x26: {  	[smem:$0x3F98] =	sst s1;
	(tag) =	ssettag s2;
	_ =	strace s9  }
0x27: {  	s1 =	sld [smem:$0x3FA8]  }
0x28: {  	s2 =	sld [smem:$0x3FA9]  }
0x29: {  	s4 =	sld [smem:$0x3FAB]  }
0x2a: {  	p0 =	seq.s32 s5, $0x0;
	s5 =	sld [smem:$0x3FAC]  }
0x2b: {  	s6 =	sld [smem:$0x3FAD]  }
0x2c: {  	s7 =	sld [smem:$0x3FAE]  }
0x2d: {  	s3 =	simm.s32 $0x108;
	s8 =	sld [smem:$0x3FAF]  }
0x2e: {  	s3 =	simm.s32 @!p0 $0x1082;
	s9 =	sld [smem:$0x3FB0]  }
0x2f: {  	lr =	sadd.s32 s0, s3;
	s0 =	sld [smem:$0x3FA7]  }
0x30: {  	s3 =	sld [smem:$0x3FAA]  }
0x31: {  	[smem:$0x3FB3] =	sst s10  }
0x32: {  	s10 =	sld [smem:$0x3FB1];
	_ =	sdelay $0x3  }
0x33: {  	p0 =	seq.s32 s10, $0x1;
	s10 =	sld [smem:$0x3FB3];
	_ =	sdelay $0x3  }
0x34: {  	[smem:$0x3FB3] =	sst s10  }
0x35: {  	s10 =	sld [smem:$0x3FB2];
	_ =	sdelay $0x3  }
0x36: {  	p1 =	seq.s32 s10, $0x1;
	s10 =	sld [smem:$0x3FB3];
	_ =	sdelay $0x3  }
0x37: {  	[smem:$0x3FB3] =	sst s10  }
0x38: {  	s10 =	sld [smem:$0x3FB4]  }
0x39: {  	_ = 	snop;
	(pc) =	sbr.ind lr, $3  }
0x3a: {  	_ = 	snop  }
0x3b: {  	_ = 	snop  }
0x3c: {  	p2 =	seq.s32 s10, $0x1;
	s10 =	sld [smem:$0x3FB3]  }
0x3d: {  	_ =	shalt  }
0x3e: {  	_ =	shalt  }
0x3f: {  	_ =	shalt  }
0x40: {  	_ =	shalt  }
0x41: {  	_ =	shalt  }
0x42: {  	_ =	shalt  }
0x43: {  	_ =	shalt  }
0x44: {  	_ =	shalt  }
0x45: {  	_ =	shalt  }
0x46: {  	_ =	shalt  }
0x47: {  	_ =	shalt  }
0x48: {  	_ =	shalt  }
0x49: {  	_ =	shalt  }
0x4a: {  	_ =	shalt  }
0x4b: {  	_ =	shalt  }
0x4c: {  	_ =	shalt  }
0x4d: {  	_ =	shalt  }
0x4e: {  	_ =	shalt  }
0x4f: {  	_ =	shalt  }
0x50: {  	_ =	shalt  }
0x51: {  	_ =	shalt  }
0x52: {  	_ =	shalt  }
0x53: {  	_ =	shalt  }
0x54: {  	_ =	shalt  }
0x55: {  	_ =	shalt  }
0x56: {  	_ =	shalt  }
0x57: {  	_ =	shalt  }
0x58: {  	_ =	shalt  }
0x59: {  	_ =	shalt  }
0x5a: {  	_ =	shalt  }
0x5b: {  	_ =	shalt  }
0x5c: {  	_ =	shalt  }
0x5d: {  	_ =	shalt  }
0x5e: {  	_ =	shalt  }
0x5f: {  	_ =	shalt  }
0x60: {  	_ =	shalt  }
0x61: {  	_ =	shalt  }
0x62: {  	_ =	shalt  }
0x63: {  	_ =	shalt  }
0x64: {  	_ =	shalt  }
0x65: {  	_ =	shalt  }
0x66: {  	_ =	shalt  }
0x67: {  	_ =	shalt  }
0x68: {  	_ =	shalt  }
0x69: {  	_ =	shalt  }
0x6a: {  	_ =	shalt  }
0x6b: {  	_ =	shalt  }
0x6c: {  	_ =	shalt  }
0x6d: {  	_ =	shalt  }
0x6e: {  	_ =	shalt  }
0x6f: {  	_ =	shalt  }
0x70: {  	_ =	shalt  }
0x71: {  	_ =	shalt  }
0x72: {  	_ =	shalt  }
0x73: {  	_ =	shalt  }
0x74: {  	_ =	shalt  }
0x75: {  	_ =	shalt  }
0x76: {  	_ =	shalt  }
0x77: {  	_ =	shalt  }
0x78: {  	_ =	shalt  }
0x79: {  	_ =	shalt  }
0x7a: {  	_ =	shalt  }
0x7b: {  	_ =	shalt  }
0x7c: {  	_ =	shalt  }
0x7d: {  	_ =	shalt  }
0x7e: {  	_ =	shalt  }
0x7f: {  	_ =	shalt  }
0x80: {  	_ =	shalt  }
0x81: {  	_ =	shalt  }
0x82: {  	_ =	shalt  }
0x83: {  	_ =	shalt  }
0x84: {  	_ =	shalt  }
0x85: {  	_ =	shalt  }
0x86: {  	_ =	shalt  }
0x87: {  	_ =	shalt  }
.Lfunc_end0:
.L_simem_size_0:
called_computation_lowered:
.L_overlay_start_0:
0x88: {  	s2 =	sld [smem:$0x3FD9]  }
0x89: {  	s3 =	sld [smem:$0x3FFE];
	_ =	sdelay $0x1  }
0x8a: {  	s1 =	srdreg.scid  }
0x8b: {  	s0 =	sand.u32 $0x1, s1  }
0x8c: {  	s16 =	sshll.u32 s0, $0xA;
	s2 =	sadd.s32 s3, s2  }
0x8d: {  	s2 =	sadd.s32 s2, s16  }
0x8e: {  	[smem:$0x3FBF] =	sst s2  }
0x8f: {  	_ = 	snop  }
0x90: {  	(tm) =	ssettm $0x1  }
0x91: {  	s17 =	sld [smem:$0x3FFB];
	_ =	sdelay $0x3  }
0x92: {  	_ =	strace s17  }
0x93: {  	s2 =	sld [smem:$0x3FFC];
	_ =	sdelay $0x3  }
0x94: {  	_ =	strace s2  }
0x95: {  	s2 =	sld [smem:$0x3FFD];
	_ =	sdelay $0x3  }
0x96: {  	_ =	strace s2  }
0x97: {  	_ =	strace $0x8FFFFFFF  }
0x98: {  	s18 =	sld [smem:$0x3FDB];
	_ =	sdelay $0x1  }
0x99: {  	s19 =	simm.s32 $_scs_section_size  }
0x9a: {  	s4 =	simm.s32 $_size__tile_overlayer_lowered;
	s5 =	simm.s32 $_tile_overlayer_lowered  }
0x9b: {  	s22 =	simm.s32 $0x1BFF;
	s21 =	sshll.u32 s5, $0x1;
	s2 =	sadd.s32 s19, s18  }
0x9c: {  	s6 =	simm.s32 $0x0;
	s20 =	sshll.u32 s4, $0x1;
	s4 =	sadd.s32 s21, s2  }
0x9d: {  	[timem:s6], [sflag:s22] =	dma.local [hbm:s4], s20  }
0x9e: {  	_ =	swait.ge [sflag:s22], s20  }
0x9f: {  	s3 =	ssub.s32 $0x0, s20;
	[sflag:s22] =	ssyncset.done $0x0  }
0xa0: {  	[sflag:s22] =	ssyncadd.s32 s3;
	_ =	sdelay $0x1  }
0xa1: {  	s23 =	simm.s32 $0x1B8B  }
0xa2: {  	_ =	swait.ge [sflag:s23], $0x1  }
0xa3: {  	[sflag:s23] =	ssyncset.done $0x0  }
0xa4: {  	s25 =	simm.s32 $0x1B8E;
	s24 =	sld [smem:$0x3FFE];
	[sflag:s23] =	ssyncadd.s32 $0xFFFFFFFF  }
0xa5: {  	s26 =	simm.s32 $execute0_lowered;
	[smem:$0x3FD2] =	sst s25  }
0xa6: {  	s4 =	sshll.u32 s26, $0x1;
	_ =	strace $0x80000046;
	[dreg:$0x1] =	wrdreg $0xFFFFFFFF  }
0xa7: {  	s28 =	simm.s32 $_size_execute0_lowered;
	s2 =	sadd.s32 s2, s4;
	[dreg:$0x0] =	wrdreg $0x0  }
0xa8: {  	s4 =	sshll.u32 s28, $0x1;
	[dreg:$0x2] =	wrdreg s2  }
0xa9: {  	[dreg:$0x3] =	wrdreg s4  }
0xaa: {  	[dreg:$0x4] =	wrdreg $0xC0  }
0xab: {  	_ =	task [dreg:s6], $0x5FFFF  }
0xac: {  	[dreg:$0x1] =	wrdreg $0xFFFFFFFF  }
0xad: {  	[dreg:$0x0] =	wrdreg $0x60  }
0xae: {  	[dreg:$0x2] =	wrdreg s24  }
0xaf: {  	[dreg:$0x3] =	wrdreg $0x9  }
0xb0: {  	_ =	task.clear_ibuf [dreg:s6], $0x4FFFF;
	_ =	strace $0x90000046  }
0xb1: {  	s29 =	simm.s32 $0x9;
	_ =	strace $0x80000048  }
0xb2: {  	_ =	swait.ge [sflag:s29], $0x1  }
0xb3: {  	[sflag:s29] =	ssyncadd.s32 $0xFFFFFFFF  }
0xb4: {  	_ =	strace $0x90000048  }
0xb5: {  	_ =	sfence  }
0xb6: {  	s30 =	sld [smem:$0x0];
	_ =	sdelay $0x2  }
0xb7: {  	s31 =	sshll.u32 s1, $0xD;
	s1 =	sshrl.u32 s1, $0x2  }
0xb8: {  	s3 =	sand.u32 $0x4000, s31;
	s1 =	sadd.s32 s1, s30  }
0xb9: {  	s0 =	sor.u32 s3, s0;
	s1 =	sshll.u32 s1, $0x11  }
0xba: {  	s0 =	sor.u32 s1, s0  }
0xbb: {  	s0 =	sadd.s32 $0x8F2B, s0  }
0xbc: {  	[sflag:s0] =	ssyncadd.remote.s32 $0x1  }
0xbd: {  	_ =	sfence.sel $0xFFFF  }
0xbe: {  	[dreg:$0x0] =	wrdreg $0xFFFFFFFF;
	(pc) =	sbr.abs _section_cstart, $3  }
0xbf: {  	[dreg:$0x1] =	wrdreg $0xFFFFFFFF  }
0xc0: {  	_ =	task.clear_ibuf [dreg:s6], $0x2FFFF;
	_ =	strace $0x9FFFFFFF  }
0xc1: {  	(tm) =	ssettm $0x7FFFFFFF  }
tec
execute0_lowered:
.L_overlay_start_1:
0x0: {  	(tag) =	ssettag $0x1  }
0x1: {  	s4 =	rddreg [dreg:$0x0]  }
0x2: {  	s0 =	rddreg [dreg:$0x1]  }
0x3: {  	s3 =	srdreg.scid;
	s1 =	stileid.u32;
	s2 =	simm.s32 $0x0  }
0x4: {  	s10 =	simm.s32 $0x2000;
	s11 =	simm.s32 $0x80;
	s12 =	simm.s32 $0x400  }
0x5: {  	s13 =	simm.s32 $0x0;
	s5 =	sand.u32 $0x1, s3;
	s30 =	sshll.u32 s1, $0x1  }
0x6: {  	[smem:$0x7FF] =	sst s2;
	s8 =	sshll.u32 s1, $0xE;
	s6 =	sor.u32 s5, s30  }
0x7: {  	_ =	strace $0x80000047;
	s8 =	sand.u32 $0x30000, s8;
	s5 =	ssub.s32 $0x2, s5  }
0x8: {  	s3 =	sshll.u32 s6, $0x9;
	s6 =	sshll.u32 s6, $0x4;
	s8 =	sadd.s32 s8, s4  }
0x9: {  	s31 =	sshrl.u32 s5, $0x1;
	s7 =	sadd.s32 s3, s4;
	s3 =	sadd.s32 $0x8600, s4  }
0xa: {  	s6 =	sand.u32 $0x70, s6;
	s9 =	ssub.s32 s5, s31;
	s4 =	sadd.s32 $0x600, s7  }
0xb: {  	s6 =	sadd.s32 s6, s8;
	s5 =	sadd.s32 $0x4600, s7;
	s7 =	smax.u32 s9, $0x1  }
0xc: {  	s8 =	simm.s32 $0x1;
	s9 =	simm.s32 $0x1000;
	s6 =	sadd.s32 $0xA600, s6  }
.LBB2_1:
0xd: {  	[tilespmem:s2], [sflag:$0x1] =	stream.linear.gather [hbm4b:s4+s2], $0x1000, $0x38;
	[tilespmem:$0x12000] =	vst v63  }
0xe: {  	_ =	swait.ge [sflag:s8], $0x1000  }
0xf: {  	[sflag:s8] =	ssyncset.done $0x0  }
0x10: {  	[sflag:s8] =	ssyncadd.s32 $0xFFFFF000  }
0x11: {  	[tilespmem:s9], [sflag:$0x1] =	stream.linear.gather [hbm4b:s5+s2], $0x1000, $0x38;
	[tilespmem:$0x12000] =	vst v63  }
0x12: {  	_ =	swait.ge [sflag:s8], $0x1000  }
0x13: {  	[sflag:s8] =	ssyncset.done $0x0  }
0x14: {  	[sflag:s8] =	ssyncadd.s32 $0xFFFFF000  }
0x15: {  	[tilespmem:s10], [sflag:$0x1] =	stream.linear.gather [hbm4b:s3+s2], $0x10000, $0x38;
	[tilespmem:$0x12000] =	vst v63  }
0x16: {  	_ =	swait.ge [sflag:s8], $0x10000  }
0x17: {  	[sflag:s8] =	ssyncset.done $0x0  }
0x18: {  	s15 =	simm.s32 $0x0;
	s14 =	simm.s32 $0x40;
	[sflag:s8] =	ssyncadd.s32 $0xFFFF0000  }
.LBB2_2:
0x19: {  	p0 =	sne.s32 s14, $0x3FC0;
	v0 =	vld [tilespmem:s15+$0x0];
	_ =	sdelay $0x2  }
0x1a: {  	v1 =	vld [tilespmem:s15+$0x1000]  }
.Ltmp0:
0x1b: {  	(pc) =	sbr.rel @p0 .LBB2_2-.Ltmp0, $2  }
0x1c: {  	_ =	sdelay $0x2  }
0x1d: {  	s15 =	sshra.s32 s14, $0x2;
	s14 =	sadd.s32 $0x40, s14;
	[tilespmem:v0+s10+$0x0] =	vst.idx.add.f32.msk $0xffff, v1  }
0x1e: {  	v0 =	vld [tilespmem:s15+$0x0];
	_ =	sdelay $0x2  }
0x1f: {  	v1 =	vld [tilespmem:s15+$0x1000];
	_ =	sdelay $0x2  }
0x20: {  	s13 =	sadd.s32 $0x1, s13  }
0x21: {  	p0 =	sne.s32 s13, s7  }
.Ltmp1:
0x22: {  	[tilespmem:v0+s10+$0x0] =	vst.idx.add.f32.msk $0xffff, v1;
	(pc) =	sbr.rel @p0 .LBB2_1-.Ltmp1, $4  }
0x23: {  	[hbm4b:s6+s11] =	stream.strided.scatter [tilespmem:s10], [sflag:$0x1], $0x10000, s12, s11, $0x38;
	[tilespmem:$0x12000] =	vst v63  }
0x24: {  	_ =	swait.ge [sflag:s8], $0x10000  }
0x25: {  	[sflag:s8] =	ssyncset.done $0x0  }
0x26: {  	[sflag:s8] =	ssyncadd.s32 $0xFFFF0000  }
0x27: {  	_ =	sfence.sel $0x180000  }
0x28: {  	[bflag:$0x0] =	sbarrier.arrive $0xFFFF  }
0x29: {  	p0 =	sne.s32 s1, $0x0;
	_ =	strace $0x90000047  }
0x2a: {  	s0 =	sadd.s32 @!p0 $0x100000, s0;
	[bflag:$0x2] =	sbarrier.arrive $0xFFFF  }
0x2b: {  	[sflag:s0] =	ssyncadd.tile.s32 @!p0 $0x1;
	_ =	shalt  }
.Lfunc_end2:
_tile_overlayer_lowered:
.L_overlay_start_2:
0x2c: {  	(tag) =	ssettag $0x2  }
0x2d: {  	s0 =	rddreg [dreg:$0x0];
	s2 =	stileid.u32  }
0x2e: {  	s1 =	rddreg [dreg:$0x1];
	p0 =	sne.s32 s2, $0x0  }
0x2f: {  	s3 =	rddreg [dreg:$0x2];
	[bflag:$0x3] =	sbarrier.arrive $0xFFFF;
	s2 =	simm.s32 @!p0 $0x1C01  }
0x30: {  	[timem:s3], [sflag:s2] =	dma.local @!p0 [hbm:s0], s1  }
0x31: {  	s0 =	simm.s32 @!p0 $0x1  }
0x32: {  	_ =	swait.ge @!p0 [sflag:s0], s1  }
0x33: {  	s1 =	ssub.s32 @!p0 $0x0, s1;
	[sflag:s0] =	ssyncset.done @!p0 $0x0  }
0x34: {  	[sflag:s0] =	ssyncadd.s32 @!p0 s1  }
0x35: {  	[bflag:$0x3] =	sbarrier.arrive $0xFFFF  }
0x36: {  	_ =	shalt  }

</sc_bundles>
